<compile_context>
chip_gen: v7x
topology: tpu7x:2x2x1
jax: 0.10.2.dev20260603
libtpu: 0.0.44.dev20260713+nightly
codegen_flags: <defaults>
</compile_context>

<pallas_src>
import functools

import jax
import jax.numpy as jnp
from jax import lax
from jax.experimental import pallas as pl
from jax.experimental.pallas import tpu as pltpu
from jax.experimental.pallas import tpu_sc as plsc

N = 10000
E = 320000
D = 128
H = 256
NUM_EXPERTS = 64
TOP_K = 2

NC = 2
NS = 16
LANES = 16
NW = NC * NS

EDGES_PER_TILE = E // NW
EDGE_BATCH = 128
NEB = E // EDGE_BATCH
TB_FULL = 80
TB_LAST = NEB - 31 * TB_FULL
NPAD = 10240
ROWS_PER_TILE = NPAD // NS
ZROWS = 32


def _mesh():
  return plsc.VectorSubcoreMesh(
      core_axis_name="c", subcore_axis_name="s", num_cores=NC,
      num_subcores=NS)


def _degrees_body(e2d, eflat, out, sidx2d, didx2d, sidx1, didx1, ones_v, zbuf,
                  cnt_out_sh, cnt_in_sh):
  c = lax.axis_index("c")
  s = lax.axis_index("s")
  w = s * NC + c

  zeros16 = jnp.zeros((LANES,), jnp.float32)

  def zero_body(i, _):
    zbuf[pl.ds(i * LANES, LANES)] = zeros16
    return 0

  lax.fori_loop(0, N // LANES, zero_body, 0)

  @pl.when(s == 0)
  def _():
    pltpu.sync_copy(zbuf, cnt_out_sh)

  @pl.when(s == 1)
  def _():
    pltpu.sync_copy(zbuf, cnt_in_sh)

  def ones_body(i, _):
    ones_v[pl.ds(i * LANES, LANES)] = jnp.ones((LANES,), jnp.float32)
    return 0

  lax.fori_loop(0, EDGE_BATCH // LANES, ones_body, 0)
  plsc.subcore_barrier()

  @pl.when(w < NW - 1)
  def _():
    pltpu.sync_copy(e2d.at[0, pl.ds(w * TB_FULL, TB_FULL)], sidx2d)
    pltpu.sync_copy(e2d.at[1, pl.ds(w * TB_FULL, TB_FULL)], didx2d)

    def count_body(i, _):
      pltpu.sync_copy(ones_v, cnt_out_sh.at[sidx2d.at[i]], add=True)
      pltpu.sync_copy(ones_v, cnt_in_sh.at[didx2d.at[i]], add=True)
      return 0

    lax.fori_loop(0, TB_FULL, count_body, 0)

  @pl.when(w == NW - 1)
  def _():
    def count_tail(i, _):
      base = (w * TB_FULL + i) * EDGE_BATCH
      pltpu.sync_copy(eflat.at[pl.ds(base, EDGE_BATCH)], sidx1)
      pltpu.sync_copy(eflat.at[pl.ds(E + base, EDGE_BATCH)], didx1)
      pltpu.sync_copy(ones_v, cnt_out_sh.at[sidx1], add=True)
      pltpu.sync_copy(ones_v, cnt_in_sh.at[didx1], add=True)
      return 0

    lax.fori_loop(0, TB_LAST, count_tail, 0)

  plsc.subcore_barrier()

  @pl.when(s == 0)
  def _():
    pltpu.sync_copy(cnt_out_sh, out.at[c, 0])

  @pl.when(s == 1)
  def _():
    pltpu.sync_copy(cnt_in_sh, out.at[c, 1])


def _degrees(e2d, eflat):
  k = pl.kernel(
      _degrees_body,
      out_type=jax.ShapeDtypeStruct((NC, 2, N), jnp.float32),
      mesh=_mesh(),
      scratch_types=[
          pltpu.VMEM((TB_FULL, EDGE_BATCH), jnp.int32),
          pltpu.VMEM((TB_FULL, EDGE_BATCH), jnp.int32),
          pltpu.VMEM((EDGE_BATCH,), jnp.int32),
          pltpu.VMEM((EDGE_BATCH,), jnp.int32),
          pltpu.VMEM((EDGE_BATCH,), jnp.float32),
          pltpu.VMEM((N,), jnp.float32),
          pltpu.MemorySpace.VMEM_SHARED((N,), jnp.float32),
          pltpu.MemorySpace.VMEM_SHARED((N,), jnp.float32),
      ],
  )
  return k(e2d, eflat)


def _scale_body(cnts_ref, feats_ref, hpre_ref, isr_in_ref):
  cnts = jnp.sum(cnts_ref[...], axis=0)
  deg = jnp.maximum(cnts, 1.0)
  isr = lax.rsqrt(deg)
  hpre_ref[...] = feats_ref[...] * isr[0][:, None]
  isr_in_ref[...] = isr[1][:, None]


def _scale(cnts, feats):
  return pl.pallas_call(
      _scale_body,
      out_shape=(
          jax.ShapeDtypeStruct((N, D), jnp.float32),
          jax.ShapeDtypeStruct((N, 1), jnp.float32),
      ),
  )(cnts, feats)


def _agg_body(hpre, e2d, eflat, out, sidx_a, rows_a, sidx_b, rows_b, didx2d,
              didx1, zbuf, shared, sem_a, sem_b):
  c = lax.axis_index("c")
  s = lax.axis_index("s")
  w = s * NC + c

  zeros16 = jnp.zeros((LANES,), jnp.float32)

  def zero_body(i, _):
    def zcol(j, _):
      zbuf[i, pl.ds(j * LANES, LANES)] = zeros16
      return 0
    lax.fori_loop(0, D // LANES, zcol, 0)
    return 0

  lax.fori_loop(0, ZROWS, zero_body, 0)
  for j in range(ROWS_PER_TILE // ZROWS):
    pltpu.sync_copy(zbuf, shared.at[pl.ds(s * ROWS_PER_TILE + j * ZROWS, ZROWS)])

  def fetch(i, sidx, rows, sem):
    pltpu.sync_copy(eflat.at[pl.ds((w * TB_FULL + i) * EDGE_BATCH, EDGE_BATCH)],
                    sidx)
    pltpu.async_copy(hpre.at[sidx], rows, sem)

  @pl.when(w < NW - 1)
  def _():
    pltpu.sync_copy(e2d.at[1, pl.ds(w * TB_FULL, TB_FULL)], didx2d)

    def drain_scatter(i, sidx, rows, sem):
      pltpu.make_async_copy(hpre.at[sidx], rows, sem).wait()
      pltpu.sync_copy(rows, shared.at[didx2d.at[i]], add=True)

    fetch(0, sidx_a, rows_a, sem_a)

    def edge_body(k, _):
      i = 2 * k
      fetch(i + 1, sidx_b, rows_b, sem_b)
      drain_scatter(i, sidx_a, rows_a, sem_a)

      @pl.when(k < TB_FULL // 2 - 1)
      def _():
        fetch(i + 2, sidx_a, rows_a, sem_a)

      drain_scatter(i + 1, sidx_b, rows_b, sem_b)
      return 0

    lax.fori_loop(0, TB_FULL // 2, edge_body, 0)

  @pl.when(w == NW - 1)
  def _():
    def tail_body(i, _):
      base = (w * TB_FULL + i) * EDGE_BATCH
      pltpu.sync_copy(eflat.at[pl.ds(base, EDGE_BATCH)], sidx_a)
      pltpu.sync_copy(eflat.at[pl.ds(E + base, EDGE_BATCH)], didx1)
      pltpu.async_copy(hpre.at[sidx_a], rows_a, sem_a).wait()
      pltpu.sync_copy(rows_a, shared.at[didx1], add=True)
      return 0

    lax.fori_loop(0, TB_LAST, tail_body, 0)

  plsc.subcore_barrier()

  for j in range(ROWS_PER_TILE // ZROWS):
    r0 = s * ROWS_PER_TILE + j * ZROWS
    pltpu.sync_copy(shared.at[pl.ds(r0, ZROWS)], out.at[c, pl.ds(r0, ZROWS)])


def _aggregate(hpre, e2d, eflat):
  k = pl.kernel(
      _agg_body,
      out_type=jax.ShapeDtypeStruct((NC, NPAD, D), jnp.float32),
      mesh=_mesh(),
      scratch_types=[
          pltpu.VMEM((EDGE_BATCH,), jnp.int32),
          pltpu.VMEM((EDGE_BATCH, D), jnp.float32),
          pltpu.VMEM((EDGE_BATCH,), jnp.int32),
          pltpu.VMEM((EDGE_BATCH, D), jnp.float32),
          pltpu.VMEM((TB_FULL, EDGE_BATCH), jnp.int32),
          pltpu.VMEM((EDGE_BATCH,), jnp.int32),
          pltpu.VMEM((ZROWS, D), jnp.float32),
          pltpu.MemorySpace.VMEM_SHARED((NPAD, D), jnp.float32),
          pltpu.SemaphoreType.DMA,
          pltpu.SemaphoreType.DMA,
      ],
  )
  return k(hpre, e2d, eflat)


def _conv_gate_body(p_ref, isr_ref, wc_ref, bc_ref, gw_ref, gb_ref,
                    h_ref, idx_ref, g_ref):
  agg = (p_ref[0, 0:N] + p_ref[1, 0:N]) * isr_ref[...]
  h = jnp.dot(agg, wc_ref[...], preferred_element_type=jnp.float32)
  h = h + bc_ref[...][None, :]
  h_ref[...] = h
  logits = jnp.dot(h, gw_ref[...], preferred_element_type=jnp.float32)
  logits = logits + gb_ref[...][None, :]
  iota = lax.broadcasted_iota(jnp.int32, (N, NUM_EXPERTS), 1)
  m1 = jnp.max(logits, axis=1, keepdims=True)
  i1 = jnp.min(jnp.where(logits == m1, iota, NUM_EXPERTS), axis=1,
               keepdims=True)
  masked = jnp.where(iota == i1, -jnp.inf, logits)
  m2 = jnp.max(masked, axis=1, keepdims=True)
  i2 = jnp.min(jnp.where(masked == m2, iota, NUM_EXPERTS), axis=1,
               keepdims=True)
  e2 = jnp.exp(m2 - m1)
  denom = 1.0 + e2
  g1 = 1.0 / denom
  g2 = e2 / denom
  idx_ref[...] = jnp.concatenate([i1, i2], axis=1)
  g_ref[...] = jnp.concatenate([g1, g2], axis=1)


def _conv_gate(parts, isr_in, W_conv, b_conv, gate_W, gate_b):
  return pl.pallas_call(
      _conv_gate_body,
      out_shape=(
          jax.ShapeDtypeStruct((N, D), jnp.float32),
          jax.ShapeDtypeStruct((N, TOP_K), jnp.int32),
          jax.ShapeDtypeStruct((N, TOP_K), jnp.float32),
      ),
  )(parts, isr_in, W_conv, b_conv, gate_W, gate_b)


A2 = N * TOP_K
BB = 256
PB = 36864
NB = PB // BB
SPREAD = 8192
GB = 128
GROWS = PB // NW
NPAD2 = 10240
CTOK = NPAD2 // NW
CB = 40


def _gather_rows_body(h_hbm, tok_hbm, out, tidx, rows, sem):
  c = lax.axis_index("c")
  s = lax.axis_index("s")
  w = s * NC + c
  base = w * GROWS

  def body(i, _):
    r0 = base + i * GB
    pltpu.sync_copy(tok_hbm.at[pl.ds(r0, GB)], tidx)
    pltpu.async_copy(h_hbm.at[tidx], rows, sem).wait()
    pltpu.sync_copy(rows, out.at[pl.ds(r0, GB)])
    return 0

  lax.fori_loop(0, GROWS // GB, body, 0)


def _gather_rows(h, tok_padded):
  k = pl.kernel(
      _gather_rows_body,
      out_type=jax.ShapeDtypeStruct((PB, D), jnp.float32),
      mesh=_mesh(),
      scratch_types=[
          pltpu.VMEM((GB,), jnp.int32),
          pltpu.VMEM((GB, D), jnp.float32),
          pltpu.SemaphoreType.DMA,
      ],
  )
  return k(h, tok_padded)


def _route_meta_body(exs_ref, j_ref, be_ref):
  exs = exs_ref[...]
  erange = lax.broadcasted_iota(jnp.int32, (A2, NUM_EXPERTS), 1)
  onehot = (exs[:, None] == erange).astype(jnp.int32)
  counts = jnp.sum(onehot, axis=0)
  pcounts = ((counts + BB - 1) // BB) * BB
  tri = (lax.broadcasted_iota(jnp.int32, (NUM_EXPERTS, NUM_EXPERTS), 0)
         <= lax.broadcasted_iota(jnp.int32, (NUM_EXPERTS, NUM_EXPERTS), 1))
  cum = jnp.sum(jnp.where(tri, pcounts[:, None], 0), axis=0)
  poffsets = cum - pcounts
  offsets = jnp.sum(jnp.where(tri, counts[:, None], 0), axis=0) - counts
  bvals = lax.broadcasted_iota(jnp.int32, (NB,), 0) * BB
  e_blk = jnp.minimum(
      jnp.sum((bvals[:, None] >= cum[None, :]).astype(jnp.int32), axis=1),
      NUM_EXPERTS - 1)
  bh = (e_blk[:, None] == lax.broadcasted_iota(jnp.int32, (NB, NUM_EXPERTS), 1)
        ).astype(jnp.int32)
  poff_blk = jnp.sum(bh * poffsets[None, :], axis=1)
  off_blk = jnp.sum(bh * offsets[None, :], axis=1)
  cnt_blk = jnp.sum(bh * counts[None, :], axis=1)
  i_in = lax.broadcasted_iota(jnp.int32, (NB, BB), 1)
  r = bvals[:, None] + i_in - poff_blk[:, None]
  valid = r < cnt_blk[:, None]
  p_all = bvals[:, None] + i_in
  j_ref[...] = jnp.where(valid, off_blk[:, None] + r,
                         A2 + (p_all & (SPREAD - 1)))
  be_ref[...] = e_blk


def _route_meta(ex_sorted):
  return pl.pallas_call(
      _route_meta_body,
      out_shape=(
          jax.ShapeDtypeStruct((NB, BB), jnp.int32),
          jax.ShapeDtypeStruct((NB,), jnp.int32),
      ),
  )(ex_sorted)


def _ffn_body(be_ref, x_ref, g_ref, w1_ref, b1_ref, w2_ref, b2_ref, y_ref):
  x = x_ref[...]
  a = jnp.dot(x.astype(jnp.bfloat16), w1_ref[0],
              preferred_element_type=jnp.float32)
  a = a + b1_ref[0]
  a = 0.5 * a * (1.0 + lax.erf(a * 0.7071067811865476))
  y = jnp.dot(a.astype(jnp.bfloat16), w2_ref[0],
              preferred_element_type=jnp.float32)
  y = y + b2_ref[0]
  y_ref[...] = y * g_ref[...]


def _ffn(x_sorted, gate_padded, block_expert, W1, b1, W2, b2):
  grid_spec = pltpu.PrefetchScalarGridSpec(
      num_scalar_prefetch=1,
      grid=(NB,),
      in_specs=[
          pl.BlockSpec((BB, D), lambda b, be: (b, 0)),
          pl.BlockSpec((BB, 1), lambda b, be: (b, 0)),
          pl.BlockSpec((1, D, H), lambda b, be: (be[b], 0, 0)),
          pl.BlockSpec((1, 1, H), lambda b, be: (be[b], 0, 0)),
          pl.BlockSpec((1, H, D), lambda b, be: (be[b], 0, 0)),
          pl.BlockSpec((1, 1, D), lambda b, be: (be[b], 0, 0)),
      ],
      out_specs=pl.BlockSpec((BB, D), lambda b, be: (b, 0)),
  )
  return pl.pallas_call(
      _ffn_body,
      grid_spec=grid_spec,
      out_shape=jax.ShapeDtypeStruct((PB, D), jnp.float32),
  )(block_expert, x_sorted, gate_padded.reshape(PB, 1),
    W1.astype(jnp.bfloat16), b1.reshape(NUM_EXPERTS, 1, H),
    W2.astype(jnp.bfloat16), b2.reshape(NUM_EXPERTS, 1, D))


def _combine_body(y_hbm, tok_hbm, out, tidx, rows, zbuf, shared, sem):
  c = lax.axis_index("c")
  s = lax.axis_index("s")
  w = s * NC + c

  zeros16 = jnp.zeros((LANES,), jnp.float32)

  def zero_body(i, _):
    def zcol(j, _):
      zbuf[i, pl.ds(j * LANES, LANES)] = zeros16
      return 0
    lax.fori_loop(0, D // LANES, zcol, 0)
    return 0

  lax.fori_loop(0, ZROWS, zero_body, 0)
  stripe = NPAD2 // NS
  for j in range(stripe // ZROWS):
    pltpu.sync_copy(zbuf, shared.at[pl.ds(s * stripe + j * ZROWS, ZROWS)])
  plsc.subcore_barrier()

  def body(i, _):
    r0 = w * GROWS + i * GB
    pltpu.sync_copy(y_hbm.at[pl.ds(r0, GB)], rows)
    pltpu.sync_copy(tok_hbm.at[pl.ds(r0, GB)], tidx)
    pltpu.sync_copy(rows, shared.at[tidx], add=True)
    return 0

  lax.fori_loop(0, GROWS // GB, body, 0)
  plsc.subcore_barrier()

  for j in range(stripe // ZROWS):
    r0 = s * stripe + j * ZROWS
    pltpu.sync_copy(shared.at[pl.ds(r0, ZROWS)], out.at[c, pl.ds(r0, ZROWS)])


def _combine(y_sorted, tok_padded):
  k = pl.kernel(
      _combine_body,
      out_type=jax.ShapeDtypeStruct((NC, NPAD2, D), jnp.float32),
      mesh=_mesh(),
      scratch_types=[
          pltpu.VMEM((GB,), jnp.int32),
          pltpu.VMEM((GB, D), jnp.float32),
          pltpu.VMEM((ZROWS, D), jnp.float32),
          pltpu.MemorySpace.VMEM_SHARED((NPAD2, D), jnp.float32),
          pltpu.SemaphoreType.DMA,
      ],
  )
  return k(y_sorted, tok_padded)


def _bn_body(h_ref, moe_ref, gamma_ref, beta_ref, out_ref):
  z = h_ref[...] + moe_ref[0, 0:N] + moe_ref[1, 0:N]
  mean = jnp.mean(z, axis=0, keepdims=True)
  zc = z - mean
  var = jnp.mean(zc * zc, axis=0, keepdims=True)
  out_ref[...] = zc * lax.rsqrt(var + 1e-5) * gamma_ref[...][None, :] \
      + beta_ref[...][None, :]


def _batchnorm(h, moe_parts, gamma, beta):
  return pl.pallas_call(
      _bn_body,
      out_shape=jax.ShapeDtypeStruct((N, D), jnp.float32),
  )(h, moe_parts, gamma, beta)


def kernel(feats, edge_index, W_conv, b_conv, gate_W, gate_b, W1, b1, W2, b2,
           bn_gamma, bn_beta):
  e2d = edge_index.reshape(2, NEB, EDGE_BATCH)
  eflat = edge_index.reshape(2 * E)
  cnts = _degrees(e2d, eflat)
  hpre, isr_in = _scale(cnts, feats)
  parts = _aggregate(hpre, e2d, eflat)
  h, idx2, gates = _conv_gate(parts, isr_in, W_conv, b_conv, gate_W, gate_b)

  ex = idx2.reshape(A2)
  gflat = gates.reshape(A2)
  perm = jnp.argsort(ex, stable=True).astype(jnp.int32)
  ex_sorted = jnp.take(ex, perm)
  j2, block_expert = _route_meta(ex_sorted)
  ptok_ext = jnp.concatenate(
      [perm // TOP_K, jnp.arange(SPREAD, dtype=jnp.int32)])
  gfs_ext = jnp.concatenate(
      [jnp.take(gflat, perm), jnp.zeros((SPREAD,), jnp.float32)])
  jf = j2.reshape(PB)
  tok_padded = jnp.take(ptok_ext, jf)
  gate_padded = jnp.take(gfs_ext, jf)

  x_sorted = _gather_rows(h, tok_padded)
  y_sorted = _ffn(x_sorted, gate_padded, block_expert, W1, b1, W2, b2)
  moe_parts = _combine(y_sorted, tok_padded)
  return _batchnorm(h, moe_parts, bn_gamma, bn_beta)

# --- scband reference (transcript-rebuilt; emitter-appended) ---
"""Pipeline reference for scband-graph-conv-block-78752520339638 (READ-ONLY COPY).

The authoritative reference and input builder live on the scoring server;
editing this copy changes nothing except your own understanding.
"""

import jax, jax.numpy as jnp
import numpy as np

N = 10000
E = 320000
D = 128
H = 256
NUM_EXPERTS = 64
TOP_K = 2


def setup_inputs(seed: int = 0) -> dict:
    key = jax.random.key(seed)
    ks = jax.random.split(key, 8)
    feats = jax.random.normal(ks[0], (N, D), dtype=jnp.float32)
    edge_index = jax.random.randint(ks[1], (2, E), 0, N, dtype=jnp.int32)
    s = 1.0 / np.sqrt(D)
    W_conv = jax.random.normal(ks[2], (D, D), dtype=jnp.float32) * s
    b_conv = jnp.zeros((D,), dtype=jnp.float32)
    gate_W = jax.random.normal(ks[3], (D, NUM_EXPERTS), dtype=jnp.float32) * s
    gate_b = jnp.zeros((NUM_EXPERTS,), dtype=jnp.float32)
    W1 = jax.random.normal(ks[4], (NUM_EXPERTS, D, H), dtype=jnp.float32) * s
    b1 = jnp.zeros((NUM_EXPERTS, H), dtype=jnp.float32)
    W2 = jax.random.normal(ks[5], (NUM_EXPERTS, H, D), dtype=jnp.float32) * (1.0 / np.sqrt(H))
    b2 = jnp.zeros((NUM_EXPERTS, D), dtype=jnp.float32)
    bn_gamma = jnp.ones((D,), dtype=jnp.float32)
    bn_beta = jnp.zeros((D,), dtype=jnp.float32)
    return {"feats": feats, "edge_index": edge_index, "W_conv": W_conv, "b_conv": b_conv,
            "gate_W": gate_W, "gate_b": gate_b, "W1": W1, "b1": b1, "W2": W2, "b2": b2,
            "bn_gamma": bn_gamma, "bn_beta": bn_beta}


def _forward(feats, W_conv, b_conv, gate_W, gate_b, W1, b1, W2, b2, bn_gamma, bn_beta, edge_index):
    src = edge_index[0]
    dst = edge_index[1]
    n = feats.shape[0]
    # DGL GraphConv, norm='both': D_dst^{-1/2} A D_src^{-1/2} X W + b
    deg_out = jnp.maximum(jnp.zeros((n,), jnp.float32).at[src].add(1.0), 1.0)
    deg_in = jnp.maximum(jnp.zeros((n,), jnp.float32).at[dst].add(1.0), 1.0)
    h = feats * (deg_out ** -0.5)[:, None]
    msg = jnp.take(h, src, axis=0)
    agg = jax.ops.segment_sum(msg, dst, num_segments=n)
    h = agg * (deg_in ** -0.5)[:, None]
    h = h @ W_conv + b_conv
    # FMoE naive gate: top-2 of 64 experts, softmax over selected logits
    logits = h @ gate_W + gate_b
    topv, topi = jax.lax.top_k(logits, TOP_K)
    gsc = jax.nn.softmax(topv, axis=-1)
    gate_dense = jnp.zeros((n, NUM_EXPERTS), jnp.float32).at[jnp.arange(n)[:, None], topi].add(gsc)

    def body(acc, xs):
        W1e, b1e, W2e, b2e, g = xs
        a = jax.nn.gelu(h @ W1e + b1e, approximate=False)
        y = a @ W2e + b2e
        return acc + g[:, None] * y, None

    moe, _ = jax.lax.scan(jax.checkpoint(body), jnp.zeros_like(h), (W1, b1, W2, b2, gate_dense.T))
    # dropout is identity (p=0 / eval); residual + BatchNorm1d (batch stats)
    z = h + moe
    mean = jnp.mean(z, axis=0)
    var = jnp.var(z, axis=0)
    out = (z - mean) / jnp.sqrt(var + 1e-5) * bn_gamma + bn_beta
    return out


def reference(feats, edge_index, W_conv, b_conv, gate_W, gate_b, W1, b1, W2, b2, bn_gamma, bn_beta):
    return _forward(feats, W_conv, b_conv, gate_W, gate_b, W1, b1, W2, b2, bn_gamma, bn_beta, edge_index)

if __name__ == "__main__":
    import jax
    _d = setup_inputs()
    print(jax.jit(kernel)(*tuple(_d.values())))

</pallas_src>

<mosaic_0001>
#map = affine_map<(d0, d1) -> (0, 0)>
#map1 = affine_map<(d0, d1) -> (0, 0, 0)>
#map2 = affine_map<(d0, d1) -> (0)>
module attributes {stable_mosaic.version = 14 : i64} {
  func.func @_agg_body(%arg0: i32, %arg1: i32, %arg2: memref<10000x128xf32, #tpu.memory_space<hbm>>, %arg3: memref<2x2500x128xi32, #tpu.memory_space<hbm>>, %arg4: memref<640000xi32, #tpu.memory_space<hbm>>, %arg5: memref<2x10240x128xf32, #tpu.memory_space<hbm>>, %arg6: memref<128xi32, #tpu.memory_space<vmem>>, %arg7: memref<128x128xf32, #tpu.memory_space<vmem>>, %arg8: memref<128xi32, #tpu.memory_space<vmem>>, %arg9: memref<128x128xf32, #tpu.memory_space<vmem>>, %arg10: memref<80x128xi32, #tpu.memory_space<vmem>>, %arg11: memref<128xi32, #tpu.memory_space<vmem>>, %arg12: memref<32x128xf32, #tpu.memory_space<vmem>>, %arg13: memref<10240x128xf32, #tpu.memory_space<vmem_shared>>, %arg14: memref<!tpu.dma_semaphore, #tpu.memory_space<semaphore_mem>>, %arg15: memref<!tpu.dma_semaphore, #tpu.memory_space<semaphore_mem>>) attributes {dimension_semantics = [#tpu.dimension_semantics<core_parallel>, #tpu.dimension_semantics<subcore_parallel>], iteration_bounds = array<i64: 2, 16>, scalar_prefetch = 0 : i64, scratch_operands = 10 : i64, tpu.core_type = #tpu.core_type<sc_vector_subcore>, window_params = [{transform_indices = #map}, {transform_indices = #map1}, {transform_indices = #map2}, {transform_indices = #map1}]} {
    %mul3A = arith.constant 2 : i32
    %mul3A_0 = arith.muli %arg1, %mul3A : i32
    %add3A = arith.addi %mul3A_0, %arg0 : i32
    %broadcast_in_dim3A = arith.constant 0.000000e+00 : f32
    %broadcast_in_dim3A_1 = vector.broadcast %broadcast_in_dim3A : f32 to vector<16xf32>
    %scan3A = arith.constant 0 : i32
    %scan3A_2 = arith.constant 0 : i32
    %scan3A_3 = arith.constant 32 : i32
    %scan3A_4 = arith.addi %scan3A_2, %scan3A_3 : i32
    %scan3A_5 = arith.constant 1 : i32
    %scan3A_6 = scf.for %scan3A_174 = %scan3A_2 to %scan3A_4 step %scan3A_5 iter_args(%scan3A_175 = %scan3A) -> (i32)  : i32 {
      %scan3A_176 = arith.constant 0 : i32
      %scan3A_177 = arith.constant 0 : i32
      %scan3A_178 = arith.constant 8 : i32
      %scan3A_179 = arith.addi %scan3A_177, %scan3A_178 : i32
      %scan3A_180 = arith.constant 1 : i32
      %scan3A_181 = scf.for %scan3A_184 = %scan3A_177 to %scan3A_179 step %scan3A_180 iter_args(%scan3A_185 = %scan3A_176) -> (i32)  : i32 {
        %mul3A_186 = arith.constant 16 : i32
        %mul3A_187 = arith.muli %scan3A_184, %mul3A_186 : i32
        %swap3A = arith.index_cast %scan3A_174 : i32 to index
        %swap3A_188 = arith.index_cast %mul3A_187 : i32 to index
        %swap3A_189 = tpu.vector_load %arg12[%swap3A, %swap3A_188] {strides = array<i32>} : memref<32x128xf32, #tpu.memory_space<vmem>>, vector<1x16xf32>,
        %swap3A_190 = vector.shape_cast %swap3A_189 : vector<1x16xf32> to vector<16xf32>
        %swap3A_191 = vector.shape_cast %broadcast_in_dim3A_1 : vector<16xf32> to vector<1x16xf32>
        tpu.vector_store %arg12[%swap3A, %swap3A_188], %swap3A_191 {strides = array<i32>} : memref<32x128xf32, #tpu.memory_space<vmem>>, vector<1x16xf32>,
        %scan3A_192 = arith.constant 0 : i32
        scf.yield %scan3A_192 : i32
      }
      %scan3A_182 = arith.constant 8 : i32
      %scan3A_183 = arith.constant 0 : i32
      scf.yield %scan3A_183 : i32
    }
    %scan3A_7 = arith.constant 32 : i32
    %mul3A_8 = arith.constant 640 : i32
    %mul3A_9 = arith.muli %arg1, %mul3A_8 : i32
    %add3A_10 = arith.constant 0 : i32
    %add3A_11 = arith.addi %mul3A_9, %add3A_10 : i32
    "tpu.region"() ({
      %run_scoped3A = tpu.sem_alloc : memref<!tpu.dma_semaphore, #tpu.memory_space<semaphore_mem>>
      %dma_start3A = arith.constant 0 : i32
      %dma_start3A_174 = tpu.memref_slice %arg13[%add3A_11, %dma_start3A] : memref<10240x128xf32, #tpu.memory_space<vmem_shared>> -> memref<32x128xf32, #tpu.memory_space<vmem_shared>>
      %dma_start3A_175 = arith.constant 0 : i32
      %dma_start3A_176 = tpu.memref_slice %arg13[%add3A_11, %dma_start3A_175] : memref<10240x128xf32, #tpu.memory_space<vmem_shared>> -> memref<32x128xf32, #tpu.memory_space<vmem_shared>>
      tpu.enqueue_dma source(%arg12 : memref<32x128xf32, #tpu.memory_space<vmem>>) target(%dma_start3A_176 : memref<32x128xf32, #tpu.memory_space<vmem_shared>>) target_semaphore(%run_scoped3A : memref<!tpu.dma_semaphore, #tpu.memory_space<semaphore_mem>>)
      %dma_wait3A = arith.constant 0 : i32
      %dma_wait3A_177 = tpu.memref_slice %arg13[%add3A_11, %dma_wait3A] : memref<10240x128xf32, #tpu.memory_space<vmem_shared>> -> memref<32x128xf32, #tpu.memory_space<vmem_shared>>
      %dma_wait3A_178 = arith.constant 0 : i32
      %dma_wait3A_179 = tpu.memref_slice %arg13[%add3A_11, %dma_wait3A_178] : memref<10240x128xf32, #tpu.memory_space<vmem_shared>> -> memref<32x128xf32, #tpu.memory_space<vmem_shared>>
      tpu.wait_dma2 semaphore(%run_scoped3A : memref<!tpu.dma_semaphore, #tpu.memory_space<semaphore_mem>>) src(%arg12 : memref<32x128xf32, #tpu.memory_space<vmem>>) dst(%dma_wait3A_179 : memref<32x128xf32, #tpu.memory_space<vmem_shared>>)
      tpu.yield
    }) : () -> ()
    %mul3A_12 = arith.constant 640 : i32
    %mul3A_13 = arith.muli %arg1, %mul3A_12 : i32
    %add3A_14 = arith.constant 32 : i32
    %add3A_15 = arith.addi %mul3A_13, %add3A_14 : i32
    "tpu.region"() ({
      %run_scoped3A = tpu.sem_alloc : memref<!tpu.dma_semaphore, #tpu.memory_space<semaphore_mem>>
      %dma_start3A = arith.constant 0 : i32
      %dma_start3A_174 = tpu.memref_slice %arg13[%add3A_15, %dma_start3A] : memref<10240x128xf32, #tpu.memory_space<vmem_shared>> -> memref<32x128xf32, #tpu.memory_space<vmem_shared>>
      %dma_start3A_175 = arith.constant 0 : i32
      %dma_start3A_176 = tpu.memref_slice %arg13[%add3A_15, %dma_start3A_175] : memref<10240x128xf32, #tpu.memory_space<vmem_shared>> -> memref<32x128xf32, #tpu.memory_space<vmem_shared>>
      tpu.enqueue_dma source(%arg12 : memref<32x128xf32, #tpu.memory_space<vmem>>) target(%dma_start3A_176 : memref<32x128xf32, #tpu.memory_space<vmem_shared>>) target_semaphore(%run_scoped3A : memref<!tpu.dma_semaphore, #tpu.memory_space<semaphore_mem>>)
      %dma_wait3A = arith.constant 0 : i32
      %dma_wait3A_177 = tpu.memref_slice %arg13[%add3A_15, %dma_wait3A] : memref<10240x128xf32, #tpu.memory_space<vmem_shared>> -> memref<32x128xf32, #tpu.memory_space<vmem_shared>>
      %dma_wait3A_178 = arith.constant 0 : i32
      %dma_wait3A_179 = tpu.memref_slice %arg13[%add3A_15, %dma_wait3A_178] : memref<10240x128xf32, #tpu.memory_space<vmem_shared>> -> memref<32x128xf32, #tpu.memory_space<vmem_shared>>
      tpu.wait_dma2 semaphore(%run_scoped3A : memref<!tpu.dma_semaphore, #tpu.memory_space<semaphore_mem>>) src(%arg12 : memref<32x128xf32, #tpu.memory_space<vmem>>) dst(%dma_wait3A_179 : memref<32x128xf32, #tpu.memory_space<vmem_shared>>)
      tpu.yield
    }) : () -> ()
    %mul3A_16 = arith.constant 640 : i32
    %mul3A_17 = arith.muli %arg1, %mul3A_16 : i32
    %add3A_18 = arith.constant 64 : i32
    %add3A_19 = arith.addi %mul3A_17, %add3A_18 : i32
    "tpu.region"() ({
      %run_scoped3A = tpu.sem_alloc : memref<!tpu.dma_semaphore, #tpu.memory_space<semaphore_mem>>
      %dma_start3A = arith.constant 0 : i32
      %dma_start3A_174 = tpu.memref_slice %arg13[%add3A_19, %dma_start3A] : memref<10240x128xf32, #tpu.memory_space<vmem_shared>> -> memref<32x128xf32, #tpu.memory_space<vmem_shared>>
      %dma_start3A_175 = arith.constant 0 : i32
      %dma_start3A_176 = tpu.memref_slice %arg13[%add3A_19, %dma_start3A_175] : memref<10240x128xf32, #tpu.memory_space<vmem_shared>> -> memref<32x128xf32, #tpu.memory_space<vmem_shared>>
      tpu.enqueue_dma source(%arg12 : memref<32x128xf32, #tpu.memory_space<vmem>>) target(%dma_start3A_176 : memref<32x128xf32, #tpu.memory_space<vmem_shared>>) target_semaphore(%run_scoped3A : memref<!tpu.dma_semaphore, #tpu.memory_space<semaphore_mem>>)
      %dma_wait3A = arith.constant 0 : i32
      %dma_wait3A_177 = tpu.memref_slice %arg13[%add3A_19, %dma_wait3A] : memref<10240x128xf32, #tpu.memory_space<vmem_shared>> -> memref<32x128xf32, #tpu.memory_space<vmem_shared>>
      %dma_wait3A_178 = arith.constant 0 : i32
      %dma_wait3A_179 = tpu.memref_slice %arg13[%add3A_19, %dma_wait3A_178] : memref<10240x128xf32, #tpu.memory_space<vmem_shared>> -> memref<32x128xf32, #tpu.memory_space<vmem_shared>>
      tpu.wait_dma2 semaphore(%run_scoped3A : memref<!tpu.dma_semaphore, #tpu.memory_space<semaphore_mem>>) src(%arg12 : memref<32x128xf32, #tpu.memory_space<vmem>>) dst(%dma_wait3A_179 : memref<32x128xf32, #tpu.memory_space<vmem_shared>>)
      tpu.yield
    }) : () -> ()
    %mul3A_20 = arith.constant 640 : i32
    %mul3A_21 = arith.muli %arg1, %mul3A_20 : i32
    %add3A_22 = arith.constant 96 : i32
    %add3A_23 = arith.addi %mul3A_21, %add3A_22 : i32
    "tpu.region"() ({
      %run_scoped3A = tpu.sem_alloc : memref<!tpu.dma_semaphore, #tpu.memory_space<semaphore_mem>>
      %dma_start3A = arith.constant 0 : i32
      %dma_start3A_174 = tpu.memref_slice %arg13[%add3A_23, %dma_start3A] : memref<10240x128xf32, #tpu.memory_space<vmem_shared>> -> memref<32x128xf32, #tpu.memory_space<vmem_shared>>
      %dma_start3A_175 = arith.constant 0 : i32
      %dma_start3A_176 = tpu.memref_slice %arg13[%add3A_23, %dma_start3A_175] : memref<10240x128xf32, #tpu.memory_space<vmem_shared>> -> memref<32x128xf32, #tpu.memory_space<vmem_shared>>
      tpu.enqueue_dma source(%arg12 : memref<32x128xf32, #tpu.memory_space<vmem>>) target(%dma_start3A_176 : memref<32x128xf32, #tpu.memory_space<vmem_shared>>) target_semaphore(%run_scoped3A : memref<!tpu.dma_semaphore, #tpu.memory_space<semaphore_mem>>)
      %dma_wait3A = arith.constant 0 : i32
      %dma_wait3A_177 = tpu.memref_slice %arg13[%add3A_23, %dma_wait3A] : memref<10240x128xf32, #tpu.memory_space<vmem_shared>> -> memref<32x128xf32, #tpu.memory_space<vmem_shared>>
      %dma_wait3A_178 = arith.constant 0 : i32
      %dma_wait3A_179 = tpu.memref_slice %arg13[%add3A_23, %dma_wait3A_178] : memref<10240x128xf32, #tpu.memory_space<vmem_shared>> -> memref<32x128xf32, #tpu.memory_space<vmem_shared>>
      tpu.wait_dma2 semaphore(%run_scoped3A : memref<!tpu.dma_semaphore, #tpu.memory_space<semaphore_mem>>) src(%arg12 : memref<32x128xf32, #tpu.memory_space<vmem>>) dst(%dma_wait3A_179 : memref<32x128xf32, #tpu.memory_space<vmem_shared>>)
      tpu.yield
    }) : () -> ()
    %mul3A_24 = arith.constant 640 : i32
    %mul3A_25 = arith.muli %arg1, %mul3A_24 : i32
    %add3A_26 = arith.constant 128 : i32
    %add3A_27 = arith.addi %mul3A_25, %add3A_26 : i32
    "tpu.region"() ({
      %run_scoped3A = tpu.sem_alloc : memref<!tpu.dma_semaphore, #tpu.memory_space<semaphore_mem>>
      %dma_start3A = arith.constant 0 : i32
      %dma_start3A_174 = tpu.memref_slice %arg13[%add3A_27, %dma_start3A] : memref<10240x128xf32, #tpu.memory_space<vmem_shared>> -> memref<32x128xf32, #tpu.memory_space<vmem_shared>>
      %dma_start3A_175 = arith.constant 0 : i32
      %dma_start3A_176 = tpu.memref_slice %arg13[%add3A_27, %dma_start3A_175] : memref<10240x128xf32, #tpu.memory_space<vmem_shared>> -> memref<32x128xf32, #tpu.memory_space<vmem_shared>>
      tpu.enqueue_dma source(%arg12 : memref<32x128xf32, #tpu.memory_space<vmem>>) target(%dma_start3A_176 : memref<32x128xf32, #tpu.memory_space<vmem_shared>>) target_semaphore(%run_scoped3A : memref<!tpu.dma_semaphore, #tpu.memory_space<semaphore_mem>>)
      %dma_wait3A = arith.constant 0 : i32
      %dma_wait3A_177 = tpu.memref_slice %arg13[%add3A_27, %dma_wait3A] : memref<10240x128xf32, #tpu.memory_space<vmem_shared>> -> memref<32x128xf32, #tpu.memory_space<vmem_shared>>
      %dma_wait3A_178 = arith.constant 0 : i32
      %dma_wait3A_179 = tpu.memref_slice %arg13[%add3A_27, %dma_wait3A_178] : memref<10240x128xf32, #tpu.memory_space<vmem_shared>> -> memref<32x128xf32, #tpu.memory_space<vmem_shared>>
      tpu.wait_dma2 semaphore(%run_scoped3A : memref<!tpu.dma_semaphore, #tpu.memory_space<semaphore_mem>>) src(%arg12 : memref<32x128xf32, #tpu.memory_space<vmem>>) dst(%dma_wait3A_179 : memref<32x128xf32, #tpu.memory_space<vmem_shared>>)
      tpu.yield
    }) : () -> ()
    %mul3A_28 = arith.constant 640 : i32
    %mul3A_29 = arith.muli %arg1, %mul3A_28 : i32
    %add3A_30 = arith.constant 160 : i32
    %add3A_31 = arith.addi %mul3A_29, %add3A_30 : i32
    "tpu.region"() ({
      %run_scoped3A = tpu.sem_alloc : memref<!tpu.dma_semaphore, #tpu.memory_space<semaphore_mem>>
      %dma_start3A = arith.constant 0 : i32
      %dma_start3A_174 = tpu.memref_slice %arg13[%add3A_31, %dma_start3A] : memref<10240x128xf32, #tpu.memory_space<vmem_shared>> -> memref<32x128xf32, #tpu.memory_space<vmem_shared>>
      %dma_start3A_175 = arith.constant 0 : i32
      %dma_start3A_176 = tpu.memref_slice %arg13[%add3A_31, %dma_start3A_175] : memref<10240x128xf32, #tpu.memory_space<vmem_shared>> -> memref<32x128xf32, #tpu.memory_space<vmem_shared>>
      tpu.enqueue_dma source(%arg12 : memref<32x128xf32, #tpu.memory_space<vmem>>) target(%dma_start3A_176 : memref<32x128xf32, #tpu.memory_space<vmem_shared>>) target_semaphore(%run_scoped3A : memref<!tpu.dma_semaphore, #tpu.memory_space<semaphore_mem>>)
      %dma_wait3A = arith.constant 0 : i32
      %dma_wait3A_177 = tpu.memref_slice %arg13[%add3A_31, %dma_wait3A] : memref<10240x128xf32, #tpu.memory_space<vmem_shared>> -> memref<32x128xf32, #tpu.memory_space<vmem_shared>>
      %dma_wait3A_178 = arith.constant 0 : i32
      %dma_wait3A_179 = tpu.memref_slice %arg13[%add3A_31, %dma_wait3A_178] : memref<10240x128xf32, #tpu.memory_space<vmem_shared>> -> memref<32x128xf32, #tpu.memory_space<vmem_shared>>
      tpu.wait_dma2 semaphore(%run_scoped3A : memref<!tpu.dma_semaphore, #tpu.memory_space<semaphore_mem>>) src(%arg12 : memref<32x128xf32, #tpu.memory_space<vmem>>) dst(%dma_wait3A_179 : memref<32x128xf32, #tpu.memory_space<vmem_shared>>)
      tpu.yield
    }) : () -> ()
    %mul3A_32 = arith.constant 640 : i32
    %mul3A_33 = arith.muli %arg1, %mul3A_32 : i32
    %add3A_34 = arith.constant 192 : i32
    %add3A_35 = arith.addi %mul3A_33, %add3A_34 : i32
    "tpu.region"() ({
      %run_scoped3A = tpu.sem_alloc : memref<!tpu.dma_semaphore, #tpu.memory_space<semaphore_mem>>
      %dma_start3A = arith.constant 0 : i32
      %dma_start3A_174 = tpu.memref_slice %arg13[%add3A_35, %dma_start3A] : memref<10240x128xf32, #tpu.memory_space<vmem_shared>> -> memref<32x128xf32, #tpu.memory_space<vmem_shared>>
      %dma_start3A_175 = arith.constant 0 : i32
      %dma_start3A_176 = tpu.memref_slice %arg13[%add3A_35, %dma_start3A_175] : memref<10240x128xf32, #tpu.memory_space<vmem_shared>> -> memref<32x128xf32, #tpu.memory_space<vmem_shared>>
      tpu.enqueue_dma source(%arg12 : memref<32x128xf32, #tpu.memory_space<vmem>>) target(%dma_start3A_176 : memref<32x128xf32, #tpu.memory_space<vmem_shared>>) target_semaphore(%run_scoped3A : memref<!tpu.dma_semaphore, #tpu.memory_space<semaphore_mem>>)
      %dma_wait3A = arith.constant 0 : i32
      %dma_wait3A_177 = tpu.memref_slice %arg13[%add3A_35, %dma_wait3A] : memref<10240x128xf32, #tpu.memory_space<vmem_shared>> -> memref<32x128xf32, #tpu.memory_space<vmem_shared>>
      %dma_wait3A_178 = arith.constant 0 : i32
      %dma_wait3A_179 = tpu.memref_slice %arg13[%add3A_35, %dma_wait3A_178] : memref<10240x128xf32, #tpu.memory_space<vmem_shared>> -> memref<32x128xf32, #tpu.memory_space<vmem_shared>>
      tpu.wait_dma2 semaphore(%run_scoped3A : memref<!tpu.dma_semaphore, #tpu.memory_space<semaphore_mem>>) src(%arg12 : memref<32x128xf32, #tpu.memory_space<vmem>>) dst(%dma_wait3A_179 : memref<32x128xf32, #tpu.memory_space<vmem_shared>>)
      tpu.yield
    }) : () -> ()
    %mul3A_36 = arith.constant 640 : i32
    %mul3A_37 = arith.muli %arg1, %mul3A_36 : i32
    %add3A_38 = arith.constant 224 : i32
    %add3A_39 = arith.addi %mul3A_37, %add3A_38 : i32
    "tpu.region"() ({
      %run_scoped3A = tpu.sem_alloc : memref<!tpu.dma_semaphore, #tpu.memory_space<semaphore_mem>>
      %dma_start3A = arith.constant 0 : i32
      %dma_start3A_174 = tpu.memref_slice %arg13[%add3A_39, %dma_start3A] : memref<10240x128xf32, #tpu.memory_space<vmem_shared>> -> memref<32x128xf32, #tpu.memory_space<vmem_shared>>
      %dma_start3A_175 = arith.constant 0 : i32
      %dma_start3A_176 = tpu.memref_slice %arg13[%add3A_39, %dma_start3A_175] : memref<10240x128xf32, #tpu.memory_space<vmem_shared>> -> memref<32x128xf32, #tpu.memory_space<vmem_shared>>
      tpu.enqueue_dma source(%arg12 : memref<32x128xf32, #tpu.memory_space<vmem>>) target(%dma_start3A_176 : memref<32x128xf32, #tpu.memory_space<vmem_shared>>) target_semaphore(%run_scoped3A : memref<!tpu.dma_semaphore, #tpu.memory_space<semaphore_mem>>)
      %dma_wait3A = arith.constant 0 : i32
      %dma_wait3A_177 = tpu.memref_slice %arg13[%add3A_39, %dma_wait3A] : memref<10240x128xf32, #tpu.memory_space<vmem_shared>> -> memref<32x128xf32, #tpu.memory_space<vmem_shared>>
      %dma_wait3A_178 = arith.constant 0 : i32
      %dma_wait3A_179 = tpu.memref_slice %arg13[%add3A_39, %dma_wait3A_178] : memref<10240x128xf32, #tpu.memory_space<vmem_shared>> -> memref<32x128xf32, #tpu.memory_space<vmem_shared>>
      tpu.wait_dma2 semaphore(%run_scoped3A : memref<!tpu.dma_semaphore, #tpu.memory_space<semaphore_mem>>) src(%arg12 : memref<32x128xf32, #tpu.memory_space<vmem>>) dst(%dma_wait3A_179 : memref<32x128xf32, #tpu.memory_space<vmem_shared>>)
      tpu.yield
    }) : () -> ()
    %mul3A_40 = arith.constant 640 : i32
    %mul3A_41 = arith.muli %arg1, %mul3A_40 : i32
    %add3A_42 = arith.constant 256 : i32
    %add3A_43 = arith.addi %mul3A_41, %add3A_42 : i32
    "tpu.region"() ({
      %run_scoped3A = tpu.sem_alloc : memref<!tpu.dma_semaphore, #tpu.memory_space<semaphore_mem>>
      %dma_start3A = arith.constant 0 : i32
      %dma_start3A_174 = tpu.memref_slice %arg13[%add3A_43, %dma_start3A] : memref<10240x128xf32, #tpu.memory_space<vmem_shared>> -> memref<32x128xf32, #tpu.memory_space<vmem_shared>>
      %dma_start3A_175 = arith.constant 0 : i32
      %dma_start3A_176 = tpu.memref_slice %arg13[%add3A_43, %dma_start3A_175] : memref<10240x128xf32, #tpu.memory_space<vmem_shared>> -> memref<32x128xf32, #tpu.memory_space<vmem_shared>>
      tpu.enqueue_dma source(%arg12 : memref<32x128xf32, #tpu.memory_space<vmem>>) target(%dma_start3A_176 : memref<32x128xf32, #tpu.memory_space<vmem_shared>>) target_semaphore(%run_scoped3A : memref<!tpu.dma_semaphore, #tpu.memory_space<semaphore_mem>>)
      %dma_wait3A = arith.constant 0 : i32
      %dma_wait3A_177 = tpu.memref_slice %arg13[%add3A_43, %dma_wait3A] : memref<10240x128xf32, #tpu.memory_space<vmem_shared>> -> memref<32x128xf32, #tpu.memory_space<vmem_shared>>
      %dma_wait3A_178 = arith.constant 0 : i32
      %dma_wait3A_179 = tpu.memref_slice %arg13[%add3A_43, %dma_wait3A_178] : memref<10240x128xf32, #tpu.memory_space<vmem_shared>> -> memref<32x128xf32, #tpu.memory_space<vmem_shared>>
      tpu.wait_dma2 semaphore(%run_scoped3A : memref<!tpu.dma_semaphore, #tpu.memory_space<semaphore_mem>>) src(%arg12 : memref<32x128xf32, #tpu.memory_space<vmem>>) dst(%dma_wait3A_179 : memref<32x128xf32, #tpu.memory_space<vmem_shared>>)
      tpu.yield
    }) : () -> ()
    %mul3A_44 = arith.constant 640 : i32
    %mul3A_45 = arith.muli %arg1, %mul3A_44 : i32
    %add3A_46 = arith.constant 288 : i32
    %add3A_47 = arith.addi %mul3A_45, %add3A_46 : i32
    "tpu.region"() ({
      %run_scoped3A = tpu.sem_alloc : memref<!tpu.dma_semaphore, #tpu.memory_space<semaphore_mem>>
      %dma_start3A = arith.constant 0 : i32
      %dma_start3A_174 = tpu.memref_slice %arg13[%add3A_47, %dma_start3A] : memref<10240x128xf32, #tpu.memory_space<vmem_shared>> -> memref<32x128xf32, #tpu.memory_space<vmem_shared>>
      %dma_start3A_175 = arith.constant 0 : i32
      %dma_start3A_176 = tpu.memref_slice %arg13[%add3A_47, %dma_start3A_175] : memref<10240x128xf32, #tpu.memory_space<vmem_shared>> -> memref<32x128xf32, #tpu.memory_space<vmem_shared>>
      tpu.enqueue_dma source(%arg12 : memref<32x128xf32, #tpu.memory_space<vmem>>) target(%dma_start3A_176 : memref<32x128xf32, #tpu.memory_space<vmem_shared>>) target_semaphore(%run_scoped3A : memref<!tpu.dma_semaphore, #tpu.memory_space<semaphore_mem>>)
      %dma_wait3A = arith.constant 0 : i32
      %dma_wait3A_177 = tpu.memref_slice %arg13[%add3A_47, %dma_wait3A] : memref<10240x128xf32, #tpu.memory_space<vmem_shared>> -> memref<32x128xf32, #tpu.memory_space<vmem_shared>>
      %dma_wait3A_178 = arith.constant 0 : i32
      %dma_wait3A_179 = tpu.memref_slice %arg13[%add3A_47, %dma_wait3A_178] : memref<10240x128xf32, #tpu.memory_space<vmem_shared>> -> memref<32x128xf32, #tpu.memory_space<vmem_shared>>
      tpu.wait_dma2 semaphore(%run_scoped3A : memref<!tpu.dma_semaphore, #tpu.memory_space<semaphore_mem>>) src(%arg12 : memref<32x128xf32, #tpu.memory_space<vmem>>) dst(%dma_wait3A_179 : memref<32x128xf32, #tpu.memory_space<vmem_shared>>)
      tpu.yield
    }) : () -> ()
    %mul3A_48 = arith.constant 640 : i32
    %mul3A_49 = arith.muli %arg1, %mul3A_48 : i32
    %add3A_50 = arith.constant 320 : i32
    %add3A_51 = arith.addi %mul3A_49, %add3A_50 : i32
    "tpu.region"() ({
      %run_scoped3A = tpu.sem_alloc : memref<!tpu.dma_semaphore, #tpu.memory_space<semaphore_mem>>
      %dma_start3A = arith.constant 0 : i32
      %dma_start3A_174 = tpu.memref_slice %arg13[%add3A_51, %dma_start3A] : memref<10240x128xf32, #tpu.memory_space<vmem_shared>> -> memref<32x128xf32, #tpu.memory_space<vmem_shared>>
      %dma_start3A_175 = arith.constant 0 : i32
      %dma_start3A_176 = tpu.memref_slice %arg13[%add3A_51, %dma_start3A_175] : memref<10240x128xf32, #tpu.memory_space<vmem_shared>> -> memref<32x128xf32, #tpu.memory_space<vmem_shared>>
      tpu.enqueue_dma source(%arg12 : memref<32x128xf32, #tpu.memory_space<vmem>>) target(%dma_start3A_176 : memref<32x128xf32, #tpu.memory_space<vmem_shared>>) target_semaphore(%run_scoped3A : memref<!tpu.dma_semaphore, #tpu.memory_space<semaphore_mem>>)
      %dma_wait3A = arith.constant 0 : i32
      %dma_wait3A_177 = tpu.memref_slice %arg13[%add3A_51, %dma_wait3A] : memref<10240x128xf32, #tpu.memory_space<vmem_shared>> -> memref<32x128xf32, #tpu.memory_space<vmem_shared>>
      %dma_wait3A_178 = arith.constant 0 : i32
      %dma_wait3A_179 = tpu.memref_slice %arg13[%add3A_51, %dma_wait3A_178] : memref<10240x128xf32, #tpu.memory_space<vmem_shared>> -> memref<32x128xf32, #tpu.memory_space<vmem_shared>>
      tpu.wait_dma2 semaphore(%run_scoped3A : memref<!tpu.dma_semaphore, #tpu.memory_space<semaphore_mem>>) src(%arg12 : memref<32x128xf32, #tpu.memory_space<vmem>>) dst(%dma_wait3A_179 : memref<32x128xf32, #tpu.memory_space<vmem_shared>>)
      tpu.yield
    }) : () -> ()
    %mul3A_52 = arith.constant 640 : i32
    %mul3A_53 = arith.muli %arg1, %mul3A_52 : i32
    %add3A_54 = arith.constant 352 : i32
    %add3A_55 = arith.addi %mul3A_53, %add3A_54 : i32
    "tpu.region"() ({
      %run_scoped3A = tpu.sem_alloc : memref<!tpu.dma_semaphore, #tpu.memory_space<semaphore_mem>>
      %dma_start3A = arith.constant 0 : i32
      %dma_start3A_174 = tpu.memref_slice %arg13[%add3A_55, %dma_start3A] : memref<10240x128xf32, #tpu.memory_space<vmem_shared>> -> memref<32x128xf32, #tpu.memory_space<vmem_shared>>
      %dma_start3A_175 = arith.constant 0 : i32
      %dma_start3A_176 = tpu.memref_slice %arg13[%add3A_55, %dma_start3A_175] : memref<10240x128xf32, #tpu.memory_space<vmem_shared>> -> memref<32x128xf32, #tpu.memory_space<vmem_shared>>
      tpu.enqueue_dma source(%arg12 : memref<32x128xf32, #tpu.memory_space<vmem>>) target(%dma_start3A_176 : memref<32x128xf32, #tpu.memory_space<vmem_shared>>) target_semaphore(%run_scoped3A : memref<!tpu.dma_semaphore, #tpu.memory_space<semaphore_mem>>)
      %dma_wait3A = arith.constant 0 : i32
      %dma_wait3A_177 = tpu.memref_slice %arg13[%add3A_55, %dma_wait3A] : memref<10240x128xf32, #tpu.memory_space<vmem_shared>> -> memref<32x128xf32, #tpu.memory_space<vmem_shared>>
      %dma_wait3A_178 = arith.constant 0 : i32
      %dma_wait3A_179 = tpu.memref_slice %arg13[%add3A_55, %dma_wait3A_178] : memref<10240x128xf32, #tpu.memory_space<vmem_shared>> -> memref<32x128xf32, #tpu.memory_space<vmem_shared>>
      tpu.wait_dma2 semaphore(%run_scoped3A : memref<!tpu.dma_semaphore, #tpu.memory_space<semaphore_mem>>) src(%arg12 : memref<32x128xf32, #tpu.memory_space<vmem>>) dst(%dma_wait3A_179 : memref<32x128xf32, #tpu.memory_space<vmem_shared>>)
      tpu.yield
    }) : () -> ()
    %mul3A_56 = arith.constant 640 : i32
    %mul3A_57 = arith.muli %arg1, %mul3A_56 : i32
    %add3A_58 = arith.constant 384 : i32
    %add3A_59 = arith.addi %mul3A_57, %add3A_58 : i32
    "tpu.region"() ({
      %run_scoped3A = tpu.sem_alloc : memref<!tpu.dma_semaphore, #tpu.memory_space<semaphore_mem>>
      %dma_start3A = arith.constant 0 : i32
      %dma_start3A_174 = tpu.memref_slice %arg13[%add3A_59, %dma_start3A] : memref<10240x128xf32, #tpu.memory_space<vmem_shared>> -> memref<32x128xf32, #tpu.memory_space<vmem_shared>>
      %dma_start3A_175 = arith.constant 0 : i32
      %dma_start3A_176 = tpu.memref_slice %arg13[%add3A_59, %dma_start3A_175] : memref<10240x128xf32, #tpu.memory_space<vmem_shared>> -> memref<32x128xf32, #tpu.memory_space<vmem_shared>>
      tpu.enqueue_dma source(%arg12 : memref<32x128xf32, #tpu.memory_space<vmem>>) target(%dma_start3A_176 : memref<32x128xf32, #tpu.memory_space<vmem_shared>>) target_semaphore(%run_scoped3A : memref<!tpu.dma_semaphore, #tpu.memory_space<semaphore_mem>>)
      %dma_wait3A = arith.constant 0 : i32
      %dma_wait3A_177 = tpu.memref_slice %arg13[%add3A_59, %dma_wait3A] : memref<10240x128xf32, #tpu.memory_space<vmem_shared>> -> memref<32x128xf32, #tpu.memory_space<vmem_shared>>
      %dma_wait3A_178 = arith.constant 0 : i32
      %dma_wait3A_179 = tpu.memref_slice %arg13[%add3A_59, %dma_wait3A_178] : memref<10240x128xf32, #tpu.memory_space<vmem_shared>> -> memref<32x128xf32, #tpu.memory_space<vmem_shared>>
      tpu.wait_dma2 semaphore(%run_scoped3A : memref<!tpu.dma_semaphore, #tpu.memory_space<semaphore_mem>>) src(%arg12 : memref<32x128xf32, #tpu.memory_space<vmem>>) dst(%dma_wait3A_179 : memref<32x128xf32, #tpu.memory_space<vmem_shared>>)
      tpu.yield
    }) : () -> ()
    %mul3A_60 = arith.constant 640 : i32
    %mul3A_61 = arith.muli %arg1, %mul3A_60 : i32
    %add3A_62 = arith.constant 416 : i32
    %add3A_63 = arith.addi %mul3A_61, %add3A_62 : i32
    "tpu.region"() ({
      %run_scoped3A = tpu.sem_alloc : memref<!tpu.dma_semaphore, #tpu.memory_space<semaphore_mem>>
      %dma_start3A = arith.constant 0 : i32
      %dma_start3A_174 = tpu.memref_slice %arg13[%add3A_63, %dma_start3A] : memref<10240x128xf32, #tpu.memory_space<vmem_shared>> -> memref<32x128xf32, #tpu.memory_space<vmem_shared>>
      %dma_start3A_175 = arith.constant 0 : i32
      %dma_start3A_176 = tpu.memref_slice %arg13[%add3A_63, %dma_start3A_175] : memref<10240x128xf32, #tpu.memory_space<vmem_shared>> -> memref<32x128xf32, #tpu.memory_space<vmem_shared>>
      tpu.enqueue_dma source(%arg12 : memref<32x128xf32, #tpu.memory_space<vmem>>) target(%dma_start3A_176 : memref<32x128xf32, #tpu.memory_space<vmem_shared>>) target_semaphore(%run_scoped3A : memref<!tpu.dma_semaphore, #tpu.memory_space<semaphore_mem>>)
      %dma_wait3A = arith.constant 0 : i32
      %dma_wait3A_177 = tpu.memref_slice %arg13[%add3A_63, %dma_wait3A] : memref<10240x128xf32, #tpu.memory_space<vmem_shared>> -> memref<32x128xf32, #tpu.memory_space<vmem_shared>>
      %dma_wait3A_178 = arith.constant 0 : i32
      %dma_wait3A_179 = tpu.memref_slice %arg13[%add3A_63, %dma_wait3A_178] : memref<10240x128xf32, #tpu.memory_space<vmem_shared>> -> memref<32x128xf32, #tpu.memory_space<vmem_shared>>
      tpu.wait_dma2 semaphore(%run_scoped3A : memref<!tpu.dma_semaphore, #tpu.memory_space<semaphore_mem>>) src(%arg12 : memref<32x128xf32, #tpu.memory_space<vmem>>) dst(%dma_wait3A_179 : memref<32x128xf32, #tpu.memory_space<vmem_shared>>)
      tpu.yield
    }) : () -> ()
    %mul3A_64 = arith.constant 640 : i32
    %mul3A_65 = arith.muli %arg1, %mul3A_64 : i32
    %add3A_66 = arith.constant 448 : i32
    %add3A_67 = arith.addi %mul3A_65, %add3A_66 : i32
    "tpu.region"() ({
      %run_scoped3A = tpu.sem_alloc : memref<!tpu.dma_semaphore, #tpu.memory_space<semaphore_mem>>
      %dma_start3A = arith.constant 0 : i32
      %dma_start3A_174 = tpu.memref_slice %arg13[%add3A_67, %dma_start3A] : memref<10240x128xf32, #tpu.memory_space<vmem_shared>> -> memref<32x128xf32, #tpu.memory_space<vmem_shared>>
      %dma_start3A_175 = arith.constant 0 : i32
      %dma_start3A_176 = tpu.memref_slice %arg13[%add3A_67, %dma_start3A_175] : memref<10240x128xf32, #tpu.memory_space<vmem_shared>> -> memref<32x128xf32, #tpu.memory_space<vmem_shared>>
      tpu.enqueue_dma source(%arg12 : memref<32x128xf32, #tpu.memory_space<vmem>>) target(%dma_start3A_176 : memref<32x128xf32, #tpu.memory_space<vmem_shared>>) target_semaphore(%run_scoped3A : memref<!tpu.dma_semaphore, #tpu.memory_space<semaphore_mem>>)
      %dma_wait3A = arith.constant 0 : i32
      %dma_wait3A_177 = tpu.memref_slice %arg13[%add3A_67, %dma_wait3A] : memref<10240x128xf32, #tpu.memory_space<vmem_shared>> -> memref<32x128xf32, #tpu.memory_space<vmem_shared>>
      %dma_wait3A_178 = arith.constant 0 : i32
      %dma_wait3A_179 = tpu.memref_slice %arg13[%add3A_67, %dma_wait3A_178] : memref<10240x128xf32, #tpu.memory_space<vmem_shared>> -> memref<32x128xf32, #tpu.memory_space<vmem_shared>>
      tpu.wait_dma2 semaphore(%run_scoped3A : memref<!tpu.dma_semaphore, #tpu.memory_space<semaphore_mem>>) src(%arg12 : memref<32x128xf32, #tpu.memory_space<vmem>>) dst(%dma_wait3A_179 : memref<32x128xf32, #tpu.memory_space<vmem_shared>>)
      tpu.yield
    }) : () -> ()
    %mul3A_68 = arith.constant 640 : i32
    %mul3A_69 = arith.muli %arg1, %mul3A_68 : i32
    %add3A_70 = arith.constant 480 : i32
    %add3A_71 = arith.addi %mul3A_69, %add3A_70 : i32
    "tpu.region"() ({
      %run_scoped3A = tpu.sem_alloc : memref<!tpu.dma_semaphore, #tpu.memory_space<semaphore_mem>>
      %dma_start3A = arith.constant 0 : i32
      %dma_start3A_174 = tpu.memref_slice %arg13[%add3A_71, %dma_start3A] : memref<10240x128xf32, #tpu.memory_space<vmem_shared>> -> memref<32x128xf32, #tpu.memory_space<vmem_shared>>
      %dma_start3A_175 = arith.constant 0 : i32
      %dma_start3A_176 = tpu.memref_slice %arg13[%add3A_71, %dma_start3A_175] : memref<10240x128xf32, #tpu.memory_space<vmem_shared>> -> memref<32x128xf32, #tpu.memory_space<vmem_shared>>
      tpu.enqueue_dma source(%arg12 : memref<32x128xf32, #tpu.memory_space<vmem>>) target(%dma_start3A_176 : memref<32x128xf32, #tpu.memory_space<vmem_shared>>) target_semaphore(%run_scoped3A : memref<!tpu.dma_semaphore, #tpu.memory_space<semaphore_mem>>)
      %dma_wait3A = arith.constant 0 : i32
      %dma_wait3A_177 = tpu.memref_slice %arg13[%add3A_71, %dma_wait3A] : memref<10240x128xf32, #tpu.memory_space<vmem_shared>> -> memref<32x128xf32, #tpu.memory_space<vmem_shared>>
      %dma_wait3A_178 = arith.constant 0 : i32
      %dma_wait3A_179 = tpu.memref_slice %arg13[%add3A_71, %dma_wait3A_178] : memref<10240x128xf32, #tpu.memory_space<vmem_shared>> -> memref<32x128xf32, #tpu.memory_space<vmem_shared>>
      tpu.wait_dma2 semaphore(%run_scoped3A : memref<!tpu.dma_semaphore, #tpu.memory_space<semaphore_mem>>) src(%arg12 : memref<32x128xf32, #tpu.memory_space<vmem>>) dst(%dma_wait3A_179 : memref<32x128xf32, #tpu.memory_space<vmem_shared>>)
      tpu.yield
    }) : () -> ()
    %mul3A_72 = arith.constant 640 : i32
    %mul3A_73 = arith.muli %arg1, %mul3A_72 : i32
    %add3A_74 = arith.constant 512 : i32
    %add3A_75 = arith.addi %mul3A_73, %add3A_74 : i32
    "tpu.region"() ({
      %run_scoped3A = tpu.sem_alloc : memref<!tpu.dma_semaphore, #tpu.memory_space<semaphore_mem>>
      %dma_start3A = arith.constant 0 : i32
      %dma_start3A_174 = tpu.memref_slice %arg13[%add3A_75, %dma_start3A] : memref<10240x128xf32, #tpu.memory_space<vmem_shared>> -> memref<32x128xf32, #tpu.memory_space<vmem_shared>>
      %dma_start3A_175 = arith.constant 0 : i32
      %dma_start3A_176 = tpu.memref_slice %arg13[%add3A_75, %dma_start3A_175] : memref<10240x128xf32, #tpu.memory_space<vmem_shared>> -> memref<32x128xf32, #tpu.memory_space<vmem_shared>>
      tpu.enqueue_dma source(%arg12 : memref<32x128xf32, #tpu.memory_space<vmem>>) target(%dma_start3A_176 : memref<32x128xf32, #tpu.memory_space<vmem_shared>>) target_semaphore(%run_scoped3A : memref<!tpu.dma_semaphore, #tpu.memory_space<semaphore_mem>>)
      %dma_wait3A = arith.constant 0 : i32
      %dma_wait3A_177 = tpu.memref_slice %arg13[%add3A_75, %dma_wait3A] : memref<10240x128xf32, #tpu.memory_space<vmem_shared>> -> memref<32x128xf32, #tpu.memory_space<vmem_shared>>
      %dma_wait3A_178 = arith.constant 0 : i32
      %dma_wait3A_179 = tpu.memref_slice %arg13[%add3A_75, %dma_wait3A_178] : memref<10240x128xf32, #tpu.memory_space<vmem_shared>> -> memref<32x128xf32, #tpu.memory_space<vmem_shared>>
      tpu.wait_dma2 semaphore(%run_scoped3A : memref<!tpu.dma_semaphore, #tpu.memory_space<semaphore_mem>>) src(%arg12 : memref<32x128xf32, #tpu.memory_space<vmem>>) dst(%dma_wait3A_179 : memref<32x128xf32, #tpu.memory_space<vmem_shared>>)
      tpu.yield
    }) : () -> ()
    %mul3A_76 = arith.constant 640 : i32
    %mul3A_77 = arith.muli %arg1, %mul3A_76 : i32
    %add3A_78 = arith.constant 544 : i32
    %add3A_79 = arith.addi %mul3A_77, %add3A_78 : i32
    "tpu.region"() ({
      %run_scoped3A = tpu.sem_alloc : memref<!tpu.dma_semaphore, #tpu.memory_space<semaphore_mem>>
      %dma_start3A = arith.constant 0 : i32
      %dma_start3A_174 = tpu.memref_slice %arg13[%add3A_79, %dma_start3A] : memref<10240x128xf32, #tpu.memory_space<vmem_shared>> -> memref<32x128xf32, #tpu.memory_space<vmem_shared>>
      %dma_start3A_175 = arith.constant 0 : i32
      %dma_start3A_176 = tpu.memref_slice %arg13[%add3A_79, %dma_start3A_175] : memref<10240x128xf32, #tpu.memory_space<vmem_shared>> -> memref<32x128xf32, #tpu.memory_space<vmem_shared>>
      tpu.enqueue_dma source(%arg12 : memref<32x128xf32, #tpu.memory_space<vmem>>) target(%dma_start3A_176 : memref<32x128xf32, #tpu.memory_space<vmem_shared>>) target_semaphore(%run_scoped3A : memref<!tpu.dma_semaphore, #tpu.memory_space<semaphore_mem>>)
      %dma_wait3A = arith.constant 0 : i32
      %dma_wait3A_177 = tpu.memref_slice %arg13[%add3A_79, %dma_wait3A] : memref<10240x128xf32, #tpu.memory_space<vmem_shared>> -> memref<32x128xf32, #tpu.memory_space<vmem_shared>>
      %dma_wait3A_178 = arith.constant 0 : i32
      %dma_wait3A_179 = tpu.memref_slice %arg13[%add3A_79, %dma_wait3A_178] : memref<10240x128xf32, #tpu.memory_space<vmem_shared>> -> memref<32x128xf32, #tpu.memory_space<vmem_shared>>
      tpu.wait_dma2 semaphore(%run_scoped3A : memref<!tpu.dma_semaphore, #tpu.memory_space<semaphore_mem>>) src(%arg12 : memref<32x128xf32, #tpu.memory_space<vmem>>) dst(%dma_wait3A_179 : memref<32x128xf32, #tpu.memory_space<vmem_shared>>)
      tpu.yield
    }) : () -> ()
    %mul3A_80 = arith.constant 640 : i32
    %mul3A_81 = arith.muli %arg1, %mul3A_80 : i32
    %add3A_82 = arith.constant 576 : i32
    %add3A_83 = arith.addi %mul3A_81, %add3A_82 : i32
    "tpu.region"() ({
      %run_scoped3A = tpu.sem_alloc : memref<!tpu.dma_semaphore, #tpu.memory_space<semaphore_mem>>
      %dma_start3A = arith.constant 0 : i32
      %dma_start3A_174 = tpu.memref_slice %arg13[%add3A_83, %dma_start3A] : memref<10240x128xf32, #tpu.memory_space<vmem_shared>> -> memref<32x128xf32, #tpu.memory_space<vmem_shared>>
      %dma_start3A_175 = arith.constant 0 : i32
      %dma_start3A_176 = tpu.memref_slice %arg13[%add3A_83, %dma_start3A_175] : memref<10240x128xf32, #tpu.memory_space<vmem_shared>> -> memref<32x128xf32, #tpu.memory_space<vmem_shared>>
      tpu.enqueue_dma source(%arg12 : memref<32x128xf32, #tpu.memory_space<vmem>>) target(%dma_start3A_176 : memref<32x128xf32, #tpu.memory_space<vmem_shared>>) target_semaphore(%run_scoped3A : memref<!tpu.dma_semaphore, #tpu.memory_space<semaphore_mem>>)
      %dma_wait3A = arith.constant 0 : i32
      %dma_wait3A_177 = tpu.memref_slice %arg13[%add3A_83, %dma_wait3A] : memref<10240x128xf32, #tpu.memory_space<vmem_shared>> -> memref<32x128xf32, #tpu.memory_space<vmem_shared>>
      %dma_wait3A_178 = arith.constant 0 : i32
      %dma_wait3A_179 = tpu.memref_slice %arg13[%add3A_83, %dma_wait3A_178] : memref<10240x128xf32, #tpu.memory_space<vmem_shared>> -> memref<32x128xf32, #tpu.memory_space<vmem_shared>>
      tpu.wait_dma2 semaphore(%run_scoped3A : memref<!tpu.dma_semaphore, #tpu.memory_space<semaphore_mem>>) src(%arg12 : memref<32x128xf32, #tpu.memory_space<vmem>>) dst(%dma_wait3A_179 : memref<32x128xf32, #tpu.memory_space<vmem_shared>>)
      tpu.yield
    }) : () -> ()
    %mul3A_84 = arith.constant 640 : i32
    %mul3A_85 = arith.muli %arg1, %mul3A_84 : i32
    %add3A_86 = arith.constant 608 : i32
    %add3A_87 = arith.addi %mul3A_85, %add3A_86 : i32
    "tpu.region"() ({
      %run_scoped3A = tpu.sem_alloc : memref<!tpu.dma_semaphore, #tpu.memory_space<semaphore_mem>>
      %dma_start3A = arith.constant 0 : i32
      %dma_start3A_174 = tpu.memref_slice %arg13[%add3A_87, %dma_start3A] : memref<10240x128xf32, #tpu.memory_space<vmem_shared>> -> memref<32x128xf32, #tpu.memory_space<vmem_shared>>
      %dma_start3A_175 = arith.constant 0 : i32
      %dma_start3A_176 = tpu.memref_slice %arg13[%add3A_87, %dma_start3A_175] : memref<10240x128xf32, #tpu.memory_space<vmem_shared>> -> memref<32x128xf32, #tpu.memory_space<vmem_shared>>
      tpu.enqueue_dma source(%arg12 : memref<32x128xf32, #tpu.memory_space<vmem>>) target(%dma_start3A_176 : memref<32x128xf32, #tpu.memory_space<vmem_shared>>) target_semaphore(%run_scoped3A : memref<!tpu.dma_semaphore, #tpu.memory_space<semaphore_mem>>)
      %dma_wait3A = arith.constant 0 : i32
      %dma_wait3A_177 = tpu.memref_slice %arg13[%add3A_87, %dma_wait3A] : memref<10240x128xf32, #tpu.memory_space<vmem_shared>> -> memref<32x128xf32, #tpu.memory_space<vmem_shared>>
      %dma_wait3A_178 = arith.constant 0 : i32
      %dma_wait3A_179 = tpu.memref_slice %arg13[%add3A_87, %dma_wait3A_178] : memref<10240x128xf32, #tpu.memory_space<vmem_shared>> -> memref<32x128xf32, #tpu.memory_space<vmem_shared>>
      tpu.wait_dma2 semaphore(%run_scoped3A : memref<!tpu.dma_semaphore, #tpu.memory_space<semaphore_mem>>) src(%arg12 : memref<32x128xf32, #tpu.memory_space<vmem>>) dst(%dma_wait3A_179 : memref<32x128xf32, #tpu.memory_space<vmem_shared>>)
      tpu.yield
    }) : () -> ()
    %lt3A = arith.constant 31 : i32
    %lt3A_88 = arith.cmpi slt, %add3A, %lt3A : i32
    %convert_element_type3A = arith.extui %lt3A_88 : i1 to i32
    %cond3A = arith.constant 0 : i32
    %cond3A_89 = arith.cmpi ne, %convert_element_type3A, %cond3A : i32
    scf.if %cond3A_89 {
      %mul3A_174 = arith.constant 80 : i32
      %mul3A_175 = arith.muli %add3A, %mul3A_174 : i32
      %run_scoped3A = arith.constant 1 : i32
      "tpu.region"() ({
        %run_scoped3A_191 = tpu.sem_alloc : memref<!tpu.dma_semaphore, #tpu.memory_space<semaphore_mem>>
        %dma_start3A_192 = arith.constant 0 : i32
        %dma_start3A_193 = tpu.memref_slice %arg3[%run_scoped3A, %mul3A_175, %dma_start3A_192] : memref<2x2500x128xi32, #tpu.memory_space<hbm>> -> memref<1x80x128xi32, #tpu.memory_space<hbm>>
        %dma_start3A_194 = tpu.memref_squeeze %dma_start3A_193 : memref<1x80x128xi32, #tpu.memory_space<hbm>> -> memref<80x128xi32, #tpu.memory_space<hbm>>
        %dma_start3A_195 = arith.constant 0 : i32
        %dma_start3A_196 = tpu.memref_slice %arg3[%run_scoped3A, %mul3A_175, %dma_start3A_195] : memref<2x2500x128xi32, #tpu.memory_space<hbm>> -> memref<1x80x128xi32, #tpu.memory_space<hbm>>
        %dma_start3A_197 = tpu.memref_squeeze %dma_start3A_196 : memref<1x80x128xi32, #tpu.memory_space<hbm>> -> memref<80x128xi32, #tpu.memory_space<hbm>>
        tpu.enqueue_dma source(%dma_start3A_197 : memref<80x128xi32, #tpu.memory_space<hbm>>) target(%arg10 : memref<80x128xi32, #tpu.memory_space<vmem>>) target_semaphore(%run_scoped3A_191 : memref<!tpu.dma_semaphore, #tpu.memory_space<semaphore_mem>>)
        %dma_wait3A = arith.constant 0 : i32
        %dma_wait3A_198 = tpu.memref_slice %arg3[%run_scoped3A, %mul3A_175, %dma_wait3A] : memref<2x2500x128xi32, #tpu.memory_space<hbm>> -> memref<1x80x128xi32, #tpu.memory_space<hbm>>
        %dma_wait3A_199 = tpu.memref_squeeze %dma_wait3A_198 : memref<1x80x128xi32, #tpu.memory_space<hbm>> -> memref<80x128xi32, #tpu.memory_space<hbm>>
        %dma_wait3A_200 = arith.constant 0 : i32
        %dma_wait3A_201 = tpu.memref_slice %arg3[%run_scoped3A, %mul3A_175, %dma_wait3A_200] : memref<2x2500x128xi32, #tpu.memory_space<hbm>> -> memref<1x80x128xi32, #tpu.memory_space<hbm>>
        %dma_wait3A_202 = tpu.memref_squeeze %dma_wait3A_201 : memref<1x80x128xi32, #tpu.memory_space<hbm>> -> memref<80x128xi32, #tpu.memory_space<hbm>>
        tpu.wait_dma2 semaphore(%run_scoped3A_191 : memref<!tpu.dma_semaphore, #tpu.memory_space<semaphore_mem>>) src(%dma_wait3A_202 : memref<80x128xi32, #tpu.memory_space<hbm>>) dst(%arg10 : memref<80x128xi32, #tpu.memory_space<vmem>>)
        tpu.yield
      }) : () -> ()
      %mul3A_176 = arith.constant 80 : i32
      %mul3A_177 = arith.muli %add3A, %mul3A_176 : i32
      %add3A_178 = arith.constant 0 : i32
      %add3A_179 = arith.addi %mul3A_177, %add3A_178 : i32
      %mul3A_180 = arith.constant 128 : i32
      %mul3A_181 = arith.muli %add3A_179, %mul3A_180 : i32
      "tpu.region"() ({
        %run_scoped3A_191 = tpu.sem_alloc : memref<!tpu.dma_semaphore, #tpu.memory_space<semaphore_mem>>
        %dma_start3A_192 = tpu.memref_slice %arg4[%mul3A_181] : memref<640000xi32, #tpu.memory_space<hbm>> -> memref<128xi32, #tpu.memory_space<hbm>>
        %dma_start3A_193 = tpu.memref_slice %arg4[%mul3A_181] : memref<640000xi32, #tpu.memory_space<hbm>> -> memref<128xi32, #tpu.memory_space<hbm>>
        tpu.enqueue_dma source(%dma_start3A_193 : memref<128xi32, #tpu.memory_space<hbm>>) target(%arg6 : memref<128xi32, #tpu.memory_space<vmem>>) target_semaphore(%run_scoped3A_191 : memref<!tpu.dma_semaphore, #tpu.memory_space<semaphore_mem>>)
        %dma_wait3A = tpu.memref_slice %arg4[%mul3A_181] : memref<640000xi32, #tpu.memory_space<hbm>> -> memref<128xi32, #tpu.memory_space<hbm>>
        %dma_wait3A_194 = tpu.memref_slice %arg4[%mul3A_181] : memref<640000xi32, #tpu.memory_space<hbm>> -> memref<128xi32, #tpu.memory_space<hbm>>
        tpu.wait_dma2 semaphore(%run_scoped3A_191 : memref<!tpu.dma_semaphore, #tpu.memory_space<semaphore_mem>>) src(%dma_wait3A_194 : memref<128xi32, #tpu.memory_space<hbm>>) dst(%arg6 : memref<128xi32, #tpu.memory_space<vmem>>)
        tpu.yield
      }) : () -> ()
      %dma_start3A = arith.constant 0 : i32
      %dma_start3A_182 = arith.constant 0 : i32
      %dma_start3A_183 = tpu.memref_slice %arg2[%dma_start3A, %dma_start3A_182] : memref<10000x128xf32, #tpu.memory_space<hbm>> -> memref<10000x128xf32, #tpu.memory_space<hbm>>
      tpu.enqueue_indirect_dma source(%dma_start3A_183 : memref<10000x128xf32, #tpu.memory_space<hbm>>) target(%arg7 : memref<128x128xf32, #tpu.memory_space<vmem>>) offsets(%arg6 : memref<128xi32, #tpu.memory_space<vmem>>) semaphore(%arg14 : memref<!tpu.dma_semaphore, #tpu.memory_space<semaphore_mem>>)
      %scan3A_184 = arith.constant 0 : i32
      %scan3A_185 = arith.constant 0 : i32
      %scan3A_186 = arith.constant 40 : i32
      %scan3A_187 = arith.addi %scan3A_185, %scan3A_186 : i32
      %scan3A_188 = arith.constant 1 : i32
      %scan3A_189 = scf.for %scan3A_191 = %scan3A_185 to %scan3A_187 step %scan3A_188 iter_args(%scan3A_192 = %scan3A_184) -> (i32)  : i32 {
        %mul3A_193 = arith.constant 2 : i32
        %mul3A_194 = arith.muli %mul3A_193, %scan3A_191 : i32
        %add3A_195 = arith.constant 1 : i32
        %add3A_196 = arith.addi %mul3A_194, %add3A_195 : i32
        %mul3A_197 = arith.constant 80 : i32
        %mul3A_198 = arith.muli %add3A, %mul3A_197 : i32
        %add3A_199 = arith.addi %mul3A_198, %add3A_196 : i32
        %mul3A_200 = arith.constant 128 : i32
        %mul3A_201 = arith.muli %add3A_199, %mul3A_200 : i32
        "tpu.region"() ({
          %run_scoped3A_218 = tpu.sem_alloc : memref<!tpu.dma_semaphore, #tpu.memory_space<semaphore_mem>>
          %dma_start3A_219 = tpu.memref_slice %arg4[%mul3A_201] : memref<640000xi32, #tpu.memory_space<hbm>> -> memref<128xi32, #tpu.memory_space<hbm>>
          %dma_start3A_220 = tpu.memref_slice %arg4[%mul3A_201] : memref<640000xi32, #tpu.memory_space<hbm>> -> memref<128xi32, #tpu.memory_space<hbm>>
          tpu.enqueue_dma source(%dma_start3A_220 : memref<128xi32, #tpu.memory_space<hbm>>) target(%arg8 : memref<128xi32, #tpu.memory_space<vmem>>) target_semaphore(%run_scoped3A_218 : memref<!tpu.dma_semaphore, #tpu.memory_space<semaphore_mem>>)
          %dma_wait3A_221 = tpu.memref_slice %arg4[%mul3A_201] : memref<640000xi32, #tpu.memory_space<hbm>> -> memref<128xi32, #tpu.memory_space<hbm>>
          %dma_wait3A_222 = tpu.memref_slice %arg4[%mul3A_201] : memref<640000xi32, #tpu.memory_space<hbm>> -> memref<128xi32, #tpu.memory_space<hbm>>
          tpu.wait_dma2 semaphore(%run_scoped3A_218 : memref<!tpu.dma_semaphore, #tpu.memory_space<semaphore_mem>>) src(%dma_wait3A_222 : memref<128xi32, #tpu.memory_space<hbm>>) dst(%arg8 : memref<128xi32, #tpu.memory_space<vmem>>)
          tpu.yield
        }) : () -> ()
        %dma_start3A_202 = arith.constant 0 : i32
        %dma_start3A_203 = arith.constant 0 : i32
        %dma_start3A_204 = tpu.memref_slice %arg2[%dma_start3A_202, %dma_start3A_203] : memref<10000x128xf32, #tpu.memory_space<hbm>> -> memref<10000x128xf32, #tpu.memory_space<hbm>>
        tpu.enqueue_indirect_dma source(%dma_start3A_204 : memref<10000x128xf32, #tpu.memory_space<hbm>>) target(%arg9 : memref<128x128xf32, #tpu.memory_space<vmem>>) offsets(%arg8 : memref<128xi32, #tpu.memory_space<vmem>>) semaphore(%arg15 : memref<!tpu.dma_semaphore, #tpu.memory_space<semaphore_mem>>)
        %dma_wait3A = arith.constant 0 : i32
        %dma_wait3A_205 = arith.constant 0 : i32
        %dma_wait3A_206 = tpu.memref_slice %arg2[%dma_wait3A, %dma_wait3A_205] : memref<10000x128xf32, #tpu.memory_space<hbm>> -> memref<10000x128xf32, #tpu.memory_space<hbm>>
        tpu.wait_indirect_dma semaphore(%arg14 : memref<!tpu.dma_semaphore, #tpu.memory_space<semaphore_mem>>) src(%dma_wait3A_206 : memref<10000x128xf32, #tpu.memory_space<hbm>>) dst(%arg7 : memref<128x128xf32, #tpu.memory_space<vmem>>)
        "tpu.region"() ({
          %run_scoped3A_218 = tpu.sem_alloc : memref<!tpu.dma_semaphore, #tpu.memory_space<semaphore_mem>>
          %dma_start3A_219 = arith.constant 0 : i32
          %dma_start3A_220 = tpu.memref_slice %arg10[%mul3A_194, %dma_start3A_219] : memref<80x128xi32, #tpu.memory_space<vmem>> -> memref<1x128xi32, #tpu.memory_space<vmem>>
          %dma_start3A_221 = tpu.memref_squeeze %dma_start3A_220 : memref<1x128xi32, #tpu.memory_space<vmem>> -> memref<128xi32, #tpu.memory_space<vmem>>
          %dma_start3A_222 = arith.constant 0 : i32
          %dma_start3A_223 = arith.constant 0 : i32
          %dma_start3A_224 = tpu.memref_slice %arg13[%dma_start3A_222, %dma_start3A_223] : memref<10240x128xf32, #tpu.memory_space<vmem_shared>> -> memref<10240x128xf32, #tpu.memory_space<vmem_shared>>
          tpu.enqueue_indirect_dma source(%arg7 : memref<128x128xf32, #tpu.memory_space<vmem>>) target(%dma_start3A_224 : memref<10240x128xf32, #tpu.memory_space<vmem_shared>>) offsets(%dma_start3A_221 : memref<128xi32, #tpu.memory_space<vmem>>) semaphore(%run_scoped3A_218 : memref<!tpu.dma_semaphore, #tpu.memory_space<semaphore_mem>>) {add = true}
          %dma_wait3A_225 = arith.constant 0 : i32
          %dma_wait3A_226 = tpu.memref_slice %arg10[%mul3A_194, %dma_wait3A_225] : memref<80x128xi32, #tpu.memory_space<vmem>> -> memref<1x128xi32, #tpu.memory_space<vmem>>
          %dma_wait3A_227 = tpu.memref_squeeze %dma_wait3A_226 : memref<1x128xi32, #tpu.memory_space<vmem>> -> memref<128xi32, #tpu.memory_space<vmem>>
          %dma_wait3A_228 = arith.constant 0 : i32
          %dma_wait3A_229 = arith.constant 0 : i32
          %dma_wait3A_230 = tpu.memref_slice %arg13[%dma_wait3A_228, %dma_wait3A_229] : memref<10240x128xf32, #tpu.memory_space<vmem_shared>> -> memref<10240x128xf32, #tpu.memory_space<vmem_shared>>
          tpu.wait_indirect_dma semaphore(%run_scoped3A_218 : memref<!tpu.dma_semaphore, #tpu.memory_space<semaphore_mem>>) src(%arg7 : memref<128x128xf32, #tpu.memory_space<vmem>>) dst(%dma_wait3A_230 : memref<10240x128xf32, #tpu.memory_space<vmem_shared>>)
          tpu.yield
        }) : () -> ()
        %lt3A_207 = arith.constant 39 : i32
        %lt3A_208 = arith.cmpi slt, %scan3A_191, %lt3A_207 : i32
        %convert_element_type3A_209 = arith.extui %lt3A_208 : i1 to i32
        %cond3A_210 = arith.constant 0 : i32
        %cond3A_211 = arith.cmpi ne, %convert_element_type3A_209, %cond3A_210 : i32
        scf.if %cond3A_211 {
          %add3A_218 = arith.constant 2 : i32
          %add3A_219 = arith.addi %mul3A_194, %add3A_218 : i32
          %mul3A_220 = arith.constant 80 : i32
          %mul3A_221 = arith.muli %add3A, %mul3A_220 : i32
          %add3A_222 = arith.addi %mul3A_221, %add3A_219 : i32
          %mul3A_223 = arith.constant 128 : i32
          %mul3A_224 = arith.muli %add3A_222, %mul3A_223 : i32
          "tpu.region"() ({
            %run_scoped3A_228 = tpu.sem_alloc : memref<!tpu.dma_semaphore, #tpu.memory_space<semaphore_mem>>
            %dma_start3A_229 = tpu.memref_slice %arg4[%mul3A_224] : memref<640000xi32, #tpu.memory_space<hbm>> -> memref<128xi32, #tpu.memory_space<hbm>>
            %dma_start3A_230 = tpu.memref_slice %arg4[%mul3A_224] : memref<640000xi32, #tpu.memory_space<hbm>> -> memref<128xi32, #tpu.memory_space<hbm>>
            tpu.enqueue_dma source(%dma_start3A_230 : memref<128xi32, #tpu.memory_space<hbm>>) target(%arg6 : memref<128xi32, #tpu.memory_space<vmem>>) target_semaphore(%run_scoped3A_228 : memref<!tpu.dma_semaphore, #tpu.memory_space<semaphore_mem>>)
            %dma_wait3A_231 = tpu.memref_slice %arg4[%mul3A_224] : memref<640000xi32, #tpu.memory_space<hbm>> -> memref<128xi32, #tpu.memory_space<hbm>>
            %dma_wait3A_232 = tpu.memref_slice %arg4[%mul3A_224] : memref<640000xi32, #tpu.memory_space<hbm>> -> memref<128xi32, #tpu.memory_space<hbm>>
            tpu.wait_dma2 semaphore(%run_scoped3A_228 : memref<!tpu.dma_semaphore, #tpu.memory_space<semaphore_mem>>) src(%dma_wait3A_232 : memref<128xi32, #tpu.memory_space<hbm>>) dst(%arg6 : memref<128xi32, #tpu.memory_space<vmem>>)
            tpu.yield
          }) : () -> ()
          %dma_start3A_225 = arith.constant 0 : i32
          %dma_start3A_226 = arith.constant 0 : i32
          %dma_start3A_227 = tpu.memref_slice %arg2[%dma_start3A_225, %dma_start3A_226] : memref<10000x128xf32, #tpu.memory_space<hbm>> -> memref<10000x128xf32, #tpu.memory_space<hbm>>
          tpu.enqueue_indirect_dma source(%dma_start3A_227 : memref<10000x128xf32, #tpu.memory_space<hbm>>) target(%arg7 : memref<128x128xf32, #tpu.memory_space<vmem>>) offsets(%arg6 : memref<128xi32, #tpu.memory_space<vmem>>) semaphore(%arg14 : memref<!tpu.dma_semaphore, #tpu.memory_space<semaphore_mem>>)
        } else {
        }
        %add3A_212 = arith.constant 1 : i32
        %add3A_213 = arith.addi %mul3A_194, %add3A_212 : i32
        %dma_wait3A_214 = arith.constant 0 : i32
        %dma_wait3A_215 = arith.constant 0 : i32
        %dma_wait3A_216 = tpu.memref_slice %arg2[%dma_wait3A_214, %dma_wait3A_215] : memref<10000x128xf32, #tpu.memory_space<hbm>> -> memref<10000x128xf32, #tpu.memory_space<hbm>>
        tpu.wait_indirect_dma semaphore(%arg15 : memref<!tpu.dma_semaphore, #tpu.memory_space<semaphore_mem>>) src(%dma_wait3A_216 : memref<10000x128xf32, #tpu.memory_space<hbm>>) dst(%arg9 : memref<128x128xf32, #tpu.memory_space<vmem>>)
        "tpu.region"() ({
          %run_scoped3A_218 = tpu.sem_alloc : memref<!tpu.dma_semaphore, #tpu.memory_space<semaphore_mem>>
          %dma_start3A_219 = arith.constant 0 : i32
          %dma_start3A_220 = tpu.memref_slice %arg10[%add3A_213, %dma_start3A_219] : memref<80x128xi32, #tpu.memory_space<vmem>> -> memref<1x128xi32, #tpu.memory_space<vmem>>
          %dma_start3A_221 = tpu.memref_squeeze %dma_start3A_220 : memref<1x128xi32, #tpu.memory_space<vmem>> -> memref<128xi32, #tpu.memory_space<vmem>>
          %dma_start3A_222 = arith.constant 0 : i32
          %dma_start3A_223 = arith.constant 0 : i32
          %dma_start3A_224 = tpu.memref_slice %arg13[%dma_start3A_222, %dma_start3A_223] : memref<10240x128xf32, #tpu.memory_space<vmem_shared>> -> memref<10240x128xf32, #tpu.memory_space<vmem_shared>>
          tpu.enqueue_indirect_dma source(%arg9 : memref<128x128xf32, #tpu.memory_space<vmem>>) target(%dma_start3A_224 : memref<10240x128xf32, #tpu.memory_space<vmem_shared>>) offsets(%dma_start3A_221 : memref<128xi32, #tpu.memory_space<vmem>>) semaphore(%run_scoped3A_218 : memref<!tpu.dma_semaphore, #tpu.memory_space<semaphore_mem>>) {add = true}
          %dma_wait3A_225 = arith.constant 0 : i32
          %dma_wait3A_226 = tpu.memref_slice %arg10[%add3A_213, %dma_wait3A_225] : memref<80x128xi32, #tpu.memory_space<vmem>> -> memref<1x128xi32, #tpu.memory_space<vmem>>
          %dma_wait3A_227 = tpu.memref_squeeze %dma_wait3A_226 : memref<1x128xi32, #tpu.memory_space<vmem>> -> memref<128xi32, #tpu.memory_space<vmem>>
          %dma_wait3A_228 = arith.constant 0 : i32
          %dma_wait3A_229 = arith.constant 0 : i32
          %dma_wait3A_230 = tpu.memref_slice %arg13[%dma_wait3A_228, %dma_wait3A_229] : memref<10240x128xf32, #tpu.memory_space<vmem_shared>> -> memref<10240x128xf32, #tpu.memory_space<vmem_shared>>
          tpu.wait_indirect_dma semaphore(%run_scoped3A_218 : memref<!tpu.dma_semaphore, #tpu.memory_space<semaphore_mem>>) src(%arg9 : memref<128x128xf32, #tpu.memory_space<vmem>>) dst(%dma_wait3A_230 : memref<10240x128xf32, #tpu.memory_space<vmem_shared>>)
          tpu.yield
        }) : () -> ()
        %scan3A_217 = arith.constant 0 : i32
        scf.yield %scan3A_217 : i32
      }
      %scan3A_190 = arith.constant 40 : i32
    } else {
    }
    %eq3A = arith.constant 31 : i32
    %eq3A_90 = arith.cmpi eq, %add3A, %eq3A : i32
    %convert_element_type3A_91 = arith.extui %eq3A_90 : i1 to i32
    %cond3A_92 = arith.constant 0 : i32
    %cond3A_93 = arith.cmpi ne, %convert_element_type3A_91, %cond3A_92 : i32
    scf.if %cond3A_93 {
      %scan3A_174 = arith.constant 0 : i32
      %scan3A_175 = arith.constant 0 : i32
      %scan3A_176 = arith.constant 20 : i32
      %scan3A_177 = arith.addi %scan3A_175, %scan3A_176 : i32
      %scan3A_178 = arith.constant 1 : i32
      %scan3A_179 = scf.for %scan3A_181 = %scan3A_175 to %scan3A_177 step %scan3A_178 iter_args(%scan3A_182 = %scan3A_174) -> (i32)  : i32 {
        %mul3A_183 = arith.constant 80 : i32
        %mul3A_184 = arith.muli %add3A, %mul3A_183 : i32
        %add3A_185 = arith.addi %mul3A_184, %scan3A_181 : i32
        %mul3A_186 = arith.constant 128 : i32
        %mul3A_187 = arith.muli %add3A_185, %mul3A_186 : i32
        "tpu.region"() ({
          %run_scoped3A = tpu.sem_alloc : memref<!tpu.dma_semaphore, #tpu.memory_space<semaphore_mem>>
          %dma_start3A_195 = tpu.memref_slice %arg4[%mul3A_187] : memref<640000xi32, #tpu.memory_space<hbm>> -> memref<128xi32, #tpu.memory_space<hbm>>
          %dma_start3A_196 = tpu.memref_slice %arg4[%mul3A_187] : memref<640000xi32, #tpu.memory_space<hbm>> -> memref<128xi32, #tpu.memory_space<hbm>>
          tpu.enqueue_dma source(%dma_start3A_196 : memref<128xi32, #tpu.memory_space<hbm>>) target(%arg6 : memref<128xi32, #tpu.memory_space<vmem>>) target_semaphore(%run_scoped3A : memref<!tpu.dma_semaphore, #tpu.memory_space<semaphore_mem>>)
          %dma_wait3A_197 = tpu.memref_slice %arg4[%mul3A_187] : memref<640000xi32, #tpu.memory_space<hbm>> -> memref<128xi32, #tpu.memory_space<hbm>>
          %dma_wait3A_198 = tpu.memref_slice %arg4[%mul3A_187] : memref<640000xi32, #tpu.memory_space<hbm>> -> memref<128xi32, #tpu.memory_space<hbm>>
          tpu.wait_dma2 semaphore(%run_scoped3A : memref<!tpu.dma_semaphore, #tpu.memory_space<semaphore_mem>>) src(%dma_wait3A_198 : memref<128xi32, #tpu.memory_space<hbm>>) dst(%arg6 : memref<128xi32, #tpu.memory_space<vmem>>)
          tpu.yield
        }) : () -> ()
        %add3A_188 = arith.constant 320000 : i32
        %add3A_189 = arith.addi %add3A_188, %mul3A_187 : i32
        "tpu.region"() ({
          %run_scoped3A = tpu.sem_alloc : memref<!tpu.dma_semaphore, #tpu.memory_space<semaphore_mem>>
          %dma_start3A_195 = tpu.memref_slice %arg4[%add3A_189] : memref<640000xi32, #tpu.memory_space<hbm>> -> memref<128xi32, #tpu.memory_space<hbm>>
          %dma_start3A_196 = tpu.memref_slice %arg4[%add3A_189] : memref<640000xi32, #tpu.memory_space<hbm>> -> memref<128xi32, #tpu.memory_space<hbm>>
          tpu.enqueue_dma source(%dma_start3A_196 : memref<128xi32, #tpu.memory_space<hbm>>) target(%arg11 : memref<128xi32, #tpu.memory_space<vmem>>) target_semaphore(%run_scoped3A : memref<!tpu.dma_semaphore, #tpu.memory_space<semaphore_mem>>)
          %dma_wait3A_197 = tpu.memref_slice %arg4[%add3A_189] : memref<640000xi32, #tpu.memory_space<hbm>> -> memref<128xi32, #tpu.memory_space<hbm>>
          %dma_wait3A_198 = tpu.memref_slice %arg4[%add3A_189] : memref<640000xi32, #tpu.memory_space<hbm>> -> memref<128xi32, #tpu.memory_space<hbm>>
          tpu.wait_dma2 semaphore(%run_scoped3A : memref<!tpu.dma_semaphore, #tpu.memory_space<semaphore_mem>>) src(%dma_wait3A_198 : memref<128xi32, #tpu.memory_space<hbm>>) dst(%arg11 : memref<128xi32, #tpu.memory_space<vmem>>)
          tpu.yield
        }) : () -> ()
        %dma_start3A = arith.constant 0 : i32
        %dma_start3A_190 = arith.constant 0 : i32
        %dma_start3A_191 = tpu.memref_slice %arg2[%dma_start3A, %dma_start3A_190] : memref<10000x128xf32, #tpu.memory_space<hbm>> -> memref<10000x128xf32, #tpu.memory_space<hbm>>
        tpu.enqueue_indirect_dma source(%dma_start3A_191 : memref<10000x128xf32, #tpu.memory_space<hbm>>) target(%arg7 : memref<128x128xf32, #tpu.memory_space<vmem>>) offsets(%arg6 : memref<128xi32, #tpu.memory_space<vmem>>) semaphore(%arg14 : memref<!tpu.dma_semaphore, #tpu.memory_space<semaphore_mem>>)
        %dma_wait3A = arith.constant 0 : i32
        %dma_wait3A_192 = arith.constant 0 : i32
        %dma_wait3A_193 = tpu.memref_slice %arg2[%dma_wait3A, %dma_wait3A_192] : memref<10000x128xf32, #tpu.memory_space<hbm>> -> memref<10000x128xf32, #tpu.memory_space<hbm>>
        tpu.wait_indirect_dma semaphore(%arg14 : memref<!tpu.dma_semaphore, #tpu.memory_space<semaphore_mem>>) src(%dma_wait3A_193 : memref<10000x128xf32, #tpu.memory_space<hbm>>) dst(%arg7 : memref<128x128xf32, #tpu.memory_space<vmem>>)
        "tpu.region"() ({
          %run_scoped3A = tpu.sem_alloc : memref<!tpu.dma_semaphore, #tpu.memory_space<semaphore_mem>>
          %dma_start3A_195 = arith.constant 0 : i32
          %dma_start3A_196 = arith.constant 0 : i32
          %dma_start3A_197 = tpu.memref_slice %arg13[%dma_start3A_195, %dma_start3A_196] : memref<10240x128xf32, #tpu.memory_space<vmem_shared>> -> memref<10240x128xf32, #tpu.memory_space<vmem_shared>>
          tpu.enqueue_indirect_dma source(%arg7 : memref<128x128xf32, #tpu.memory_space<vmem>>) target(%dma_start3A_197 : memref<10240x128xf32, #tpu.memory_space<vmem_shared>>) offsets(%arg11 : memref<128xi32, #tpu.memory_space<vmem>>) semaphore(%run_scoped3A : memref<!tpu.dma_semaphore, #tpu.memory_space<semaphore_mem>>) {add = true}
          %dma_wait3A_198 = arith.constant 0 : i32
          %dma_wait3A_199 = arith.constant 0 : i32
          %dma_wait3A_200 = tpu.memref_slice %arg13[%dma_wait3A_198, %dma_wait3A_199] : memref<10240x128xf32, #tpu.memory_space<vmem_shared>> -> memref<10240x128xf32, #tpu.memory_space<vmem_shared>>
          tpu.wait_indirect_dma semaphore(%run_scoped3A : memref<!tpu.dma_semaphore, #tpu.memory_space<semaphore_mem>>) src(%arg7 : memref<128x128xf32, #tpu.memory_space<vmem>>) dst(%dma_wait3A_200 : memref<10240x128xf32, #tpu.memory_space<vmem_shared>>)
          tpu.yield
        }) : () -> ()
        %scan3A_194 = arith.constant 0 : i32
        scf.yield %scan3A_194 : i32
      }
      %scan3A_180 = arith.constant 20 : i32
    } else {
    }
    %barrier3A = arith.constant 0 : index
    tpu.barrier barrier_id(%barrier3A)
    %mul3A_94 = arith.constant 640 : i32
    %mul3A_95 = arith.muli %arg1, %mul3A_94 : i32
    %add3A_96 = arith.constant 0 : i32
    %add3A_97 = arith.addi %mul3A_95, %add3A_96 : i32
    "tpu.region"() ({
      %run_scoped3A = tpu.sem_alloc : memref<!tpu.dma_semaphore, #tpu.memory_space<semaphore_mem>>
      %dma_start3A = arith.constant 0 : i32
      %dma_start3A_174 = tpu.memref_slice %arg5[%arg0, %add3A_97, %dma_start3A] : memref<2x10240x128xf32, #tpu.memory_space<hbm>> -> memref<1x32x128xf32, #tpu.memory_space<hbm>>
      %dma_start3A_175 = tpu.memref_squeeze %dma_start3A_174 : memref<1x32x128xf32, #tpu.memory_space<hbm>> -> memref<32x128xf32, #tpu.memory_space<hbm>>
      %dma_start3A_176 = arith.constant 0 : i32
      %dma_start3A_177 = tpu.memref_slice %arg13[%add3A_97, %dma_start3A_176] : memref<10240x128xf32, #tpu.memory_space<vmem_shared>> -> memref<32x128xf32, #tpu.memory_space<vmem_shared>>
      tpu.enqueue_dma source(%dma_start3A_177 : memref<32x128xf32, #tpu.memory_space<vmem_shared>>) target(%dma_start3A_175 : memref<32x128xf32, #tpu.memory_space<hbm>>) target_semaphore(%run_scoped3A : memref<!tpu.dma_semaphore, #tpu.memory_space<semaphore_mem>>)
      %dma_wait3A = arith.constant 0 : i32
      %dma_wait3A_178 = tpu.memref_slice %arg5[%arg0, %add3A_97, %dma_wait3A] : memref<2x10240x128xf32, #tpu.memory_space<hbm>> -> memref<1x32x128xf32, #tpu.memory_space<hbm>>
      %dma_wait3A_179 = tpu.memref_squeeze %dma_wait3A_178 : memref<1x32x128xf32, #tpu.memory_space<hbm>> -> memref<32x128xf32, #tpu.memory_space<hbm>>
      %dma_wait3A_180 = arith.constant 0 : i32
      %dma_wait3A_181 = tpu.memref_slice %arg13[%add3A_97, %dma_wait3A_180] : memref<10240x128xf32, #tpu.memory_space<vmem_shared>> -> memref<32x128xf32, #tpu.memory_space<vmem_shared>>
      tpu.wait_dma2 semaphore(%run_scoped3A : memref<!tpu.dma_semaphore, #tpu.memory_space<semaphore_mem>>) src(%dma_wait3A_181 : memref<32x128xf32, #tpu.memory_space<vmem_shared>>) dst(%dma_wait3A_179 : memref<32x128xf32, #tpu.memory_space<hbm>>)
      tpu.yield
    }) : () -> ()
    %mul3A_98 = arith.constant 640 : i32
    %mul3A_99 = arith.muli %arg1, %mul3A_98 : i32
    %add3A_100 = arith.constant 32 : i32
    %add3A_101 = arith.addi %mul3A_99, %add3A_100 : i32
    "tpu.region"() ({
      %run_scoped3A = tpu.sem_alloc : memref<!tpu.dma_semaphore, #tpu.memory_space<semaphore_mem>>
      %dma_start3A = arith.constant 0 : i32
      %dma_start3A_174 = tpu.memref_slice %arg5[%arg0, %add3A_101, %dma_start3A] : memref<2x10240x128xf32, #tpu.memory_space<hbm>> -> memref<1x32x128xf32, #tpu.memory_space<hbm>>
      %dma_start3A_175 = tpu.memref_squeeze %dma_start3A_174 : memref<1x32x128xf32, #tpu.memory_space<hbm>> -> memref<32x128xf32, #tpu.memory_space<hbm>>
      %dma_start3A_176 = arith.constant 0 : i32
      %dma_start3A_177 = tpu.memref_slice %arg13[%add3A_101, %dma_start3A_176] : memref<10240x128xf32, #tpu.memory_space<vmem_shared>> -> memref<32x128xf32, #tpu.memory_space<vmem_shared>>
      tpu.enqueue_dma source(%dma_start3A_177 : memref<32x128xf32, #tpu.memory_space<vmem_shared>>) target(%dma_start3A_175 : memref<32x128xf32, #tpu.memory_space<hbm>>) target_semaphore(%run_scoped3A : memref<!tpu.dma_semaphore, #tpu.memory_space<semaphore_mem>>)
      %dma_wait3A = arith.constant 0 : i32
      %dma_wait3A_178 = tpu.memref_slice %arg5[%arg0, %add3A_101, %dma_wait3A] : memref<2x10240x128xf32, #tpu.memory_space<hbm>> -> memref<1x32x128xf32, #tpu.memory_space<hbm>>
      %dma_wait3A_179 = tpu.memref_squeeze %dma_wait3A_178 : memref<1x32x128xf32, #tpu.memory_space<hbm>> -> memref<32x128xf32, #tpu.memory_space<hbm>>
      %dma_wait3A_180 = arith.constant 0 : i32
      %dma_wait3A_181 = tpu.memref_slice %arg13[%add3A_101, %dma_wait3A_180] : memref<10240x128xf32, #tpu.memory_space<vmem_shared>> -> memref<32x128xf32, #tpu.memory_space<vmem_shared>>
      tpu.wait_dma2 semaphore(%run_scoped3A : memref<!tpu.dma_semaphore, #tpu.memory_space<semaphore_mem>>) src(%dma_wait3A_181 : memref<32x128xf32, #tpu.memory_space<vmem_shared>>) dst(%dma_wait3A_179 : memref<32x128xf32, #tpu.memory_space<hbm>>)
      tpu.yield
    }) : () -> ()
    %mul3A_102 = arith.constant 640 : i32
    %mul3A_103 = arith.muli %arg1, %mul3A_102 : i32
    %add3A_104 = arith.constant 64 : i32
    %add3A_105 = arith.addi %mul3A_103, %add3A_104 : i32
    "tpu.region"() ({
      %run_scoped3A = tpu.sem_alloc : memref<!tpu.dma_semaphore, #tpu.memory_space<semaphore_mem>>
      %dma_start3A = arith.constant 0 : i32
      %dma_start3A_174 = tpu.memref_slice %arg5[%arg0, %add3A_105, %dma_start3A] : memref<2x10240x128xf32, #tpu.memory_space<hbm>> -> memref<1x32x128xf32, #tpu.memory_space<hbm>>
      %dma_start3A_175 = tpu.memref_squeeze %dma_start3A_174 : memref<1x32x128xf32, #tpu.memory_space<hbm>> -> memref<32x128xf32, #tpu.memory_space<hbm>>
      %dma_start3A_176 = arith.constant 0 : i32
      %dma_start3A_177 = tpu.memref_slice %arg13[%add3A_105, %dma_start3A_176] : memref<10240x128xf32, #tpu.memory_space<vmem_shared>> -> memref<32x128xf32, #tpu.memory_space<vmem_shared>>
      tpu.enqueue_dma source(%dma_start3A_177 : memref<32x128xf32, #tpu.memory_space<vmem_shared>>) target(%dma_start3A_175 : memref<32x128xf32, #tpu.memory_space<hbm>>) target_semaphore(%run_scoped3A : memref<!tpu.dma_semaphore, #tpu.memory_space<semaphore_mem>>)
      %dma_wait3A = arith.constant 0 : i32
      %dma_wait3A_178 = tpu.memref_slice %arg5[%arg0, %add3A_105, %dma_wait3A] : memref<2x10240x128xf32, #tpu.memory_space<hbm>> -> memref<1x32x128xf32, #tpu.memory_space<hbm>>
      %dma_wait3A_179 = tpu.memref_squeeze %dma_wait3A_178 : memref<1x32x128xf32, #tpu.memory_space<hbm>> -> memref<32x128xf32, #tpu.memory_space<hbm>>
      %dma_wait3A_180 = arith.constant 0 : i32
      %dma_wait3A_181 = tpu.memref_slice %arg13[%add3A_105, %dma_wait3A_180] : memref<10240x128xf32, #tpu.memory_space<vmem_shared>> -> memref<32x128xf32, #tpu.memory_space<vmem_shared>>
      tpu.wait_dma2 semaphore(%run_scoped3A : memref<!tpu.dma_semaphore, #tpu.memory_space<semaphore_mem>>) src(%dma_wait3A_181 : memref<32x128xf32, #tpu.memory_space<vmem_shared>>) dst(%dma_wait3A_179 : memref<32x128xf32, #tpu.memory_space<hbm>>)
      tpu.yield
    }) : () -> ()
    %mul3A_106 = arith.constant 640 : i32
    %mul3A_107 = arith.muli %arg1, %mul3A_106 : i32
    %add3A_108 = arith.constant 96 : i32
    %add3A_109 = arith.addi %mul3A_107, %add3A_108 : i32
    "tpu.region"() ({
      %run_scoped3A = tpu.sem_alloc : memref<!tpu.dma_semaphore, #tpu.memory_space<semaphore_mem>>
      %dma_start3A = arith.constant 0 : i32
      %dma_start3A_174 = tpu.memref_slice %arg5[%arg0, %add3A_109, %dma_start3A] : memref<2x10240x128xf32, #tpu.memory_space<hbm>> -> memref<1x32x128xf32, #tpu.memory_space<hbm>>
      %dma_start3A_175 = tpu.memref_squeeze %dma_start3A_174 : memref<1x32x128xf32, #tpu.memory_space<hbm>> -> memref<32x128xf32, #tpu.memory_space<hbm>>
      %dma_start3A_176 = arith.constant 0 : i32
      %dma_start3A_177 = tpu.memref_slice %arg13[%add3A_109, %dma_start3A_176] : memref<10240x128xf32, #tpu.memory_space<vmem_shared>> -> memref<32x128xf32, #tpu.memory_space<vmem_shared>>
      tpu.enqueue_dma source(%dma_start3A_177 : memref<32x128xf32, #tpu.memory_space<vmem_shared>>) target(%dma_start3A_175 : memref<32x128xf32, #tpu.memory_space<hbm>>) target_semaphore(%run_scoped3A : memref<!tpu.dma_semaphore, #tpu.memory_space<semaphore_mem>>)
      %dma_wait3A = arith.constant 0 : i32
      %dma_wait3A_178 = tpu.memref_slice %arg5[%arg0, %add3A_109, %dma_wait3A] : memref<2x10240x128xf32, #tpu.memory_space<hbm>> -> memref<1x32x128xf32, #tpu.memory_space<hbm>>
      %dma_wait3A_179 = tpu.memref_squeeze %dma_wait3A_178 : memref<1x32x128xf32, #tpu.memory_space<hbm>> -> memref<32x128xf32, #tpu.memory_space<hbm>>
      %dma_wait3A_180 = arith.constant 0 : i32
      %dma_wait3A_181 = tpu.memref_slice %arg13[%add3A_109, %dma_wait3A_180] : memref<10240x128xf32, #tpu.memory_space<vmem_shared>> -> memref<32x128xf32, #tpu.memory_space<vmem_shared>>
      tpu.wait_dma2 semaphore(%run_scoped3A : memref<!tpu.dma_semaphore, #tpu.memory_space<semaphore_mem>>) src(%dma_wait3A_181 : memref<32x128xf32, #tpu.memory_space<vmem_shared>>) dst(%dma_wait3A_179 : memref<32x128xf32, #tpu.memory_space<hbm>>)
      tpu.yield
    }) : () -> ()
    %mul3A_110 = arith.constant 640 : i32
    %mul3A_111 = arith.muli %arg1, %mul3A_110 : i32
    %add3A_112 = arith.constant 128 : i32
    %add3A_113 = arith.addi %mul3A_111, %add3A_112 : i32
    "tpu.region"() ({
      %run_scoped3A = tpu.sem_alloc : memref<!tpu.dma_semaphore, #tpu.memory_space<semaphore_mem>>
      %dma_start3A = arith.constant 0 : i32
      %dma_start3A_174 = tpu.memref_slice %arg5[%arg0, %add3A_113, %dma_start3A] : memref<2x10240x128xf32, #tpu.memory_space<hbm>> -> memref<1x32x128xf32, #tpu.memory_space<hbm>>
      %dma_start3A_175 = tpu.memref_squeeze %dma_start3A_174 : memref<1x32x128xf32, #tpu.memory_space<hbm>> -> memref<32x128xf32, #tpu.memory_space<hbm>>
      %dma_start3A_176 = arith.constant 0 : i32
      %dma_start3A_177 = tpu.memref_slice %arg13[%add3A_113, %dma_start3A_176] : memref<10240x128xf32, #tpu.memory_space<vmem_shared>> -> memref<32x128xf32, #tpu.memory_space<vmem_shared>>
      tpu.enqueue_dma source(%dma_start3A_177 : memref<32x128xf32, #tpu.memory_space<vmem_shared>>) target(%dma_start3A_175 : memref<32x128xf32, #tpu.memory_space<hbm>>) target_semaphore(%run_scoped3A : memref<!tpu.dma_semaphore, #tpu.memory_space<semaphore_mem>>)
      %dma_wait3A = arith.constant 0 : i32
      %dma_wait3A_178 = tpu.memref_slice %arg5[%arg0, %add3A_113, %dma_wait3A] : memref<2x10240x128xf32, #tpu.memory_space<hbm>> -> memref<1x32x128xf32, #tpu.memory_space<hbm>>
      %dma_wait3A_179 = tpu.memref_squeeze %dma_wait3A_178 : memref<1x32x128xf32, #tpu.memory_space<hbm>> -> memref<32x128xf32, #tpu.memory_space<hbm>>
      %dma_wait3A_180 = arith.constant 0 : i32
      %dma_wait3A_181 = tpu.memref_slice %arg13[%add3A_113, %dma_wait3A_180] : memref<10240x128xf32, #tpu.memory_space<vmem_shared>> -> memref<32x128xf32, #tpu.memory_space<vmem_shared>>
      tpu.wait_dma2 semaphore(%run_scoped3A : memref<!tpu.dma_semaphore, #tpu.memory_space<semaphore_mem>>) src(%dma_wait3A_181 : memref<32x128xf32, #tpu.memory_space<vmem_shared>>) dst(%dma_wait3A_179 : memref<32x128xf32, #tpu.memory_space<hbm>>)
      tpu.yield
    }) : () -> ()
    %mul3A_114 = arith.constant 640 : i32
    %mul3A_115 = arith.muli %arg1, %mul3A_114 : i32
    %add3A_116 = arith.constant 160 : i32
    %add3A_117 = arith.addi %mul3A_115, %add3A_116 : i32
    "tpu.region"() ({
      %run_scoped3A = tpu.sem_alloc : memref<!tpu.dma_semaphore, #tpu.memory_space<semaphore_mem>>
      %dma_start3A = arith.constant 0 : i32
      %dma_start3A_174 = tpu.memref_slice %arg5[%arg0, %add3A_117, %dma_start3A] : memref<2x10240x128xf32, #tpu.memory_space<hbm>> -> memref<1x32x128xf32, #tpu.memory_space<hbm>>
      %dma_start3A_175 = tpu.memref_squeeze %dma_start3A_174 : memref<1x32x128xf32, #tpu.memory_space<hbm>> -> memref<32x128xf32, #tpu.memory_space<hbm>>
      %dma_start3A_176 = arith.constant 0 : i32
      %dma_start3A_177 = tpu.memref_slice %arg13[%add3A_117, %dma_start3A_176] : memref<10240x128xf32, #tpu.memory_space<vmem_shared>> -> memref<32x128xf32, #tpu.memory_space<vmem_shared>>
      tpu.enqueue_dma source(%dma_start3A_177 : memref<32x128xf32, #tpu.memory_space<vmem_shared>>) target(%dma_start3A_175 : memref<32x128xf32, #tpu.memory_space<hbm>>) target_semaphore(%run_scoped3A : memref<!tpu.dma_semaphore, #tpu.memory_space<semaphore_mem>>)
      %dma_wait3A = arith.constant 0 : i32
      %dma_wait3A_178 = tpu.memref_slice %arg5[%arg0, %add3A_117, %dma_wait3A] : memref<2x10240x128xf32, #tpu.memory_space<hbm>> -> memref<1x32x128xf32, #tpu.memory_space<hbm>>
      %dma_wait3A_179 = tpu.memref_squeeze %dma_wait3A_178 : memref<1x32x128xf32, #tpu.memory_space<hbm>> -> memref<32x128xf32, #tpu.memory_space<hbm>>
      %dma_wait3A_180 = arith.constant 0 : i32
      %dma_wait3A_181 = tpu.memref_slice %arg13[%add3A_117, %dma_wait3A_180] : memref<10240x128xf32, #tpu.memory_space<vmem_shared>> -> memref<32x128xf32, #tpu.memory_space<vmem_shared>>
      tpu.wait_dma2 semaphore(%run_scoped3A : memref<!tpu.dma_semaphore, #tpu.memory_space<semaphore_mem>>) src(%dma_wait3A_181 : memref<32x128xf32, #tpu.memory_space<vmem_shared>>) dst(%dma_wait3A_179 : memref<32x128xf32, #tpu.memory_space<hbm>>)
      tpu.yield
    }) : () -> ()
    %mul3A_118 = arith.constant 640 : i32
    %mul3A_119 = arith.muli %arg1, %mul3A_118 : i32
    %add3A_120 = arith.constant 192 : i32
    %add3A_121 = arith.addi %mul3A_119, %add3A_120 : i32
    "tpu.region"() ({
      %run_scoped3A = tpu.sem_alloc : memref<!tpu.dma_semaphore, #tpu.memory_space<semaphore_mem>>
      %dma_start3A = arith.constant 0 : i32
      %dma_start3A_174 = tpu.memref_slice %arg5[%arg0, %add3A_121, %dma_start3A] : memref<2x10240x128xf32, #tpu.memory_space<hbm>> -> memref<1x32x128xf32, #tpu.memory_space<hbm>>
      %dma_start3A_175 = tpu.memref_squeeze %dma_start3A_174 : memref<1x32x128xf32, #tpu.memory_space<hbm>> -> memref<32x128xf32, #tpu.memory_space<hbm>>
      %dma_start3A_176 = arith.constant 0 : i32
      %dma_start3A_177 = tpu.memref_slice %arg13[%add3A_121, %dma_start3A_176] : memref<10240x128xf32, #tpu.memory_space<vmem_shared>> -> memref<32x128xf32, #tpu.memory_space<vmem_shared>>
      tpu.enqueue_dma source(%dma_start3A_177 : memref<32x128xf32, #tpu.memory_space<vmem_shared>>) target(%dma_start3A_175 : memref<32x128xf32, #tpu.memory_space<hbm>>) target_semaphore(%run_scoped3A : memref<!tpu.dma_semaphore, #tpu.memory_space<semaphore_mem>>)
      %dma_wait3A = arith.constant 0 : i32
      %dma_wait3A_178 = tpu.memref_slice %arg5[%arg0, %add3A_121, %dma_wait3A] : memref<2x10240x128xf32, #tpu.memory_space<hbm>> -> memref<1x32x128xf32, #tpu.memory_space<hbm>>
      %dma_wait3A_179 = tpu.memref_squeeze %dma_wait3A_178 : memref<1x32x128xf32, #tpu.memory_space<hbm>> -> memref<32x128xf32, #tpu.memory_space<hbm>>
      %dma_wait3A_180 = arith.constant 0 : i32
      %dma_wait3A_181 = tpu.memref_slice %arg13[%add3A_121, %dma_wait3A_180] : memref<10240x128xf32, #tpu.memory_space<vmem_shared>> -> memref<32x128xf32, #tpu.memory_space<vmem_shared>>
      tpu.wait_dma2 semaphore(%run_scoped3A : memref<!tpu.dma_semaphore, #tpu.memory_space<semaphore_mem>>) src(%dma_wait3A_181 : memref<32x128xf32, #tpu.memory_space<vmem_shared>>) dst(%dma_wait3A_179 : memref<32x128xf32, #tpu.memory_space<hbm>>)
      tpu.yield
    }) : () -> ()
    %mul3A_122 = arith.constant 640 : i32
    %mul3A_123 = arith.muli %arg1, %mul3A_122 : i32
    %add3A_124 = arith.constant 224 : i32
    %add3A_125 = arith.addi %mul3A_123, %add3A_124 : i32
    "tpu.region"() ({
      %run_scoped3A = tpu.sem_alloc : memref<!tpu.dma_semaphore, #tpu.memory_space<semaphore_mem>>
      %dma_start3A = arith.constant 0 : i32
      %dma_start3A_174 = tpu.memref_slice %arg5[%arg0, %add3A_125, %dma_start3A] : memref<2x10240x128xf32, #tpu.memory_space<hbm>> -> memref<1x32x128xf32, #tpu.memory_space<hbm>>
      %dma_start3A_175 = tpu.memref_squeeze %dma_start3A_174 : memref<1x32x128xf32, #tpu.memory_space<hbm>> -> memref<32x128xf32, #tpu.memory_space<hbm>>
      %dma_start3A_176 = arith.constant 0 : i32
      %dma_start3A_177 = tpu.memref_slice %arg13[%add3A_125, %dma_start3A_176] : memref<10240x128xf32, #tpu.memory_space<vmem_shared>> -> memref<32x128xf32, #tpu.memory_space<vmem_shared>>
      tpu.enqueue_dma source(%dma_start3A_177 : memref<32x128xf32, #tpu.memory_space<vmem_shared>>) target(%dma_start3A_175 : memref<32x128xf32, #tpu.memory_space<hbm>>) target_semaphore(%run_scoped3A : memref<!tpu.dma_semaphore, #tpu.memory_space<semaphore_mem>>)
      %dma_wait3A = arith.constant 0 : i32
      %dma_wait3A_178 = tpu.memref_slice %arg5[%arg0, %add3A_125, %dma_wait3A] : memref<2x10240x128xf32, #tpu.memory_space<hbm>> -> memref<1x32x128xf32, #tpu.memory_space<hbm>>
      %dma_wait3A_179 = tpu.memref_squeeze %dma_wait3A_178 : memref<1x32x128xf32, #tpu.memory_space<hbm>> -> memref<32x128xf32, #tpu.memory_space<hbm>>
      %dma_wait3A_180 = arith.constant 0 : i32
      %dma_wait3A_181 = tpu.memref_slice %arg13[%add3A_125, %dma_wait3A_180] : memref<10240x128xf32, #tpu.memory_space<vmem_shared>> -> memref<32x128xf32, #tpu.memory_space<vmem_shared>>
      tpu.wait_dma2 semaphore(%run_scoped3A : memref<!tpu.dma_semaphore, #tpu.memory_space<semaphore_mem>>) src(%dma_wait3A_181 : memref<32x128xf32, #tpu.memory_space<vmem_shared>>) dst(%dma_wait3A_179 : memref<32x128xf32, #tpu.memory_space<hbm>>)
      tpu.yield
    }) : () -> ()
    %mul3A_126 = arith.constant 640 : i32
    %mul3A_127 = arith.muli %arg1, %mul3A_126 : i32
    %add3A_128 = arith.constant 256 : i32
    %add3A_129 = arith.addi %mul3A_127, %add3A_128 : i32
    "tpu.region"() ({
      %run_scoped3A = tpu.sem_alloc : memref<!tpu.dma_semaphore, #tpu.memory_space<semaphore_mem>>
      %dma_start3A = arith.constant 0 : i32
      %dma_start3A_174 = tpu.memref_slice %arg5[%arg0, %add3A_129, %dma_start3A] : memref<2x10240x128xf32, #tpu.memory_space<hbm>> -> memref<1x32x128xf32, #tpu.memory_space<hbm>>
      %dma_start3A_175 = tpu.memref_squeeze %dma_start3A_174 : memref<1x32x128xf32, #tpu.memory_space<hbm>> -> memref<32x128xf32, #tpu.memory_space<hbm>>
      %dma_start3A_176 = arith.constant 0 : i32
      %dma_start3A_177 = tpu.memref_slice %arg13[%add3A_129, %dma_start3A_176] : memref<10240x128xf32, #tpu.memory_space<vmem_shared>> -> memref<32x128xf32, #tpu.memory_space<vmem_shared>>
      tpu.enqueue_dma source(%dma_start3A_177 : memref<32x128xf32, #tpu.memory_space<vmem_shared>>) target(%dma_start3A_175 : memref<32x128xf32, #tpu.memory_space<hbm>>) target_semaphore(%run_scoped3A : memref<!tpu.dma_semaphore, #tpu.memory_space<semaphore_mem>>)
      %dma_wait3A = arith.constant 0 : i32
      %dma_wait3A_178 = tpu.memref_slice %arg5[%arg0, %add3A_129, %dma_wait3A] : memref<2x10240x128xf32, #tpu.memory_space<hbm>> -> memref<1x32x128xf32, #tpu.memory_space<hbm>>
      %dma_wait3A_179 = tpu.memref_squeeze %dma_wait3A_178 : memref<1x32x128xf32, #tpu.memory_space<hbm>> -> memref<32x128xf32, #tpu.memory_space<hbm>>
      %dma_wait3A_180 = arith.constant 0 : i32
      %dma_wait3A_181 = tpu.memref_slice %arg13[%add3A_129, %dma_wait3A_180] : memref<10240x128xf32, #tpu.memory_space<vmem_shared>> -> memref<32x128xf32, #tpu.memory_space<vmem_shared>>
      tpu.wait_dma2 semaphore(%run_scoped3A : memref<!tpu.dma_semaphore, #tpu.memory_space<semaphore_mem>>) src(%dma_wait3A_181 : memref<32x128xf32, #tpu.memory_space<vmem_shared>>) dst(%dma_wait3A_179 : memref<32x128xf32, #tpu.memory_space<hbm>>)
      tpu.yield
    }) : () -> ()
    %mul3A_130 = arith.constant 640 : i32
    %mul3A_131 = arith.muli %arg1, %mul3A_130 : i32
    %add3A_132 = arith.constant 288 : i32
    %add3A_133 = arith.addi %mul3A_131, %add3A_132 : i32
    "tpu.region"() ({
      %run_scoped3A = tpu.sem_alloc : memref<!tpu.dma_semaphore, #tpu.memory_space<semaphore_mem>>
      %dma_start3A = arith.constant 0 : i32
      %dma_start3A_174 = tpu.memref_slice %arg5[%arg0, %add3A_133, %dma_start3A] : memref<2x10240x128xf32, #tpu.memory_space<hbm>> -> memref<1x32x128xf32, #tpu.memory_space<hbm>>
      %dma_start3A_175 = tpu.memref_squeeze %dma_start3A_174 : memref<1x32x128xf32, #tpu.memory_space<hbm>> -> memref<32x128xf32, #tpu.memory_space<hbm>>
      %dma_start3A_176 = arith.constant 0 : i32
      %dma_start3A_177 = tpu.memref_slice %arg13[%add3A_133, %dma_start3A_176] : memref<10240x128xf32, #tpu.memory_space<vmem_shared>> -> memref<32x128xf32, #tpu.memory_space<vmem_shared>>
      tpu.enqueue_dma source(%dma_start3A_177 : memref<32x128xf32, #tpu.memory_space<vmem_shared>>) target(%dma_start3A_175 : memref<32x128xf32, #tpu.memory_space<hbm>>) target_semaphore(%run_scoped3A : memref<!tpu.dma_semaphore, #tpu.memory_space<semaphore_mem>>)
      %dma_wait3A = arith.constant 0 : i32
      %dma_wait3A_178 = tpu.memref_slice %arg5[%arg0, %add3A_133, %dma_wait3A] : memref<2x10240x128xf32, #tpu.memory_space<hbm>> -> memref<1x32x128xf32, #tpu.memory_space<hbm>>
      %dma_wait3A_179 = tpu.memref_squeeze %dma_wait3A_178 : memref<1x32x128xf32, #tpu.memory_space<hbm>> -> memref<32x128xf32, #tpu.memory_space<hbm>>
      %dma_wait3A_180 = arith.constant 0 : i32
      %dma_wait3A_181 = tpu.memref_slice %arg13[%add3A_133, %dma_wait3A_180] : memref<10240x128xf32, #tpu.memory_space<vmem_shared>> -> memref<32x128xf32, #tpu.memory_space<vmem_shared>>
      tpu.wait_dma2 semaphore(%run_scoped3A : memref<!tpu.dma_semaphore, #tpu.memory_space<semaphore_mem>>) src(%dma_wait3A_181 : memref<32x128xf32, #tpu.memory_space<vmem_shared>>) dst(%dma_wait3A_179 : memref<32x128xf32, #tpu.memory_space<hbm>>)
      tpu.yield
    }) : () -> ()
    %mul3A_134 = arith.constant 640 : i32
    %mul3A_135 = arith.muli %arg1, %mul3A_134 : i32
    %add3A_136 = arith.constant 320 : i32
    %add3A_137 = arith.addi %mul3A_135, %add3A_136 : i32
    "tpu.region"() ({
      %run_scoped3A = tpu.sem_alloc : memref<!tpu.dma_semaphore, #tpu.memory_space<semaphore_mem>>
      %dma_start3A = arith.constant 0 : i32
      %dma_start3A_174 = tpu.memref_slice %arg5[%arg0, %add3A_137, %dma_start3A] : memref<2x10240x128xf32, #tpu.memory_space<hbm>> -> memref<1x32x128xf32, #tpu.memory_space<hbm>>
      %dma_start3A_175 = tpu.memref_squeeze %dma_start3A_174 : memref<1x32x128xf32, #tpu.memory_space<hbm>> -> memref<32x128xf32, #tpu.memory_space<hbm>>
      %dma_start3A_176 = arith.constant 0 : i32
      %dma_start3A_177 = tpu.memref_slice %arg13[%add3A_137, %dma_start3A_176] : memref<10240x128xf32, #tpu.memory_space<vmem_shared>> -> memref<32x128xf32, #tpu.memory_space<vmem_shared>>
      tpu.enqueue_dma source(%dma_start3A_177 : memref<32x128xf32, #tpu.memory_space<vmem_shared>>) target(%dma_start3A_175 : memref<32x128xf32, #tpu.memory_space<hbm>>) target_semaphore(%run_scoped3A : memref<!tpu.dma_semaphore, #tpu.memory_space<semaphore_mem>>)
      %dma_wait3A = arith.constant 0 : i32
      %dma_wait3A_178 = tpu.memref_slice %arg5[%arg0, %add3A_137, %dma_wait3A] : memref<2x10240x128xf32, #tpu.memory_space<hbm>> -> memref<1x32x128xf32, #tpu.memory_space<hbm>>
      %dma_wait3A_179 = tpu.memref_squeeze %dma_wait3A_178 : memref<1x32x128xf32, #tpu.memory_space<hbm>> -> memref<32x128xf32, #tpu.memory_space<hbm>>
      %dma_wait3A_180 = arith.constant 0 : i32
      %dma_wait3A_181 = tpu.memref_slice %arg13[%add3A_137, %dma_wait3A_180] : memref<10240x128xf32, #tpu.memory_space<vmem_shared>> -> memref<32x128xf32, #tpu.memory_space<vmem_shared>>
      tpu.wait_dma2 semaphore(%run_scoped3A : memref<!tpu.dma_semaphore, #tpu.memory_space<semaphore_mem>>) src(%dma_wait3A_181 : memref<32x128xf32, #tpu.memory_space<vmem_shared>>) dst(%dma_wait3A_179 : memref<32x128xf32, #tpu.memory_space<hbm>>)
      tpu.yield
    }) : () -> ()
    %mul3A_138 = arith.constant 640 : i32
    %mul3A_139 = arith.muli %arg1, %mul3A_138 : i32
    %add3A_140 = arith.constant 352 : i32
    %add3A_141 = arith.addi %mul3A_139, %add3A_140 : i32
    "tpu.region"() ({
      %run_scoped3A = tpu.sem_alloc : memref<!tpu.dma_semaphore, #tpu.memory_space<semaphore_mem>>
      %dma_start3A = arith.constant 0 : i32
      %dma_start3A_174 = tpu.memref_slice %arg5[%arg0, %add3A_141, %dma_start3A] : memref<2x10240x128xf32, #tpu.memory_space<hbm>> -> memref<1x32x128xf32, #tpu.memory_space<hbm>>
      %dma_start3A_175 = tpu.memref_squeeze %dma_start3A_174 : memref<1x32x128xf32, #tpu.memory_space<hbm>> -> memref<32x128xf32, #tpu.memory_space<hbm>>
      %dma_start3A_176 = arith.constant 0 : i32
      %dma_start3A_177 = tpu.memref_slice %arg13[%add3A_141, %dma_start3A_176] : memref<10240x128xf32, #tpu.memory_space<vmem_shared>> -> memref<32x128xf32, #tpu.memory_space<vmem_shared>>
      tpu.enqueue_dma source(%dma_start3A_177 : memref<32x128xf32, #tpu.memory_space<vmem_shared>>) target(%dma_start3A_175 : memref<32x128xf32, #tpu.memory_space<hbm>>) target_semaphore(%run_scoped3A : memref<!tpu.dma_semaphore, #tpu.memory_space<semaphore_mem>>)
      %dma_wait3A = arith.constant 0 : i32
      %dma_wait3A_178 = tpu.memref_slice %arg5[%arg0, %add3A_141, %dma_wait3A] : memref<2x10240x128xf32, #tpu.memory_space<hbm>> -> memref<1x32x128xf32, #tpu.memory_space<hbm>>
      %dma_wait3A_179 = tpu.memref_squeeze %dma_wait3A_178 : memref<1x32x128xf32, #tpu.memory_space<hbm>> -> memref<32x128xf32, #tpu.memory_space<hbm>>
      %dma_wait3A_180 = arith.constant 0 : i32
      %dma_wait3A_181 = tpu.memref_slice %arg13[%add3A_141, %dma_wait3A_180] : memref<10240x128xf32, #tpu.memory_space<vmem_shared>> -> memref<32x128xf32, #tpu.memory_space<vmem_shared>>
      tpu.wait_dma2 semaphore(%run_scoped3A : memref<!tpu.dma_semaphore, #tpu.memory_space<semaphore_mem>>) src(%dma_wait3A_181 : memref<32x128xf32, #tpu.memory_space<vmem_shared>>) dst(%dma_wait3A_179 : memref<32x128xf32, #tpu.memory_space<hbm>>)
      tpu.yield
    }) : () -> ()
    %mul3A_142 = arith.constant 640 : i32
    %mul3A_143 = arith.muli %arg1, %mul3A_142 : i32
    %add3A_144 = arith.constant 384 : i32
    %add3A_145 = arith.addi %mul3A_143, %add3A_144 : i32
    "tpu.region"() ({
      %run_scoped3A = tpu.sem_alloc : memref<!tpu.dma_semaphore, #tpu.memory_space<semaphore_mem>>
      %dma_start3A = arith.constant 0 : i32
      %dma_start3A_174 = tpu.memref_slice %arg5[%arg0, %add3A_145, %dma_start3A] : memref<2x10240x128xf32, #tpu.memory_space<hbm>> -> memref<1x32x128xf32, #tpu.memory_space<hbm>>
      %dma_start3A_175 = tpu.memref_squeeze %dma_start3A_174 : memref<1x32x128xf32, #tpu.memory_space<hbm>> -> memref<32x128xf32, #tpu.memory_space<hbm>>
      %dma_start3A_176 = arith.constant 0 : i32
      %dma_start3A_177 = tpu.memref_slice %arg13[%add3A_145, %dma_start3A_176] : memref<10240x128xf32, #tpu.memory_space<vmem_shared>> -> memref<32x128xf32, #tpu.memory_space<vmem_shared>>
      tpu.enqueue_dma source(%dma_start3A_177 : memref<32x128xf32, #tpu.memory_space<vmem_shared>>) target(%dma_start3A_175 : memref<32x128xf32, #tpu.memory_space<hbm>>) target_semaphore(%run_scoped3A : memref<!tpu.dma_semaphore, #tpu.memory_space<semaphore_mem>>)
      %dma_wait3A = arith.constant 0 : i32
      %dma_wait3A_178 = tpu.memref_slice %arg5[%arg0, %add3A_145, %dma_wait3A] : memref<2x10240x128xf32, #tpu.memory_space<hbm>> -> memref<1x32x128xf32, #tpu.memory_space<hbm>>
      %dma_wait3A_179 = tpu.memref_squeeze %dma_wait3A_178 : memref<1x32x128xf32, #tpu.memory_space<hbm>> -> memref<32x128xf32, #tpu.memory_space<hbm>>
      %dma_wait3A_180 = arith.constant 0 : i32
      %dma_wait3A_181 = tpu.memref_slice %arg13[%add3A_145, %dma_wait3A_180] : memref<10240x128xf32, #tpu.memory_space<vmem_shared>> -> memref<32x128xf32, #tpu.memory_space<vmem_shared>>
      tpu.wait_dma2 semaphore(%run_scoped3A : memref<!tpu.dma_semaphore, #tpu.memory_space<semaphore_mem>>) src(%dma_wait3A_181 : memref<32x128xf32, #tpu.memory_space<vmem_shared>>) dst(%dma_wait3A_179 : memref<32x128xf32, #tpu.memory_space<hbm>>)
      tpu.yield
    }) : () -> ()
    %mul3A_146 = arith.constant 640 : i32
    %mul3A_147 = arith.muli %arg1, %mul3A_146 : i32
    %add3A_148 = arith.constant 416 : i32
    %add3A_149 = arith.addi %mul3A_147, %add3A_148 : i32
    "tpu.region"() ({
      %run_scoped3A = tpu.sem_alloc : memref<!tpu.dma_semaphore, #tpu.memory_space<semaphore_mem>>
      %dma_start3A = arith.constant 0 : i32
      %dma_start3A_174 = tpu.memref_slice %arg5[%arg0, %add3A_149, %dma_start3A] : memref<2x10240x128xf32, #tpu.memory_space<hbm>> -> memref<1x32x128xf32, #tpu.memory_space<hbm>>
      %dma_start3A_175 = tpu.memref_squeeze %dma_start3A_174 : memref<1x32x128xf32, #tpu.memory_space<hbm>> -> memref<32x128xf32, #tpu.memory_space<hbm>>
      %dma_start3A_176 = arith.constant 0 : i32
      %dma_start3A_177 = tpu.memref_slice %arg13[%add3A_149, %dma_start3A_176] : memref<10240x128xf32, #tpu.memory_space<vmem_shared>> -> memref<32x128xf32, #tpu.memory_space<vmem_shared>>
      tpu.enqueue_dma source(%dma_start3A_177 : memref<32x128xf32, #tpu.memory_space<vmem_shared>>) target(%dma_start3A_175 : memref<32x128xf32, #tpu.memory_space<hbm>>) target_semaphore(%run_scoped3A : memref<!tpu.dma_semaphore, #tpu.memory_space<semaphore_mem>>)
      %dma_wait3A = arith.constant 0 : i32
      %dma_wait3A_178 = tpu.memref_slice %arg5[%arg0, %add3A_149, %dma_wait3A] : memref<2x10240x128xf32, #tpu.memory_space<hbm>> -> memref<1x32x128xf32, #tpu.memory_space<hbm>>
      %dma_wait3A_179 = tpu.memref_squeeze %dma_wait3A_178 : memref<1x32x128xf32, #tpu.memory_space<hbm>> -> memref<32x128xf32, #tpu.memory_space<hbm>>
      %dma_wait3A_180 = arith.constant 0 : i32
      %dma_wait3A_181 = tpu.memref_slice %arg13[%add3A_149, %dma_wait3A_180] : memref<10240x128xf32, #tpu.memory_space<vmem_shared>> -> memref<32x128xf32, #tpu.memory_space<vmem_shared>>
      tpu.wait_dma2 semaphore(%run_scoped3A : memref<!tpu.dma_semaphore, #tpu.memory_space<semaphore_mem>>) src(%dma_wait3A_181 : memref<32x128xf32, #tpu.memory_space<vmem_shared>>) dst(%dma_wait3A_179 : memref<32x128xf32, #tpu.memory_space<hbm>>)
      tpu.yield
    }) : () -> ()
    %mul3A_150 = arith.constant 640 : i32
    %mul3A_151 = arith.muli %arg1, %mul3A_150 : i32
    %add3A_152 = arith.constant 448 : i32
    %add3A_153 = arith.addi %mul3A_151, %add3A_152 : i32
    "tpu.region"() ({
      %run_scoped3A = tpu.sem_alloc : memref<!tpu.dma_semaphore, #tpu.memory_space<semaphore_mem>>
      %dma_start3A = arith.constant 0 : i32
      %dma_start3A_174 = tpu.memref_slice %arg5[%arg0, %add3A_153, %dma_start3A] : memref<2x10240x128xf32, #tpu.memory_space<hbm>> -> memref<1x32x128xf32, #tpu.memory_space<hbm>>
      %dma_start3A_175 = tpu.memref_squeeze %dma_start3A_174 : memref<1x32x128xf32, #tpu.memory_space<hbm>> -> memref<32x128xf32, #tpu.memory_space<hbm>>
      %dma_start3A_176 = arith.constant 0 : i32
      %dma_start3A_177 = tpu.memref_slice %arg13[%add3A_153, %dma_start3A_176] : memref<10240x128xf32, #tpu.memory_space<vmem_shared>> -> memref<32x128xf32, #tpu.memory_space<vmem_shared>>
      tpu.enqueue_dma source(%dma_start3A_177 : memref<32x128xf32, #tpu.memory_space<vmem_shared>>) target(%dma_start3A_175 : memref<32x128xf32, #tpu.memory_space<hbm>>) target_semaphore(%run_scoped3A : memref<!tpu.dma_semaphore, #tpu.memory_space<semaphore_mem>>)
      %dma_wait3A = arith.constant 0 : i32
      %dma_wait3A_178 = tpu.memref_slice %arg5[%arg0, %add3A_153, %dma_wait3A] : memref<2x10240x128xf32, #tpu.memory_space<hbm>> -> memref<1x32x128xf32, #tpu.memory_space<hbm>>
      %dma_wait3A_179 = tpu.memref_squeeze %dma_wait3A_178 : memref<1x32x128xf32, #tpu.memory_space<hbm>> -> memref<32x128xf32, #tpu.memory_space<hbm>>
      %dma_wait3A_180 = arith.constant 0 : i32
      %dma_wait3A_181 = tpu.memref_slice %arg13[%add3A_153, %dma_wait3A_180] : memref<10240x128xf32, #tpu.memory_space<vmem_shared>> -> memref<32x128xf32, #tpu.memory_space<vmem_shared>>
      tpu.wait_dma2 semaphore(%run_scoped3A : memref<!tpu.dma_semaphore, #tpu.memory_space<semaphore_mem>>) src(%dma_wait3A_181 : memref<32x128xf32, #tpu.memory_space<vmem_shared>>) dst(%dma_wait3A_179 : memref<32x128xf32, #tpu.memory_space<hbm>>)
      tpu.yield
    }) : () -> ()
    %mul3A_154 = arith.constant 640 : i32
    %mul3A_155 = arith.muli %arg1, %mul3A_154 : i32
    %add3A_156 = arith.constant 480 : i32
    %add3A_157 = arith.addi %mul3A_155, %add3A_156 : i32
    "tpu.region"() ({
      %run_scoped3A = tpu.sem_alloc : memref<!tpu.dma_semaphore, #tpu.memory_space<semaphore_mem>>
      %dma_start3A = arith.constant 0 : i32
      %dma_start3A_174 = tpu.memref_slice %arg5[%arg0, %add3A_157, %dma_start3A] : memref<2x10240x128xf32, #tpu.memory_space<hbm>> -> memref<1x32x128xf32, #tpu.memory_space<hbm>>
      %dma_start3A_175 = tpu.memref_squeeze %dma_start3A_174 : memref<1x32x128xf32, #tpu.memory_space<hbm>> -> memref<32x128xf32, #tpu.memory_space<hbm>>
      %dma_start3A_176 = arith.constant 0 : i32
      %dma_start3A_177 = tpu.memref_slice %arg13[%add3A_157, %dma_start3A_176] : memref<10240x128xf32, #tpu.memory_space<vmem_shared>> -> memref<32x128xf32, #tpu.memory_space<vmem_shared>>
      tpu.enqueue_dma source(%dma_start3A_177 : memref<32x128xf32, #tpu.memory_space<vmem_shared>>) target(%dma_start3A_175 : memref<32x128xf32, #tpu.memory_space<hbm>>) target_semaphore(%run_scoped3A : memref<!tpu.dma_semaphore, #tpu.memory_space<semaphore_mem>>)
      %dma_wait3A = arith.constant 0 : i32
      %dma_wait3A_178 = tpu.memref_slice %arg5[%arg0, %add3A_157, %dma_wait3A] : memref<2x10240x128xf32, #tpu.memory_space<hbm>> -> memref<1x32x128xf32, #tpu.memory_space<hbm>>
      %dma_wait3A_179 = tpu.memref_squeeze %dma_wait3A_178 : memref<1x32x128xf32, #tpu.memory_space<hbm>> -> memref<32x128xf32, #tpu.memory_space<hbm>>
      %dma_wait3A_180 = arith.constant 0 : i32
      %dma_wait3A_181 = tpu.memref_slice %arg13[%add3A_157, %dma_wait3A_180] : memref<10240x128xf32, #tpu.memory_space<vmem_shared>> -> memref<32x128xf32, #tpu.memory_space<vmem_shared>>
      tpu.wait_dma2 semaphore(%run_scoped3A : memref<!tpu.dma_semaphore, #tpu.memory_space<semaphore_mem>>) src(%dma_wait3A_181 : memref<32x128xf32, #tpu.memory_space<vmem_shared>>) dst(%dma_wait3A_179 : memref<32x128xf32, #tpu.memory_space<hbm>>)
      tpu.yield
    }) : () -> ()
    %mul3A_158 = arith.constant 640 : i32
    %mul3A_159 = arith.muli %arg1, %mul3A_158 : i32
    %add3A_160 = arith.constant 512 : i32
    %add3A_161 = arith.addi %mul3A_159, %add3A_160 : i32
    "tpu.region"() ({
      %run_scoped3A = tpu.sem_alloc : memref<!tpu.dma_semaphore, #tpu.memory_space<semaphore_mem>>
      %dma_start3A = arith.constant 0 : i32
      %dma_start3A_174 = tpu.memref_slice %arg5[%arg0, %add3A_161, %dma_start3A] : memref<2x10240x128xf32, #tpu.memory_space<hbm>> -> memref<1x32x128xf32, #tpu.memory_space<hbm>>
      %dma_start3A_175 = tpu.memref_squeeze %dma_start3A_174 : memref<1x32x128xf32, #tpu.memory_space<hbm>> -> memref<32x128xf32, #tpu.memory_space<hbm>>
      %dma_start3A_176 = arith.constant 0 : i32
      %dma_start3A_177 = tpu.memref_slice %arg13[%add3A_161, %dma_start3A_176] : memref<10240x128xf32, #tpu.memory_space<vmem_shared>> -> memref<32x128xf32, #tpu.memory_space<vmem_shared>>
      tpu.enqueue_dma source(%dma_start3A_177 : memref<32x128xf32, #tpu.memory_space<vmem_shared>>) target(%dma_start3A_175 : memref<32x128xf32, #tpu.memory_space<hbm>>) target_semaphore(%run_scoped3A : memref<!tpu.dma_semaphore, #tpu.memory_space<semaphore_mem>>)
      %dma_wait3A = arith.constant 0 : i32
      %dma_wait3A_178 = tpu.memref_slice %arg5[%arg0, %add3A_161, %dma_wait3A] : memref<2x10240x128xf32, #tpu.memory_space<hbm>> -> memref<1x32x128xf32, #tpu.memory_space<hbm>>
      %dma_wait3A_179 = tpu.memref_squeeze %dma_wait3A_178 : memref<1x32x128xf32, #tpu.memory_space<hbm>> -> memref<32x128xf32, #tpu.memory_space<hbm>>
      %dma_wait3A_180 = arith.constant 0 : i32
      %dma_wait3A_181 = tpu.memref_slice %arg13[%add3A_161, %dma_wait3A_180] : memref<10240x128xf32, #tpu.memory_space<vmem_shared>> -> memref<32x128xf32, #tpu.memory_space<vmem_shared>>
      tpu.wait_dma2 semaphore(%run_scoped3A : memref<!tpu.dma_semaphore, #tpu.memory_space<semaphore_mem>>) src(%dma_wait3A_181 : memref<32x128xf32, #tpu.memory_space<vmem_shared>>) dst(%dma_wait3A_179 : memref<32x128xf32, #tpu.memory_space<hbm>>)
      tpu.yield
    }) : () -> ()
    %mul3A_162 = arith.constant 640 : i32
    %mul3A_163 = arith.muli %arg1, %mul3A_162 : i32
    %add3A_164 = arith.constant 544 : i32
    %add3A_165 = arith.addi %mul3A_163, %add3A_164 : i32
    "tpu.region"() ({
      %run_scoped3A = tpu.sem_alloc : memref<!tpu.dma_semaphore, #tpu.memory_space<semaphore_mem>>
      %dma_start3A = arith.constant 0 : i32
      %dma_start3A_174 = tpu.memref_slice %arg5[%arg0, %add3A_165, %dma_start3A] : memref<2x10240x128xf32, #tpu.memory_space<hbm>> -> memref<1x32x128xf32, #tpu.memory_space<hbm>>
      %dma_start3A_175 = tpu.memref_squeeze %dma_start3A_174 : memref<1x32x128xf32, #tpu.memory_space<hbm>> -> memref<32x128xf32, #tpu.memory_space<hbm>>
      %dma_start3A_176 = arith.constant 0 : i32
      %dma_start3A_177 = tpu.memref_slice %arg13[%add3A_165, %dma_start3A_176] : memref<10240x128xf32, #tpu.memory_space<vmem_shared>> -> memref<32x128xf32, #tpu.memory_space<vmem_shared>>
      tpu.enqueue_dma source(%dma_start3A_177 : memref<32x128xf32, #tpu.memory_space<vmem_shared>>) target(%dma_start3A_175 : memref<32x128xf32, #tpu.memory_space<hbm>>) target_semaphore(%run_scoped3A : memref<!tpu.dma_semaphore, #tpu.memory_space<semaphore_mem>>)
      %dma_wait3A = arith.constant 0 : i32
      %dma_wait3A_178 = tpu.memref_slice %arg5[%arg0, %add3A_165, %dma_wait3A] : memref<2x10240x128xf32, #tpu.memory_space<hbm>> -> memref<1x32x128xf32, #tpu.memory_space<hbm>>
      %dma_wait3A_179 = tpu.memref_squeeze %dma_wait3A_178 : memref<1x32x128xf32, #tpu.memory_space<hbm>> -> memref<32x128xf32, #tpu.memory_space<hbm>>
      %dma_wait3A_180 = arith.constant 0 : i32
      %dma_wait3A_181 = tpu.memref_slice %arg13[%add3A_165, %dma_wait3A_180] : memref<10240x128xf32, #tpu.memory_space<vmem_shared>> -> memref<32x128xf32, #tpu.memory_space<vmem_shared>>
      tpu.wait_dma2 semaphore(%run_scoped3A : memref<!tpu.dma_semaphore, #tpu.memory_space<semaphore_mem>>) src(%dma_wait3A_181 : memref<32x128xf32, #tpu.memory_space<vmem_shared>>) dst(%dma_wait3A_179 : memref<32x128xf32, #tpu.memory_space<hbm>>)
      tpu.yield
    }) : () -> ()
    %mul3A_166 = arith.constant 640 : i32
    %mul3A_167 = arith.muli %arg1, %mul3A_166 : i32
    %add3A_168 = arith.constant 576 : i32
    %add3A_169 = arith.addi %mul3A_167, %add3A_168 : i32
    "tpu.region"() ({
      %run_scoped3A = tpu.sem_alloc : memref<!tpu.dma_semaphore, #tpu.memory_space<semaphore_mem>>
      %dma_start3A = arith.constant 0 : i32
      %dma_start3A_174 = tpu.memref_slice %arg5[%arg0, %add3A_169, %dma_start3A] : memref<2x10240x128xf32, #tpu.memory_space<hbm>> -> memref<1x32x128xf32, #tpu.memory_space<hbm>>
      %dma_start3A_175 = tpu.memref_squeeze %dma_start3A_174 : memref<1x32x128xf32, #tpu.memory_space<hbm>> -> memref<32x128xf32, #tpu.memory_space<hbm>>
      %dma_start3A_176 = arith.constant 0 : i32
      %dma_start3A_177 = tpu.memref_slice %arg13[%add3A_169, %dma_start3A_176] : memref<10240x128xf32, #tpu.memory_space<vmem_shared>> -> memref<32x128xf32, #tpu.memory_space<vmem_shared>>
      tpu.enqueue_dma source(%dma_start3A_177 : memref<32x128xf32, #tpu.memory_space<vmem_shared>>) target(%dma_start3A_175 : memref<32x128xf32, #tpu.memory_space<hbm>>) target_semaphore(%run_scoped3A : memref<!tpu.dma_semaphore, #tpu.memory_space<semaphore_mem>>)
      %dma_wait3A = arith.constant 0 : i32
      %dma_wait3A_178 = tpu.memref_slice %arg5[%arg0, %add3A_169, %dma_wait3A] : memref<2x10240x128xf32, #tpu.memory_space<hbm>> -> memref<1x32x128xf32, #tpu.memory_space<hbm>>
      %dma_wait3A_179 = tpu.memref_squeeze %dma_wait3A_178 : memref<1x32x128xf32, #tpu.memory_space<hbm>> -> memref<32x128xf32, #tpu.memory_space<hbm>>
      %dma_wait3A_180 = arith.constant 0 : i32
      %dma_wait3A_181 = tpu.memref_slice %arg13[%add3A_169, %dma_wait3A_180] : memref<10240x128xf32, #tpu.memory_space<vmem_shared>> -> memref<32x128xf32, #tpu.memory_space<vmem_shared>>
      tpu.wait_dma2 semaphore(%run_scoped3A : memref<!tpu.dma_semaphore, #tpu.memory_space<semaphore_mem>>) src(%dma_wait3A_181 : memref<32x128xf32, #tpu.memory_space<vmem_shared>>) dst(%dma_wait3A_179 : memref<32x128xf32, #tpu.memory_space<hbm>>)
      tpu.yield
    }) : () -> ()
    %mul3A_170 = arith.constant 640 : i32
    %mul3A_171 = arith.muli %arg1, %mul3A_170 : i32
    %add3A_172 = arith.constant 608 : i32
    %add3A_173 = arith.addi %mul3A_171, %add3A_172 : i32
    "tpu.region"() ({
      %run_scoped3A = tpu.sem_alloc : memref<!tpu.dma_semaphore, #tpu.memory_space<semaphore_mem>>
      %dma_start3A = arith.constant 0 : i32
      %dma_start3A_174 = tpu.memref_slice %arg5[%arg0, %add3A_173, %dma_start3A] : memref<2x10240x128xf32, #tpu.memory_space<hbm>> -> memref<1x32x128xf32, #tpu.memory_space<hbm>>
      %dma_start3A_175 = tpu.memref_squeeze %dma_start3A_174 : memref<1x32x128xf32, #tpu.memory_space<hbm>> -> memref<32x128xf32, #tpu.memory_space<hbm>>
      %dma_start3A_176 = arith.constant 0 : i32
      %dma_start3A_177 = tpu.memref_slice %arg13[%add3A_173, %dma_start3A_176] : memref<10240x128xf32, #tpu.memory_space<vmem_shared>> -> memref<32x128xf32, #tpu.memory_space<vmem_shared>>
      tpu.enqueue_dma source(%dma_start3A_177 : memref<32x128xf32, #tpu.memory_space<vmem_shared>>) target(%dma_start3A_175 : memref<32x128xf32, #tpu.memory_space<hbm>>) target_semaphore(%run_scoped3A : memref<!tpu.dma_semaphore, #tpu.memory_space<semaphore_mem>>)
      %dma_wait3A = arith.constant 0 : i32
      %dma_wait3A_178 = tpu.memref_slice %arg5[%arg0, %add3A_173, %dma_wait3A] : memref<2x10240x128xf32, #tpu.memory_space<hbm>> -> memref<1x32x128xf32, #tpu.memory_space<hbm>>
      %dma_wait3A_179 = tpu.memref_squeeze %dma_wait3A_178 : memref<1x32x128xf32, #tpu.memory_space<hbm>> -> memref<32x128xf32, #tpu.memory_space<hbm>>
      %dma_wait3A_180 = arith.constant 0 : i32
      %dma_wait3A_181 = tpu.memref_slice %arg13[%add3A_173, %dma_wait3A_180] : memref<10240x128xf32, #tpu.memory_space<vmem_shared>> -> memref<32x128xf32, #tpu.memory_space<vmem_shared>>
      tpu.wait_dma2 semaphore(%run_scoped3A : memref<!tpu.dma_semaphore, #tpu.memory_space<semaphore_mem>>) src(%dma_wait3A_181 : memref<32x128xf32, #tpu.memory_space<vmem_shared>>) dst(%dma_wait3A_179 : memref<32x128xf32, #tpu.memory_space<hbm>>)
      tpu.yield
    }) : () -> ()
    return
  }
}

#map = affine_map<(d0, d1) -> (0, 0, 0)>
#map1 = affine_map<(d0, d1) -> (0)>
module attributes {stable_mosaic.version = 14 : i64} {
  func.func @_degrees_body(%arg0: i32, %arg1: i32, %arg2: memref<2x2500x128xi32, #tpu.memory_space<hbm>>, %arg3: memref<640000xi32, #tpu.memory_space<hbm>>, %arg4: memref<2x2x10000xf32, #tpu.memory_space<hbm>>, %arg5: memref<80x128xi32, #tpu.memory_space<vmem>>, %arg6: memref<80x128xi32, #tpu.memory_space<vmem>>, %arg7: memref<128xi32, #tpu.memory_space<vmem>>, %arg8: memref<128xi32, #tpu.memory_space<vmem>>, %arg9: memref<128xf32, #tpu.memory_space<vmem>>, %arg10: memref<10000xf32, #tpu.memory_space<vmem>>, %arg11: memref<10000xf32, #tpu.memory_space<vmem_shared>>, %arg12: memref<10000xf32, #tpu.memory_space<vmem_shared>>) attributes {dimension_semantics = [#tpu.dimension_semantics<core_parallel>, #tpu.dimension_semantics<subcore_parallel>], iteration_bounds = array<i64: 2, 16>, scalar_prefetch = 0 : i64, scratch_operands = 8 : i64, tpu.core_type = #tpu.core_type<sc_vector_subcore>, window_params = [{transform_indices = #map}, {transform_indices = #map1}, {transform_indices = #map}]} {
    %mul3A = arith.constant 2 : i32
    %mul3A_0 = arith.muli %arg1, %mul3A : i32
    %add3A = arith.addi %mul3A_0, %arg0 : i32
    %broadcast_in_dim3A = arith.constant 0.000000e+00 : f32
    %broadcast_in_dim3A_1 = vector.broadcast %broadcast_in_dim3A : f32 to vector<16xf32>
    %scan3A = arith.constant 0 : i32
    %scan3A_2 = arith.constant 0 : i32
    %scan3A_3 = arith.constant 625 : i32
    %scan3A_4 = arith.addi %scan3A_2, %scan3A_3 : i32
    %scan3A_5 = arith.constant 1 : i32
    %scan3A_6 = scf.for %scan3A_42 = %scan3A_2 to %scan3A_4 step %scan3A_5 iter_args(%scan3A_43 = %scan3A) -> (i32)  : i32 {
      %mul3A_44 = arith.constant 16 : i32
      %mul3A_45 = arith.muli %scan3A_42, %mul3A_44 : i32
      %swap3A = arith.index_cast %mul3A_45 : i32 to index
      %swap3A_46 = tpu.vector_load %arg10[%swap3A] {strides = array<i32>} : memref<10000xf32, #tpu.memory_space<vmem>>, vector<16xf32>,
      %swap3A_47 = vector.shape_cast %swap3A_46 : vector<16xf32> to vector<16xf32>
      %swap3A_48 = vector.shape_cast %broadcast_in_dim3A_1 : vector<16xf32> to vector<16xf32>
      tpu.vector_store %arg10[%swap3A], %swap3A_48 {strides = array<i32>} : memref<10000xf32, #tpu.memory_space<vmem>>, vector<16xf32>,
      %scan3A_49 = arith.constant 0 : i32
      scf.yield %scan3A_49 : i32
    }
    %scan3A_7 = arith.constant 625 : i32
    %eq3A = arith.constant 0 : i32
    %eq3A_8 = arith.cmpi eq, %arg1, %eq3A : i32
    %convert_element_type3A = arith.extui %eq3A_8 : i1 to i32
    %cond3A = arith.constant 0 : i32
    %cond3A_9 = arith.cmpi ne, %convert_element_type3A, %cond3A : i32
    scf.if %cond3A_9 {
      "tpu.region"() ({
        %run_scoped3A = tpu.sem_alloc : memref<!tpu.dma_semaphore, #tpu.memory_space<semaphore_mem>>
        tpu.enqueue_dma source(%arg10 : memref<10000xf32, #tpu.memory_space<vmem>>) target(%arg11 : memref<10000xf32, #tpu.memory_space<vmem_shared>>) target_semaphore(%run_scoped3A : memref<!tpu.dma_semaphore, #tpu.memory_space<semaphore_mem>>)
        tpu.wait_dma2 semaphore(%run_scoped3A : memref<!tpu.dma_semaphore, #tpu.memory_space<semaphore_mem>>) src(%arg10 : memref<10000xf32, #tpu.memory_space<vmem>>) dst(%arg11 : memref<10000xf32, #tpu.memory_space<vmem_shared>>)
        tpu.yield
      }) : () -> ()
    } else {
    }
    %eq3A_10 = arith.constant 1 : i32
    %eq3A_11 = arith.cmpi eq, %arg1, %eq3A_10 : i32
    %convert_element_type3A_12 = arith.extui %eq3A_11 : i1 to i32
    %cond3A_13 = arith.constant 0 : i32
    %cond3A_14 = arith.cmpi ne, %convert_element_type3A_12, %cond3A_13 : i32
    scf.if %cond3A_14 {
      "tpu.region"() ({
        %run_scoped3A = tpu.sem_alloc : memref<!tpu.dma_semaphore, #tpu.memory_space<semaphore_mem>>
        tpu.enqueue_dma source(%arg10 : memref<10000xf32, #tpu.memory_space<vmem>>) target(%arg12 : memref<10000xf32, #tpu.memory_space<vmem_shared>>) target_semaphore(%run_scoped3A : memref<!tpu.dma_semaphore, #tpu.memory_space<semaphore_mem>>)
        tpu.wait_dma2 semaphore(%run_scoped3A : memref<!tpu.dma_semaphore, #tpu.memory_space<semaphore_mem>>) src(%arg10 : memref<10000xf32, #tpu.memory_space<vmem>>) dst(%arg12 : memref<10000xf32, #tpu.memory_space<vmem_shared>>)
        tpu.yield
      }) : () -> ()
    } else {
    }
    %scan3A_15 = arith.constant 0 : i32
    %scan3A_16 = arith.constant 0 : i32
    %scan3A_17 = arith.constant 8 : i32
    %scan3A_18 = arith.addi %scan3A_16, %scan3A_17 : i32
    %scan3A_19 = arith.constant 1 : i32
    %scan3A_20 = scf.for %scan3A_42 = %scan3A_16 to %scan3A_18 step %scan3A_19 iter_args(%scan3A_43 = %scan3A_15) -> (i32)  : i32 {
      %broadcast_in_dim3A_44 = arith.constant 1.000000e+00 : f32
      %broadcast_in_dim3A_45 = vector.broadcast %broadcast_in_dim3A_44 : f32 to vector<16xf32>
      %mul3A_46 = arith.constant 16 : i32
      %mul3A_47 = arith.muli %scan3A_42, %mul3A_46 : i32
      %swap3A = arith.index_cast %mul3A_47 : i32 to index
      %swap3A_48 = tpu.vector_load %arg9[%swap3A] {strides = array<i32>} : memref<128xf32, #tpu.memory_space<vmem>>, vector<16xf32>,
      %swap3A_49 = vector.shape_cast %swap3A_48 : vector<16xf32> to vector<16xf32>
      %swap3A_50 = vector.shape_cast %broadcast_in_dim3A_45 : vector<16xf32> to vector<16xf32>
      tpu.vector_store %arg9[%swap3A], %swap3A_50 {strides = array<i32>} : memref<128xf32, #tpu.memory_space<vmem>>, vector<16xf32>,
      %scan3A_51 = arith.constant 0 : i32
      scf.yield %scan3A_51 : i32
    }
    %scan3A_21 = arith.constant 8 : i32
    %barrier3A = arith.constant 0 : index
    tpu.barrier barrier_id(%barrier3A)
    %lt3A = arith.constant 31 : i32
    %lt3A_22 = arith.cmpi slt, %add3A, %lt3A : i32
    %convert_element_type3A_23 = arith.extui %lt3A_22 : i1 to i32
    %cond3A_24 = arith.constant 0 : i32
    %cond3A_25 = arith.cmpi ne, %convert_element_type3A_23, %cond3A_24 : i32
    scf.if %cond3A_25 {
      %mul3A_42 = arith.constant 80 : i32
      %mul3A_43 = arith.muli %add3A, %mul3A_42 : i32
      %run_scoped3A = arith.constant 0 : i32
      "tpu.region"() ({
        %run_scoped3A_54 = tpu.sem_alloc : memref<!tpu.dma_semaphore, #tpu.memory_space<semaphore_mem>>
        %dma_start3A = arith.constant 0 : i32
        %dma_start3A_55 = tpu.memref_slice %arg2[%run_scoped3A, %mul3A_43, %dma_start3A] : memref<2x2500x128xi32, #tpu.memory_space<hbm>> -> memref<1x80x128xi32, #tpu.memory_space<hbm>>
        %dma_start3A_56 = tpu.memref_squeeze %dma_start3A_55 : memref<1x80x128xi32, #tpu.memory_space<hbm>> -> memref<80x128xi32, #tpu.memory_space<hbm>>
        %dma_start3A_57 = arith.constant 0 : i32
        %dma_start3A_58 = tpu.memref_slice %arg2[%run_scoped3A, %mul3A_43, %dma_start3A_57] : memref<2x2500x128xi32, #tpu.memory_space<hbm>> -> memref<1x80x128xi32, #tpu.memory_space<hbm>>
        %dma_start3A_59 = tpu.memref_squeeze %dma_start3A_58 : memref<1x80x128xi32, #tpu.memory_space<hbm>> -> memref<80x128xi32, #tpu.memory_space<hbm>>
        tpu.enqueue_dma source(%dma_start3A_59 : memref<80x128xi32, #tpu.memory_space<hbm>>) target(%arg5 : memref<80x128xi32, #tpu.memory_space<vmem>>) target_semaphore(%run_scoped3A_54 : memref<!tpu.dma_semaphore, #tpu.memory_space<semaphore_mem>>)
        %dma_wait3A = arith.constant 0 : i32
        %dma_wait3A_60 = tpu.memref_slice %arg2[%run_scoped3A, %mul3A_43, %dma_wait3A] : memref<2x2500x128xi32, #tpu.memory_space<hbm>> -> memref<1x80x128xi32, #tpu.memory_space<hbm>>
        %dma_wait3A_61 = tpu.memref_squeeze %dma_wait3A_60 : memref<1x80x128xi32, #tpu.memory_space<hbm>> -> memref<80x128xi32, #tpu.memory_space<hbm>>
        %dma_wait3A_62 = arith.constant 0 : i32
        %dma_wait3A_63 = tpu.memref_slice %arg2[%run_scoped3A, %mul3A_43, %dma_wait3A_62] : memref<2x2500x128xi32, #tpu.memory_space<hbm>> -> memref<1x80x128xi32, #tpu.memory_space<hbm>>
        %dma_wait3A_64 = tpu.memref_squeeze %dma_wait3A_63 : memref<1x80x128xi32, #tpu.memory_space<hbm>> -> memref<80x128xi32, #tpu.memory_space<hbm>>
        tpu.wait_dma2 semaphore(%run_scoped3A_54 : memref<!tpu.dma_semaphore, #tpu.memory_space<semaphore_mem>>) src(%dma_wait3A_64 : memref<80x128xi32, #tpu.memory_space<hbm>>) dst(%arg5 : memref<80x128xi32, #tpu.memory_space<vmem>>)
        tpu.yield
      }) : () -> ()
      %mul3A_44 = arith.constant 80 : i32
      %mul3A_45 = arith.muli %add3A, %mul3A_44 : i32
      %run_scoped3A_46 = arith.constant 1 : i32
      "tpu.region"() ({
        %run_scoped3A_54 = tpu.sem_alloc : memref<!tpu.dma_semaphore, #tpu.memory_space<semaphore_mem>>
        %dma_start3A = arith.constant 0 : i32
        %dma_start3A_55 = tpu.memref_slice %arg2[%run_scoped3A_46, %mul3A_45, %dma_start3A] : memref<2x2500x128xi32, #tpu.memory_space<hbm>> -> memref<1x80x128xi32, #tpu.memory_space<hbm>>
        %dma_start3A_56 = tpu.memref_squeeze %dma_start3A_55 : memref<1x80x128xi32, #tpu.memory_space<hbm>> -> memref<80x128xi32, #tpu.memory_space<hbm>>
        %dma_start3A_57 = arith.constant 0 : i32
        %dma_start3A_58 = tpu.memref_slice %arg2[%run_scoped3A_46, %mul3A_45, %dma_start3A_57] : memref<2x2500x128xi32, #tpu.memory_space<hbm>> -> memref<1x80x128xi32, #tpu.memory_space<hbm>>
        %dma_start3A_59 = tpu.memref_squeeze %dma_start3A_58 : memref<1x80x128xi32, #tpu.memory_space<hbm>> -> memref<80x128xi32, #tpu.memory_space<hbm>>
        tpu.enqueue_dma source(%dma_start3A_59 : memref<80x128xi32, #tpu.memory_space<hbm>>) target(%arg6 : memref<80x128xi32, #tpu.memory_space<vmem>>) target_semaphore(%run_scoped3A_54 : memref<!tpu.dma_semaphore, #tpu.memory_space<semaphore_mem>>)
        %dma_wait3A = arith.constant 0 : i32
        %dma_wait3A_60 = tpu.memref_slice %arg2[%run_scoped3A_46, %mul3A_45, %dma_wait3A] : memref<2x2500x128xi32, #tpu.memory_space<hbm>> -> memref<1x80x128xi32, #tpu.memory_space<hbm>>
        %dma_wait3A_61 = tpu.memref_squeeze %dma_wait3A_60 : memref<1x80x128xi32, #tpu.memory_space<hbm>> -> memref<80x128xi32, #tpu.memory_space<hbm>>
        %dma_wait3A_62 = arith.constant 0 : i32
        %dma_wait3A_63 = tpu.memref_slice %arg2[%run_scoped3A_46, %mul3A_45, %dma_wait3A_62] : memref<2x2500x128xi32, #tpu.memory_space<hbm>> -> memref<1x80x128xi32, #tpu.memory_space<hbm>>
        %dma_wait3A_64 = tpu.memref_squeeze %dma_wait3A_63 : memref<1x80x128xi32, #tpu.memory_space<hbm>> -> memref<80x128xi32, #tpu.memory_space<hbm>>
        tpu.wait_dma2 semaphore(%run_scoped3A_54 : memref<!tpu.dma_semaphore, #tpu.memory_space<semaphore_mem>>) src(%dma_wait3A_64 : memref<80x128xi32, #tpu.memory_space<hbm>>) dst(%arg6 : memref<80x128xi32, #tpu.memory_space<vmem>>)
        tpu.yield
      }) : () -> ()
      %scan3A_47 = arith.constant 0 : i32
      %scan3A_48 = arith.constant 0 : i32
      %scan3A_49 = arith.constant 80 : i32
      %scan3A_50 = arith.addi %scan3A_48, %scan3A_49 : i32
      %scan3A_51 = arith.constant 1 : i32
      %scan3A_52 = scf.for %scan3A_54 = %scan3A_48 to %scan3A_50 step %scan3A_51 iter_args(%scan3A_55 = %scan3A_47) -> (i32)  : i32 {
        "tpu.region"() ({
          %run_scoped3A_57 = tpu.sem_alloc : memref<!tpu.dma_semaphore, #tpu.memory_space<semaphore_mem>>
          %dma_start3A = arith.constant 0 : i32
          %dma_start3A_58 = tpu.memref_slice %arg5[%scan3A_54, %dma_start3A] : memref<80x128xi32, #tpu.memory_space<vmem>> -> memref<1x128xi32, #tpu.memory_space<vmem>>
          %dma_start3A_59 = tpu.memref_squeeze %dma_start3A_58 : memref<1x128xi32, #tpu.memory_space<vmem>> -> memref<128xi32, #tpu.memory_space<vmem>>
          %dma_start3A_60 = arith.constant 0 : i32
          %dma_start3A_61 = tpu.memref_slice %arg11[%dma_start3A_60] : memref<10000xf32, #tpu.memory_space<vmem_shared>> -> memref<10000xf32, #tpu.memory_space<vmem_shared>>
          tpu.enqueue_indirect_dma source(%arg9 : memref<128xf32, #tpu.memory_space<vmem>>) target(%dma_start3A_61 : memref<10000xf32, #tpu.memory_space<vmem_shared>>) offsets(%dma_start3A_59 : memref<128xi32, #tpu.memory_space<vmem>>) semaphore(%run_scoped3A_57 : memref<!tpu.dma_semaphore, #tpu.memory_space<semaphore_mem>>) {add = true}
          %dma_wait3A = arith.constant 0 : i32
          %dma_wait3A_62 = tpu.memref_slice %arg5[%scan3A_54, %dma_wait3A] : memref<80x128xi32, #tpu.memory_space<vmem>> -> memref<1x128xi32, #tpu.memory_space<vmem>>
          %dma_wait3A_63 = tpu.memref_squeeze %dma_wait3A_62 : memref<1x128xi32, #tpu.memory_space<vmem>> -> memref<128xi32, #tpu.memory_space<vmem>>
          %dma_wait3A_64 = arith.constant 0 : i32
          %dma_wait3A_65 = tpu.memref_slice %arg11[%dma_wait3A_64] : memref<10000xf32, #tpu.memory_space<vmem_shared>> -> memref<10000xf32, #tpu.memory_space<vmem_shared>>
          tpu.wait_indirect_dma semaphore(%run_scoped3A_57 : memref<!tpu.dma_semaphore, #tpu.memory_space<semaphore_mem>>) src(%arg9 : memref<128xf32, #tpu.memory_space<vmem>>) dst(%dma_wait3A_65 : memref<10000xf32, #tpu.memory_space<vmem_shared>>)
          tpu.yield
        }) : () -> ()
        "tpu.region"() ({
          %run_scoped3A_57 = tpu.sem_alloc : memref<!tpu.dma_semaphore, #tpu.memory_space<semaphore_mem>>
          %dma_start3A = arith.constant 0 : i32
          %dma_start3A_58 = tpu.memref_slice %arg6[%scan3A_54, %dma_start3A] : memref<80x128xi32, #tpu.memory_space<vmem>> -> memref<1x128xi32, #tpu.memory_space<vmem>>
          %dma_start3A_59 = tpu.memref_squeeze %dma_start3A_58 : memref<1x128xi32, #tpu.memory_space<vmem>> -> memref<128xi32, #tpu.memory_space<vmem>>
          %dma_start3A_60 = arith.constant 0 : i32
          %dma_start3A_61 = tpu.memref_slice %arg12[%dma_start3A_60] : memref<10000xf32, #tpu.memory_space<vmem_shared>> -> memref<10000xf32, #tpu.memory_space<vmem_shared>>
          tpu.enqueue_indirect_dma source(%arg9 : memref<128xf32, #tpu.memory_space<vmem>>) target(%dma_start3A_61 : memref<10000xf32, #tpu.memory_space<vmem_shared>>) offsets(%dma_start3A_59 : memref<128xi32, #tpu.memory_space<vmem>>) semaphore(%run_scoped3A_57 : memref<!tpu.dma_semaphore, #tpu.memory_space<semaphore_mem>>) {add = true}
          %dma_wait3A = arith.constant 0 : i32
          %dma_wait3A_62 = tpu.memref_slice %arg6[%scan3A_54, %dma_wait3A] : memref<80x128xi32, #tpu.memory_space<vmem>> -> memref<1x128xi32, #tpu.memory_space<vmem>>
          %dma_wait3A_63 = tpu.memref_squeeze %dma_wait3A_62 : memref<1x128xi32, #tpu.memory_space<vmem>> -> memref<128xi32, #tpu.memory_space<vmem>>
          %dma_wait3A_64 = arith.constant 0 : i32
          %dma_wait3A_65 = tpu.memref_slice %arg12[%dma_wait3A_64] : memref<10000xf32, #tpu.memory_space<vmem_shared>> -> memref<10000xf32, #tpu.memory_space<vmem_shared>>
          tpu.wait_indirect_dma semaphore(%run_scoped3A_57 : memref<!tpu.dma_semaphore, #tpu.memory_space<semaphore_mem>>) src(%arg9 : memref<128xf32, #tpu.memory_space<vmem>>) dst(%dma_wait3A_65 : memref<10000xf32, #tpu.memory_space<vmem_shared>>)
          tpu.yield
        }) : () -> ()
        %scan3A_56 = arith.constant 0 : i32
        scf.yield %scan3A_56 : i32
      }
      %scan3A_53 = arith.constant 80 : i32
    } else {
    }
    %eq3A_26 = arith.constant 31 : i32
    %eq3A_27 = arith.cmpi eq, %add3A, %eq3A_26 : i32
    %convert_element_type3A_28 = arith.extui %eq3A_27 : i1 to i32
    %cond3A_29 = arith.constant 0 : i32
    %cond3A_30 = arith.cmpi ne, %convert_element_type3A_28, %cond3A_29 : i32
    scf.if %cond3A_30 {
      %scan3A_42 = arith.constant 0 : i32
      %scan3A_43 = arith.constant 0 : i32
      %scan3A_44 = arith.constant 20 : i32
      %scan3A_45 = arith.addi %scan3A_43, %scan3A_44 : i32
      %scan3A_46 = arith.constant 1 : i32
      %scan3A_47 = scf.for %scan3A_49 = %scan3A_43 to %scan3A_45 step %scan3A_46 iter_args(%scan3A_50 = %scan3A_42) -> (i32)  : i32 {
        %mul3A_51 = arith.constant 80 : i32
        %mul3A_52 = arith.muli %add3A, %mul3A_51 : i32
        %add3A_53 = arith.addi %mul3A_52, %scan3A_49 : i32
        %mul3A_54 = arith.constant 128 : i32
        %mul3A_55 = arith.muli %add3A_53, %mul3A_54 : i32
        "tpu.region"() ({
          %run_scoped3A = tpu.sem_alloc : memref<!tpu.dma_semaphore, #tpu.memory_space<semaphore_mem>>
          %dma_start3A = tpu.memref_slice %arg3[%mul3A_55] : memref<640000xi32, #tpu.memory_space<hbm>> -> memref<128xi32, #tpu.memory_space<hbm>>
          %dma_start3A_59 = tpu.memref_slice %arg3[%mul3A_55] : memref<640000xi32, #tpu.memory_space<hbm>> -> memref<128xi32, #tpu.memory_space<hbm>>
          tpu.enqueue_dma source(%dma_start3A_59 : memref<128xi32, #tpu.memory_space<hbm>>) target(%arg7 : memref<128xi32, #tpu.memory_space<vmem>>) target_semaphore(%run_scoped3A : memref<!tpu.dma_semaphore, #tpu.memory_space<semaphore_mem>>)
          %dma_wait3A = tpu.memref_slice %arg3[%mul3A_55] : memref<640000xi32, #tpu.memory_space<hbm>> -> memref<128xi32, #tpu.memory_space<hbm>>
          %dma_wait3A_60 = tpu.memref_slice %arg3[%mul3A_55] : memref<640000xi32, #tpu.memory_space<hbm>> -> memref<128xi32, #tpu.memory_space<hbm>>
          tpu.wait_dma2 semaphore(%run_scoped3A : memref<!tpu.dma_semaphore, #tpu.memory_space<semaphore_mem>>) src(%dma_wait3A_60 : memref<128xi32, #tpu.memory_space<hbm>>) dst(%arg7 : memref<128xi32, #tpu.memory_space<vmem>>)
          tpu.yield
        }) : () -> ()
        %add3A_56 = arith.constant 320000 : i32
        %add3A_57 = arith.addi %add3A_56, %mul3A_55 : i32
        "tpu.region"() ({
          %run_scoped3A = tpu.sem_alloc : memref<!tpu.dma_semaphore, #tpu.memory_space<semaphore_mem>>
          %dma_start3A = tpu.memref_slice %arg3[%add3A_57] : memref<640000xi32, #tpu.memory_space<hbm>> -> memref<128xi32, #tpu.memory_space<hbm>>
          %dma_start3A_59 = tpu.memref_slice %arg3[%add3A_57] : memref<640000xi32, #tpu.memory_space<hbm>> -> memref<128xi32, #tpu.memory_space<hbm>>
          tpu.enqueue_dma source(%dma_start3A_59 : memref<128xi32, #tpu.memory_space<hbm>>) target(%arg8 : memref<128xi32, #tpu.memory_space<vmem>>) target_semaphore(%run_scoped3A : memref<!tpu.dma_semaphore, #tpu.memory_space<semaphore_mem>>)
          %dma_wait3A = tpu.memref_slice %arg3[%add3A_57] : memref<640000xi32, #tpu.memory_space<hbm>> -> memref<128xi32, #tpu.memory_space<hbm>>
          %dma_wait3A_60 = tpu.memref_slice %arg3[%add3A_57] : memref<640000xi32, #tpu.memory_space<hbm>> -> memref<128xi32, #tpu.memory_space<hbm>>
          tpu.wait_dma2 semaphore(%run_scoped3A : memref<!tpu.dma_semaphore, #tpu.memory_space<semaphore_mem>>) src(%dma_wait3A_60 : memref<128xi32, #tpu.memory_space<hbm>>) dst(%arg8 : memref<128xi32, #tpu.memory_space<vmem>>)
          tpu.yield
        }) : () -> ()
        "tpu.region"() ({
          %run_scoped3A = tpu.sem_alloc : memref<!tpu.dma_semaphore, #tpu.memory_space<semaphore_mem>>
          %dma_start3A = arith.constant 0 : i32
          %dma_start3A_59 = tpu.memref_slice %arg11[%dma_start3A] : memref<10000xf32, #tpu.memory_space<vmem_shared>> -> memref<10000xf32, #tpu.memory_space<vmem_shared>>
          tpu.enqueue_indirect_dma source(%arg9 : memref<128xf32, #tpu.memory_space<vmem>>) target(%dma_start3A_59 : memref<10000xf32, #tpu.memory_space<vmem_shared>>) offsets(%arg7 : memref<128xi32, #tpu.memory_space<vmem>>) semaphore(%run_scoped3A : memref<!tpu.dma_semaphore, #tpu.memory_space<semaphore_mem>>) {add = true}
          %dma_wait3A = arith.constant 0 : i32
          %dma_wait3A_60 = tpu.memref_slice %arg11[%dma_wait3A] : memref<10000xf32, #tpu.memory_space<vmem_shared>> -> memref<10000xf32, #tpu.memory_space<vmem_shared>>
          tpu.wait_indirect_dma semaphore(%run_scoped3A : memref<!tpu.dma_semaphore, #tpu.memory_space<semaphore_mem>>) src(%arg9 : memref<128xf32, #tpu.memory_space<vmem>>) dst(%dma_wait3A_60 : memref<10000xf32, #tpu.memory_space<vmem_shared>>)
          tpu.yield
        }) : () -> ()
        "tpu.region"() ({
          %run_scoped3A = tpu.sem_alloc : memref<!tpu.dma_semaphore, #tpu.memory_space<semaphore_mem>>
          %dma_start3A = arith.constant 0 : i32
          %dma_start3A_59 = tpu.memref_slice %arg12[%dma_start3A] : memref<10000xf32, #tpu.memory_space<vmem_shared>> -> memref<10000xf32, #tpu.memory_space<vmem_shared>>
          tpu.enqueue_indirect_dma source(%arg9 : memref<128xf32, #tpu.memory_space<vmem>>) target(%dma_start3A_59 : memref<10000xf32, #tpu.memory_space<vmem_shared>>) offsets(%arg8 : memref<128xi32, #tpu.memory_space<vmem>>) semaphore(%run_scoped3A : memref<!tpu.dma_semaphore, #tpu.memory_space<semaphore_mem>>) {add = true}
          %dma_wait3A = arith.constant 0 : i32
          %dma_wait3A_60 = tpu.memref_slice %arg12[%dma_wait3A] : memref<10000xf32, #tpu.memory_space<vmem_shared>> -> memref<10000xf32, #tpu.memory_space<vmem_shared>>
          tpu.wait_indirect_dma semaphore(%run_scoped3A : memref<!tpu.dma_semaphore, #tpu.memory_space<semaphore_mem>>) src(%arg9 : memref<128xf32, #tpu.memory_space<vmem>>) dst(%dma_wait3A_60 : memref<10000xf32, #tpu.memory_space<vmem_shared>>)
          tpu.yield
        }) : () -> ()
        %scan3A_58 = arith.constant 0 : i32
        scf.yield %scan3A_58 : i32
      }
      %scan3A_48 = arith.constant 20 : i32
    } else {
    }
    %barrier3A_31 = arith.constant 0 : index
    tpu.barrier barrier_id(%barrier3A_31)
    %eq3A_32 = arith.constant 0 : i32
    %eq3A_33 = arith.cmpi eq, %arg1, %eq3A_32 : i32
    %convert_element_type3A_34 = arith.extui %eq3A_33 : i1 to i32
    %cond3A_35 = arith.constant 0 : i32
    %cond3A_36 = arith.cmpi ne, %convert_element_type3A_34, %cond3A_35 : i32
    scf.if %cond3A_36 {
      %run_scoped3A = arith.constant 0 : i32
      "tpu.region"() ({
        %run_scoped3A_42 = tpu.sem_alloc : memref<!tpu.dma_semaphore, #tpu.memory_space<semaphore_mem>>
        %dma_start3A = arith.constant 0 : i32
        %dma_start3A_43 = tpu.memref_slice %arg4[%arg0, %run_scoped3A, %dma_start3A] : memref<2x2x10000xf32, #tpu.memory_space<hbm>> -> memref<1x1x10000xf32, #tpu.memory_space<hbm>>
        %dma_start3A_44 = tpu.memref_squeeze %dma_start3A_43 : memref<1x1x10000xf32, #tpu.memory_space<hbm>> -> memref<10000xf32, #tpu.memory_space<hbm>>
        tpu.enqueue_dma source(%arg11 : memref<10000xf32, #tpu.memory_space<vmem_shared>>) target(%dma_start3A_44 : memref<10000xf32, #tpu.memory_space<hbm>>) target_semaphore(%run_scoped3A_42 : memref<!tpu.dma_semaphore, #tpu.memory_space<semaphore_mem>>)
        %dma_wait3A = arith.constant 0 : i32
        %dma_wait3A_45 = tpu.memref_slice %arg4[%arg0, %run_scoped3A, %dma_wait3A] : memref<2x2x10000xf32, #tpu.memory_space<hbm>> -> memref<1x1x10000xf32, #tpu.memory_space<hbm>>
        %dma_wait3A_46 = tpu.memref_squeeze %dma_wait3A_45 : memref<1x1x10000xf32, #tpu.memory_space<hbm>> -> memref<10000xf32, #tpu.memory_space<hbm>>
        tpu.wait_dma2 semaphore(%run_scoped3A_42 : memref<!tpu.dma_semaphore, #tpu.memory_space<semaphore_mem>>) src(%arg11 : memref<10000xf32, #tpu.memory_space<vmem_shared>>) dst(%dma_wait3A_46 : memref<10000xf32, #tpu.memory_space<hbm>>)
        tpu.yield
      }) : () -> ()
    } else {
    }
    %eq3A_37 = arith.constant 1 : i32
    %eq3A_38 = arith.cmpi eq, %arg1, %eq3A_37 : i32
    %convert_element_type3A_39 = arith.extui %eq3A_38 : i1 to i32
    %cond3A_40 = arith.constant 0 : i32
    %cond3A_41 = arith.cmpi ne, %convert_element_type3A_39, %cond3A_40 : i32
    scf.if %cond3A_41 {
      %run_scoped3A = arith.constant 1 : i32
      "tpu.region"() ({
        %run_scoped3A_42 = tpu.sem_alloc : memref<!tpu.dma_semaphore, #tpu.memory_space<semaphore_mem>>
        %dma_start3A = arith.constant 0 : i32
        %dma_start3A_43 = tpu.memref_slice %arg4[%arg0, %run_scoped3A, %dma_start3A] : memref<2x2x10000xf32, #tpu.memory_space<hbm>> -> memref<1x1x10000xf32, #tpu.memory_space<hbm>>
        %dma_start3A_44 = tpu.memref_squeeze %dma_start3A_43 : memref<1x1x10000xf32, #tpu.memory_space<hbm>> -> memref<10000xf32, #tpu.memory_space<hbm>>
        tpu.enqueue_dma source(%arg12 : memref<10000xf32, #tpu.memory_space<vmem_shared>>) target(%dma_start3A_44 : memref<10000xf32, #tpu.memory_space<hbm>>) target_semaphore(%run_scoped3A_42 : memref<!tpu.dma_semaphore, #tpu.memory_space<semaphore_mem>>)
        %dma_wait3A = arith.constant 0 : i32
        %dma_wait3A_45 = tpu.memref_slice %arg4[%arg0, %run_scoped3A, %dma_wait3A] : memref<2x2x10000xf32, #tpu.memory_space<hbm>> -> memref<1x1x10000xf32, #tpu.memory_space<hbm>>
        %dma_wait3A_46 = tpu.memref_squeeze %dma_wait3A_45 : memref<1x1x10000xf32, #tpu.memory_space<hbm>> -> memref<10000xf32, #tpu.memory_space<hbm>>
        tpu.wait_dma2 semaphore(%run_scoped3A_42 : memref<!tpu.dma_semaphore, #tpu.memory_space<semaphore_mem>>) src(%arg12 : memref<10000xf32, #tpu.memory_space<vmem_shared>>) dst(%dma_wait3A_46 : memref<10000xf32, #tpu.memory_space<hbm>>)
        tpu.yield
      }) : () -> ()
    } else {
    }
    return
  }
}

#map = affine_map<(d0, d1) -> (0, 0)>
#map1 = affine_map<(d0, d1) -> (0)>
module attributes {stable_mosaic.version = 14 : i64} {
  func.func @_gather_rows_body(%arg0: i32, %arg1: i32, %arg2: memref<10000x128xf32, #tpu.memory_space<hbm>>, %arg3: memref<36864xi32, #tpu.memory_space<hbm>>, %arg4: memref<36864x128xf32, #tpu.memory_space<hbm>>, %arg5: memref<128xi32, #tpu.memory_space<vmem>>, %arg6: memref<128x128xf32, #tpu.memory_space<vmem>>, %arg7: memref<!tpu.dma_semaphore, #tpu.memory_space<semaphore_mem>>) attributes {dimension_semantics = [#tpu.dimension_semantics<core_parallel>, #tpu.dimension_semantics<subcore_parallel>], iteration_bounds = array<i64: 2, 16>, scalar_prefetch = 0 : i64, scratch_operands = 3 : i64, tpu.core_type = #tpu.core_type<sc_vector_subcore>, window_params = [{transform_indices = #map}, {transform_indices = #map1}, {transform_indices = #map}]} {
    %mul3A = arith.constant 2 : i32
    %mul3A_0 = arith.muli %arg1, %mul3A : i32
    %add3A = arith.addi %mul3A_0, %arg0 : i32
    %mul3A_1 = arith.constant 1152 : i32
    %mul3A_2 = arith.muli %add3A, %mul3A_1 : i32
    %scan3A = arith.constant 0 : i32
    %scan3A_3 = arith.constant 0 : i32
    %scan3A_4 = arith.constant 9 : i32
    %scan3A_5 = arith.addi %scan3A_3, %scan3A_4 : i32
    %scan3A_6 = arith.constant 1 : i32
    %scan3A_7 = scf.for %scan3A_9 = %scan3A_3 to %scan3A_5 step %scan3A_6 iter_args(%scan3A_10 = %scan3A) -> (i32)  : i32 {
      %mul3A_11 = arith.constant 128 : i32
      %mul3A_12 = arith.muli %scan3A_9, %mul3A_11 : i32
      %add3A_13 = arith.addi %mul3A_2, %mul3A_12 : i32
      "tpu.region"() ({
        %run_scoped3A = tpu.sem_alloc : memref<!tpu.dma_semaphore, #tpu.memory_space<semaphore_mem>>
        %dma_start3A_19 = tpu.memref_slice %arg3[%add3A_13] : memref<36864xi32, #tpu.memory_space<hbm>> -> memref<128xi32, #tpu.memory_space<hbm>>
        %dma_start3A_20 = tpu.memref_slice %arg3[%add3A_13] : memref<36864xi32, #tpu.memory_space<hbm>> -> memref<128xi32, #tpu.memory_space<hbm>>
        tpu.enqueue_dma source(%dma_start3A_20 : memref<128xi32, #tpu.memory_space<hbm>>) target(%arg5 : memref<128xi32, #tpu.memory_space<vmem>>) target_semaphore(%run_scoped3A : memref<!tpu.dma_semaphore, #tpu.memory_space<semaphore_mem>>)
        %dma_wait3A_21 = tpu.memref_slice %arg3[%add3A_13] : memref<36864xi32, #tpu.memory_space<hbm>> -> memref<128xi32, #tpu.memory_space<hbm>>
        %dma_wait3A_22 = tpu.memref_slice %arg3[%add3A_13] : memref<36864xi32, #tpu.memory_space<hbm>> -> memref<128xi32, #tpu.memory_space<hbm>>
        tpu.wait_dma2 semaphore(%run_scoped3A : memref<!tpu.dma_semaphore, #tpu.memory_space<semaphore_mem>>) src(%dma_wait3A_22 : memref<128xi32, #tpu.memory_space<hbm>>) dst(%arg5 : memref<128xi32, #tpu.memory_space<vmem>>)
        tpu.yield
      }) : () -> ()
      %dma_start3A = arith.constant 0 : i32
      %dma_start3A_14 = arith.constant 0 : i32
      %dma_start3A_15 = tpu.memref_slice %arg2[%dma_start3A, %dma_start3A_14] : memref<10000x128xf32, #tpu.memory_space<hbm>> -> memref<10000x128xf32, #tpu.memory_space<hbm>>
      tpu.enqueue_indirect_dma source(%dma_start3A_15 : memref<10000x128xf32, #tpu.memory_space<hbm>>) target(%arg6 : memref<128x128xf32, #tpu.memory_space<vmem>>) offsets(%arg5 : memref<128xi32, #tpu.memory_space<vmem>>) semaphore(%arg7 : memref<!tpu.dma_semaphore, #tpu.memory_space<semaphore_mem>>)
      %dma_wait3A = arith.constant 0 : i32
      %dma_wait3A_16 = arith.constant 0 : i32
      %dma_wait3A_17 = tpu.memref_slice %arg2[%dma_wait3A, %dma_wait3A_16] : memref<10000x128xf32, #tpu.memory_space<hbm>> -> memref<10000x128xf32, #tpu.memory_space<hbm>>
      tpu.wait_indirect_dma semaphore(%arg7 : memref<!tpu.dma_semaphore, #tpu.memory_space<semaphore_mem>>) src(%dma_wait3A_17 : memref<10000x128xf32, #tpu.memory_space<hbm>>) dst(%arg6 : memref<128x128xf32, #tpu.memory_space<vmem>>)
      "tpu.region"() ({
        %run_scoped3A = tpu.sem_alloc : memref<!tpu.dma_semaphore, #tpu.memory_space<semaphore_mem>>
        %dma_start3A_19 = arith.constant 0 : i32
        %dma_start3A_20 = tpu.memref_slice %arg4[%add3A_13, %dma_start3A_19] : memref<36864x128xf32, #tpu.memory_space<hbm>> -> memref<128x128xf32, #tpu.memory_space<hbm>>
        %dma_start3A_21 = arith.constant 0 : i32
        %dma_start3A_22 = tpu.memref_slice %arg4[%add3A_13, %dma_start3A_21] : memref<36864x128xf32, #tpu.memory_space<hbm>> -> memref<128x128xf32, #tpu.memory_space<hbm>>
        tpu.enqueue_dma source(%arg6 : memref<128x128xf32, #tpu.memory_space<vmem>>) target(%dma_start3A_22 : memref<128x128xf32, #tpu.memory_space<hbm>>) target_semaphore(%run_scoped3A : memref<!tpu.dma_semaphore, #tpu.memory_space<semaphore_mem>>)
        %dma_wait3A_23 = arith.constant 0 : i32
        %dma_wait3A_24 = tpu.memref_slice %arg4[%add3A_13, %dma_wait3A_23] : memref<36864x128xf32, #tpu.memory_space<hbm>> -> memref<128x128xf32, #tpu.memory_space<hbm>>
        %dma_wait3A_25 = arith.constant 0 : i32
        %dma_wait3A_26 = tpu.memref_slice %arg4[%add3A_13, %dma_wait3A_25] : memref<36864x128xf32, #tpu.memory_space<hbm>> -> memref<128x128xf32, #tpu.memory_space<hbm>>
        tpu.wait_dma2 semaphore(%run_scoped3A : memref<!tpu.dma_semaphore, #tpu.memory_space<semaphore_mem>>) src(%arg6 : memref<128x128xf32, #tpu.memory_space<vmem>>) dst(%dma_wait3A_26 : memref<128x128xf32, #tpu.memory_space<hbm>>)
        tpu.yield
      }) : () -> ()
      %scan3A_18 = arith.constant 0 : i32
      scf.yield %scan3A_18 : i32
    }
    %scan3A_8 = arith.constant 9 : i32
    return
  }
}

#map = affine_map<(d0, d1) -> (0, 0)>
#map1 = affine_map<(d0, d1) -> (0)>
#map2 = affine_map<(d0, d1) -> (0, 0, 0)>
module attributes {stable_mosaic.version = 14 : i64} {
  func.func @_combine_body(%arg0: i32, %arg1: i32, %arg2: memref<36864x128xf32, #tpu.memory_space<hbm>>, %arg3: memref<36864xi32, #tpu.memory_space<hbm>>, %arg4: memref<2x10240x128xf32, #tpu.memory_space<hbm>>, %arg5: memref<128xi32, #tpu.memory_space<vmem>>, %arg6: memref<128x128xf32, #tpu.memory_space<vmem>>, %arg7: memref<32x128xf32, #tpu.memory_space<vmem>>, %arg8: memref<10240x128xf32, #tpu.memory_space<vmem_shared>>, %arg9: memref<!tpu.dma_semaphore, #tpu.memory_space<semaphore_mem>>) attributes {dimension_semantics = [#tpu.dimension_semantics<core_parallel>, #tpu.dimension_semantics<subcore_parallel>], iteration_bounds = array<i64: 2, 16>, scalar_prefetch = 0 : i64, scratch_operands = 5 : i64, tpu.core_type = #tpu.core_type<sc_vector_subcore>, window_params = [{transform_indices = #map}, {transform_indices = #map1}, {transform_indices = #map2}]} {
    %mul3A = arith.constant 2 : i32
    %mul3A_0 = arith.muli %arg1, %mul3A : i32
    %add3A = arith.addi %mul3A_0, %arg0 : i32
    %broadcast_in_dim3A = arith.constant 0.000000e+00 : f32
    %broadcast_in_dim3A_1 = vector.broadcast %broadcast_in_dim3A : f32 to vector<16xf32>
    %scan3A = arith.constant 0 : i32
    %scan3A_2 = arith.constant 0 : i32
    %scan3A_3 = arith.constant 32 : i32
    %scan3A_4 = arith.addi %scan3A_2, %scan3A_3 : i32
    %scan3A_5 = arith.constant 1 : i32
    %scan3A_6 = scf.for %scan3A_176 = %scan3A_2 to %scan3A_4 step %scan3A_5 iter_args(%scan3A_177 = %scan3A) -> (i32)  : i32 {
      %scan3A_178 = arith.constant 0 : i32
      %scan3A_179 = arith.constant 0 : i32
      %scan3A_180 = arith.constant 8 : i32
      %scan3A_181 = arith.addi %scan3A_179, %scan3A_180 : i32
      %scan3A_182 = arith.constant 1 : i32
      %scan3A_183 = scf.for %scan3A_186 = %scan3A_179 to %scan3A_181 step %scan3A_182 iter_args(%scan3A_187 = %scan3A_178) -> (i32)  : i32 {
        %mul3A_188 = arith.constant 16 : i32
        %mul3A_189 = arith.muli %scan3A_186, %mul3A_188 : i32
        %swap3A = arith.index_cast %scan3A_176 : i32 to index
        %swap3A_190 = arith.index_cast %mul3A_189 : i32 to index
        %swap3A_191 = tpu.vector_load %arg7[%swap3A, %swap3A_190] {strides = array<i32>} : memref<32x128xf32, #tpu.memory_space<vmem>>, vector<1x16xf32>,
        %swap3A_192 = vector.shape_cast %swap3A_191 : vector<1x16xf32> to vector<16xf32>
        %swap3A_193 = vector.shape_cast %broadcast_in_dim3A_1 : vector<16xf32> to vector<1x16xf32>
        tpu.vector_store %arg7[%swap3A, %swap3A_190], %swap3A_193 {strides = array<i32>} : memref<32x128xf32, #tpu.memory_space<vmem>>, vector<1x16xf32>,
        %scan3A_194 = arith.constant 0 : i32
        scf.yield %scan3A_194 : i32
      }
      %scan3A_184 = arith.constant 8 : i32
      %scan3A_185 = arith.constant 0 : i32
      scf.yield %scan3A_185 : i32
    }
    %scan3A_7 = arith.constant 32 : i32
    %mul3A_8 = arith.constant 640 : i32
    %mul3A_9 = arith.muli %arg1, %mul3A_8 : i32
    %add3A_10 = arith.constant 0 : i32
    %add3A_11 = arith.addi %mul3A_9, %add3A_10 : i32
    "tpu.region"() ({
      %run_scoped3A = tpu.sem_alloc : memref<!tpu.dma_semaphore, #tpu.memory_space<semaphore_mem>>
      %dma_start3A = arith.constant 0 : i32
      %dma_start3A_176 = tpu.memref_slice %arg8[%add3A_11, %dma_start3A] : memref<10240x128xf32, #tpu.memory_space<vmem_shared>> -> memref<32x128xf32, #tpu.memory_space<vmem_shared>>
      %dma_start3A_177 = arith.constant 0 : i32
      %dma_start3A_178 = tpu.memref_slice %arg8[%add3A_11, %dma_start3A_177] : memref<10240x128xf32, #tpu.memory_space<vmem_shared>> -> memref<32x128xf32, #tpu.memory_space<vmem_shared>>
      tpu.enqueue_dma source(%arg7 : memref<32x128xf32, #tpu.memory_space<vmem>>) target(%dma_start3A_178 : memref<32x128xf32, #tpu.memory_space<vmem_shared>>) target_semaphore(%run_scoped3A : memref<!tpu.dma_semaphore, #tpu.memory_space<semaphore_mem>>)
      %dma_wait3A = arith.constant 0 : i32
      %dma_wait3A_179 = tpu.memref_slice %arg8[%add3A_11, %dma_wait3A] : memref<10240x128xf32, #tpu.memory_space<vmem_shared>> -> memref<32x128xf32, #tpu.memory_space<vmem_shared>>
      %dma_wait3A_180 = arith.constant 0 : i32
      %dma_wait3A_181 = tpu.memref_slice %arg8[%add3A_11, %dma_wait3A_180] : memref<10240x128xf32, #tpu.memory_space<vmem_shared>> -> memref<32x128xf32, #tpu.memory_space<vmem_shared>>
      tpu.wait_dma2 semaphore(%run_scoped3A : memref<!tpu.dma_semaphore, #tpu.memory_space<semaphore_mem>>) src(%arg7 : memref<32x128xf32, #tpu.memory_space<vmem>>) dst(%dma_wait3A_181 : memref<32x128xf32, #tpu.memory_space<vmem_shared>>)
      tpu.yield
    }) : () -> ()
    %mul3A_12 = arith.constant 640 : i32
    %mul3A_13 = arith.muli %arg1, %mul3A_12 : i32
    %add3A_14 = arith.constant 32 : i32
    %add3A_15 = arith.addi %mul3A_13, %add3A_14 : i32
    "tpu.region"() ({
      %run_scoped3A = tpu.sem_alloc : memref<!tpu.dma_semaphore, #tpu.memory_space<semaphore_mem>>
      %dma_start3A = arith.constant 0 : i32
      %dma_start3A_176 = tpu.memref_slice %arg8[%add3A_15, %dma_start3A] : memref<10240x128xf32, #tpu.memory_space<vmem_shared>> -> memref<32x128xf32, #tpu.memory_space<vmem_shared>>
      %dma_start3A_177 = arith.constant 0 : i32
      %dma_start3A_178 = tpu.memref_slice %arg8[%add3A_15, %dma_start3A_177] : memref<10240x128xf32, #tpu.memory_space<vmem_shared>> -> memref<32x128xf32, #tpu.memory_space<vmem_shared>>
      tpu.enqueue_dma source(%arg7 : memref<32x128xf32, #tpu.memory_space<vmem>>) target(%dma_start3A_178 : memref<32x128xf32, #tpu.memory_space<vmem_shared>>) target_semaphore(%run_scoped3A : memref<!tpu.dma_semaphore, #tpu.memory_space<semaphore_mem>>)
      %dma_wait3A = arith.constant 0 : i32
      %dma_wait3A_179 = tpu.memref_slice %arg8[%add3A_15, %dma_wait3A] : memref<10240x128xf32, #tpu.memory_space<vmem_shared>> -> memref<32x128xf32, #tpu.memory_space<vmem_shared>>
      %dma_wait3A_180 = arith.constant 0 : i32
      %dma_wait3A_181 = tpu.memref_slice %arg8[%add3A_15, %dma_wait3A_180] : memref<10240x128xf32, #tpu.memory_space<vmem_shared>> -> memref<32x128xf32, #tpu.memory_space<vmem_shared>>
      tpu.wait_dma2 semaphore(%run_scoped3A : memref<!tpu.dma_semaphore, #tpu.memory_space<semaphore_mem>>) src(%arg7 : memref<32x128xf32, #tpu.memory_space<vmem>>) dst(%dma_wait3A_181 : memref<32x128xf32, #tpu.memory_space<vmem_shared>>)
      tpu.yield
    }) : () -> ()
    %mul3A_16 = arith.constant 640 : i32
    %mul3A_17 = arith.muli %arg1, %mul3A_16 : i32
    %add3A_18 = arith.constant 64 : i32
    %add3A_19 = arith.addi %mul3A_17, %add3A_18 : i32
    "tpu.region"() ({
      %run_scoped3A = tpu.sem_alloc : memref<!tpu.dma_semaphore, #tpu.memory_space<semaphore_mem>>
      %dma_start3A = arith.constant 0 : i32
      %dma_start3A_176 = tpu.memref_slice %arg8[%add3A_19, %dma_start3A] : memref<10240x128xf32, #tpu.memory_space<vmem_shared>> -> memref<32x128xf32, #tpu.memory_space<vmem_shared>>
      %dma_start3A_177 = arith.constant 0 : i32
      %dma_start3A_178 = tpu.memref_slice %arg8[%add3A_19, %dma_start3A_177] : memref<10240x128xf32, #tpu.memory_space<vmem_shared>> -> memref<32x128xf32, #tpu.memory_space<vmem_shared>>
      tpu.enqueue_dma source(%arg7 : memref<32x128xf32, #tpu.memory_space<vmem>>) target(%dma_start3A_178 : memref<32x128xf32, #tpu.memory_space<vmem_shared>>) target_semaphore(%run_scoped3A : memref<!tpu.dma_semaphore, #tpu.memory_space<semaphore_mem>>)
      %dma_wait3A = arith.constant 0 : i32
      %dma_wait3A_179 = tpu.memref_slice %arg8[%add3A_19, %dma_wait3A] : memref<10240x128xf32, #tpu.memory_space<vmem_shared>> -> memref<32x128xf32, #tpu.memory_space<vmem_shared>>
      %dma_wait3A_180 = arith.constant 0 : i32
      %dma_wait3A_181 = tpu.memref_slice %arg8[%add3A_19, %dma_wait3A_180] : memref<10240x128xf32, #tpu.memory_space<vmem_shared>> -> memref<32x128xf32, #tpu.memory_space<vmem_shared>>
      tpu.wait_dma2 semaphore(%run_scoped3A : memref<!tpu.dma_semaphore, #tpu.memory_space<semaphore_mem>>) src(%arg7 : memref<32x128xf32, #tpu.memory_space<vmem>>) dst(%dma_wait3A_181 : memref<32x128xf32, #tpu.memory_space<vmem_shared>>)
      tpu.yield
    }) : () -> ()
    %mul3A_20 = arith.constant 640 : i32
    %mul3A_21 = arith.muli %arg1, %mul3A_20 : i32
    %add3A_22 = arith.constant 96 : i32
    %add3A_23 = arith.addi %mul3A_21, %add3A_22 : i32
    "tpu.region"() ({
      %run_scoped3A = tpu.sem_alloc : memref<!tpu.dma_semaphore, #tpu.memory_space<semaphore_mem>>
      %dma_start3A = arith.constant 0 : i32
      %dma_start3A_176 = tpu.memref_slice %arg8[%add3A_23, %dma_start3A] : memref<10240x128xf32, #tpu.memory_space<vmem_shared>> -> memref<32x128xf32, #tpu.memory_space<vmem_shared>>
      %dma_start3A_177 = arith.constant 0 : i32
      %dma_start3A_178 = tpu.memref_slice %arg8[%add3A_23, %dma_start3A_177] : memref<10240x128xf32, #tpu.memory_space<vmem_shared>> -> memref<32x128xf32, #tpu.memory_space<vmem_shared>>
      tpu.enqueue_dma source(%arg7 : memref<32x128xf32, #tpu.memory_space<vmem>>) target(%dma_start3A_178 : memref<32x128xf32, #tpu.memory_space<vmem_shared>>) target_semaphore(%run_scoped3A : memref<!tpu.dma_semaphore, #tpu.memory_space<semaphore_mem>>)
      %dma_wait3A = arith.constant 0 : i32
      %dma_wait3A_179 = tpu.memref_slice %arg8[%add3A_23, %dma_wait3A] : memref<10240x128xf32, #tpu.memory_space<vmem_shared>> -> memref<32x128xf32, #tpu.memory_space<vmem_shared>>
      %dma_wait3A_180 = arith.constant 0 : i32
      %dma_wait3A_181 = tpu.memref_slice %arg8[%add3A_23, %dma_wait3A_180] : memref<10240x128xf32, #tpu.memory_space<vmem_shared>> -> memref<32x128xf32, #tpu.memory_space<vmem_shared>>
      tpu.wait_dma2 semaphore(%run_scoped3A : memref<!tpu.dma_semaphore, #tpu.memory_space<semaphore_mem>>) src(%arg7 : memref<32x128xf32, #tpu.memory_space<vmem>>) dst(%dma_wait3A_181 : memref<32x128xf32, #tpu.memory_space<vmem_shared>>)
      tpu.yield
    }) : () -> ()
    %mul3A_24 = arith.constant 640 : i32
    %mul3A_25 = arith.muli %arg1, %mul3A_24 : i32
    %add3A_26 = arith.constant 128 : i32
    %add3A_27 = arith.addi %mul3A_25, %add3A_26 : i32
    "tpu.region"() ({
      %run_scoped3A = tpu.sem_alloc : memref<!tpu.dma_semaphore, #tpu.memory_space<semaphore_mem>>
      %dma_start3A = arith.constant 0 : i32
      %dma_start3A_176 = tpu.memref_slice %arg8[%add3A_27, %dma_start3A] : memref<10240x128xf32, #tpu.memory_space<vmem_shared>> -> memref<32x128xf32, #tpu.memory_space<vmem_shared>>
      %dma_start3A_177 = arith.constant 0 : i32
      %dma_start3A_178 = tpu.memref_slice %arg8[%add3A_27, %dma_start3A_177] : memref<10240x128xf32, #tpu.memory_space<vmem_shared>> -> memref<32x128xf32, #tpu.memory_space<vmem_shared>>
      tpu.enqueue_dma source(%arg7 : memref<32x128xf32, #tpu.memory_space<vmem>>) target(%dma_start3A_178 : memref<32x128xf32, #tpu.memory_space<vmem_shared>>) target_semaphore(%run_scoped3A : memref<!tpu.dma_semaphore, #tpu.memory_space<semaphore_mem>>)
      %dma_wait3A = arith.constant 0 : i32
      %dma_wait3A_179 = tpu.memref_slice %arg8[%add3A_27, %dma_wait3A] : memref<10240x128xf32, #tpu.memory_space<vmem_shared>> -> memref<32x128xf32, #tpu.memory_space<vmem_shared>>
      %dma_wait3A_180 = arith.constant 0 : i32
      %dma_wait3A_181 = tpu.memref_slice %arg8[%add3A_27, %dma_wait3A_180] : memref<10240x128xf32, #tpu.memory_space<vmem_shared>> -> memref<32x128xf32, #tpu.memory_space<vmem_shared>>
      tpu.wait_dma2 semaphore(%run_scoped3A : memref<!tpu.dma_semaphore, #tpu.memory_space<semaphore_mem>>) src(%arg7 : memref<32x128xf32, #tpu.memory_space<vmem>>) dst(%dma_wait3A_181 : memref<32x128xf32, #tpu.memory_space<vmem_shared>>)
      tpu.yield
    }) : () -> ()
    %mul3A_28 = arith.constant 640 : i32
    %mul3A_29 = arith.muli %arg1, %mul3A_28 : i32
    %add3A_30 = arith.constant 160 : i32
    %add3A_31 = arith.addi %mul3A_29, %add3A_30 : i32
    "tpu.region"() ({
      %run_scoped3A = tpu.sem_alloc : memref<!tpu.dma_semaphore, #tpu.memory_space<semaphore_mem>>
      %dma_start3A = arith.constant 0 : i32
      %dma_start3A_176 = tpu.memref_slice %arg8[%add3A_31, %dma_start3A] : memref<10240x128xf32, #tpu.memory_space<vmem_shared>> -> memref<32x128xf32, #tpu.memory_space<vmem_shared>>
      %dma_start3A_177 = arith.constant 0 : i32
      %dma_start3A_178 = tpu.memref_slice %arg8[%add3A_31, %dma_start3A_177] : memref<10240x128xf32, #tpu.memory_space<vmem_shared>> -> memref<32x128xf32, #tpu.memory_space<vmem_shared>>
      tpu.enqueue_dma source(%arg7 : memref<32x128xf32, #tpu.memory_space<vmem>>) target(%dma_start3A_178 : memref<32x128xf32, #tpu.memory_space<vmem_shared>>) target_semaphore(%run_scoped3A : memref<!tpu.dma_semaphore, #tpu.memory_space<semaphore_mem>>)
      %dma_wait3A = arith.constant 0 : i32
      %dma_wait3A_179 = tpu.memref_slice %arg8[%add3A_31, %dma_wait3A] : memref<10240x128xf32, #tpu.memory_space<vmem_shared>> -> memref<32x128xf32, #tpu.memory_space<vmem_shared>>
      %dma_wait3A_180 = arith.constant 0 : i32
      %dma_wait3A_181 = tpu.memref_slice %arg8[%add3A_31, %dma_wait3A_180] : memref<10240x128xf32, #tpu.memory_space<vmem_shared>> -> memref<32x128xf32, #tpu.memory_space<vmem_shared>>
      tpu.wait_dma2 semaphore(%run_scoped3A : memref<!tpu.dma_semaphore, #tpu.memory_space<semaphore_mem>>) src(%arg7 : memref<32x128xf32, #tpu.memory_space<vmem>>) dst(%dma_wait3A_181 : memref<32x128xf32, #tpu.memory_space<vmem_shared>>)
      tpu.yield
    }) : () -> ()
    %mul3A_32 = arith.constant 640 : i32
    %mul3A_33 = arith.muli %arg1, %mul3A_32 : i32
    %add3A_34 = arith.constant 192 : i32
    %add3A_35 = arith.addi %mul3A_33, %add3A_34 : i32
    "tpu.region"() ({
      %run_scoped3A = tpu.sem_alloc : memref<!tpu.dma_semaphore, #tpu.memory_space<semaphore_mem>>
      %dma_start3A = arith.constant 0 : i32
      %dma_start3A_176 = tpu.memref_slice %arg8[%add3A_35, %dma_start3A] : memref<10240x128xf32, #tpu.memory_space<vmem_shared>> -> memref<32x128xf32, #tpu.memory_space<vmem_shared>>
      %dma_start3A_177 = arith.constant 0 : i32
      %dma_start3A_178 = tpu.memref_slice %arg8[%add3A_35, %dma_start3A_177] : memref<10240x128xf32, #tpu.memory_space<vmem_shared>> -> memref<32x128xf32, #tpu.memory_space<vmem_shared>>
      tpu.enqueue_dma source(%arg7 : memref<32x128xf32, #tpu.memory_space<vmem>>) target(%dma_start3A_178 : memref<32x128xf32, #tpu.memory_space<vmem_shared>>) target_semaphore(%run_scoped3A : memref<!tpu.dma_semaphore, #tpu.memory_space<semaphore_mem>>)
      %dma_wait3A = arith.constant 0 : i32
      %dma_wait3A_179 = tpu.memref_slice %arg8[%add3A_35, %dma_wait3A] : memref<10240x128xf32, #tpu.memory_space<vmem_shared>> -> memref<32x128xf32, #tpu.memory_space<vmem_shared>>
      %dma_wait3A_180 = arith.constant 0 : i32
      %dma_wait3A_181 = tpu.memref_slice %arg8[%add3A_35, %dma_wait3A_180] : memref<10240x128xf32, #tpu.memory_space<vmem_shared>> -> memref<32x128xf32, #tpu.memory_space<vmem_shared>>
      tpu.wait_dma2 semaphore(%run_scoped3A : memref<!tpu.dma_semaphore, #tpu.memory_space<semaphore_mem>>) src(%arg7 : memref<32x128xf32, #tpu.memory_space<vmem>>) dst(%dma_wait3A_181 : memref<32x128xf32, #tpu.memory_space<vmem_shared>>)
      tpu.yield
    }) : () -> ()
    %mul3A_36 = arith.constant 640 : i32
    %mul3A_37 = arith.muli %arg1, %mul3A_36 : i32
    %add3A_38 = arith.constant 224 : i32
    %add3A_39 = arith.addi %mul3A_37, %add3A_38 : i32
    "tpu.region"() ({
      %run_scoped3A = tpu.sem_alloc : memref<!tpu.dma_semaphore, #tpu.memory_space<semaphore_mem>>
      %dma_start3A = arith.constant 0 : i32
      %dma_start3A_176 = tpu.memref_slice %arg8[%add3A_39, %dma_start3A] : memref<10240x128xf32, #tpu.memory_space<vmem_shared>> -> memref<32x128xf32, #tpu.memory_space<vmem_shared>>
      %dma_start3A_177 = arith.constant 0 : i32
      %dma_start3A_178 = tpu.memref_slice %arg8[%add3A_39, %dma_start3A_177] : memref<10240x128xf32, #tpu.memory_space<vmem_shared>> -> memref<32x128xf32, #tpu.memory_space<vmem_shared>>
      tpu.enqueue_dma source(%arg7 : memref<32x128xf32, #tpu.memory_space<vmem>>) target(%dma_start3A_178 : memref<32x128xf32, #tpu.memory_space<vmem_shared>>) target_semaphore(%run_scoped3A : memref<!tpu.dma_semaphore, #tpu.memory_space<semaphore_mem>>)
      %dma_wait3A = arith.constant 0 : i32
      %dma_wait3A_179 = tpu.memref_slice %arg8[%add3A_39, %dma_wait3A] : memref<10240x128xf32, #tpu.memory_space<vmem_shared>> -> memref<32x128xf32, #tpu.memory_space<vmem_shared>>
      %dma_wait3A_180 = arith.constant 0 : i32
      %dma_wait3A_181 = tpu.memref_slice %arg8[%add3A_39, %dma_wait3A_180] : memref<10240x128xf32, #tpu.memory_space<vmem_shared>> -> memref<32x128xf32, #tpu.memory_space<vmem_shared>>
      tpu.wait_dma2 semaphore(%run_scoped3A : memref<!tpu.dma_semaphore, #tpu.memory_space<semaphore_mem>>) src(%arg7 : memref<32x128xf32, #tpu.memory_space<vmem>>) dst(%dma_wait3A_181 : memref<32x128xf32, #tpu.memory_space<vmem_shared>>)
      tpu.yield
    }) : () -> ()
    %mul3A_40 = arith.constant 640 : i32
    %mul3A_41 = arith.muli %arg1, %mul3A_40 : i32
    %add3A_42 = arith.constant 256 : i32
    %add3A_43 = arith.addi %mul3A_41, %add3A_42 : i32
    "tpu.region"() ({
      %run_scoped3A = tpu.sem_alloc : memref<!tpu.dma_semaphore, #tpu.memory_space<semaphore_mem>>
      %dma_start3A = arith.constant 0 : i32
      %dma_start3A_176 = tpu.memref_slice %arg8[%add3A_43, %dma_start3A] : memref<10240x128xf32, #tpu.memory_space<vmem_shared>> -> memref<32x128xf32, #tpu.memory_space<vmem_shared>>
      %dma_start3A_177 = arith.constant 0 : i32
      %dma_start3A_178 = tpu.memref_slice %arg8[%add3A_43, %dma_start3A_177] : memref<10240x128xf32, #tpu.memory_space<vmem_shared>> -> memref<32x128xf32, #tpu.memory_space<vmem_shared>>
      tpu.enqueue_dma source(%arg7 : memref<32x128xf32, #tpu.memory_space<vmem>>) target(%dma_start3A_178 : memref<32x128xf32, #tpu.memory_space<vmem_shared>>) target_semaphore(%run_scoped3A : memref<!tpu.dma_semaphore, #tpu.memory_space<semaphore_mem>>)
      %dma_wait3A = arith.constant 0 : i32
      %dma_wait3A_179 = tpu.memref_slice %arg8[%add3A_43, %dma_wait3A] : memref<10240x128xf32, #tpu.memory_space<vmem_shared>> -> memref<32x128xf32, #tpu.memory_space<vmem_shared>>
      %dma_wait3A_180 = arith.constant 0 : i32
      %dma_wait3A_181 = tpu.memref_slice %arg8[%add3A_43, %dma_wait3A_180] : memref<10240x128xf32, #tpu.memory_space<vmem_shared>> -> memref<32x128xf32, #tpu.memory_space<vmem_shared>>
      tpu.wait_dma2 semaphore(%run_scoped3A : memref<!tpu.dma_semaphore, #tpu.memory_space<semaphore_mem>>) src(%arg7 : memref<32x128xf32, #tpu.memory_space<vmem>>) dst(%dma_wait3A_181 : memref<32x128xf32, #tpu.memory_space<vmem_shared>>)
      tpu.yield
    }) : () -> ()
    %mul3A_44 = arith.constant 640 : i32
    %mul3A_45 = arith.muli %arg1, %mul3A_44 : i32
    %add3A_46 = arith.constant 288 : i32
    %add3A_47 = arith.addi %mul3A_45, %add3A_46 : i32
    "tpu.region"() ({
      %run_scoped3A = tpu.sem_alloc : memref<!tpu.dma_semaphore, #tpu.memory_space<semaphore_mem>>
      %dma_start3A = arith.constant 0 : i32
      %dma_start3A_176 = tpu.memref_slice %arg8[%add3A_47, %dma_start3A] : memref<10240x128xf32, #tpu.memory_space<vmem_shared>> -> memref<32x128xf32, #tpu.memory_space<vmem_shared>>
      %dma_start3A_177 = arith.constant 0 : i32
      %dma_start3A_178 = tpu.memref_slice %arg8[%add3A_47, %dma_start3A_177] : memref<10240x128xf32, #tpu.memory_space<vmem_shared>> -> memref<32x128xf32, #tpu.memory_space<vmem_shared>>
      tpu.enqueue_dma source(%arg7 : memref<32x128xf32, #tpu.memory_space<vmem>>) target(%dma_start3A_178 : memref<32x128xf32, #tpu.memory_space<vmem_shared>>) target_semaphore(%run_scoped3A : memref<!tpu.dma_semaphore, #tpu.memory_space<semaphore_mem>>)
      %dma_wait3A = arith.constant 0 : i32
      %dma_wait3A_179 = tpu.memref_slice %arg8[%add3A_47, %dma_wait3A] : memref<10240x128xf32, #tpu.memory_space<vmem_shared>> -> memref<32x128xf32, #tpu.memory_space<vmem_shared>>
      %dma_wait3A_180 = arith.constant 0 : i32
      %dma_wait3A_181 = tpu.memref_slice %arg8[%add3A_47, %dma_wait3A_180] : memref<10240x128xf32, #tpu.memory_space<vmem_shared>> -> memref<32x128xf32, #tpu.memory_space<vmem_shared>>
      tpu.wait_dma2 semaphore(%run_scoped3A : memref<!tpu.dma_semaphore, #tpu.memory_space<semaphore_mem>>) src(%arg7 : memref<32x128xf32, #tpu.memory_space<vmem>>) dst(%dma_wait3A_181 : memref<32x128xf32, #tpu.memory_space<vmem_shared>>)
      tpu.yield
    }) : () -> ()
    %mul3A_48 = arith.constant 640 : i32
    %mul3A_49 = arith.muli %arg1, %mul3A_48 : i32
    %add3A_50 = arith.constant 320 : i32
    %add3A_51 = arith.addi %mul3A_49, %add3A_50 : i32
    "tpu.region"() ({
      %run_scoped3A = tpu.sem_alloc : memref<!tpu.dma_semaphore, #tpu.memory_space<semaphore_mem>>
      %dma_start3A = arith.constant 0 : i32
      %dma_start3A_176 = tpu.memref_slice %arg8[%add3A_51, %dma_start3A] : memref<10240x128xf32, #tpu.memory_space<vmem_shared>> -> memref<32x128xf32, #tpu.memory_space<vmem_shared>>
      %dma_start3A_177 = arith.constant 0 : i32
      %dma_start3A_178 = tpu.memref_slice %arg8[%add3A_51, %dma_start3A_177] : memref<10240x128xf32, #tpu.memory_space<vmem_shared>> -> memref<32x128xf32, #tpu.memory_space<vmem_shared>>
      tpu.enqueue_dma source(%arg7 : memref<32x128xf32, #tpu.memory_space<vmem>>) target(%dma_start3A_178 : memref<32x128xf32, #tpu.memory_space<vmem_shared>>) target_semaphore(%run_scoped3A : memref<!tpu.dma_semaphore, #tpu.memory_space<semaphore_mem>>)
      %dma_wait3A = arith.constant 0 : i32
      %dma_wait3A_179 = tpu.memref_slice %arg8[%add3A_51, %dma_wait3A] : memref<10240x128xf32, #tpu.memory_space<vmem_shared>> -> memref<32x128xf32, #tpu.memory_space<vmem_shared>>
      %dma_wait3A_180 = arith.constant 0 : i32
      %dma_wait3A_181 = tpu.memref_slice %arg8[%add3A_51, %dma_wait3A_180] : memref<10240x128xf32, #tpu.memory_space<vmem_shared>> -> memref<32x128xf32, #tpu.memory_space<vmem_shared>>
      tpu.wait_dma2 semaphore(%run_scoped3A : memref<!tpu.dma_semaphore, #tpu.memory_space<semaphore_mem>>) src(%arg7 : memref<32x128xf32, #tpu.memory_space<vmem>>) dst(%dma_wait3A_181 : memref<32x128xf32, #tpu.memory_space<vmem_shared>>)
      tpu.yield
    }) : () -> ()
    %mul3A_52 = arith.constant 640 : i32
    %mul3A_53 = arith.muli %arg1, %mul3A_52 : i32
    %add3A_54 = arith.constant 352 : i32
    %add3A_55 = arith.addi %mul3A_53, %add3A_54 : i32
    "tpu.region"() ({
      %run_scoped3A = tpu.sem_alloc : memref<!tpu.dma_semaphore, #tpu.memory_space<semaphore_mem>>
      %dma_start3A = arith.constant 0 : i32
      %dma_start3A_176 = tpu.memref_slice %arg8[%add3A_55, %dma_start3A] : memref<10240x128xf32, #tpu.memory_space<vmem_shared>> -> memref<32x128xf32, #tpu.memory_space<vmem_shared>>
      %dma_start3A_177 = arith.constant 0 : i32
      %dma_start3A_178 = tpu.memref_slice %arg8[%add3A_55, %dma_start3A_177] : memref<10240x128xf32, #tpu.memory_space<vmem_shared>> -> memref<32x128xf32, #tpu.memory_space<vmem_shared>>
      tpu.enqueue_dma source(%arg7 : memref<32x128xf32, #tpu.memory_space<vmem>>) target(%dma_start3A_178 : memref<32x128xf32, #tpu.memory_space<vmem_shared>>) target_semaphore(%run_scoped3A : memref<!tpu.dma_semaphore, #tpu.memory_space<semaphore_mem>>)
      %dma_wait3A = arith.constant 0 : i32
      %dma_wait3A_179 = tpu.memref_slice %arg8[%add3A_55, %dma_wait3A] : memref<10240x128xf32, #tpu.memory_space<vmem_shared>> -> memref<32x128xf32, #tpu.memory_space<vmem_shared>>
      %dma_wait3A_180 = arith.constant 0 : i32
      %dma_wait3A_181 = tpu.memref_slice %arg8[%add3A_55, %dma_wait3A_180] : memref<10240x128xf32, #tpu.memory_space<vmem_shared>> -> memref<32x128xf32, #tpu.memory_space<vmem_shared>>
      tpu.wait_dma2 semaphore(%run_scoped3A : memref<!tpu.dma_semaphore, #tpu.memory_space<semaphore_mem>>) src(%arg7 : memref<32x128xf32, #tpu.memory_space<vmem>>) dst(%dma_wait3A_181 : memref<32x128xf32, #tpu.memory_space<vmem_shared>>)
      tpu.yield
    }) : () -> ()
    %mul3A_56 = arith.constant 640 : i32
    %mul3A_57 = arith.muli %arg1, %mul3A_56 : i32
    %add3A_58 = arith.constant 384 : i32
    %add3A_59 = arith.addi %mul3A_57, %add3A_58 : i32
    "tpu.region"() ({
      %run_scoped3A = tpu.sem_alloc : memref<!tpu.dma_semaphore, #tpu.memory_space<semaphore_mem>>
      %dma_start3A = arith.constant 0 : i32
      %dma_start3A_176 = tpu.memref_slice %arg8[%add3A_59, %dma_start3A] : memref<10240x128xf32, #tpu.memory_space<vmem_shared>> -> memref<32x128xf32, #tpu.memory_space<vmem_shared>>
      %dma_start3A_177 = arith.constant 0 : i32
      %dma_start3A_178 = tpu.memref_slice %arg8[%add3A_59, %dma_start3A_177] : memref<10240x128xf32, #tpu.memory_space<vmem_shared>> -> memref<32x128xf32, #tpu.memory_space<vmem_shared>>
      tpu.enqueue_dma source(%arg7 : memref<32x128xf32, #tpu.memory_space<vmem>>) target(%dma_start3A_178 : memref<32x128xf32, #tpu.memory_space<vmem_shared>>) target_semaphore(%run_scoped3A : memref<!tpu.dma_semaphore, #tpu.memory_space<semaphore_mem>>)
      %dma_wait3A = arith.constant 0 : i32
      %dma_wait3A_179 = tpu.memref_slice %arg8[%add3A_59, %dma_wait3A] : memref<10240x128xf32, #tpu.memory_space<vmem_shared>> -> memref<32x128xf32, #tpu.memory_space<vmem_shared>>
      %dma_wait3A_180 = arith.constant 0 : i32
      %dma_wait3A_181 = tpu.memref_slice %arg8[%add3A_59, %dma_wait3A_180] : memref<10240x128xf32, #tpu.memory_space<vmem_shared>> -> memref<32x128xf32, #tpu.memory_space<vmem_shared>>
      tpu.wait_dma2 semaphore(%run_scoped3A : memref<!tpu.dma_semaphore, #tpu.memory_space<semaphore_mem>>) src(%arg7 : memref<32x128xf32, #tpu.memory_space<vmem>>) dst(%dma_wait3A_181 : memref<32x128xf32, #tpu.memory_space<vmem_shared>>)
      tpu.yield
    }) : () -> ()
    %mul3A_60 = arith.constant 640 : i32
    %mul3A_61 = arith.muli %arg1, %mul3A_60 : i32
    %add3A_62 = arith.constant 416 : i32
    %add3A_63 = arith.addi %mul3A_61, %add3A_62 : i32
    "tpu.region"() ({
      %run_scoped3A = tpu.sem_alloc : memref<!tpu.dma_semaphore, #tpu.memory_space<semaphore_mem>>
      %dma_start3A = arith.constant 0 : i32
      %dma_start3A_176 = tpu.memref_slice %arg8[%add3A_63, %dma_start3A] : memref<10240x128xf32, #tpu.memory_space<vmem_shared>> -> memref<32x128xf32, #tpu.memory_space<vmem_shared>>
      %dma_start3A_177 = arith.constant 0 : i32
      %dma_start3A_178 = tpu.memref_slice %arg8[%add3A_63, %dma_start3A_177] : memref<10240x128xf32, #tpu.memory_space<vmem_shared>> -> memref<32x128xf32, #tpu.memory_space<vmem_shared>>
      tpu.enqueue_dma source(%arg7 : memref<32x128xf32, #tpu.memory_space<vmem>>) target(%dma_start3A_178 : memref<32x128xf32, #tpu.memory_space<vmem_shared>>) target_semaphore(%run_scoped3A : memref<!tpu.dma_semaphore, #tpu.memory_space<semaphore_mem>>)
      %dma_wait3A = arith.constant 0 : i32
      %dma_wait3A_179 = tpu.memref_slice %arg8[%add3A_63, %dma_wait3A] : memref<10240x128xf32, #tpu.memory_space<vmem_shared>> -> memref<32x128xf32, #tpu.memory_space<vmem_shared>>
      %dma_wait3A_180 = arith.constant 0 : i32
      %dma_wait3A_181 = tpu.memref_slice %arg8[%add3A_63, %dma_wait3A_180] : memref<10240x128xf32, #tpu.memory_space<vmem_shared>> -> memref<32x128xf32, #tpu.memory_space<vmem_shared>>
      tpu.wait_dma2 semaphore(%run_scoped3A : memref<!tpu.dma_semaphore, #tpu.memory_space<semaphore_mem>>) src(%arg7 : memref<32x128xf32, #tpu.memory_space<vmem>>) dst(%dma_wait3A_181 : memref<32x128xf32, #tpu.memory_space<vmem_shared>>)
      tpu.yield
    }) : () -> ()
    %mul3A_64 = arith.constant 640 : i32
    %mul3A_65 = arith.muli %arg1, %mul3A_64 : i32
    %add3A_66 = arith.constant 448 : i32
    %add3A_67 = arith.addi %mul3A_65, %add3A_66 : i32
    "tpu.region"() ({
      %run_scoped3A = tpu.sem_alloc : memref<!tpu.dma_semaphore, #tpu.memory_space<semaphore_mem>>
      %dma_start3A = arith.constant 0 : i32
      %dma_start3A_176 = tpu.memref_slice %arg8[%add3A_67, %dma_start3A] : memref<10240x128xf32, #tpu.memory_space<vmem_shared>> -> memref<32x128xf32, #tpu.memory_space<vmem_shared>>
      %dma_start3A_177 = arith.constant 0 : i32
      %dma_start3A_178 = tpu.memref_slice %arg8[%add3A_67, %dma_start3A_177] : memref<10240x128xf32, #tpu.memory_space<vmem_shared>> -> memref<32x128xf32, #tpu.memory_space<vmem_shared>>
      tpu.enqueue_dma source(%arg7 : memref<32x128xf32, #tpu.memory_space<vmem>>) target(%dma_start3A_178 : memref<32x128xf32, #tpu.memory_space<vmem_shared>>) target_semaphore(%run_scoped3A : memref<!tpu.dma_semaphore, #tpu.memory_space<semaphore_mem>>)
      %dma_wait3A = arith.constant 0 : i32
      %dma_wait3A_179 = tpu.memref_slice %arg8[%add3A_67, %dma_wait3A] : memref<10240x128xf32, #tpu.memory_space<vmem_shared>> -> memref<32x128xf32, #tpu.memory_space<vmem_shared>>
      %dma_wait3A_180 = arith.constant 0 : i32
      %dma_wait3A_181 = tpu.memref_slice %arg8[%add3A_67, %dma_wait3A_180] : memref<10240x128xf32, #tpu.memory_space<vmem_shared>> -> memref<32x128xf32, #tpu.memory_space<vmem_shared>>
      tpu.wait_dma2 semaphore(%run_scoped3A : memref<!tpu.dma_semaphore, #tpu.memory_space<semaphore_mem>>) src(%arg7 : memref<32x128xf32, #tpu.memory_space<vmem>>) dst(%dma_wait3A_181 : memref<32x128xf32, #tpu.memory_space<vmem_shared>>)
      tpu.yield
    }) : () -> ()
    %mul3A_68 = arith.constant 640 : i32
    %mul3A_69 = arith.muli %arg1, %mul3A_68 : i32
    %add3A_70 = arith.constant 480 : i32
    %add3A_71 = arith.addi %mul3A_69, %add3A_70 : i32
    "tpu.region"() ({
      %run_scoped3A = tpu.sem_alloc : memref<!tpu.dma_semaphore, #tpu.memory_space<semaphore_mem>>
      %dma_start3A = arith.constant 0 : i32
      %dma_start3A_176 = tpu.memref_slice %arg8[%add3A_71, %dma_start3A] : memref<10240x128xf32, #tpu.memory_space<vmem_shared>> -> memref<32x128xf32, #tpu.memory_space<vmem_shared>>
      %dma_start3A_177 = arith.constant 0 : i32
      %dma_start3A_178 = tpu.memref_slice %arg8[%add3A_71, %dma_start3A_177] : memref<10240x128xf32, #tpu.memory_space<vmem_shared>> -> memref<32x128xf32, #tpu.memory_space<vmem_shared>>
      tpu.enqueue_dma source(%arg7 : memref<32x128xf32, #tpu.memory_space<vmem>>) target(%dma_start3A_178 : memref<32x128xf32, #tpu.memory_space<vmem_shared>>) target_semaphore(%run_scoped3A : memref<!tpu.dma_semaphore, #tpu.memory_space<semaphore_mem>>)
      %dma_wait3A = arith.constant 0 : i32
      %dma_wait3A_179 = tpu.memref_slice %arg8[%add3A_71, %dma_wait3A] : memref<10240x128xf32, #tpu.memory_space<vmem_shared>> -> memref<32x128xf32, #tpu.memory_space<vmem_shared>>
      %dma_wait3A_180 = arith.constant 0 : i32
      %dma_wait3A_181 = tpu.memref_slice %arg8[%add3A_71, %dma_wait3A_180] : memref<10240x128xf32, #tpu.memory_space<vmem_shared>> -> memref<32x128xf32, #tpu.memory_space<vmem_shared>>
      tpu.wait_dma2 semaphore(%run_scoped3A : memref<!tpu.dma_semaphore, #tpu.memory_space<semaphore_mem>>) src(%arg7 : memref<32x128xf32, #tpu.memory_space<vmem>>) dst(%dma_wait3A_181 : memref<32x128xf32, #tpu.memory_space<vmem_shared>>)
      tpu.yield
    }) : () -> ()
    %mul3A_72 = arith.constant 640 : i32
    %mul3A_73 = arith.muli %arg1, %mul3A_72 : i32
    %add3A_74 = arith.constant 512 : i32
    %add3A_75 = arith.addi %mul3A_73, %add3A_74 : i32
    "tpu.region"() ({
      %run_scoped3A = tpu.sem_alloc : memref<!tpu.dma_semaphore, #tpu.memory_space<semaphore_mem>>
      %dma_start3A = arith.constant 0 : i32
      %dma_start3A_176 = tpu.memref_slice %arg8[%add3A_75, %dma_start3A] : memref<10240x128xf32, #tpu.memory_space<vmem_shared>> -> memref<32x128xf32, #tpu.memory_space<vmem_shared>>
      %dma_start3A_177 = arith.constant 0 : i32
      %dma_start3A_178 = tpu.memref_slice %arg8[%add3A_75, %dma_start3A_177] : memref<10240x128xf32, #tpu.memory_space<vmem_shared>> -> memref<32x128xf32, #tpu.memory_space<vmem_shared>>
      tpu.enqueue_dma source(%arg7 : memref<32x128xf32, #tpu.memory_space<vmem>>) target(%dma_start3A_178 : memref<32x128xf32, #tpu.memory_space<vmem_shared>>) target_semaphore(%run_scoped3A : memref<!tpu.dma_semaphore, #tpu.memory_space<semaphore_mem>>)
      %dma_wait3A = arith.constant 0 : i32
      %dma_wait3A_179 = tpu.memref_slice %arg8[%add3A_75, %dma_wait3A] : memref<10240x128xf32, #tpu.memory_space<vmem_shared>> -> memref<32x128xf32, #tpu.memory_space<vmem_shared>>
      %dma_wait3A_180 = arith.constant 0 : i32
      %dma_wait3A_181 = tpu.memref_slice %arg8[%add3A_75, %dma_wait3A_180] : memref<10240x128xf32, #tpu.memory_space<vmem_shared>> -> memref<32x128xf32, #tpu.memory_space<vmem_shared>>
      tpu.wait_dma2 semaphore(%run_scoped3A : memref<!tpu.dma_semaphore, #tpu.memory_space<semaphore_mem>>) src(%arg7 : memref<32x128xf32, #tpu.memory_space<vmem>>) dst(%dma_wait3A_181 : memref<32x128xf32, #tpu.memory_space<vmem_shared>>)
      tpu.yield
    }) : () -> ()
    %mul3A_76 = arith.constant 640 : i32
    %mul3A_77 = arith.muli %arg1, %mul3A_76 : i32
    %add3A_78 = arith.constant 544 : i32
    %add3A_79 = arith.addi %mul3A_77, %add3A_78 : i32
    "tpu.region"() ({
      %run_scoped3A = tpu.sem_alloc : memref<!tpu.dma_semaphore, #tpu.memory_space<semaphore_mem>>
      %dma_start3A = arith.constant 0 : i32
      %dma_start3A_176 = tpu.memref_slice %arg8[%add3A_79, %dma_start3A] : memref<10240x128xf32, #tpu.memory_space<vmem_shared>> -> memref<32x128xf32, #tpu.memory_space<vmem_shared>>
      %dma_start3A_177 = arith.constant 0 : i32
      %dma_start3A_178 = tpu.memref_slice %arg8[%add3A_79, %dma_start3A_177] : memref<10240x128xf32, #tpu.memory_space<vmem_shared>> -> memref<32x128xf32, #tpu.memory_space<vmem_shared>>
      tpu.enqueue_dma source(%arg7 : memref<32x128xf32, #tpu.memory_space<vmem>>) target(%dma_start3A_178 : memref<32x128xf32, #tpu.memory_space<vmem_shared>>) target_semaphore(%run_scoped3A : memref<!tpu.dma_semaphore, #tpu.memory_space<semaphore_mem>>)
      %dma_wait3A = arith.constant 0 : i32
      %dma_wait3A_179 = tpu.memref_slice %arg8[%add3A_79, %dma_wait3A] : memref<10240x128xf32, #tpu.memory_space<vmem_shared>> -> memref<32x128xf32, #tpu.memory_space<vmem_shared>>
      %dma_wait3A_180 = arith.constant 0 : i32
      %dma_wait3A_181 = tpu.memref_slice %arg8[%add3A_79, %dma_wait3A_180] : memref<10240x128xf32, #tpu.memory_space<vmem_shared>> -> memref<32x128xf32, #tpu.memory_space<vmem_shared>>
      tpu.wait_dma2 semaphore(%run_scoped3A : memref<!tpu.dma_semaphore, #tpu.memory_space<semaphore_mem>>) src(%arg7 : memref<32x128xf32, #tpu.memory_space<vmem>>) dst(%dma_wait3A_181 : memref<32x128xf32, #tpu.memory_space<vmem_shared>>)
      tpu.yield
    }) : () -> ()
    %mul3A_80 = arith.constant 640 : i32
    %mul3A_81 = arith.muli %arg1, %mul3A_80 : i32
    %add3A_82 = arith.constant 576 : i32
    %add3A_83 = arith.addi %mul3A_81, %add3A_82 : i32
    "tpu.region"() ({
      %run_scoped3A = tpu.sem_alloc : memref<!tpu.dma_semaphore, #tpu.memory_space<semaphore_mem>>
      %dma_start3A = arith.constant 0 : i32
      %dma_start3A_176 = tpu.memref_slice %arg8[%add3A_83, %dma_start3A] : memref<10240x128xf32, #tpu.memory_space<vmem_shared>> -> memref<32x128xf32, #tpu.memory_space<vmem_shared>>
      %dma_start3A_177 = arith.constant 0 : i32
      %dma_start3A_178 = tpu.memref_slice %arg8[%add3A_83, %dma_start3A_177] : memref<10240x128xf32, #tpu.memory_space<vmem_shared>> -> memref<32x128xf32, #tpu.memory_space<vmem_shared>>
      tpu.enqueue_dma source(%arg7 : memref<32x128xf32, #tpu.memory_space<vmem>>) target(%dma_start3A_178 : memref<32x128xf32, #tpu.memory_space<vmem_shared>>) target_semaphore(%run_scoped3A : memref<!tpu.dma_semaphore, #tpu.memory_space<semaphore_mem>>)
      %dma_wait3A = arith.constant 0 : i32
      %dma_wait3A_179 = tpu.memref_slice %arg8[%add3A_83, %dma_wait3A] : memref<10240x128xf32, #tpu.memory_space<vmem_shared>> -> memref<32x128xf32, #tpu.memory_space<vmem_shared>>
      %dma_wait3A_180 = arith.constant 0 : i32
      %dma_wait3A_181 = tpu.memref_slice %arg8[%add3A_83, %dma_wait3A_180] : memref<10240x128xf32, #tpu.memory_space<vmem_shared>> -> memref<32x128xf32, #tpu.memory_space<vmem_shared>>
      tpu.wait_dma2 semaphore(%run_scoped3A : memref<!tpu.dma_semaphore, #tpu.memory_space<semaphore_mem>>) src(%arg7 : memref<32x128xf32, #tpu.memory_space<vmem>>) dst(%dma_wait3A_181 : memref<32x128xf32, #tpu.memory_space<vmem_shared>>)
      tpu.yield
    }) : () -> ()
    %mul3A_84 = arith.constant 640 : i32
    %mul3A_85 = arith.muli %arg1, %mul3A_84 : i32
    %add3A_86 = arith.constant 608 : i32
    %add3A_87 = arith.addi %mul3A_85, %add3A_86 : i32
    "tpu.region"() ({
      %run_scoped3A = tpu.sem_alloc : memref<!tpu.dma_semaphore, #tpu.memory_space<semaphore_mem>>
      %dma_start3A = arith.constant 0 : i32
      %dma_start3A_176 = tpu.memref_slice %arg8[%add3A_87, %dma_start3A] : memref<10240x128xf32, #tpu.memory_space<vmem_shared>> -> memref<32x128xf32, #tpu.memory_space<vmem_shared>>
      %dma_start3A_177 = arith.constant 0 : i32
      %dma_start3A_178 = tpu.memref_slice %arg8[%add3A_87, %dma_start3A_177] : memref<10240x128xf32, #tpu.memory_space<vmem_shared>> -> memref<32x128xf32, #tpu.memory_space<vmem_shared>>
      tpu.enqueue_dma source(%arg7 : memref<32x128xf32, #tpu.memory_space<vmem>>) target(%dma_start3A_178 : memref<32x128xf32, #tpu.memory_space<vmem_shared>>) target_semaphore(%run_scoped3A : memref<!tpu.dma_semaphore, #tpu.memory_space<semaphore_mem>>)
      %dma_wait3A = arith.constant 0 : i32
      %dma_wait3A_179 = tpu.memref_slice %arg8[%add3A_87, %dma_wait3A] : memref<10240x128xf32, #tpu.memory_space<vmem_shared>> -> memref<32x128xf32, #tpu.memory_space<vmem_shared>>
      %dma_wait3A_180 = arith.constant 0 : i32
      %dma_wait3A_181 = tpu.memref_slice %arg8[%add3A_87, %dma_wait3A_180] : memref<10240x128xf32, #tpu.memory_space<vmem_shared>> -> memref<32x128xf32, #tpu.memory_space<vmem_shared>>
      tpu.wait_dma2 semaphore(%run_scoped3A : memref<!tpu.dma_semaphore, #tpu.memory_space<semaphore_mem>>) src(%arg7 : memref<32x128xf32, #tpu.memory_space<vmem>>) dst(%dma_wait3A_181 : memref<32x128xf32, #tpu.memory_space<vmem_shared>>)
      tpu.yield
    }) : () -> ()
    %barrier3A = arith.constant 0 : index
    tpu.barrier barrier_id(%barrier3A)
    %scan3A_88 = arith.constant 0 : i32
    %scan3A_89 = arith.constant 0 : i32
    %scan3A_90 = arith.constant 9 : i32
    %scan3A_91 = arith.addi %scan3A_89, %scan3A_90 : i32
    %scan3A_92 = arith.constant 1 : i32
    %scan3A_93 = scf.for %scan3A_176 = %scan3A_89 to %scan3A_91 step %scan3A_92 iter_args(%scan3A_177 = %scan3A_88) -> (i32)  : i32 {
      %mul3A_178 = arith.constant 1152 : i32
      %mul3A_179 = arith.muli %add3A, %mul3A_178 : i32
      %mul3A_180 = arith.constant 128 : i32
      %mul3A_181 = arith.muli %scan3A_176, %mul3A_180 : i32
      %add3A_182 = arith.addi %mul3A_179, %mul3A_181 : i32
      "tpu.region"() ({
        %run_scoped3A = tpu.sem_alloc : memref<!tpu.dma_semaphore, #tpu.memory_space<semaphore_mem>>
        %dma_start3A = arith.constant 0 : i32
        %dma_start3A_184 = tpu.memref_slice %arg2[%add3A_182, %dma_start3A] : memref<36864x128xf32, #tpu.memory_space<hbm>> -> memref<128x128xf32, #tpu.memory_space<hbm>>
        %dma_start3A_185 = arith.constant 0 : i32
        %dma_start3A_186 = tpu.memref_slice %arg2[%add3A_182, %dma_start3A_185] : memref<36864x128xf32, #tpu.memory_space<hbm>> -> memref<128x128xf32, #tpu.memory_space<hbm>>
        tpu.enqueue_dma source(%dma_start3A_186 : memref<128x128xf32, #tpu.memory_space<hbm>>) target(%arg6 : memref<128x128xf32, #tpu.memory_space<vmem>>) target_semaphore(%run_scoped3A : memref<!tpu.dma_semaphore, #tpu.memory_space<semaphore_mem>>)
        %dma_wait3A = arith.constant 0 : i32
        %dma_wait3A_187 = tpu.memref_slice %arg2[%add3A_182, %dma_wait3A] : memref<36864x128xf32, #tpu.memory_space<hbm>> -> memref<128x128xf32, #tpu.memory_space<hbm>>
        %dma_wait3A_188 = arith.constant 0 : i32
        %dma_wait3A_189 = tpu.memref_slice %arg2[%add3A_182, %dma_wait3A_188] : memref<36864x128xf32, #tpu.memory_space<hbm>> -> memref<128x128xf32, #tpu.memory_space<hbm>>
        tpu.wait_dma2 semaphore(%run_scoped3A : memref<!tpu.dma_semaphore, #tpu.memory_space<semaphore_mem>>) src(%dma_wait3A_189 : memref<128x128xf32, #tpu.memory_space<hbm>>) dst(%arg6 : memref<128x128xf32, #tpu.memory_space<vmem>>)
        tpu.yield
      }) : () -> ()
      "tpu.region"() ({
        %run_scoped3A = tpu.sem_alloc : memref<!tpu.dma_semaphore, #tpu.memory_space<semaphore_mem>>
        %dma_start3A = tpu.memref_slice %arg3[%add3A_182] : memref<36864xi32, #tpu.memory_space<hbm>> -> memref<128xi32, #tpu.memory_space<hbm>>
        %dma_start3A_184 = tpu.memref_slice %arg3[%add3A_182] : memref<36864xi32, #tpu.memory_space<hbm>> -> memref<128xi32, #tpu.memory_space<hbm>>
        tpu.enqueue_dma source(%dma_start3A_184 : memref<128xi32, #tpu.memory_space<hbm>>) target(%arg5 : memref<128xi32, #tpu.memory_space<vmem>>) target_semaphore(%run_scoped3A : memref<!tpu.dma_semaphore, #tpu.memory_space<semaphore_mem>>)
        %dma_wait3A = tpu.memref_slice %arg3[%add3A_182] : memref<36864xi32, #tpu.memory_space<hbm>> -> memref<128xi32, #tpu.memory_space<hbm>>
        %dma_wait3A_185 = tpu.memref_slice %arg3[%add3A_182] : memref<36864xi32, #tpu.memory_space<hbm>> -> memref<128xi32, #tpu.memory_space<hbm>>
        tpu.wait_dma2 semaphore(%run_scoped3A : memref<!tpu.dma_semaphore, #tpu.memory_space<semaphore_mem>>) src(%dma_wait3A_185 : memref<128xi32, #tpu.memory_space<hbm>>) dst(%arg5 : memref<128xi32, #tpu.memory_space<vmem>>)
        tpu.yield
      }) : () -> ()
      "tpu.region"() ({
        %run_scoped3A = tpu.sem_alloc : memref<!tpu.dma_semaphore, #tpu.memory_space<semaphore_mem>>
        %dma_start3A = arith.constant 0 : i32
        %dma_start3A_184 = arith.constant 0 : i32
        %dma_start3A_185 = tpu.memref_slice %arg8[%dma_start3A, %dma_start3A_184] : memref<10240x128xf32, #tpu.memory_space<vmem_shared>> -> memref<10240x128xf32, #tpu.memory_space<vmem_shared>>
        tpu.enqueue_indirect_dma source(%arg6 : memref<128x128xf32, #tpu.memory_space<vmem>>) target(%dma_start3A_185 : memref<10240x128xf32, #tpu.memory_space<vmem_shared>>) offsets(%arg5 : memref<128xi32, #tpu.memory_space<vmem>>) semaphore(%run_scoped3A : memref<!tpu.dma_semaphore, #tpu.memory_space<semaphore_mem>>) {add = true}
        %dma_wait3A = arith.constant 0 : i32
        %dma_wait3A_186 = arith.constant 0 : i32
        %dma_wait3A_187 = tpu.memref_slice %arg8[%dma_wait3A, %dma_wait3A_186] : memref<10240x128xf32, #tpu.memory_space<vmem_shared>> -> memref<10240x128xf32, #tpu.memory_space<vmem_shared>>
        tpu.wait_indirect_dma semaphore(%run_scoped3A : memref<!tpu.dma_semaphore, #tpu.memory_space<semaphore_mem>>) src(%arg6 : memref<128x128xf32, #tpu.memory_space<vmem>>) dst(%dma_wait3A_187 : memref<10240x128xf32, #tpu.memory_space<vmem_shared>>)
        tpu.yield
      }) : () -> ()
      %scan3A_183 = arith.constant 0 : i32
      scf.yield %scan3A_183 : i32
    }
    %scan3A_94 = arith.constant 9 : i32
    %barrier3A_95 = arith.constant 0 : index
    tpu.barrier barrier_id(%barrier3A_95)
    %mul3A_96 = arith.constant 640 : i32
    %mul3A_97 = arith.muli %arg1, %mul3A_96 : i32
    %add3A_98 = arith.constant 0 : i32
    %add3A_99 = arith.addi %mul3A_97, %add3A_98 : i32
    "tpu.region"() ({
      %run_scoped3A = tpu.sem_alloc : memref<!tpu.dma_semaphore, #tpu.memory_space<semaphore_mem>>
      %dma_start3A = arith.constant 0 : i32
      %dma_start3A_176 = tpu.memref_slice %arg4[%arg0, %add3A_99, %dma_start3A] : memref<2x10240x128xf32, #tpu.memory_space<hbm>> -> memref<1x32x128xf32, #tpu.memory_space<hbm>>
      %dma_start3A_177 = tpu.memref_squeeze %dma_start3A_176 : memref<1x32x128xf32, #tpu.memory_space<hbm>> -> memref<32x128xf32, #tpu.memory_space<hbm>>
      %dma_start3A_178 = arith.constant 0 : i32
      %dma_start3A_179 = tpu.memref_slice %arg8[%add3A_99, %dma_start3A_178] : memref<10240x128xf32, #tpu.memory_space<vmem_shared>> -> memref<32x128xf32, #tpu.memory_space<vmem_shared>>
      tpu.enqueue_dma source(%dma_start3A_179 : memref<32x128xf32, #tpu.memory_space<vmem_shared>>) target(%dma_start3A_177 : memref<32x128xf32, #tpu.memory_space<hbm>>) target_semaphore(%run_scoped3A : memref<!tpu.dma_semaphore, #tpu.memory_space<semaphore_mem>>)
      %dma_wait3A = arith.constant 0 : i32
      %dma_wait3A_180 = tpu.memref_slice %arg4[%arg0, %add3A_99, %dma_wait3A] : memref<2x10240x128xf32, #tpu.memory_space<hbm>> -> memref<1x32x128xf32, #tpu.memory_space<hbm>>
      %dma_wait3A_181 = tpu.memref_squeeze %dma_wait3A_180 : memref<1x32x128xf32, #tpu.memory_space<hbm>> -> memref<32x128xf32, #tpu.memory_space<hbm>>
      %dma_wait3A_182 = arith.constant 0 : i32
      %dma_wait3A_183 = tpu.memref_slice %arg8[%add3A_99, %dma_wait3A_182] : memref<10240x128xf32, #tpu.memory_space<vmem_shared>> -> memref<32x128xf32, #tpu.memory_space<vmem_shared>>
      tpu.wait_dma2 semaphore(%run_scoped3A : memref<!tpu.dma_semaphore, #tpu.memory_space<semaphore_mem>>) src(%dma_wait3A_183 : memref<32x128xf32, #tpu.memory_space<vmem_shared>>) dst(%dma_wait3A_181 : memref<32x128xf32, #tpu.memory_space<hbm>>)
      tpu.yield
    }) : () -> ()
    %mul3A_100 = arith.constant 640 : i32
    %mul3A_101 = arith.muli %arg1, %mul3A_100 : i32
    %add3A_102 = arith.constant 32 : i32
    %add3A_103 = arith.addi %mul3A_101, %add3A_102 : i32
    "tpu.region"() ({
      %run_scoped3A = tpu.sem_alloc : memref<!tpu.dma_semaphore, #tpu.memory_space<semaphore_mem>>
      %dma_start3A = arith.constant 0 : i32
      %dma_start3A_176 = tpu.memref_slice %arg4[%arg0, %add3A_103, %dma_start3A] : memref<2x10240x128xf32, #tpu.memory_space<hbm>> -> memref<1x32x128xf32, #tpu.memory_space<hbm>>
      %dma_start3A_177 = tpu.memref_squeeze %dma_start3A_176 : memref<1x32x128xf32, #tpu.memory_space<hbm>> -> memref<32x128xf32, #tpu.memory_space<hbm>>
      %dma_start3A_178 = arith.constant 0 : i32
      %dma_start3A_179 = tpu.memref_slice %arg8[%add3A_103, %dma_start3A_178] : memref<10240x128xf32, #tpu.memory_space<vmem_shared>> -> memref<32x128xf32, #tpu.memory_space<vmem_shared>>
      tpu.enqueue_dma source(%dma_start3A_179 : memref<32x128xf32, #tpu.memory_space<vmem_shared>>) target(%dma_start3A_177 : memref<32x128xf32, #tpu.memory_space<hbm>>) target_semaphore(%run_scoped3A : memref<!tpu.dma_semaphore, #tpu.memory_space<semaphore_mem>>)
      %dma_wait3A = arith.constant 0 : i32
      %dma_wait3A_180 = tpu.memref_slice %arg4[%arg0, %add3A_103, %dma_wait3A] : memref<2x10240x128xf32, #tpu.memory_space<hbm>> -> memref<1x32x128xf32, #tpu.memory_space<hbm>>
      %dma_wait3A_181 = tpu.memref_squeeze %dma_wait3A_180 : memref<1x32x128xf32, #tpu.memory_space<hbm>> -> memref<32x128xf32, #tpu.memory_space<hbm>>
      %dma_wait3A_182 = arith.constant 0 : i32
      %dma_wait3A_183 = tpu.memref_slice %arg8[%add3A_103, %dma_wait3A_182] : memref<10240x128xf32, #tpu.memory_space<vmem_shared>> -> memref<32x128xf32, #tpu.memory_space<vmem_shared>>
      tpu.wait_dma2 semaphore(%run_scoped3A : memref<!tpu.dma_semaphore, #tpu.memory_space<semaphore_mem>>) src(%dma_wait3A_183 : memref<32x128xf32, #tpu.memory_space<vmem_shared>>) dst(%dma_wait3A_181 : memref<32x128xf32, #tpu.memory_space<hbm>>)
      tpu.yield
    }) : () -> ()
    %mul3A_104 = arith.constant 640 : i32
    %mul3A_105 = arith.muli %arg1, %mul3A_104 : i32
    %add3A_106 = arith.constant 64 : i32
    %add3A_107 = arith.addi %mul3A_105, %add3A_106 : i32
    "tpu.region"() ({
      %run_scoped3A = tpu.sem_alloc : memref<!tpu.dma_semaphore, #tpu.memory_space<semaphore_mem>>
      %dma_start3A = arith.constant 0 : i32
      %dma_start3A_176 = tpu.memref_slice %arg4[%arg0, %add3A_107, %dma_start3A] : memref<2x10240x128xf32, #tpu.memory_space<hbm>> -> memref<1x32x128xf32, #tpu.memory_space<hbm>>
      %dma_start3A_177 = tpu.memref_squeeze %dma_start3A_176 : memref<1x32x128xf32, #tpu.memory_space<hbm>> -> memref<32x128xf32, #tpu.memory_space<hbm>>
      %dma_start3A_178 = arith.constant 0 : i32
      %dma_start3A_179 = tpu.memref_slice %arg8[%add3A_107, %dma_start3A_178] : memref<10240x128xf32, #tpu.memory_space<vmem_shared>> -> memref<32x128xf32, #tpu.memory_space<vmem_shared>>
      tpu.enqueue_dma source(%dma_start3A_179 : memref<32x128xf32, #tpu.memory_space<vmem_shared>>) target(%dma_start3A_177 : memref<32x128xf32, #tpu.memory_space<hbm>>) target_semaphore(%run_scoped3A : memref<!tpu.dma_semaphore, #tpu.memory_space<semaphore_mem>>)
      %dma_wait3A = arith.constant 0 : i32
      %dma_wait3A_180 = tpu.memref_slice %arg4[%arg0, %add3A_107, %dma_wait3A] : memref<2x10240x128xf32, #tpu.memory_space<hbm>> -> memref<1x32x128xf32, #tpu.memory_space<hbm>>
      %dma_wait3A_181 = tpu.memref_squeeze %dma_wait3A_180 : memref<1x32x128xf32, #tpu.memory_space<hbm>> -> memref<32x128xf32, #tpu.memory_space<hbm>>
      %dma_wait3A_182 = arith.constant 0 : i32
      %dma_wait3A_183 = tpu.memref_slice %arg8[%add3A_107, %dma_wait3A_182] : memref<10240x128xf32, #tpu.memory_space<vmem_shared>> -> memref<32x128xf32, #tpu.memory_space<vmem_shared>>
      tpu.wait_dma2 semaphore(%run_scoped3A : memref<!tpu.dma_semaphore, #tpu.memory_space<semaphore_mem>>) src(%dma_wait3A_183 : memref<32x128xf32, #tpu.memory_space<vmem_shared>>) dst(%dma_wait3A_181 : memref<32x128xf32, #tpu.memory_space<hbm>>)
      tpu.yield
    }) : () -> ()
    %mul3A_108 = arith.constant 640 : i32
    %mul3A_109 = arith.muli %arg1, %mul3A_108 : i32
    %add3A_110 = arith.constant 96 : i32
    %add3A_111 = arith.addi %mul3A_109, %add3A_110 : i32
    "tpu.region"() ({
      %run_scoped3A = tpu.sem_alloc : memref<!tpu.dma_semaphore, #tpu.memory_space<semaphore_mem>>
      %dma_start3A = arith.constant 0 : i32
      %dma_start3A_176 = tpu.memref_slice %arg4[%arg0, %add3A_111, %dma_start3A] : memref<2x10240x128xf32, #tpu.memory_space<hbm>> -> memref<1x32x128xf32, #tpu.memory_space<hbm>>
      %dma_start3A_177 = tpu.memref_squeeze %dma_start3A_176 : memref<1x32x128xf32, #tpu.memory_space<hbm>> -> memref<32x128xf32, #tpu.memory_space<hbm>>
      %dma_start3A_178 = arith.constant 0 : i32
      %dma_start3A_179 = tpu.memref_slice %arg8[%add3A_111, %dma_start3A_178] : memref<10240x128xf32, #tpu.memory_space<vmem_shared>> -> memref<32x128xf32, #tpu.memory_space<vmem_shared>>
      tpu.enqueue_dma source(%dma_start3A_179 : memref<32x128xf32, #tpu.memory_space<vmem_shared>>) target(%dma_start3A_177 : memref<32x128xf32, #tpu.memory_space<hbm>>) target_semaphore(%run_scoped3A : memref<!tpu.dma_semaphore, #tpu.memory_space<semaphore_mem>>)
      %dma_wait3A = arith.constant 0 : i32
      %dma_wait3A_180 = tpu.memref_slice %arg4[%arg0, %add3A_111, %dma_wait3A] : memref<2x10240x128xf32, #tpu.memory_space<hbm>> -> memref<1x32x128xf32, #tpu.memory_space<hbm>>
      %dma_wait3A_181 = tpu.memref_squeeze %dma_wait3A_180 : memref<1x32x128xf32, #tpu.memory_space<hbm>> -> memref<32x128xf32, #tpu.memory_space<hbm>>
      %dma_wait3A_182 = arith.constant 0 : i32
      %dma_wait3A_183 = tpu.memref_slice %arg8[%add3A_111, %dma_wait3A_182] : memref<10240x128xf32, #tpu.memory_space<vmem_shared>> -> memref<32x128xf32, #tpu.memory_space<vmem_shared>>
      tpu.wait_dma2 semaphore(%run_scoped3A : memref<!tpu.dma_semaphore, #tpu.memory_space<semaphore_mem>>) src(%dma_wait3A_183 : memref<32x128xf32, #tpu.memory_space<vmem_shared>>) dst(%dma_wait3A_181 : memref<32x128xf32, #tpu.memory_space<hbm>>)
      tpu.yield
    }) : () -> ()
    %mul3A_112 = arith.constant 640 : i32
    %mul3A_113 = arith.muli %arg1, %mul3A_112 : i32
    %add3A_114 = arith.constant 128 : i32
    %add3A_115 = arith.addi %mul3A_113, %add3A_114 : i32
    "tpu.region"() ({
      %run_scoped3A = tpu.sem_alloc : memref<!tpu.dma_semaphore, #tpu.memory_space<semaphore_mem>>
      %dma_start3A = arith.constant 0 : i32
      %dma_start3A_176 = tpu.memref_slice %arg4[%arg0, %add3A_115, %dma_start3A] : memref<2x10240x128xf32, #tpu.memory_space<hbm>> -> memref<1x32x128xf32, #tpu.memory_space<hbm>>
      %dma_start3A_177 = tpu.memref_squeeze %dma_start3A_176 : memref<1x32x128xf32, #tpu.memory_space<hbm>> -> memref<32x128xf32, #tpu.memory_space<hbm>>
      %dma_start3A_178 = arith.constant 0 : i32
      %dma_start3A_179 = tpu.memref_slice %arg8[%add3A_115, %dma_start3A_178] : memref<10240x128xf32, #tpu.memory_space<vmem_shared>> -> memref<32x128xf32, #tpu.memory_space<vmem_shared>>
      tpu.enqueue_dma source(%dma_start3A_179 : memref<32x128xf32, #tpu.memory_space<vmem_shared>>) target(%dma_start3A_177 : memref<32x128xf32, #tpu.memory_space<hbm>>) target_semaphore(%run_scoped3A : memref<!tpu.dma_semaphore, #tpu.memory_space<semaphore_mem>>)
      %dma_wait3A = arith.constant 0 : i32
      %dma_wait3A_180 = tpu.memref_slice %arg4[%arg0, %add3A_115, %dma_wait3A] : memref<2x10240x128xf32, #tpu.memory_space<hbm>> -> memref<1x32x128xf32, #tpu.memory_space<hbm>>
      %dma_wait3A_181 = tpu.memref_squeeze %dma_wait3A_180 : memref<1x32x128xf32, #tpu.memory_space<hbm>> -> memref<32x128xf32, #tpu.memory_space<hbm>>
      %dma_wait3A_182 = arith.constant 0 : i32
      %dma_wait3A_183 = tpu.memref_slice %arg8[%add3A_115, %dma_wait3A_182] : memref<10240x128xf32, #tpu.memory_space<vmem_shared>> -> memref<32x128xf32, #tpu.memory_space<vmem_shared>>
      tpu.wait_dma2 semaphore(%run_scoped3A : memref<!tpu.dma_semaphore, #tpu.memory_space<semaphore_mem>>) src(%dma_wait3A_183 : memref<32x128xf32, #tpu.memory_space<vmem_shared>>) dst(%dma_wait3A_181 : memref<32x128xf32, #tpu.memory_space<hbm>>)
      tpu.yield
    }) : () -> ()
    %mul3A_116 = arith.constant 640 : i32
    %mul3A_117 = arith.muli %arg1, %mul3A_116 : i32
    %add3A_118 = arith.constant 160 : i32
    %add3A_119 = arith.addi %mul3A_117, %add3A_118 : i32
    "tpu.region"() ({
      %run_scoped3A = tpu.sem_alloc : memref<!tpu.dma_semaphore, #tpu.memory_space<semaphore_mem>>
      %dma_start3A = arith.constant 0 : i32
      %dma_start3A_176 = tpu.memref_slice %arg4[%arg0, %add3A_119, %dma_start3A] : memref<2x10240x128xf32, #tpu.memory_space<hbm>> -> memref<1x32x128xf32, #tpu.memory_space<hbm>>
      %dma_start3A_177 = tpu.memref_squeeze %dma_start3A_176 : memref<1x32x128xf32, #tpu.memory_space<hbm>> -> memref<32x128xf32, #tpu.memory_space<hbm>>
      %dma_start3A_178 = arith.constant 0 : i32
      %dma_start3A_179 = tpu.memref_slice %arg8[%add3A_119, %dma_start3A_178] : memref<10240x128xf32, #tpu.memory_space<vmem_shared>> -> memref<32x128xf32, #tpu.memory_space<vmem_shared>>
      tpu.enqueue_dma source(%dma_start3A_179 : memref<32x128xf32, #tpu.memory_space<vmem_shared>>) target(%dma_start3A_177 : memref<32x128xf32, #tpu.memory_space<hbm>>) target_semaphore(%run_scoped3A : memref<!tpu.dma_semaphore, #tpu.memory_space<semaphore_mem>>)
      %dma_wait3A = arith.constant 0 : i32
      %dma_wait3A_180 = tpu.memref_slice %arg4[%arg0, %add3A_119, %dma_wait3A] : memref<2x10240x128xf32, #tpu.memory_space<hbm>> -> memref<1x32x128xf32, #tpu.memory_space<hbm>>
      %dma_wait3A_181 = tpu.memref_squeeze %dma_wait3A_180 : memref<1x32x128xf32, #tpu.memory_space<hbm>> -> memref<32x128xf32, #tpu.memory_space<hbm>>
      %dma_wait3A_182 = arith.constant 0 : i32
      %dma_wait3A_183 = tpu.memref_slice %arg8[%add3A_119, %dma_wait3A_182] : memref<10240x128xf32, #tpu.memory_space<vmem_shared>> -> memref<32x128xf32, #tpu.memory_space<vmem_shared>>
      tpu.wait_dma2 semaphore(%run_scoped3A : memref<!tpu.dma_semaphore, #tpu.memory_space<semaphore_mem>>) src(%dma_wait3A_183 : memref<32x128xf32, #tpu.memory_space<vmem_shared>>) dst(%dma_wait3A_181 : memref<32x128xf32, #tpu.memory_space<hbm>>)
      tpu.yield
    }) : () -> ()
    %mul3A_120 = arith.constant 640 : i32
    %mul3A_121 = arith.muli %arg1, %mul3A_120 : i32
    %add3A_122 = arith.constant 192 : i32
    %add3A_123 = arith.addi %mul3A_121, %add3A_122 : i32
    "tpu.region"() ({
      %run_scoped3A = tpu.sem_alloc : memref<!tpu.dma_semaphore, #tpu.memory_space<semaphore_mem>>
      %dma_start3A = arith.constant 0 : i32
      %dma_start3A_176 = tpu.memref_slice %arg4[%arg0, %add3A_123, %dma_start3A] : memref<2x10240x128xf32, #tpu.memory_space<hbm>> -> memref<1x32x128xf32, #tpu.memory_space<hbm>>
      %dma_start3A_177 = tpu.memref_squeeze %dma_start3A_176 : memref<1x32x128xf32, #tpu.memory_space<hbm>> -> memref<32x128xf32, #tpu.memory_space<hbm>>
      %dma_start3A_178 = arith.constant 0 : i32
      %dma_start3A_179 = tpu.memref_slice %arg8[%add3A_123, %dma_start3A_178] : memref<10240x128xf32, #tpu.memory_space<vmem_shared>> -> memref<32x128xf32, #tpu.memory_space<vmem_shared>>
      tpu.enqueue_dma source(%dma_start3A_179 : memref<32x128xf32, #tpu.memory_space<vmem_shared>>) target(%dma_start3A_177 : memref<32x128xf32, #tpu.memory_space<hbm>>) target_semaphore(%run_scoped3A : memref<!tpu.dma_semaphore, #tpu.memory_space<semaphore_mem>>)
      %dma_wait3A = arith.constant 0 : i32
      %dma_wait3A_180 = tpu.memref_slice %arg4[%arg0, %add3A_123, %dma_wait3A] : memref<2x10240x128xf32, #tpu.memory_space<hbm>> -> memref<1x32x128xf32, #tpu.memory_space<hbm>>
      %dma_wait3A_181 = tpu.memref_squeeze %dma_wait3A_180 : memref<1x32x128xf32, #tpu.memory_space<hbm>> -> memref<32x128xf32, #tpu.memory_space<hbm>>
      %dma_wait3A_182 = arith.constant 0 : i32
      %dma_wait3A_183 = tpu.memref_slice %arg8[%add3A_123, %dma_wait3A_182] : memref<10240x128xf32, #tpu.memory_space<vmem_shared>> -> memref<32x128xf32, #tpu.memory_space<vmem_shared>>
      tpu.wait_dma2 semaphore(%run_scoped3A : memref<!tpu.dma_semaphore, #tpu.memory_space<semaphore_mem>>) src(%dma_wait3A_183 : memref<32x128xf32, #tpu.memory_space<vmem_shared>>) dst(%dma_wait3A_181 : memref<32x128xf32, #tpu.memory_space<hbm>>)
      tpu.yield
    }) : () -> ()
    %mul3A_124 = arith.constant 640 : i32
    %mul3A_125 = arith.muli %arg1, %mul3A_124 : i32
    %add3A_126 = arith.constant 224 : i32
    %add3A_127 = arith.addi %mul3A_125, %add3A_126 : i32
    "tpu.region"() ({
      %run_scoped3A = tpu.sem_alloc : memref<!tpu.dma_semaphore, #tpu.memory_space<semaphore_mem>>
      %dma_start3A = arith.constant 0 : i32
      %dma_start3A_176 = tpu.memref_slice %arg4[%arg0, %add3A_127, %dma_start3A] : memref<2x10240x128xf32, #tpu.memory_space<hbm>> -> memref<1x32x128xf32, #tpu.memory_space<hbm>>
      %dma_start3A_177 = tpu.memref_squeeze %dma_start3A_176 : memref<1x32x128xf32, #tpu.memory_space<hbm>> -> memref<32x128xf32, #tpu.memory_space<hbm>>
      %dma_start3A_178 = arith.constant 0 : i32
      %dma_start3A_179 = tpu.memref_slice %arg8[%add3A_127, %dma_start3A_178] : memref<10240x128xf32, #tpu.memory_space<vmem_shared>> -> memref<32x128xf32, #tpu.memory_space<vmem_shared>>
      tpu.enqueue_dma source(%dma_start3A_179 : memref<32x128xf32, #tpu.memory_space<vmem_shared>>) target(%dma_start3A_177 : memref<32x128xf32, #tpu.memory_space<hbm>>) target_semaphore(%run_scoped3A : memref<!tpu.dma_semaphore, #tpu.memory_space<semaphore_mem>>)
      %dma_wait3A = arith.constant 0 : i32
      %dma_wait3A_180 = tpu.memref_slice %arg4[%arg0, %add3A_127, %dma_wait3A] : memref<2x10240x128xf32, #tpu.memory_space<hbm>> -> memref<1x32x128xf32, #tpu.memory_space<hbm>>
      %dma_wait3A_181 = tpu.memref_squeeze %dma_wait3A_180 : memref<1x32x128xf32, #tpu.memory_space<hbm>> -> memref<32x128xf32, #tpu.memory_space<hbm>>
      %dma_wait3A_182 = arith.constant 0 : i32
      %dma_wait3A_183 = tpu.memref_slice %arg8[%add3A_127, %dma_wait3A_182] : memref<10240x128xf32, #tpu.memory_space<vmem_shared>> -> memref<32x128xf32, #tpu.memory_space<vmem_shared>>
      tpu.wait_dma2 semaphore(%run_scoped3A : memref<!tpu.dma_semaphore, #tpu.memory_space<semaphore_mem>>) src(%dma_wait3A_183 : memref<32x128xf32, #tpu.memory_space<vmem_shared>>) dst(%dma_wait3A_181 : memref<32x128xf32, #tpu.memory_space<hbm>>)
      tpu.yield
    }) : () -> ()
    %mul3A_128 = arith.constant 640 : i32
    %mul3A_129 = arith.muli %arg1, %mul3A_128 : i32
    %add3A_130 = arith.constant 256 : i32
    %add3A_131 = arith.addi %mul3A_129, %add3A_130 : i32
    "tpu.region"() ({
      %run_scoped3A = tpu.sem_alloc : memref<!tpu.dma_semaphore, #tpu.memory_space<semaphore_mem>>
      %dma_start3A = arith.constant 0 : i32
      %dma_start3A_176 = tpu.memref_slice %arg4[%arg0, %add3A_131, %dma_start3A] : memref<2x10240x128xf32, #tpu.memory_space<hbm>> -> memref<1x32x128xf32, #tpu.memory_space<hbm>>
      %dma_start3A_177 = tpu.memref_squeeze %dma_start3A_176 : memref<1x32x128xf32, #tpu.memory_space<hbm>> -> memref<32x128xf32, #tpu.memory_space<hbm>>
      %dma_start3A_178 = arith.constant 0 : i32
      %dma_start3A_179 = tpu.memref_slice %arg8[%add3A_131, %dma_start3A_178] : memref<10240x128xf32, #tpu.memory_space<vmem_shared>> -> memref<32x128xf32, #tpu.memory_space<vmem_shared>>
      tpu.enqueue_dma source(%dma_start3A_179 : memref<32x128xf32, #tpu.memory_space<vmem_shared>>) target(%dma_start3A_177 : memref<32x128xf32, #tpu.memory_space<hbm>>) target_semaphore(%run_scoped3A : memref<!tpu.dma_semaphore, #tpu.memory_space<semaphore_mem>>)
      %dma_wait3A = arith.constant 0 : i32
      %dma_wait3A_180 = tpu.memref_slice %arg4[%arg0, %add3A_131, %dma_wait3A] : memref<2x10240x128xf32, #tpu.memory_space<hbm>> -> memref<1x32x128xf32, #tpu.memory_space<hbm>>
      %dma_wait3A_181 = tpu.memref_squeeze %dma_wait3A_180 : memref<1x32x128xf32, #tpu.memory_space<hbm>> -> memref<32x128xf32, #tpu.memory_space<hbm>>
      %dma_wait3A_182 = arith.constant 0 : i32
      %dma_wait3A_183 = tpu.memref_slice %arg8[%add3A_131, %dma_wait3A_182] : memref<10240x128xf32, #tpu.memory_space<vmem_shared>> -> memref<32x128xf32, #tpu.memory_space<vmem_shared>>
      tpu.wait_dma2 semaphore(%run_scoped3A : memref<!tpu.dma_semaphore, #tpu.memory_space<semaphore_mem>>) src(%dma_wait3A_183 : memref<32x128xf32, #tpu.memory_space<vmem_shared>>) dst(%dma_wait3A_181 : memref<32x128xf32, #tpu.memory_space<hbm>>)
      tpu.yield
    }) : () -> ()
    %mul3A_132 = arith.constant 640 : i32
    %mul3A_133 = arith.muli %arg1, %mul3A_132 : i32
    %add3A_134 = arith.constant 288 : i32
    %add3A_135 = arith.addi %mul3A_133, %add3A_134 : i32
    "tpu.region"() ({
      %run_scoped3A = tpu.sem_alloc : memref<!tpu.dma_semaphore, #tpu.memory_space<semaphore_mem>>
      %dma_start3A = arith.constant 0 : i32
      %dma_start3A_176 = tpu.memref_slice %arg4[%arg0, %add3A_135, %dma_start3A] : memref<2x10240x128xf32, #tpu.memory_space<hbm>> -> memref<1x32x128xf32, #tpu.memory_space<hbm>>
      %dma_start3A_177 = tpu.memref_squeeze %dma_start3A_176 : memref<1x32x128xf32, #tpu.memory_space<hbm>> -> memref<32x128xf32, #tpu.memory_space<hbm>>
      %dma_start3A_178 = arith.constant 0 : i32
      %dma_start3A_179 = tpu.memref_slice %arg8[%add3A_135, %dma_start3A_178] : memref<10240x128xf32, #tpu.memory_space<vmem_shared>> -> memref<32x128xf32, #tpu.memory_space<vmem_shared>>
      tpu.enqueue_dma source(%dma_start3A_179 : memref<32x128xf32, #tpu.memory_space<vmem_shared>>) target(%dma_start3A_177 : memref<32x128xf32, #tpu.memory_space<hbm>>) target_semaphore(%run_scoped3A : memref<!tpu.dma_semaphore, #tpu.memory_space<semaphore_mem>>)
      %dma_wait3A = arith.constant 0 : i32
      %dma_wait3A_180 = tpu.memref_slice %arg4[%arg0, %add3A_135, %dma_wait3A] : memref<2x10240x128xf32, #tpu.memory_space<hbm>> -> memref<1x32x128xf32, #tpu.memory_space<hbm>>
      %dma_wait3A_181 = tpu.memref_squeeze %dma_wait3A_180 : memref<1x32x128xf32, #tpu.memory_space<hbm>> -> memref<32x128xf32, #tpu.memory_space<hbm>>
      %dma_wait3A_182 = arith.constant 0 : i32
      %dma_wait3A_183 = tpu.memref_slice %arg8[%add3A_135, %dma_wait3A_182] : memref<10240x128xf32, #tpu.memory_space<vmem_shared>> -> memref<32x128xf32, #tpu.memory_space<vmem_shared>>
      tpu.wait_dma2 semaphore(%run_scoped3A : memref<!tpu.dma_semaphore, #tpu.memory_space<semaphore_mem>>) src(%dma_wait3A_183 : memref<32x128xf32, #tpu.memory_space<vmem_shared>>) dst(%dma_wait3A_181 : memref<32x128xf32, #tpu.memory_space<hbm>>)
      tpu.yield
    }) : () -> ()
    %mul3A_136 = arith.constant 640 : i32
    %mul3A_137 = arith.muli %arg1, %mul3A_136 : i32
    %add3A_138 = arith.constant 320 : i32
    %add3A_139 = arith.addi %mul3A_137, %add3A_138 : i32
    "tpu.region"() ({
      %run_scoped3A = tpu.sem_alloc : memref<!tpu.dma_semaphore, #tpu.memory_space<semaphore_mem>>
      %dma_start3A = arith.constant 0 : i32
      %dma_start3A_176 = tpu.memref_slice %arg4[%arg0, %add3A_139, %dma_start3A] : memref<2x10240x128xf32, #tpu.memory_space<hbm>> -> memref<1x32x128xf32, #tpu.memory_space<hbm>>
      %dma_start3A_177 = tpu.memref_squeeze %dma_start3A_176 : memref<1x32x128xf32, #tpu.memory_space<hbm>> -> memref<32x128xf32, #tpu.memory_space<hbm>>
      %dma_start3A_178 = arith.constant 0 : i32
      %dma_start3A_179 = tpu.memref_slice %arg8[%add3A_139, %dma_start3A_178] : memref<10240x128xf32, #tpu.memory_space<vmem_shared>> -> memref<32x128xf32, #tpu.memory_space<vmem_shared>>
      tpu.enqueue_dma source(%dma_start3A_179 : memref<32x128xf32, #tpu.memory_space<vmem_shared>>) target(%dma_start3A_177 : memref<32x128xf32, #tpu.memory_space<hbm>>) target_semaphore(%run_scoped3A : memref<!tpu.dma_semaphore, #tpu.memory_space<semaphore_mem>>)
      %dma_wait3A = arith.constant 0 : i32
      %dma_wait3A_180 = tpu.memref_slice %arg4[%arg0, %add3A_139, %dma_wait3A] : memref<2x10240x128xf32, #tpu.memory_space<hbm>> -> memref<1x32x128xf32, #tpu.memory_space<hbm>>
      %dma_wait3A_181 = tpu.memref_squeeze %dma_wait3A_180 : memref<1x32x128xf32, #tpu.memory_space<hbm>> -> memref<32x128xf32, #tpu.memory_space<hbm>>
      %dma_wait3A_182 = arith.constant 0 : i32
      %dma_wait3A_183 = tpu.memref_slice %arg8[%add3A_139, %dma_wait3A_182] : memref<10240x128xf32, #tpu.memory_space<vmem_shared>> -> memref<32x128xf32, #tpu.memory_space<vmem_shared>>
      tpu.wait_dma2 semaphore(%run_scoped3A : memref<!tpu.dma_semaphore, #tpu.memory_space<semaphore_mem>>) src(%dma_wait3A_183 : memref<32x128xf32, #tpu.memory_space<vmem_shared>>) dst(%dma_wait3A_181 : memref<32x128xf32, #tpu.memory_space<hbm>>)
      tpu.yield
    }) : () -> ()
    %mul3A_140 = arith.constant 640 : i32
    %mul3A_141 = arith.muli %arg1, %mul3A_140 : i32
    %add3A_142 = arith.constant 352 : i32
    %add3A_143 = arith.addi %mul3A_141, %add3A_142 : i32
    "tpu.region"() ({
      %run_scoped3A = tpu.sem_alloc : memref<!tpu.dma_semaphore, #tpu.memory_space<semaphore_mem>>
      %dma_start3A = arith.constant 0 : i32
      %dma_start3A_176 = tpu.memref_slice %arg4[%arg0, %add3A_143, %dma_start3A] : memref<2x10240x128xf32, #tpu.memory_space<hbm>> -> memref<1x32x128xf32, #tpu.memory_space<hbm>>
      %dma_start3A_177 = tpu.memref_squeeze %dma_start3A_176 : memref<1x32x128xf32, #tpu.memory_space<hbm>> -> memref<32x128xf32, #tpu.memory_space<hbm>>
      %dma_start3A_178 = arith.constant 0 : i32
      %dma_start3A_179 = tpu.memref_slice %arg8[%add3A_143, %dma_start3A_178] : memref<10240x128xf32, #tpu.memory_space<vmem_shared>> -> memref<32x128xf32, #tpu.memory_space<vmem_shared>>
      tpu.enqueue_dma source(%dma_start3A_179 : memref<32x128xf32, #tpu.memory_space<vmem_shared>>) target(%dma_start3A_177 : memref<32x128xf32, #tpu.memory_space<hbm>>) target_semaphore(%run_scoped3A : memref<!tpu.dma_semaphore, #tpu.memory_space<semaphore_mem>>)
      %dma_wait3A = arith.constant 0 : i32
      %dma_wait3A_180 = tpu.memref_slice %arg4[%arg0, %add3A_143, %dma_wait3A] : memref<2x10240x128xf32, #tpu.memory_space<hbm>> -> memref<1x32x128xf32, #tpu.memory_space<hbm>>
      %dma_wait3A_181 = tpu.memref_squeeze %dma_wait3A_180 : memref<1x32x128xf32, #tpu.memory_space<hbm>> -> memref<32x128xf32, #tpu.memory_space<hbm>>
      %dma_wait3A_182 = arith.constant 0 : i32
      %dma_wait3A_183 = tpu.memref_slice %arg8[%add3A_143, %dma_wait3A_182] : memref<10240x128xf32, #tpu.memory_space<vmem_shared>> -> memref<32x128xf32, #tpu.memory_space<vmem_shared>>
      tpu.wait_dma2 semaphore(%run_scoped3A : memref<!tpu.dma_semaphore, #tpu.memory_space<semaphore_mem>>) src(%dma_wait3A_183 : memref<32x128xf32, #tpu.memory_space<vmem_shared>>) dst(%dma_wait3A_181 : memref<32x128xf32, #tpu.memory_space<hbm>>)
      tpu.yield
    }) : () -> ()
    %mul3A_144 = arith.constant 640 : i32
    %mul3A_145 = arith.muli %arg1, %mul3A_144 : i32
    %add3A_146 = arith.constant 384 : i32
    %add3A_147 = arith.addi %mul3A_145, %add3A_146 : i32
    "tpu.region"() ({
      %run_scoped3A = tpu.sem_alloc : memref<!tpu.dma_semaphore, #tpu.memory_space<semaphore_mem>>
      %dma_start3A = arith.constant 0 : i32
      %dma_start3A_176 = tpu.memref_slice %arg4[%arg0, %add3A_147, %dma_start3A] : memref<2x10240x128xf32, #tpu.memory_space<hbm>> -> memref<1x32x128xf32, #tpu.memory_space<hbm>>
      %dma_start3A_177 = tpu.memref_squeeze %dma_start3A_176 : memref<1x32x128xf32, #tpu.memory_space<hbm>> -> memref<32x128xf32, #tpu.memory_space<hbm>>
      %dma_start3A_178 = arith.constant 0 : i32
      %dma_start3A_179 = tpu.memref_slice %arg8[%add3A_147, %dma_start3A_178] : memref<10240x128xf32, #tpu.memory_space<vmem_shared>> -> memref<32x128xf32, #tpu.memory_space<vmem_shared>>
      tpu.enqueue_dma source(%dma_start3A_179 : memref<32x128xf32, #tpu.memory_space<vmem_shared>>) target(%dma_start3A_177 : memref<32x128xf32, #tpu.memory_space<hbm>>) target_semaphore(%run_scoped3A : memref<!tpu.dma_semaphore, #tpu.memory_space<semaphore_mem>>)
      %dma_wait3A = arith.constant 0 : i32
      %dma_wait3A_180 = tpu.memref_slice %arg4[%arg0, %add3A_147, %dma_wait3A] : memref<2x10240x128xf32, #tpu.memory_space<hbm>> -> memref<1x32x128xf32, #tpu.memory_space<hbm>>
      %dma_wait3A_181 = tpu.memref_squeeze %dma_wait3A_180 : memref<1x32x128xf32, #tpu.memory_space<hbm>> -> memref<32x128xf32, #tpu.memory_space<hbm>>
      %dma_wait3A_182 = arith.constant 0 : i32
      %dma_wait3A_183 = tpu.memref_slice %arg8[%add3A_147, %dma_wait3A_182] : memref<10240x128xf32, #tpu.memory_space<vmem_shared>> -> memref<32x128xf32, #tpu.memory_space<vmem_shared>>
      tpu.wait_dma2 semaphore(%run_scoped3A : memref<!tpu.dma_semaphore, #tpu.memory_space<semaphore_mem>>) src(%dma_wait3A_183 : memref<32x128xf32, #tpu.memory_space<vmem_shared>>) dst(%dma_wait3A_181 : memref<32x128xf32, #tpu.memory_space<hbm>>)
      tpu.yield
    }) : () -> ()
    %mul3A_148 = arith.constant 640 : i32
    %mul3A_149 = arith.muli %arg1, %mul3A_148 : i32
    %add3A_150 = arith.constant 416 : i32
    %add3A_151 = arith.addi %mul3A_149, %add3A_150 : i32
    "tpu.region"() ({
      %run_scoped3A = tpu.sem_alloc : memref<!tpu.dma_semaphore, #tpu.memory_space<semaphore_mem>>
      %dma_start3A = arith.constant 0 : i32
      %dma_start3A_176 = tpu.memref_slice %arg4[%arg0, %add3A_151, %dma_start3A] : memref<2x10240x128xf32, #tpu.memory_space<hbm>> -> memref<1x32x128xf32, #tpu.memory_space<hbm>>
      %dma_start3A_177 = tpu.memref_squeeze %dma_start3A_176 : memref<1x32x128xf32, #tpu.memory_space<hbm>> -> memref<32x128xf32, #tpu.memory_space<hbm>>
      %dma_start3A_178 = arith.constant 0 : i32
      %dma_start3A_179 = tpu.memref_slice %arg8[%add3A_151, %dma_start3A_178] : memref<10240x128xf32, #tpu.memory_space<vmem_shared>> -> memref<32x128xf32, #tpu.memory_space<vmem_shared>>
      tpu.enqueue_dma source(%dma_start3A_179 : memref<32x128xf32, #tpu.memory_space<vmem_shared>>) target(%dma_start3A_177 : memref<32x128xf32, #tpu.memory_space<hbm>>) target_semaphore(%run_scoped3A : memref<!tpu.dma_semaphore, #tpu.memory_space<semaphore_mem>>)
      %dma_wait3A = arith.constant 0 : i32
      %dma_wait3A_180 = tpu.memref_slice %arg4[%arg0, %add3A_151, %dma_wait3A] : memref<2x10240x128xf32, #tpu.memory_space<hbm>> -> memref<1x32x128xf32, #tpu.memory_space<hbm>>
      %dma_wait3A_181 = tpu.memref_squeeze %dma_wait3A_180 : memref<1x32x128xf32, #tpu.memory_space<hbm>> -> memref<32x128xf32, #tpu.memory_space<hbm>>
      %dma_wait3A_182 = arith.constant 0 : i32
      %dma_wait3A_183 = tpu.memref_slice %arg8[%add3A_151, %dma_wait3A_182] : memref<10240x128xf32, #tpu.memory_space<vmem_shared>> -> memref<32x128xf32, #tpu.memory_space<vmem_shared>>
      tpu.wait_dma2 semaphore(%run_scoped3A : memref<!tpu.dma_semaphore, #tpu.memory_space<semaphore_mem>>) src(%dma_wait3A_183 : memref<32x128xf32, #tpu.memory_space<vmem_shared>>) dst(%dma_wait3A_181 : memref<32x128xf32, #tpu.memory_space<hbm>>)
      tpu.yield
    }) : () -> ()
    %mul3A_152 = arith.constant 640 : i32
    %mul3A_153 = arith.muli %arg1, %mul3A_152 : i32
    %add3A_154 = arith.constant 448 : i32
    %add3A_155 = arith.addi %mul3A_153, %add3A_154 : i32
    "tpu.region"() ({
      %run_scoped3A = tpu.sem_alloc : memref<!tpu.dma_semaphore, #tpu.memory_space<semaphore_mem>>
      %dma_start3A = arith.constant 0 : i32
      %dma_start3A_176 = tpu.memref_slice %arg4[%arg0, %add3A_155, %dma_start3A] : memref<2x10240x128xf32, #tpu.memory_space<hbm>> -> memref<1x32x128xf32, #tpu.memory_space<hbm>>
      %dma_start3A_177 = tpu.memref_squeeze %dma_start3A_176 : memref<1x32x128xf32, #tpu.memory_space<hbm>> -> memref<32x128xf32, #tpu.memory_space<hbm>>
      %dma_start3A_178 = arith.constant 0 : i32
      %dma_start3A_179 = tpu.memref_slice %arg8[%add3A_155, %dma_start3A_178] : memref<10240x128xf32, #tpu.memory_space<vmem_shared>> -> memref<32x128xf32, #tpu.memory_space<vmem_shared>>
      tpu.enqueue_dma source(%dma_start3A_179 : memref<32x128xf32, #tpu.memory_space<vmem_shared>>) target(%dma_start3A_177 : memref<32x128xf32, #tpu.memory_space<hbm>>) target_semaphore(%run_scoped3A : memref<!tpu.dma_semaphore, #tpu.memory_space<semaphore_mem>>)
      %dma_wait3A = arith.constant 0 : i32
      %dma_wait3A_180 = tpu.memref_slice %arg4[%arg0, %add3A_155, %dma_wait3A] : memref<2x10240x128xf32, #tpu.memory_space<hbm>> -> memref<1x32x128xf32, #tpu.memory_space<hbm>>
      %dma_wait3A_181 = tpu.memref_squeeze %dma_wait3A_180 : memref<1x32x128xf32, #tpu.memory_space<hbm>> -> memref<32x128xf32, #tpu.memory_space<hbm>>
      %dma_wait3A_182 = arith.constant 0 : i32
      %dma_wait3A_183 = tpu.memref_slice %arg8[%add3A_155, %dma_wait3A_182] : memref<10240x128xf32, #tpu.memory_space<vmem_shared>> -> memref<32x128xf32, #tpu.memory_space<vmem_shared>>
      tpu.wait_dma2 semaphore(%run_scoped3A : memref<!tpu.dma_semaphore, #tpu.memory_space<semaphore_mem>>) src(%dma_wait3A_183 : memref<32x128xf32, #tpu.memory_space<vmem_shared>>) dst(%dma_wait3A_181 : memref<32x128xf32, #tpu.memory_space<hbm>>)
      tpu.yield
    }) : () -> ()
    %mul3A_156 = arith.constant 640 : i32
    %mul3A_157 = arith.muli %arg1, %mul3A_156 : i32
    %add3A_158 = arith.constant 480 : i32
    %add3A_159 = arith.addi %mul3A_157, %add3A_158 : i32
    "tpu.region"() ({
      %run_scoped3A = tpu.sem_alloc : memref<!tpu.dma_semaphore, #tpu.memory_space<semaphore_mem>>
      %dma_start3A = arith.constant 0 : i32
      %dma_start3A_176 = tpu.memref_slice %arg4[%arg0, %add3A_159, %dma_start3A] : memref<2x10240x128xf32, #tpu.memory_space<hbm>> -> memref<1x32x128xf32, #tpu.memory_space<hbm>>
      %dma_start3A_177 = tpu.memref_squeeze %dma_start3A_176 : memref<1x32x128xf32, #tpu.memory_space<hbm>> -> memref<32x128xf32, #tpu.memory_space<hbm>>
      %dma_start3A_178 = arith.constant 0 : i32
      %dma_start3A_179 = tpu.memref_slice %arg8[%add3A_159, %dma_start3A_178] : memref<10240x128xf32, #tpu.memory_space<vmem_shared>> -> memref<32x128xf32, #tpu.memory_space<vmem_shared>>
      tpu.enqueue_dma source(%dma_start3A_179 : memref<32x128xf32, #tpu.memory_space<vmem_shared>>) target(%dma_start3A_177 : memref<32x128xf32, #tpu.memory_space<hbm>>) target_semaphore(%run_scoped3A : memref<!tpu.dma_semaphore, #tpu.memory_space<semaphore_mem>>)
      %dma_wait3A = arith.constant 0 : i32
      %dma_wait3A_180 = tpu.memref_slice %arg4[%arg0, %add3A_159, %dma_wait3A] : memref<2x10240x128xf32, #tpu.memory_space<hbm>> -> memref<1x32x128xf32, #tpu.memory_space<hbm>>
      %dma_wait3A_181 = tpu.memref_squeeze %dma_wait3A_180 : memref<1x32x128xf32, #tpu.memory_space<hbm>> -> memref<32x128xf32, #tpu.memory_space<hbm>>
      %dma_wait3A_182 = arith.constant 0 : i32
      %dma_wait3A_183 = tpu.memref_slice %arg8[%add3A_159, %dma_wait3A_182] : memref<10240x128xf32, #tpu.memory_space<vmem_shared>> -> memref<32x128xf32, #tpu.memory_space<vmem_shared>>
      tpu.wait_dma2 semaphore(%run_scoped3A : memref<!tpu.dma_semaphore, #tpu.memory_space<semaphore_mem>>) src(%dma_wait3A_183 : memref<32x128xf32, #tpu.memory_space<vmem_shared>>) dst(%dma_wait3A_181 : memref<32x128xf32, #tpu.memory_space<hbm>>)
      tpu.yield
    }) : () -> ()
    %mul3A_160 = arith.constant 640 : i32
    %mul3A_161 = arith.muli %arg1, %mul3A_160 : i32
    %add3A_162 = arith.constant 512 : i32
    %add3A_163 = arith.addi %mul3A_161, %add3A_162 : i32
    "tpu.region"() ({
      %run_scoped3A = tpu.sem_alloc : memref<!tpu.dma_semaphore, #tpu.memory_space<semaphore_mem>>
      %dma_start3A = arith.constant 0 : i32
      %dma_start3A_176 = tpu.memref_slice %arg4[%arg0, %add3A_163, %dma_start3A] : memref<2x10240x128xf32, #tpu.memory_space<hbm>> -> memref<1x32x128xf32, #tpu.memory_space<hbm>>
      %dma_start3A_177 = tpu.memref_squeeze %dma_start3A_176 : memref<1x32x128xf32, #tpu.memory_space<hbm>> -> memref<32x128xf32, #tpu.memory_space<hbm>>
      %dma_start3A_178 = arith.constant 0 : i32
      %dma_start3A_179 = tpu.memref_slice %arg8[%add3A_163, %dma_start3A_178] : memref<10240x128xf32, #tpu.memory_space<vmem_shared>> -> memref<32x128xf32, #tpu.memory_space<vmem_shared>>
      tpu.enqueue_dma source(%dma_start3A_179 : memref<32x128xf32, #tpu.memory_space<vmem_shared>>) target(%dma_start3A_177 : memref<32x128xf32, #tpu.memory_space<hbm>>) target_semaphore(%run_scoped3A : memref<!tpu.dma_semaphore, #tpu.memory_space<semaphore_mem>>)
      %dma_wait3A = arith.constant 0 : i32
      %dma_wait3A_180 = tpu.memref_slice %arg4[%arg0, %add3A_163, %dma_wait3A] : memref<2x10240x128xf32, #tpu.memory_space<hbm>> -> memref<1x32x128xf32, #tpu.memory_space<hbm>>
      %dma_wait3A_181 = tpu.memref_squeeze %dma_wait3A_180 : memref<1x32x128xf32, #tpu.memory_space<hbm>> -> memref<32x128xf32, #tpu.memory_space<hbm>>
      %dma_wait3A_182 = arith.constant 0 : i32
      %dma_wait3A_183 = tpu.memref_slice %arg8[%add3A_163, %dma_wait3A_182] : memref<10240x128xf32, #tpu.memory_space<vmem_shared>> -> memref<32x128xf32, #tpu.memory_space<vmem_shared>>
      tpu.wait_dma2 semaphore(%run_scoped3A : memref<!tpu.dma_semaphore, #tpu.memory_space<semaphore_mem>>) src(%dma_wait3A_183 : memref<32x128xf32, #tpu.memory_space<vmem_shared>>) dst(%dma_wait3A_181 : memref<32x128xf32, #tpu.memory_space<hbm>>)
      tpu.yield
    }) : () -> ()
    %mul3A_164 = arith.constant 640 : i32
    %mul3A_165 = arith.muli %arg1, %mul3A_164 : i32
    %add3A_166 = arith.constant 544 : i32
    %add3A_167 = arith.addi %mul3A_165, %add3A_166 : i32
    "tpu.region"() ({
      %run_scoped3A = tpu.sem_alloc : memref<!tpu.dma_semaphore, #tpu.memory_space<semaphore_mem>>
      %dma_start3A = arith.constant 0 : i32
      %dma_start3A_176 = tpu.memref_slice %arg4[%arg0, %add3A_167, %dma_start3A] : memref<2x10240x128xf32, #tpu.memory_space<hbm>> -> memref<1x32x128xf32, #tpu.memory_space<hbm>>
      %dma_start3A_177 = tpu.memref_squeeze %dma_start3A_176 : memref<1x32x128xf32, #tpu.memory_space<hbm>> -> memref<32x128xf32, #tpu.memory_space<hbm>>
      %dma_start3A_178 = arith.constant 0 : i32
      %dma_start3A_179 = tpu.memref_slice %arg8[%add3A_167, %dma_start3A_178] : memref<10240x128xf32, #tpu.memory_space<vmem_shared>> -> memref<32x128xf32, #tpu.memory_space<vmem_shared>>
      tpu.enqueue_dma source(%dma_start3A_179 : memref<32x128xf32, #tpu.memory_space<vmem_shared>>) target(%dma_start3A_177 : memref<32x128xf32, #tpu.memory_space<hbm>>) target_semaphore(%run_scoped3A : memref<!tpu.dma_semaphore, #tpu.memory_space<semaphore_mem>>)
      %dma_wait3A = arith.constant 0 : i32
      %dma_wait3A_180 = tpu.memref_slice %arg4[%arg0, %add3A_167, %dma_wait3A] : memref<2x10240x128xf32, #tpu.memory_space<hbm>> -> memref<1x32x128xf32, #tpu.memory_space<hbm>>
      %dma_wait3A_181 = tpu.memref_squeeze %dma_wait3A_180 : memref<1x32x128xf32, #tpu.memory_space<hbm>> -> memref<32x128xf32, #tpu.memory_space<hbm>>
      %dma_wait3A_182 = arith.constant 0 : i32
      %dma_wait3A_183 = tpu.memref_slice %arg8[%add3A_167, %dma_wait3A_182] : memref<10240x128xf32, #tpu.memory_space<vmem_shared>> -> memref<32x128xf32, #tpu.memory_space<vmem_shared>>
      tpu.wait_dma2 semaphore(%run_scoped3A : memref<!tpu.dma_semaphore, #tpu.memory_space<semaphore_mem>>) src(%dma_wait3A_183 : memref<32x128xf32, #tpu.memory_space<vmem_shared>>) dst(%dma_wait3A_181 : memref<32x128xf32, #tpu.memory_space<hbm>>)
      tpu.yield
    }) : () -> ()
    %mul3A_168 = arith.constant 640 : i32
    %mul3A_169 = arith.muli %arg1, %mul3A_168 : i32
    %add3A_170 = arith.constant 576 : i32
    %add3A_171 = arith.addi %mul3A_169, %add3A_170 : i32
    "tpu.region"() ({
      %run_scoped3A = tpu.sem_alloc : memref<!tpu.dma_semaphore, #tpu.memory_space<semaphore_mem>>
      %dma_start3A = arith.constant 0 : i32
      %dma_start3A_176 = tpu.memref_slice %arg4[%arg0, %add3A_171, %dma_start3A] : memref<2x10240x128xf32, #tpu.memory_space<hbm>> -> memref<1x32x128xf32, #tpu.memory_space<hbm>>
      %dma_start3A_177 = tpu.memref_squeeze %dma_start3A_176 : memref<1x32x128xf32, #tpu.memory_space<hbm>> -> memref<32x128xf32, #tpu.memory_space<hbm>>
      %dma_start3A_178 = arith.constant 0 : i32
      %dma_start3A_179 = tpu.memref_slice %arg8[%add3A_171, %dma_start3A_178] : memref<10240x128xf32, #tpu.memory_space<vmem_shared>> -> memref<32x128xf32, #tpu.memory_space<vmem_shared>>
      tpu.enqueue_dma source(%dma_start3A_179 : memref<32x128xf32, #tpu.memory_space<vmem_shared>>) target(%dma_start3A_177 : memref<32x128xf32, #tpu.memory_space<hbm>>) target_semaphore(%run_scoped3A : memref<!tpu.dma_semaphore, #tpu.memory_space<semaphore_mem>>)
      %dma_wait3A = arith.constant 0 : i32
      %dma_wait3A_180 = tpu.memref_slice %arg4[%arg0, %add3A_171, %dma_wait3A] : memref<2x10240x128xf32, #tpu.memory_space<hbm>> -> memref<1x32x128xf32, #tpu.memory_space<hbm>>
      %dma_wait3A_181 = tpu.memref_squeeze %dma_wait3A_180 : memref<1x32x128xf32, #tpu.memory_space<hbm>> -> memref<32x128xf32, #tpu.memory_space<hbm>>
      %dma_wait3A_182 = arith.constant 0 : i32
      %dma_wait3A_183 = tpu.memref_slice %arg8[%add3A_171, %dma_wait3A_182] : memref<10240x128xf32, #tpu.memory_space<vmem_shared>> -> memref<32x128xf32, #tpu.memory_space<vmem_shared>>
      tpu.wait_dma2 semaphore(%run_scoped3A : memref<!tpu.dma_semaphore, #tpu.memory_space<semaphore_mem>>) src(%dma_wait3A_183 : memref<32x128xf32, #tpu.memory_space<vmem_shared>>) dst(%dma_wait3A_181 : memref<32x128xf32, #tpu.memory_space<hbm>>)
      tpu.yield
    }) : () -> ()
    %mul3A_172 = arith.constant 640 : i32
    %mul3A_173 = arith.muli %arg1, %mul3A_172 : i32
    %add3A_174 = arith.constant 608 : i32
    %add3A_175 = arith.addi %mul3A_173, %add3A_174 : i32
    "tpu.region"() ({
      %run_scoped3A = tpu.sem_alloc : memref<!tpu.dma_semaphore, #tpu.memory_space<semaphore_mem>>
      %dma_start3A = arith.constant 0 : i32
      %dma_start3A_176 = tpu.memref_slice %arg4[%arg0, %add3A_175, %dma_start3A] : memref<2x10240x128xf32, #tpu.memory_space<hbm>> -> memref<1x32x128xf32, #tpu.memory_space<hbm>>
      %dma_start3A_177 = tpu.memref_squeeze %dma_start3A_176 : memref<1x32x128xf32, #tpu.memory_space<hbm>> -> memref<32x128xf32, #tpu.memory_space<hbm>>
      %dma_start3A_178 = arith.constant 0 : i32
      %dma_start3A_179 = tpu.memref_slice %arg8[%add3A_175, %dma_start3A_178] : memref<10240x128xf32, #tpu.memory_space<vmem_shared>> -> memref<32x128xf32, #tpu.memory_space<vmem_shared>>
      tpu.enqueue_dma source(%dma_start3A_179 : memref<32x128xf32, #tpu.memory_space<vmem_shared>>) target(%dma_start3A_177 : memref<32x128xf32, #tpu.memory_space<hbm>>) target_semaphore(%run_scoped3A : memref<!tpu.dma_semaphore, #tpu.memory_space<semaphore_mem>>)
      %dma_wait3A = arith.constant 0 : i32
      %dma_wait3A_180 = tpu.memref_slice %arg4[%arg0, %add3A_175, %dma_wait3A] : memref<2x10240x128xf32, #tpu.memory_space<hbm>> -> memref<1x32x128xf32, #tpu.memory_space<hbm>>
      %dma_wait3A_181 = tpu.memref_squeeze %dma_wait3A_180 : memref<1x32x128xf32, #tpu.memory_space<hbm>> -> memref<32x128xf32, #tpu.memory_space<hbm>>
      %dma_wait3A_182 = arith.constant 0 : i32
      %dma_wait3A_183 = tpu.memref_slice %arg8[%add3A_175, %dma_wait3A_182] : memref<10240x128xf32, #tpu.memory_space<vmem_shared>> -> memref<32x128xf32, #tpu.memory_space<vmem_shared>>
      tpu.wait_dma2 semaphore(%run_scoped3A : memref<!tpu.dma_semaphore, #tpu.memory_space<semaphore_mem>>) src(%dma_wait3A_183 : memref<32x128xf32, #tpu.memory_space<vmem_shared>>) dst(%dma_wait3A_181 : memref<32x128xf32, #tpu.memory_space<hbm>>)
      tpu.yield
    }) : () -> ()
    return
  }
}

module attributes {stable_mosaic.version = 14 : i64} {
  func.func @_scale_body(%arg0: memref<2x2x10000xf32, #tpu.memory_space<vmem>>, %arg1: memref<10000x128xf32, #tpu.memory_space<vmem>>, %arg2: memref<10000x128xf32, #tpu.memory_space<vmem>>, %arg3: memref<10000x1xf32, #tpu.memory_space<vmem>>) attributes {dimension_semantics = [], scalar_prefetch = 0 : i64, scratch_operands = 0 : i64, tpu.core_type = #tpu.core_type<tc>} {
    %get3A = arith.constant 0 : index
    %get3A_0 = arith.constant 0 : index
    %get3A_1 = arith.constant 0 : index
    %get3A_2 = vector.load %arg0[%get3A, %get3A_0, %get3A_1] : memref<2x2x10000xf32, #tpu.memory_space<vmem>>, vector<2x2x10000xf32>
    %reduce_sum3A = arith.constant dense<0.000000e+00> : vector<2x10000xf32>
    %reduce_sum3A_3 = vector.multi_reduction <add>, %get3A_2, %reduce_sum3A [0] : vector<2x2x10000xf32> to vector<2x10000xf32>
    %max3A = arith.constant 1.000000e+00 : f32
    %max3A_4 = vector.broadcast %max3A : f32 to vector<2x10000xf32>
    %max3A_5 = arith.maximumf %reduce_sum3A_3, %max3A_4 : vector<2x10000xf32>
    %rsqrt3A = math.rsqrt %max3A_5 : vector<2x10000xf32>
    %get3A_6 = arith.constant 0 : index
    %get3A_7 = arith.constant 0 : index
    %get3A_8 = vector.load %arg1[%get3A_6, %get3A_7] : memref<10000x128xf32, #tpu.memory_space<vmem>>, vector<10000x128xf32>
    %slice3A = vector.extract_strided_slice %rsqrt3A {offsets = [0, 0], sizes = [1, 10000], strides = [1, 1]} : vector<2x10000xf32> to vector<1x10000xf32>
    %squeeze3A = vector.shape_cast %slice3A : vector<1x10000xf32> to vector<10000xf32>
    %broadcast_in_dim3A = vector.shape_cast %squeeze3A : vector<10000xf32> to vector<10000x1xf32>
    %mul3A = vector.broadcast %broadcast_in_dim3A : vector<10000x1xf32> to vector<10000x128xf32>
    %mul3A_9 = arith.mulf %get3A_8, %mul3A : vector<10000x128xf32>
    %swap3A = arith.constant 0 : index
    %swap3A_10 = arith.constant 0 : index
    %swap3A_11 = vector.load %arg2[%swap3A, %swap3A_10] : memref<10000x128xf32, #tpu.memory_space<vmem>>, vector<10000x128xf32>
    tpu.vector_store %arg2[%swap3A, %swap3A_10], %mul3A_9 {strides = array<i32>} : memref<10000x128xf32, #tpu.memory_space<vmem>>, vector<10000x128xf32>,
    %slice3A_12 = vector.extract_strided_slice %rsqrt3A {offsets = [1, 0], sizes = [1, 10000], strides = [1, 1]} : vector<2x10000xf32> to vector<1x10000xf32>
    %squeeze3A_13 = vector.shape_cast %slice3A_12 : vector<1x10000xf32> to vector<10000xf32>
    %broadcast_in_dim3A_14 = vector.shape_cast %squeeze3A_13 : vector<10000xf32> to vector<10000x1xf32>
    %swap3A_15 = arith.constant 0 : index
    %swap3A_16 = arith.constant 0 : index
    %swap3A_17 = vector.load %arg3[%swap3A_15, %swap3A_16] : memref<10000x1xf32, #tpu.memory_space<vmem>>, vector<10000x1xf32>
    tpu.vector_store %arg3[%swap3A_15, %swap3A_16], %broadcast_in_dim3A_14 {strides = array<i32>} : memref<10000x1xf32, #tpu.memory_space<vmem>>, vector<10000x1xf32>,
    return
  }
}

module attributes {stable_mosaic.version = 14 : i64} {
  func.func @_conv_gate_body(%arg0: memref<2x10240x128xf32, #tpu.memory_space<vmem>>, %arg1: memref<10000x1xf32, #tpu.memory_space<vmem>>, %arg2: memref<128x128xf32, #tpu.memory_space<vmem>>, %arg3: memref<128xf32, #tpu.memory_space<vmem>>, %arg4: memref<128x64xf32, #tpu.memory_space<vmem>>, %arg5: memref<64xf32, #tpu.memory_space<vmem>>, %arg6: memref<10000x128xf32, #tpu.memory_space<vmem>>, %arg7: memref<10000x2xi32, #tpu.memory_space<vmem>>, %arg8: memref<10000x2xf32, #tpu.memory_space<vmem>>) attributes {dimension_semantics = [], scalar_prefetch = 0 : i64, scratch_operands = 0 : i64, tpu.core_type = #tpu.core_type<tc>} {
    %get3A = arith.constant 0 : index
    %get3A_0 = arith.constant 0 : index
    %get3A_1 = arith.constant 0 : index
    %get3A_2 = vector.load %arg0[%get3A, %get3A_0, %get3A_1] : memref<2x10240x128xf32, #tpu.memory_space<vmem>>, vector<1x10000x128xf32>
    %get3A_3 = vector.shape_cast %get3A_2 : vector<1x10000x128xf32> to vector<10000x128xf32>
    %get3A_4 = arith.constant 1 : index
    %get3A_5 = arith.constant 0 : index
    %get3A_6 = arith.constant 0 : index
    %get3A_7 = vector.load %arg0[%get3A_4, %get3A_5, %get3A_6] : memref<2x10240x128xf32, #tpu.memory_space<vmem>>, vector<1x10000x128xf32>
    %get3A_8 = vector.shape_cast %get3A_7 : vector<1x10000x128xf32> to vector<10000x128xf32>
    %add3A = arith.addf %get3A_3, %get3A_8 : vector<10000x128xf32>
    %get3A_9 = arith.constant 0 : index
    %get3A_10 = arith.constant 0 : index
    %get3A_11 = vector.load %arg1[%get3A_9, %get3A_10] : memref<10000x1xf32, #tpu.memory_space<vmem>>, vector<10000x1xf32>
    %mul3A = vector.broadcast %get3A_11 : vector<10000x1xf32> to vector<10000x128xf32>
    %mul3A_12 = arith.mulf %add3A, %mul3A : vector<10000x128xf32>
    %get3A_13 = arith.constant 0 : index
    %get3A_14 = arith.constant 0 : index
    %get3A_15 = vector.load %arg2[%get3A_13, %get3A_14] : memref<128x128xf32, #tpu.memory_space<vmem>>, vector<128x128xf32>
    %dot_general3A = arith.constant dense<0.000000e+00> : vector<10000x128xf32>
    %dot_general3A_16 = tpu.matmul %mul3A_12, %get3A_15, %dot_general3A {dimension_numbers = #tpu.dot_dimension_numbers<[1], [0], [0], [1], [0, 0, 1, 1], [], []>, transpose_lhs_hint = false} : vector<10000x128xf32>, vector<128x128xf32>, vector<10000x128xf32> -> vector<10000x128xf32>
    %get3A_17 = arith.constant 0 : index
    %get3A_18 = vector.load %arg3[%get3A_17] : memref<128xf32, #tpu.memory_space<vmem>>, vector<128xf32>
    %broadcast_in_dim3A = vector.shape_cast %get3A_18 : vector<128xf32> to vector<1x128xf32>
    %add3A_19 = vector.broadcast %broadcast_in_dim3A : vector<1x128xf32> to vector<10000x128xf32>
    %add3A_20 = arith.addf %dot_general3A_16, %add3A_19 : vector<10000x128xf32>
    %swap3A = arith.constant 0 : index
    %swap3A_21 = arith.constant 0 : index
    %swap3A_22 = vector.load %arg6[%swap3A, %swap3A_21] : memref<10000x128xf32, #tpu.memory_space<vmem>>, vector<10000x128xf32>
    tpu.vector_store %arg6[%swap3A, %swap3A_21], %add3A_20 {strides = array<i32>} : memref<10000x128xf32, #tpu.memory_space<vmem>>, vector<10000x128xf32>,
    %get3A_23 = arith.constant 0 : index
    %get3A_24 = arith.constant 0 : index
    %get3A_25 = vector.load %arg4[%get3A_23, %get3A_24] : memref<128x64xf32, #tpu.memory_space<vmem>>, vector<128x64xf32>
    %dot_general3A_26 = arith.constant dense<0.000000e+00> : vector<10000x64xf32>
    %dot_general3A_27 = tpu.matmul %add3A_20, %get3A_25, %dot_general3A_26 {dimension_numbers = #tpu.dot_dimension_numbers<[1], [0], [0], [1], [0, 0, 1, 1], [], []>, transpose_lhs_hint = false} : vector<10000x128xf32>, vector<128x64xf32>, vector<10000x64xf32> -> vector<10000x64xf32>
    %get3A_28 = arith.constant 0 : index
    %get3A_29 = vector.load %arg5[%get3A_28] : memref<64xf32, #tpu.memory_space<vmem>>, vector<64xf32>
    %broadcast_in_dim3A_30 = vector.shape_cast %get3A_29 : vector<64xf32> to vector<1x64xf32>
    %add3A_31 = vector.broadcast %broadcast_in_dim3A_30 : vector<1x64xf32> to vector<10000x64xf32>
    %add3A_32 = arith.addf %dot_general3A_27, %add3A_31 : vector<10000x64xf32>
    %iota3A = tpu.iota {dimensions = array<i32: 1>} : vector<10000x64xi32>
    %reduce_max3A = arith.constant dense<0xFF800000> : vector<10000xf32>
    %reduce_max3A_33 = vector.multi_reduction <maximumf>, %add3A_32, %reduce_max3A [1] : vector<10000x64xf32> to vector<10000xf32>
    %broadcast_in_dim3A_34 = vector.shape_cast %reduce_max3A_33 : vector<10000xf32> to vector<10000x1xf32>
    %eq3A = vector.broadcast %broadcast_in_dim3A_34 : vector<10000x1xf32> to vector<10000x64xf32>
    %eq3A_35 = arith.cmpf oeq, %add3A_32, %eq3A : vector<10000x64xf32>
    %jit3A = arith.constant 64 : i32
    %broadcast_in_dim3A_36 = vector.broadcast %jit3A : i32 to vector<10000x64xi32>
    %select_n3A = arith.select %eq3A_35, %iota3A, %broadcast_in_dim3A_36 : vector<10000x64xi1>, vector<10000x64xi32>
    %reduce_min3A = arith.constant dense<2147483647> : vector<10000xi32>
    %reduce_min3A_37 = vector.multi_reduction <minsi>, %select_n3A, %reduce_min3A [1] : vector<10000x64xi32> to vector<10000xi32>
    %broadcast_in_dim3A_38 = vector.shape_cast %reduce_min3A_37 : vector<10000xi32> to vector<10000x1xi32>
    %eq3A_39 = vector.broadcast %broadcast_in_dim3A_38 : vector<10000x1xi32> to vector<10000x64xi32>
    %eq3A_40 = arith.cmpi eq, %iota3A, %eq3A_39 : vector<10000x64xi32>
    %jit3A_41 = arith.constant 0xFF800000 : f32
    %broadcast_in_dim3A_42 = vector.broadcast %jit3A_41 : f32 to vector<10000x64xf32>
    %select_n3A_43 = arith.select %eq3A_40, %broadcast_in_dim3A_42, %add3A_32 : vector<10000x64xi1>, vector<10000x64xf32>
    %reduce_max3A_44 = arith.constant dense<0xFF800000> : vector<10000xf32>
    %reduce_max3A_45 = vector.multi_reduction <maximumf>, %select_n3A_43, %reduce_max3A_44 [1] : vector<10000x64xf32> to vector<10000xf32>
    %broadcast_in_dim3A_46 = vector.shape_cast %reduce_max3A_45 : vector<10000xf32> to vector<10000x1xf32>
    %eq3A_47 = vector.broadcast %broadcast_in_dim3A_46 : vector<10000x1xf32> to vector<10000x64xf32>
    %eq3A_48 = arith.cmpf oeq, %select_n3A_43, %eq3A_47 : vector<10000x64xf32>
    %jit3A_49 = arith.constant 64 : i32
    %broadcast_in_dim3A_50 = vector.broadcast %jit3A_49 : i32 to vector<10000x64xi32>
    %select_n3A_51 = arith.select %eq3A_48, %iota3A, %broadcast_in_dim3A_50 : vector<10000x64xi1>, vector<10000x64xi32>
    %reduce_min3A_52 = arith.constant dense<2147483647> : vector<10000xi32>
    %reduce_min3A_53 = vector.multi_reduction <minsi>, %select_n3A_51, %reduce_min3A_52 [1] : vector<10000x64xi32> to vector<10000xi32>
    %broadcast_in_dim3A_54 = vector.shape_cast %reduce_min3A_53 : vector<10000xi32> to vector<10000x1xi32>
    %sub3A = arith.subf %broadcast_in_dim3A_46, %broadcast_in_dim3A_34 : vector<10000x1xf32>
    %exp3A = math.exp %sub3A : vector<10000x1xf32>
    %add3A_55 = arith.constant 1.000000e+00 : f32
    %add3A_56 = vector.broadcast %add3A_55 : f32 to vector<10000x1xf32>
    %add3A_57 = arith.addf %add3A_56, %exp3A : vector<10000x1xf32>
    %div3A = arith.constant 1.000000e+00 : f32
    %div3A_58 = vector.broadcast %div3A : f32 to vector<10000x1xf32>
    %div3A_59 = arith.divf %div3A_58, %add3A_57 : vector<10000x1xf32>
    %div3A_60 = arith.divf %exp3A, %add3A_57 : vector<10000x1xf32>
    %concatenate3A = tpu.concatenate %broadcast_in_dim3A_38, %broadcast_in_dim3A_54 in 1 : vector<10000x1xi32>, vector<10000x1xi32> -> vector<10000x2xi32>
    %swap3A_61 = arith.constant 0 : index
    %swap3A_62 = arith.constant 0 : index
    %swap3A_63 = vector.load %arg7[%swap3A_61, %swap3A_62] : memref<10000x2xi32, #tpu.memory_space<vmem>>, vector<10000x2xi32>
    tpu.vector_store %arg7[%swap3A_61, %swap3A_62], %concatenate3A {strides = array<i32>} : memref<10000x2xi32, #tpu.memory_space<vmem>>, vector<10000x2xi32>,
    %concatenate3A_64 = tpu.concatenate %div3A_59, %div3A_60 in 1 : vector<10000x1xf32>, vector<10000x1xf32> -> vector<10000x2xf32>
    %swap3A_65 = arith.constant 0 : index
    %swap3A_66 = arith.constant 0 : index
    %swap3A_67 = vector.load %arg8[%swap3A_65, %swap3A_66] : memref<10000x2xf32, #tpu.memory_space<vmem>>, vector<10000x2xf32>
    tpu.vector_store %arg8[%swap3A_65, %swap3A_66], %concatenate3A_64 {strides = array<i32>} : memref<10000x2xf32, #tpu.memory_space<vmem>>, vector<10000x2xf32>,
    return
  }
}

module attributes {stable_mosaic.version = 14 : i64} {
  func.func @_route_meta_body(%arg0: memref<20000xi32, #tpu.memory_space<vmem>>, %arg1: memref<144x256xi32, #tpu.memory_space<vmem>>, %arg2: memref<144xi32, #tpu.memory_space<vmem>>) attributes {dimension_semantics = [], scalar_prefetch = 0 : i64, scratch_operands = 0 : i64, tpu.core_type = #tpu.core_type<tc>} {
    %get3A = arith.constant 0 : index
    %get3A_0 = vector.load %arg0[%get3A] : memref<20000xi32, #tpu.memory_space<vmem>>, vector<20000xi32>
    %iota3A = tpu.iota {dimensions = array<i32: 1>} : vector<20000x64xi32>
    %broadcast_in_dim3A = vector.shape_cast %get3A_0 : vector<20000xi32> to vector<20000x1xi32>
    %eq3A = vector.broadcast %broadcast_in_dim3A : vector<20000x1xi32> to vector<20000x64xi32>
    %eq3A_1 = arith.cmpi eq, %eq3A, %iota3A : vector<20000x64xi32>
    %convert_element_type3A = arith.extui %eq3A_1 : vector<20000x64xi1> to vector<20000x64xi32>
    %reduce_sum3A = arith.constant dense<0> : vector<64xi32>
    %reduce_sum3A_2 = vector.multi_reduction <add>, %convert_element_type3A, %reduce_sum3A [0] : vector<20000x64xi32> to vector<64xi32>
    %add3A = arith.constant 256 : i32
    %add3A_3 = vector.broadcast %add3A : i32 to vector<64xi32>
    %add3A_4 = arith.addi %reduce_sum3A_2, %add3A_3 : vector<64xi32>
    %sub3A = arith.constant 1 : i32
    %sub3A_5 = vector.broadcast %sub3A : i32 to vector<64xi32>
    %sub3A_6 = arith.subi %add3A_4, %sub3A_5 : vector<64xi32>
    %jit3A = arith.constant 256 : i32
    %div3A = vector.broadcast %jit3A : i32 to vector<64xi32>
    %div3A_7 = arith.divsi %sub3A_6, %div3A : vector<64xi32>
    %sign3A = arith.constant 0 : i32
    %sign3A_8 = vector.broadcast %sign3A : i32 to vector<64xi32>
    %sign3A_9 = arith.cmpi sgt, %sub3A_6, %sign3A_8 : vector<64xi32>
    %sign3A_10 = arith.extui %sign3A_9 : vector<64xi1> to vector<64xi32>
    %sign3A_11 = arith.constant 0 : i32
    %sign3A_12 = vector.broadcast %sign3A_11 : i32 to vector<64xi32>
    %sign3A_13 = arith.cmpi slt, %sub3A_6, %sign3A_12 : vector<64xi32>
    %sign3A_14 = arith.extui %sign3A_13 : vector<64xi1> to vector<64xi32>
    %sign3A_15 = arith.subi %sign3A_10, %sign3A_14 : vector<64xi32>
    %sign3A_16 = arith.constant 0 : i32
    %sign3A_17 = arith.cmpi sgt, %jit3A, %sign3A_16 : i32
    %sign3A_18 = arith.extui %sign3A_17 : i1 to i32
    %sign3A_19 = arith.constant 0 : i32
    %sign3A_20 = arith.cmpi slt, %jit3A, %sign3A_19 : i32
    %sign3A_21 = arith.extui %sign3A_20 : i1 to i32
    %sign3A_22 = arith.subi %sign3A_18, %sign3A_21 : i32
    %ne3A = vector.broadcast %sign3A_22 : i32 to vector<64xi32>
    %ne3A_23 = arith.cmpi ne, %sign3A_15, %ne3A : vector<64xi32>
    %rem3A = vector.broadcast %jit3A : i32 to vector<64xi32>
    %rem3A_24 = arith.remsi %sub3A_6, %rem3A : vector<64xi32>
    %ne3A_25 = arith.constant 0 : i32
    %ne3A_26 = vector.broadcast %ne3A_25 : i32 to vector<64xi32>
    %ne3A_27 = arith.cmpi ne, %rem3A_24, %ne3A_26 : vector<64xi32>
    %and3A = arith.andi %ne3A_23, %ne3A_27 : vector<64xi1>
    %sub3A_28 = arith.constant 1 : i32
    %sub3A_29 = vector.broadcast %sub3A_28 : i32 to vector<64xi32>
    %sub3A_30 = arith.subi %div3A_7, %sub3A_29 : vector<64xi32>
    %select_n3A = arith.select %and3A, %sub3A_30, %div3A_7 : vector<64xi1>, vector<64xi32>
    %mul3A = arith.constant 256 : i32
    %mul3A_31 = vector.broadcast %mul3A : i32 to vector<64xi32>
    %mul3A_32 = arith.muli %select_n3A, %mul3A_31 : vector<64xi32>
    %iota3A_33 = tpu.iota {dimensions = array<i32: 0>} : vector<64x64xi32>
    %iota3A_34 = tpu.iota {dimensions = array<i32: 1>} : vector<64x64xi32>
    %le3A = arith.cmpi sle, %iota3A_33, %iota3A_34 : vector<64x64xi32>
    %broadcast_in_dim3A_35 = vector.shape_cast %mul3A_32 : vector<64xi32> to vector<64x1xi32>
    %jit3A_36 = arith.constant 0 : i32
    %broadcast_in_dim3A_37 = vector.shape_cast %broadcast_in_dim3A_35 : vector<64x1xi32> to vector<64x1xi32>
    %broadcast_in_dim3A_38 = vector.broadcast %broadcast_in_dim3A_37 : vector<64x1xi32> to vector<64x64xi32>
    %broadcast_in_dim3A_39 = vector.broadcast %jit3A_36 : i32 to vector<64x64xi32>
    %select_n3A_40 = arith.select %le3A, %broadcast_in_dim3A_38, %broadcast_in_dim3A_39 : vector<64x64xi1>, vector<64x64xi32>
    %reduce_sum3A_41 = arith.constant dense<0> : vector<64xi32>
    %reduce_sum3A_42 = vector.multi_reduction <add>, %select_n3A_40, %reduce_sum3A_41 [0] : vector<64x64xi32> to vector<64xi32>
    %sub3A_43 = arith.subi %reduce_sum3A_42, %mul3A_32 : vector<64xi32>
    %broadcast_in_dim3A_44 = vector.shape_cast %reduce_sum3A_2 : vector<64xi32> to vector<64x1xi32>
    %jit3A_45 = arith.constant 0 : i32
    %broadcast_in_dim3A_46 = vector.shape_cast %broadcast_in_dim3A_44 : vector<64x1xi32> to vector<64x1xi32>
    %broadcast_in_dim3A_47 = vector.broadcast %broadcast_in_dim3A_46 : vector<64x1xi32> to vector<64x64xi32>
    %broadcast_in_dim3A_48 = vector.broadcast %jit3A_45 : i32 to vector<64x64xi32>
    %select_n3A_49 = arith.select %le3A, %broadcast_in_dim3A_47, %broadcast_in_dim3A_48 : vector<64x64xi1>, vector<64x64xi32>
    %reduce_sum3A_50 = arith.constant dense<0> : vector<64xi32>
    %reduce_sum3A_51 = vector.multi_reduction <add>, %select_n3A_49, %reduce_sum3A_50 [0] : vector<64x64xi32> to vector<64xi32>
    %sub3A_52 = arith.subi %reduce_sum3A_51, %reduce_sum3A_2 : vector<64xi32>
    %iota3A_53 = tpu.iota {dimensions = array<i32: 1>} : vector<1x144xi32>
    %iota3A_54 = vector.shape_cast %iota3A_53 : vector<1x144xi32> to vector<144xi32>
    %mul3A_55 = arith.constant 256 : i32
    %mul3A_56 = vector.broadcast %mul3A_55 : i32 to vector<144xi32>
    %mul3A_57 = arith.muli %iota3A_54, %mul3A_56 : vector<144xi32>
    %broadcast_in_dim3A_58 = vector.shape_cast %mul3A_57 : vector<144xi32> to vector<144x1xi32>
    %broadcast_in_dim3A_59 = vector.shape_cast %reduce_sum3A_42 : vector<64xi32> to vector<1x64xi32>
    %ge3A = vector.broadcast %broadcast_in_dim3A_58 : vector<144x1xi32> to vector<144x64xi32>
    %ge3A_60 = vector.broadcast %broadcast_in_dim3A_59 : vector<1x64xi32> to vector<144x64xi32>
    %ge3A_61 = arith.cmpi sge, %ge3A, %ge3A_60 : vector<144x64xi32>
    %convert_element_type3A_62 = arith.extui %ge3A_61 : vector<144x64xi1> to vector<144x64xi32>
    %reduce_sum3A_63 = arith.constant dense<0> : vector<144xi32>
    %reduce_sum3A_64 = vector.multi_reduction <add>, %convert_element_type3A_62, %reduce_sum3A_63 [1] : vector<144x64xi32> to vector<144xi32>
    %min3A = arith.constant 63 : i32
    %min3A_65 = vector.broadcast %min3A : i32 to vector<144xi32>
    %min3A_66 = arith.minsi %reduce_sum3A_64, %min3A_65 : vector<144xi32>
    %broadcast_in_dim3A_67 = vector.shape_cast %min3A_66 : vector<144xi32> to vector<144x1xi32>
    %iota3A_68 = tpu.iota {dimensions = array<i32: 1>} : vector<144x64xi32>
    %eq3A_69 = vector.broadcast %broadcast_in_dim3A_67 : vector<144x1xi32> to vector<144x64xi32>
    %eq3A_70 = arith.cmpi eq, %eq3A_69, %iota3A_68 : vector<144x64xi32>
    %convert_element_type3A_71 = arith.extui %eq3A_70 : vector<144x64xi1> to vector<144x64xi32>
    %broadcast_in_dim3A_72 = vector.shape_cast %sub3A_43 : vector<64xi32> to vector<1x64xi32>
    %mul3A_73 = vector.broadcast %broadcast_in_dim3A_72 : vector<1x64xi32> to vector<144x64xi32>
    %mul3A_74 = arith.muli %convert_element_type3A_71, %mul3A_73 : vector<144x64xi32>
    %reduce_sum3A_75 = arith.constant dense<0> : vector<144xi32>
    %reduce_sum3A_76 = vector.multi_reduction <add>, %mul3A_74, %reduce_sum3A_75 [1] : vector<144x64xi32> to vector<144xi32>
    %broadcast_in_dim3A_77 = vector.shape_cast %sub3A_52 : vector<64xi32> to vector<1x64xi32>
    %mul3A_78 = vector.broadcast %broadcast_in_dim3A_77 : vector<1x64xi32> to vector<144x64xi32>
    %mul3A_79 = arith.muli %convert_element_type3A_71, %mul3A_78 : vector<144x64xi32>
    %reduce_sum3A_80 = arith.constant dense<0> : vector<144xi32>
    %reduce_sum3A_81 = vector.multi_reduction <add>, %mul3A_79, %reduce_sum3A_80 [1] : vector<144x64xi32> to vector<144xi32>
    %broadcast_in_dim3A_82 = vector.shape_cast %reduce_sum3A_2 : vector<64xi32> to vector<1x64xi32>
    %mul3A_83 = vector.broadcast %broadcast_in_dim3A_82 : vector<1x64xi32> to vector<144x64xi32>
    %mul3A_84 = arith.muli %convert_element_type3A_71, %mul3A_83 : vector<144x64xi32>
    %reduce_sum3A_85 = arith.constant dense<0> : vector<144xi32>
    %reduce_sum3A_86 = vector.multi_reduction <add>, %mul3A_84, %reduce_sum3A_85 [1] : vector<144x64xi32> to vector<144xi32>
    %iota3A_87 = tpu.iota {dimensions = array<i32: 1>} : vector<144x256xi32>
    %broadcast_in_dim3A_88 = vector.shape_cast %mul3A_57 : vector<144xi32> to vector<144x1xi32>
    %add3A_89 = vector.broadcast %broadcast_in_dim3A_88 : vector<144x1xi32> to vector<144x256xi32>
    %add3A_90 = arith.addi %add3A_89, %iota3A_87 : vector<144x256xi32>
    %broadcast_in_dim3A_91 = vector.shape_cast %reduce_sum3A_76 : vector<144xi32> to vector<144x1xi32>
    %sub3A_92 = vector.broadcast %broadcast_in_dim3A_91 : vector<144x1xi32> to vector<144x256xi32>
    %sub3A_93 = arith.subi %add3A_90, %sub3A_92 : vector<144x256xi32>
    %broadcast_in_dim3A_94 = vector.shape_cast %reduce_sum3A_86 : vector<144xi32> to vector<144x1xi32>
    %lt3A = vector.broadcast %broadcast_in_dim3A_94 : vector<144x1xi32> to vector<144x256xi32>
    %lt3A_95 = arith.cmpi slt, %sub3A_93, %lt3A : vector<144x256xi32>
    %broadcast_in_dim3A_96 = vector.shape_cast %mul3A_57 : vector<144xi32> to vector<144x1xi32>
    %add3A_97 = vector.broadcast %broadcast_in_dim3A_96 : vector<144x1xi32> to vector<144x256xi32>
    %add3A_98 = arith.addi %add3A_97, %iota3A_87 : vector<144x256xi32>
    %broadcast_in_dim3A_99 = vector.shape_cast %reduce_sum3A_81 : vector<144xi32> to vector<144x1xi32>
    %add3A_100 = vector.broadcast %broadcast_in_dim3A_99 : vector<144x1xi32> to vector<144x256xi32>
    %add3A_101 = arith.addi %add3A_100, %sub3A_93 : vector<144x256xi32>
    %and3A_102 = arith.constant 8191 : i32
    %and3A_103 = vector.broadcast %and3A_102 : i32 to vector<144x256xi32>
    %and3A_104 = arith.andi %add3A_98, %and3A_103 : vector<144x256xi32>
    %add3A_105 = arith.constant 20000 : i32
    %add3A_106 = vector.broadcast %add3A_105 : i32 to vector<144x256xi32>
    %add3A_107 = arith.addi %add3A_106, %and3A_104 : vector<144x256xi32>
    %select_n3A_108 = arith.select %lt3A_95, %add3A_101, %add3A_107 : vector<144x256xi1>, vector<144x256xi32>
    %swap3A = arith.constant 0 : index
    %swap3A_109 = arith.constant 0 : index
    %swap3A_110 = vector.load %arg1[%swap3A, %swap3A_109] : memref<144x256xi32, #tpu.memory_space<vmem>>, vector<144x256xi32>
    tpu.vector_store %arg1[%swap3A, %swap3A_109], %select_n3A_108 {strides = array<i32>} : memref<144x256xi32, #tpu.memory_space<vmem>>, vector<144x256xi32>,
    %swap3A_111 = arith.constant 0 : index
    %swap3A_112 = vector.load %arg2[%swap3A_111] : memref<144xi32, #tpu.memory_space<vmem>>, vector<144xi32>
    tpu.vector_store %arg2[%swap3A_111], %min3A_66 {strides = array<i32>} : memref<144xi32, #tpu.memory_space<vmem>>, vector<144xi32>,
    return
  }
}

module attributes {stable_mosaic.version = 14 : i64} {
  func.func @_ffn_body(%arg0: i32, %arg1: memref<144xi32, #tpu.memory_space<smem>>, %arg2: memref<256x128xf32, #tpu.memory_space<vmem>>, %arg3: memref<256x1xf32, #tpu.memory_space<vmem>>, %arg4: memref<1x128x256xbf16, #tpu.memory_space<vmem>>, %arg5: memref<1x1x256xf32, #tpu.memory_space<vmem>>, %arg6: memref<1x256x128xbf16, #tpu.memory_space<vmem>>, %arg7: memref<1x1x128xf32, #tpu.memory_space<vmem>>, %arg8: memref<256x128xf32, #tpu.memory_space<vmem>>) attributes {dimension_semantics = [#tpu.dimension_semantics<arbitrary>], iteration_bounds = array<i64: 144>, scalar_prefetch = 1 : i64, scratch_operands = 0 : i64, tpu.core_type = #tpu.core_type<tc>, window_params = [{transform_indices = @transform_0, window_bounds = array<i64: 256, 128>}, {transform_indices = @transform_1, window_bounds = array<i64: 256, 1>}, {transform_indices = @transform_2, window_bounds = array<i64: 1, 128, 256>}, {transform_indices = @transform_3, window_bounds = array<i64: 1, 1, 256>}, {transform_indices = @transform_4, window_bounds = array<i64: 1, 256, 128>}, {transform_indices = @transform_5, window_bounds = array<i64: 1, 1, 128>}, {transform_indices = @transform_6, window_bounds = array<i64: 256, 128>}]} {
    %get3A = arith.constant 0 : index
    %get3A_0 = arith.constant 0 : index
    %get3A_1 = vector.load %arg2[%get3A, %get3A_0] : memref<256x128xf32, #tpu.memory_space<vmem>>, vector<256x128xf32>
    %convert_element_type3A = arith.truncf %get3A_1 : vector<256x128xf32> to vector<256x128xbf16>
    %get3A_2 = arith.constant 0 : index
    %get3A_3 = arith.constant 0 : index
    %get3A_4 = arith.constant 0 : index
    %get3A_5 = vector.load %arg4[%get3A_2, %get3A_3, %get3A_4] : memref<1x128x256xbf16, #tpu.memory_space<vmem>>, vector<1x128x256xbf16>
    %get3A_6 = vector.shape_cast %get3A_5 : vector<1x128x256xbf16> to vector<128x256xbf16>
    %dot_general3A = arith.constant dense<0.000000e+00> : vector<256x256xf32>
    %dot_general3A_7 = tpu.matmul %convert_element_type3A, %get3A_6, %dot_general3A {dimension_numbers = #tpu.dot_dimension_numbers<[1], [0], [0], [1], [0, 0, 1, 1], [], []>, transpose_lhs_hint = false} : vector<256x128xbf16>, vector<128x256xbf16>, vector<256x256xf32> -> vector<256x256xf32>
    %get3A_8 = arith.constant 0 : index
    %get3A_9 = arith.constant 0 : index
    %get3A_10 = arith.constant 0 : index
    %get3A_11 = vector.load %arg5[%get3A_8, %get3A_9, %get3A_10] : memref<1x1x256xf32, #tpu.memory_space<vmem>>, vector<1x1x256xf32>
    %get3A_12 = vector.shape_cast %get3A_11 : vector<1x1x256xf32> to vector<1x256xf32>
    %add3A = vector.broadcast %get3A_12 : vector<1x256xf32> to vector<256x256xf32>
    %add3A_13 = arith.addf %dot_general3A_7, %add3A : vector<256x256xf32>
    %mul3A = arith.constant 5.000000e-01 : f32
    %mul3A_14 = vector.broadcast %mul3A : f32 to vector<256x256xf32>
    %mul3A_15 = arith.mulf %mul3A_14, %add3A_13 : vector<256x256xf32>
    %mul3A_16 = arith.constant 0.707106769 : f32
    %mul3A_17 = vector.broadcast %mul3A_16 : f32 to vector<256x256xf32>
    %mul3A_18 = arith.mulf %add3A_13, %mul3A_17 : vector<256x256xf32>
    %erf3A = math.erf %mul3A_18 : vector<256x256xf32>
    %add3A_19 = arith.constant 1.000000e+00 : f32
    %add3A_20 = vector.broadcast %add3A_19 : f32 to vector<256x256xf32>
    %add3A_21 = arith.addf %add3A_20, %erf3A : vector<256x256xf32>
    %mul3A_22 = arith.mulf %mul3A_15, %add3A_21 : vector<256x256xf32>
    %convert_element_type3A_23 = arith.truncf %mul3A_22 : vector<256x256xf32> to vector<256x256xbf16>
    %get3A_24 = arith.constant 0 : index
    %get3A_25 = arith.constant 0 : index
    %get3A_26 = arith.constant 0 : index
    %get3A_27 = vector.load %arg6[%get3A_24, %get3A_25, %get3A_26] : memref<1x256x128xbf16, #tpu.memory_space<vmem>>, vector<1x256x128xbf16>
    %get3A_28 = vector.shape_cast %get3A_27 : vector<1x256x128xbf16> to vector<256x128xbf16>
    %dot_general3A_29 = arith.constant dense<0.000000e+00> : vector<256x128xf32>
    %dot_general3A_30 = tpu.matmul %convert_element_type3A_23, %get3A_28, %dot_general3A_29 {dimension_numbers = #tpu.dot_dimension_numbers<[1], [0], [0], [1], [0, 0, 1, 1], [], []>, transpose_lhs_hint = false} : vector<256x256xbf16>, vector<256x128xbf16>, vector<256x128xf32> -> vector<256x128xf32>
    %get3A_31 = arith.constant 0 : index
    %get3A_32 = arith.constant 0 : index
    %get3A_33 = arith.constant 0 : index
    %get3A_34 = vector.load %arg7[%get3A_31, %get3A_32, %get3A_33] : memref<1x1x128xf32, #tpu.memory_space<vmem>>, vector<1x1x128xf32>
    %get3A_35 = vector.shape_cast %get3A_34 : vector<1x1x128xf32> to vector<1x128xf32>
    %add3A_36 = vector.broadcast %get3A_35 : vector<1x128xf32> to vector<256x128xf32>
    %add3A_37 = arith.addf %dot_general3A_30, %add3A_36 : vector<256x128xf32>
    %get3A_38 = arith.constant 0 : index
    %get3A_39 = arith.constant 0 : index
    %get3A_40 = vector.load %arg3[%get3A_38, %get3A_39] : memref<256x1xf32, #tpu.memory_space<vmem>>, vector<256x1xf32>
    %mul3A_41 = vector.broadcast %get3A_40 : vector<256x1xf32> to vector<256x128xf32>
    %mul3A_42 = arith.mulf %add3A_37, %mul3A_41 : vector<256x128xf32>
    %swap3A = arith.constant 0 : index
    %swap3A_43 = arith.constant 0 : index
    %swap3A_44 = vector.load %arg8[%swap3A, %swap3A_43] : memref<256x128xf32, #tpu.memory_space<vmem>>, vector<256x128xf32>
    tpu.vector_store %arg8[%swap3A, %swap3A_43], %mul3A_42 {strides = array<i32>} : memref<256x128xf32, #tpu.memory_space<vmem>>, vector<256x128xf32>,
    return
  }
  func.func @transform_0(%arg0: i32, %arg1: memref<144xi32, #tpu.memory_space<smem>>) -> (i32, i32) {
    %c0_i32 = arith.constant 0 : i32
    %c0_i32_0 = arith.constant 0 : i32
    return %arg0, %c0_i32 : i32, i32
  }
  func.func @transform_1(%arg0: i32, %arg1: memref<144xi32, #tpu.memory_space<smem>>) -> (i32, i32) {
    %c0_i32 = arith.constant 0 : i32
    %c0_i32_0 = arith.constant 0 : i32
    return %arg0, %c0_i32 : i32, i32
  }
  func.func @transform_2(%arg0: i32, %arg1: memref<144xi32, #tpu.memory_space<smem>>) -> (i32, i32, i32) {
    %get3A = arith.index_cast %arg0 : i32 to index
    %get3A_0 = memref.load %arg1[%get3A] : memref<144xi32, #tpu.memory_space<smem>>
    %c0_i32 = arith.constant 0 : i32
    %c0_i32_1 = arith.constant 0 : i32
    %c0_i32_2 = arith.constant 0 : i32
    return %get3A_0, %c0_i32, %c0_i32_1 : i32, i32, i32
  }
  func.func @transform_3(%arg0: i32, %arg1: memref<144xi32, #tpu.memory_space<smem>>) -> (i32, i32, i32) {
    %get3A = arith.index_cast %arg0 : i32 to index
    %get3A_0 = memref.load %arg1[%get3A] : memref<144xi32, #tpu.memory_space<smem>>
    %c0_i32 = arith.constant 0 : i32
    %c0_i32_1 = arith.constant 0 : i32
    %c0_i32_2 = arith.constant 0 : i32
    return %get3A_0, %c0_i32, %c0_i32_1 : i32, i32, i32
  }
  func.func @transform_4(%arg0: i32, %arg1: memref<144xi32, #tpu.memory_space<smem>>) -> (i32, i32, i32) {
    %get3A = arith.index_cast %arg0 : i32 to index
    %get3A_0 = memref.load %arg1[%get3A] : memref<144xi32, #tpu.memory_space<smem>>
    %c0_i32 = arith.constant 0 : i32
    %c0_i32_1 = arith.constant 0 : i32
    %c0_i32_2 = arith.constant 0 : i32
    return %get3A_0, %c0_i32, %c0_i32_1 : i32, i32, i32
  }
  func.func @transform_5(%arg0: i32, %arg1: memref<144xi32, #tpu.memory_space<smem>>) -> (i32, i32, i32) {
    %get3A = arith.index_cast %arg0 : i32 to index
    %get3A_0 = memref.load %arg1[%get3A] : memref<144xi32, #tpu.memory_space<smem>>
    %c0_i32 = arith.constant 0 : i32
    %c0_i32_1 = arith.constant 0 : i32
    %c0_i32_2 = arith.constant 0 : i32
    return %get3A_0, %c0_i32, %c0_i32_1 : i32, i32, i32
  }
  func.func @transform_6(%arg0: i32, %arg1: memref<144xi32, #tpu.memory_space<smem>>) -> (i32, i32) {
    %c0_i32 = arith.constant 0 : i32
    %c0_i32_0 = arith.constant 0 : i32
    return %arg0, %c0_i32 : i32, i32
  }
}

module attributes {stable_mosaic.version = 14 : i64} {
  func.func @_bn_body(%arg0: memref<10000x128xf32, #tpu.memory_space<vmem>>, %arg1: memref<2x10240x128xf32, #tpu.memory_space<vmem>>, %arg2: memref<128xf32, #tpu.memory_space<vmem>>, %arg3: memref<128xf32, #tpu.memory_space<vmem>>, %arg4: memref<10000x128xf32, #tpu.memory_space<vmem>>) attributes {dimension_semantics = [], scalar_prefetch = 0 : i64, scratch_operands = 0 : i64, tpu.core_type = #tpu.core_type<tc>} {
    %get3A = arith.constant 0 : index
    %get3A_0 = arith.constant 0 : index
    %get3A_1 = vector.load %arg0[%get3A, %get3A_0] : memref<10000x128xf32, #tpu.memory_space<vmem>>, vector<10000x128xf32>
    %get3A_2 = arith.constant 0 : index
    %get3A_3 = arith.constant 0 : index
    %get3A_4 = arith.constant 0 : index
    %get3A_5 = vector.load %arg1[%get3A_2, %get3A_3, %get3A_4] : memref<2x10240x128xf32, #tpu.memory_space<vmem>>, vector<1x10000x128xf32>
    %get3A_6 = vector.shape_cast %get3A_5 : vector<1x10000x128xf32> to vector<10000x128xf32>
    %add3A = arith.addf %get3A_1, %get3A_6 : vector<10000x128xf32>
    %get3A_7 = arith.constant 1 : index
    %get3A_8 = arith.constant 0 : index
    %get3A_9 = arith.constant 0 : index
    %get3A_10 = vector.load %arg1[%get3A_7, %get3A_8, %get3A_9] : memref<2x10240x128xf32, #tpu.memory_space<vmem>>, vector<1x10000x128xf32>
    %get3A_11 = vector.shape_cast %get3A_10 : vector<1x10000x128xf32> to vector<10000x128xf32>
    %add3A_12 = arith.addf %add3A, %get3A_11 : vector<10000x128xf32>
    %reduce_sum3A = arith.constant dense<0.000000e+00> : vector<128xf32>
    %reduce_sum3A_13 = vector.multi_reduction <add>, %add3A_12, %reduce_sum3A [0] : vector<10000x128xf32> to vector<128xf32>
    %broadcast_in_dim3A = vector.shape_cast %reduce_sum3A_13 : vector<128xf32> to vector<1x128xf32>
    %div3A = arith.constant 1.000000e+04 : f32
    %div3A_14 = vector.broadcast %div3A : f32 to vector<1x128xf32>
    %div3A_15 = arith.divf %broadcast_in_dim3A, %div3A_14 : vector<1x128xf32>
    %sub3A = vector.broadcast %div3A_15 : vector<1x128xf32> to vector<10000x128xf32>
    %sub3A_16 = arith.subf %add3A_12, %sub3A : vector<10000x128xf32>
    %mul3A = arith.mulf %sub3A_16, %sub3A_16 : vector<10000x128xf32>
    %reduce_sum3A_17 = arith.constant dense<0.000000e+00> : vector<128xf32>
    %reduce_sum3A_18 = vector.multi_reduction <add>, %mul3A, %reduce_sum3A_17 [0] : vector<10000x128xf32> to vector<128xf32>
    %broadcast_in_dim3A_19 = vector.shape_cast %reduce_sum3A_18 : vector<128xf32> to vector<1x128xf32>
    %div3A_20 = arith.constant 1.000000e+04 : f32
    %div3A_21 = vector.broadcast %div3A_20 : f32 to vector<1x128xf32>
    %div3A_22 = arith.divf %broadcast_in_dim3A_19, %div3A_21 : vector<1x128xf32>
    %add3A_23 = arith.constant 9.99999974E-6 : f32
    %add3A_24 = vector.broadcast %add3A_23 : f32 to vector<1x128xf32>
    %add3A_25 = arith.addf %div3A_22, %add3A_24 : vector<1x128xf32>
    %rsqrt3A = math.rsqrt %add3A_25 : vector<1x128xf32>
    %mul3A_26 = vector.broadcast %rsqrt3A : vector<1x128xf32> to vector<10000x128xf32>
    %mul3A_27 = arith.mulf %sub3A_16, %mul3A_26 : vector<10000x128xf32>
    %get3A_28 = arith.constant 0 : index
    %get3A_29 = vector.load %arg2[%get3A_28] : memref<128xf32, #tpu.memory_space<vmem>>, vector<128xf32>
    %broadcast_in_dim3A_30 = vector.shape_cast %get3A_29 : vector<128xf32> to vector<1x128xf32>
    %mul3A_31 = vector.broadcast %broadcast_in_dim3A_30 : vector<1x128xf32> to vector<10000x128xf32>
    %mul3A_32 = arith.mulf %mul3A_27, %mul3A_31 : vector<10000x128xf32>
    %get3A_33 = arith.constant 0 : index
    %get3A_34 = vector.load %arg3[%get3A_33] : memref<128xf32, #tpu.memory_space<vmem>>, vector<128xf32>
    %broadcast_in_dim3A_35 = vector.shape_cast %get3A_34 : vector<128xf32> to vector<1x128xf32>
    %add3A_36 = vector.broadcast %broadcast_in_dim3A_35 : vector<1x128xf32> to vector<10000x128xf32>
    %add3A_37 = arith.addf %mul3A_32, %add3A_36 : vector<10000x128xf32>
    %swap3A = arith.constant 0 : index
    %swap3A_38 = arith.constant 0 : index
    %swap3A_39 = vector.load %arg4[%swap3A, %swap3A_38] : memref<10000x128xf32, #tpu.memory_space<vmem>>, vector<10000x128xf32>
    tpu.vector_store %arg4[%swap3A, %swap3A_38], %add3A_37 {strides = array<i32>} : memref<10000x128xf32, #tpu.memory_space<vmem>>, vector<10000x128xf32>,
    return
  }
}

</mosaic_0001>

<sc_bundles>
// kernel: gather_offload_async_start.1
scs
__scs_entry_jumppad:
0x0: {  	(pc) =	sbr.rel $0x88, $3  }
0x1: {  	(tag) =	ssettag $0x0;
	lr =	simm.s32 $0x1  }
0x2: {  	[smem:$0x3F95] =	sst lr;
	_ =	strace $0xD0000000  }
0x3: {  	_ = 	snop  }
0x4: {  	_ = 	snop  }
0x5: {  	_ = 	snop  }
0x6: {  	_ = 	snop  }
0x7: {  	_ = 	snop  }
__scs_overlays_trampoline_lowered:
0x8: {  	[smem:$0x3FA4] =	sst s0  }
0x9: {  	[smem:$0x3FA5] =	sst s1  }
0xa: {  	[smem:$0x3FA6] =	sst s2  }
0xb: {  	[smem:$0x3FA7] =	sst s3  }
0xc: {  	[smem:$0x3FA8] =	sst s4  }
0xd: {  	[smem:$0x3FA9] =	sst s5  }
0xe: {  	[smem:$0x3FAA] =	sst s6  }
0xf: {  	[smem:$0x3FAB] =	sst s7  }
0x10: {  	[smem:$0x3FAC] =	sst s8  }
0x11: {  	[smem:$0x3FAD] =	sst s9;
	s0 =	simm.s32 @!p0 $0x0  }
0x12: {  	s1 =	sld [smem:$0x3F93];
	s0 =	simm.s32 @p0 $0x1  }
0x13: {  	[smem:$0x3FAE] =	sst s0;
	s0 =	simm.s32 @!p1 $0x0  }
0x14: {  	s2 =	sld [smem:$0x3F92];
	s0 =	simm.s32 @p1 $0x1  }
0x15: {  	[smem:$0x3FAF] =	sst s0;
	s0 =	simm.s32 @!p2 $0x0  }
0x16: {  	s3 =	sld [smem:$0x3FDB];
	s0 =	simm.s32 @p2 $0x1  }
0x17: {  	s4 =	simm.s32 $0x1BF5;
	[smem:$0x3FB1] =	sst s0  }
0x18: {  	s0 =	sld [smem:$0x3F94];
	_ =	swait.ge [sflag:s4], $0x0  }
0x19: {  	s7 =	sld [smem:$0x3F95]  }
0x1a: {  	s8 =	sadd.s32 $0xFFFFE003, lr  }
0x1b: {  	s9 =	sadd.s32 $0xFFFFFEF7, lr;
	s5 =	simm.s32 $0xFFFFFFFF;
	p2 =	slt.u32 s8, $0xFFFFF086  }
0x1c: {  	p1 =	slt.u32 s9, $0xF7A;
	s5 =	simm.s32 @!p2 $0x0  }
0x1d: {  	s5 =	simm.s32 @p1 $0x1;
	p0 =	seq.s32 s7, s2  }
0x1e: {  	s7 =	smul.u32 @!p0 $0xF7A, s2;
	p2 =	seq.s32 @!p0 s5, $0x0  }
0x1f: {  	s9 =	smul.u32 $0xF7A, s1;
	s8 =	simm.s32 @!p0 $0x1BF5;
	p2 =	por !p2, p0  }
0x20: {  	[sflag:s8] =	ssyncset.s32 @!p0 $0xFFFFF086;
	s6 =	sadd.s32 @!p0 s3, s7;
	s7 =	simm.s32 @!p0 $0x108  }
0x21: {  	s3 =	sadd.s32 s3, s9;
	s6 =	sadd.s32 @!p0 $0x88, s6;
	s7 =	simm.s32 @p2 $0x1082  }
0x22: {  	[simem:s7], [sflag:s8] =	dma.local @!p0 [hbm:s6], $0xF7A  }
0x23: {  	s9 =	sor.u32 $0xD0000000, s2;
	s6 =	simm.s32 $0x108;
	_ =	swait.ge @!p0 [sflag:s8], $0x0  }
0x24: {  	s3 =	sadd.s32 $0x88, s3;
	s6 =	simm.s32 @!p1 $0x1082;
	[sflag:s4] =	ssyncset.s32 $0xFFFFF086  }
0x25: {  	[simem:s6], [sflag:s4] =	dma.local [hbm:s3], $0xF7A  }
0x26: {  	[smem:$0x3F95] =	sst s1;
	(tag) =	ssettag s2;
	_ =	strace s9  }
0x27: {  	s1 =	sld [smem:$0x3FA5]  }
0x28: {  	s2 =	sld [smem:$0x3FA6]  }
0x29: {  	s4 =	sld [smem:$0x3FA8]  }
0x2a: {  	p0 =	seq.s32 s5, $0x0;
	s5 =	sld [smem:$0x3FA9]  }
0x2b: {  	s6 =	sld [smem:$0x3FAA]  }
0x2c: {  	s7 =	sld [smem:$0x3FAB]  }
0x2d: {  	s3 =	simm.s32 $0x108;
	s8 =	sld [smem:$0x3FAC]  }
0x2e: {  	s3 =	simm.s32 @!p0 $0x1082;
	s9 =	sld [smem:$0x3FAD]  }
0x2f: {  	lr =	sadd.s32 s0, s3;
	s0 =	sld [smem:$0x3FA4]  }
0x30: {  	s3 =	sld [smem:$0x3FA7]  }
0x31: {  	[smem:$0x3FB0] =	sst s10  }
0x32: {  	s10 =	sld [smem:$0x3FAE];
	_ =	sdelay $0x3  }
0x33: {  	p0 =	seq.s32 s10, $0x1;
	s10 =	sld [smem:$0x3FB0];
	_ =	sdelay $0x3  }
0x34: {  	[smem:$0x3FB0] =	sst s10  }
0x35: {  	s10 =	sld [smem:$0x3FAF];
	_ =	sdelay $0x3  }
0x36: {  	p1 =	seq.s32 s10, $0x1;
	s10 =	sld [smem:$0x3FB0];
	_ =	sdelay $0x3  }
0x37: {  	[smem:$0x3FB0] =	sst s10  }
0x38: {  	s10 =	sld [smem:$0x3FB1]  }
0x39: {  	_ = 	snop;
	(pc) =	sbr.ind lr, $3  }
0x3a: {  	_ = 	snop  }
0x3b: {  	_ = 	snop  }
0x3c: {  	p2 =	seq.s32 s10, $0x1;
	s10 =	sld [smem:$0x3FB0]  }
0x3d: {  	_ =	shalt  }
0x3e: {  	_ =	shalt  }
0x3f: {  	_ =	shalt  }
0x40: {  	_ =	shalt  }
0x41: {  	_ =	shalt  }
0x42: {  	_ =	shalt  }
0x43: {  	_ =	shalt  }
0x44: {  	_ =	shalt  }
0x45: {  	_ =	shalt  }
0x46: {  	_ =	shalt  }
0x47: {  	_ =	shalt  }
0x48: {  	_ =	shalt  }
0x49: {  	_ =	shalt  }
0x4a: {  	_ =	shalt  }
0x4b: {  	_ =	shalt  }
0x4c: {  	_ =	shalt  }
0x4d: {  	_ =	shalt  }
0x4e: {  	_ =	shalt  }
0x4f: {  	_ =	shalt  }
0x50: {  	_ =	shalt  }
0x51: {  	_ =	shalt  }
0x52: {  	_ =	shalt  }
0x53: {  	_ =	shalt  }
0x54: {  	_ =	shalt  }
0x55: {  	_ =	shalt  }
0x56: {  	_ =	shalt  }
0x57: {  	_ =	shalt  }
0x58: {  	_ =	shalt  }
0x59: {  	_ =	shalt  }
0x5a: {  	_ =	shalt  }
0x5b: {  	_ =	shalt  }
0x5c: {  	_ =	shalt  }
0x5d: {  	_ =	shalt  }
0x5e: {  	_ =	shalt  }
0x5f: {  	_ =	shalt  }
0x60: {  	_ =	shalt  }
0x61: {  	_ =	shalt  }
0x62: {  	_ =	shalt  }
0x63: {  	_ =	shalt  }
0x64: {  	_ =	shalt  }
0x65: {  	_ =	shalt  }
0x66: {  	_ =	shalt  }
0x67: {  	_ =	shalt  }
0x68: {  	_ =	shalt  }
0x69: {  	_ =	shalt  }
0x6a: {  	_ =	shalt  }
0x6b: {  	_ =	shalt  }
0x6c: {  	_ =	shalt  }
0x6d: {  	_ =	shalt  }
0x6e: {  	_ =	shalt  }
0x6f: {  	_ =	shalt  }
0x70: {  	_ =	shalt  }
0x71: {  	_ =	shalt  }
0x72: {  	_ =	shalt  }
0x73: {  	_ =	shalt  }
0x74: {  	_ =	shalt  }
0x75: {  	_ =	shalt  }
0x76: {  	_ =	shalt  }
0x77: {  	_ =	shalt  }
0x78: {  	_ =	shalt  }
0x79: {  	_ =	shalt  }
0x7a: {  	_ =	shalt  }
0x7b: {  	_ =	shalt  }
0x7c: {  	_ =	shalt  }
0x7d: {  	_ =	shalt  }
0x7e: {  	_ =	shalt  }
0x7f: {  	_ =	shalt  }
0x80: {  	_ =	shalt  }
0x81: {  	_ =	shalt  }
0x82: {  	_ =	shalt  }
0x83: {  	_ =	shalt  }
0x84: {  	_ =	shalt  }
0x85: {  	_ =	shalt  }
0x86: {  	_ =	shalt  }
0x87: {  	_ =	shalt  }
.Lfunc_end0:
.L_simem_size_0:
called_computation.1_lowered:
.L_overlay_start_0:
0x88: {  	s2 =	sld [smem:$0x3FD9]  }
0x89: {  	s3 =	sld [smem:$0x3FFE];
	_ =	sdelay $0x1  }
0x8a: {  	s1 =	srdreg.scid  }
0x8b: {  	s0 =	sand.u32 $0x1, s1  }
0x8c: {  	s16 =	sshll.u32 s0, $0xA;
	s2 =	sadd.s32 s3, s2  }
0x8d: {  	s2 =	sadd.s32 s2, s16  }
0x8e: {  	[smem:$0x3FBC] =	sst s2  }
0x8f: {  	_ = 	snop  }
0x90: {  	(tm) =	ssettm $0x1  }
0x91: {  	s17 =	sld [smem:$0x3FFB];
	_ =	sdelay $0x3  }
0x92: {  	_ =	strace s17  }
0x93: {  	s2 =	sld [smem:$0x3FFC];
	_ =	sdelay $0x3  }
0x94: {  	_ =	strace s2  }
0x95: {  	s2 =	sld [smem:$0x3FFD];
	_ =	sdelay $0x3  }
0x96: {  	_ =	strace s2  }
0x97: {  	_ =	strace $0x8FFFFFFF  }
0x98: {  	s18 =	sld [smem:$0x3FDB];
	_ =	sdelay $0x1  }
0x99: {  	s19 =	simm.s32 $_scs_section_size  }
0x9a: {  	s4 =	simm.s32 $_size__tile_overlayer_lowered;
	s5 =	simm.s32 $_tile_overlayer_lowered  }
0x9b: {  	s22 =	simm.s32 $0x1BFF;
	s21 =	sshll.u32 s5, $0x1;
	s2 =	sadd.s32 s19, s18  }
0x9c: {  	s6 =	simm.s32 $0x0;
	s20 =	sshll.u32 s4, $0x1;
	s4 =	sadd.s32 s21, s2  }
0x9d: {  	[timem:s6], [sflag:s22] =	dma.local [hbm:s4], s20  }
0x9e: {  	_ =	swait.ge [sflag:s22], s20  }
0x9f: {  	s3 =	ssub.s32 $0x0, s20;
	[sflag:s22] =	ssyncset.done $0x0  }
0xa0: {  	[sflag:s22] =	ssyncadd.s32 s3;
	_ =	sdelay $0x1  }
0xa1: {  	s23 =	simm.s32 $0x1B8B  }
0xa2: {  	_ =	swait.ge [sflag:s23], $0x1  }
0xa3: {  	[sflag:s23] =	ssyncset.done $0x0  }
0xa4: {  	s25 =	simm.s32 $0x1B8E;
	s24 =	sld [smem:$0x3FFE];
	[sflag:s23] =	ssyncadd.s32 $0xFFFFFFFF  }
0xa5: {  	s26 =	simm.s32 $execute0_lowered;
	[smem:$0x3FD2] =	sst s25  }
0xa6: {  	s4 =	sshll.u32 s26, $0x1;
	_ =	strace $0x80000052;
	[dreg:$0x1] =	wrdreg $0xFFFFFFFF  }
0xa7: {  	s28 =	simm.s32 $_size_execute0_lowered;
	s2 =	sadd.s32 s2, s4;
	[dreg:$0x0] =	wrdreg $0x0  }
0xa8: {  	s4 =	sshll.u32 s28, $0x1;
	[dreg:$0x2] =	wrdreg s2  }
0xa9: {  	[dreg:$0x3] =	wrdreg s4  }
0xaa: {  	[dreg:$0x4] =	wrdreg $0xC0  }
0xab: {  	_ =	task [dreg:s6], $0x5FFFF  }
0xac: {  	[dreg:$0x1] =	wrdreg $0xFFFFFFFF  }
0xad: {  	[dreg:$0x0] =	wrdreg $0x60  }
0xae: {  	[dreg:$0x2] =	wrdreg s24  }
0xaf: {  	[dreg:$0x3] =	wrdreg $0x9  }
0xb0: {  	_ =	task.clear_ibuf [dreg:s6], $0x4FFFF;
	_ =	strace $0x90000052  }
0xb1: {  	s29 =	simm.s32 $0x9;
	_ =	strace $0x80000054  }
0xb2: {  	_ =	swait.ge [sflag:s29], $0x1  }
0xb3: {  	[sflag:s29] =	ssyncadd.s32 $0xFFFFFFFF  }
0xb4: {  	_ =	strace $0x90000054  }
0xb5: {  	_ =	sfence  }
0xb6: {  	s30 =	sld [smem:$0x0];
	_ =	sdelay $0x2  }
0xb7: {  	s31 =	sshll.u32 s1, $0xD;
	s1 =	sshrl.u32 s1, $0x2  }
0xb8: {  	s3 =	sand.u32 $0x4000, s31;
	s1 =	sadd.s32 s1, s30  }
0xb9: {  	s0 =	sor.u32 s3, s0;
	s1 =	sshll.u32 s1, $0x11  }
0xba: {  	s0 =	sor.u32 s1, s0  }
0xbb: {  	s0 =	sadd.s32 $0x8F2B, s0  }
0xbc: {  	[sflag:s0] =	ssyncadd.remote.s32 $0x1  }
0xbd: {  	_ =	sfence.sel $0xFFFF  }
0xbe: {  	[dreg:$0x0] =	wrdreg $0xFFFFFFFF;
	(pc) =	sbr.abs _section_cstart, $3  }
0xbf: {  	[dreg:$0x1] =	wrdreg $0xFFFFFFFF  }
0xc0: {  	_ =	task.clear_ibuf [dreg:s6], $0x2FFFF;
	_ =	strace $0x9FFFFFFF  }
0xc1: {  	(tm) =	ssettm $0x7FFFFFFF  }
tec
execute0_lowered:
.L_overlay_start_1:
0x0: {  	(tag) =	ssettag $0x1  }
0x1: {  	s0 =	srdreg.scid;
	s5 =	rddreg [dreg:$0x0]  }
0x2: {  	s1 =	stileid.u32;
	s6 =	simm.s32 $0x1;
	s9 =	simm.s32 $0x1  }
0x3: {  	s10 =	simm.s32 $0x3;
	s13 =	simm.s32 $0x0;
	s2 =	sshll.u32 s0, $0xA  }
0x4: {  	s12 =	simm.s32 $0x0;
	s3 =	sshll.u32 s1, $0xB;
	s2 =	sand.u32 $0x400, s2  }
0x5: {  	s0 =	rddreg [dreg:$0x1];
	_ =	strace $0x80000053;
	s2 =	sor.u32 s3, s2  }
0x6: {  	s4 =	sadd.s32 $0x6000, s5;
	[sflag:s6] =	ssyncpa.u1 $0x0;
	s8 =	ssub.s32 $0x9000, s2  }
.Ltmp0:
0x7: {  	s3 =	sadd.s32 $0x7C00, s5;
	s7 =	sand.u32 $0x7C00, s8;
	(pc) =	sbr.rel .LBB2_1-.Ltmp0, $4  }
0x8: {  	s5 =	sadd.s32 $0x99800, s5;
	s11 =	smov.u32 s2;
	p0 =	sne.s32 s7, $0x0  }
0x9: {  	s8 =	sshrl.u32 s8, $0xF;
	s7 =	simm.s32 $0x2;
	s9 =	simm.s32 @!p0 $0x0  }
0xa: {  	[sflag:s7] =	ssyncpa.u1 $0x0;
	p0 =	por $0x0, $0x0;
	s8 =	sadd.s32 s9, s8  }
0xb: {  	vm0 =	vmmov $0xffff;
	[sflag:s10] =	ssyncpa.u1 $0x0;
	s10 =	simm.s32 $0x0;
	s9 =	sadd.s32 $0x1, s8  }
.LBB2_4:
0xc: {  	v2 =	vnsel vm1, $0x0, v2  }
0xd: {  	vm1 =	vgt.s32 v0, $0x0;
	v2 =	vmin.u32 v2, $0x6E1F  }
0xe: {  	v0 =	vnsel vm1, $0x0, v0  }
0xf: {  	v0 =	vmin.u32 v0, $0x6E1F  }
0x10: {  	[tilespmem:s15], [sflag:$0x1] =	stream.indirect_vreg.gather [hbm4b:s3+s10], $0x1, v1, vm0, $0x4038;
	[tilespmem:$0x1000] =	vst v63  }
0x11: {  	(ifvalue) =	ssetifvalue $0x7FFFFFFF  }
0x12: {  	[tilespmem:s16], [sflag:$0x1] =	stream.indirect_vreg.gather [hbm4b:s3+s10], $0x1, v2, vm0, $0x4038;
	[tilespmem:$0x1000] =	vst v63  }
0x13: {  	s29 =	sadd.s32 $0x10, s16;
	(ifvalue) =	ssetifvalue $0x7FFFFFFF  }
0x14: {  	[tilespmem:s29], [sflag:$0x1] =	stream.indirect_vreg.gather [hbm4b:s3+s10], $0x1, v0, vm0, $0x4038;
	[tilespmem:$0x1000] =	vst v63  }
0x15: {  	_ =	swait.ge [sflag:s6], $0x400  }
0x16: {  	s30 =	sshrl.u32 s13, $0x3;
	[sflag:s6] =	ssyncset.done $0x0  }
0x17: {  	s31 =	sand.u32 $0x7, s13;
	s15 =	sadd.s32 s5, s30;
	[sflag:s6] =	ssyncadd.s32 $0xFFFFFC00  }
0x18: {  	[hbm4b:s15+s31] =	stream.linear.scatter [tilespmem:s14], [sflag:$0x3], $0x400, $0x38;
	[tilespmem:$0x1000] =	vst v63  }
.LBB2_5:
0x19: {  	s15 =	sadd.s32 $0x8000, s11  }
0x1a: {  	p2 =	sgt.s32 s15, $0x8FFF  }
0x1b: {  	s15 =	smov.u32 @p2 s2;
	p2 =	sne.s32 s12, s9  }
.Ltmp1:
0x1c: {  	p1 =	slt.u32 s12, $0x2;
	(pc) =	sbr.rel @!p2 .LBB2_6-.Ltmp1, $4  }
0x1d: {  	s14 =	simm.s32 @!p1 $0x3  }
0x1e: {  	s16 =	sadd.s32 $0x1, s12;
	_ =	swait.ge @!p1 [sflag:s14], $0x400  }
0x1f: {  	s13 =	smov.u32 s11;
	p0 =	por !p0, !p0;
	[sflag:s14] =	ssyncset.done @!p1 $0x0  }
0x20: {  	s12 =	smov.u32 s16;
	s11 =	smov.u32 s15;
	[sflag:s14] =	ssyncadd.s32 @!p1 $0xFFFFFC00  }
.LBB2_1:
0x21: {  	p1 =	sge.u32 s12, s8  }
0x22: {  	s14 =	sxor.u32 @!p1 $0xFFFFFFFF, s12  }
0x23: {  	s31 =	sadd.s32 $0xFFFFFFFF, s12;
	s15 =	sshrl.u32 @!p1 s11, $0x3;
	s14 =	sshll.u32 @!p1 s14, $0xA  }
0x24: {  	s16 =	sand.u32 @!p1 $0x7, s11;
	s15 =	sadd.s32 @!p1 s4, s15;
	s14 =	sand.u32 @!p1 $0x400, s14  }
0x25: {  	[tilespmem:s14], [sflag:$0x2] =	stream.linear.gather @!p1 [hbm4b:s15+s16], $0x400, $0x38;
	[tilespmem:$0x1000] =	vst v63  }
0x26: {  	p1 =	sge.u32 s31, s8  }
.Ltmp2:
0x27: {  	_ = 	snop;
	(pc) =	sbr.rel @p1 .LBB2_5-.Ltmp2, $1  }
0x28: {  	_ =	sdelay $0x3  }
0x29: {  	s14 =	simm.s32 $0x1  }
0x2a: {  	_ =	swait.ge [sflag:s7], $0x400;
	s14 =	simm.s32 @!p0 $0x0  }
0x2b: {  	[sflag:s7] =	ssyncset.done $0x0;
	s14 =	sshll.u32 s14, $0xA  }
0x2c: {  	[sflag:s7] =	ssyncadd.s32 $0xFFFFFC00;
	(ifvalue) =	ssetifvalue $0x7FFFFFFF;
	v0 =	vld.msk [tilespmem:s14+$0x0 ss:$0x1], $0xffff;
	_ =	sdelay $0x4  }
0x2d: {  	s15 =	sadd.s32 $0x10, s14;
	vm1 =	vgt.s32 v0, $0x0  }
0x2e: {  	v2 =	vld.msk [tilespmem:s15+$0x0 ss:$0x1], $0xffff;
	v1 =	vnsel vm1, $0x0, v0  }
0x2f: {  	v1 =	vmin.u32 v1, $0x6E1F;
	_ =	sdelay $0x1  }
0x30: {  	s16 =	sshll.u32 s12, $0xA;
	s18 =	simm.s32 $0x20  }
0x31: {  	s16 =	sand.u32 $0x400, s16;
	s17 =	sadd.s32 $0x10, s15;
	s15 =	sor.u32 $0x800, s14  }
0x32: {  	s14 =	sor.u32 $0x800, s16;
	s16 =	sadd.s32 $0x10, s15;
	v0 =	vld.msk [tilespmem:s17+$0x0 ss:$0x1], $0xffff;
	vm1 =	vgt.s32 v2, $0x0;
	(ifvalue) =	ssetifvalue $0x7FFFFFFF  }
.LBB2_3:
0x33: {  	[tilespmem:s15], [sflag:$0x1] =	stream.indirect_vreg.gather [hbm4b:s3+s10], $0x1, v1, vm0, $0x4038;
	[tilespmem:$0x1000] =	vst v63  }
0x34: {  	s18 =	sadd.s32 $0x10, s18  }
0x35: {  	v2 =	vnsel vm1, $0x0, v2;
	p1 =	slt.u32 s18, $0x3F0  }
.Ltmp3:
0x36: {  	s15 =	smov.u32 s16;
	v1 =	vmin.u32 v2, $0x6E1F;
	(pc) =	sbr.rel @p1 .LBB2_3-.Ltmp3, $3  }
0x37: {  	_ =	sdelay $0x1  }
0x38: {  	s17 =	sadd.s32 $0x10, s17  }
0x39: {  	vm1 =	vgt.s32 v0, $0x0;
	s16 =	sadd.s32 $0x10, s16;
	v2 =	vmov v0;
	(ifvalue) =	ssetifvalue $0x7FFFFFFF;
	v0 =	vld.msk [tilespmem:s17+$0x0 ss:$0x1], $0xffff  }
.Ltmp4:
0x3a: {  	_ = 	snop;
	(pc) =	sbr.rel .LBB2_4-.Ltmp4, $1  }
0x3b: {  	_ =	sdelay $0x3  }
.LBB2_6:
0x3c: {  	_ =	sfence.sel $0x180000  }
0x3d: {  	s2 =	simm.s32 $0x2;
	[bflag:$0x0] =	sbarrier.arrive $0xFFFF  }
0x3e: {  	s30 =	simm.s32 $0x3;
	[sflag:s2] =	ssyncpa.u1 $0x1  }
0x3f: {  	s31 =	simm.s32 $0x1;
	[sflag:s30] =	ssyncpa.u1 $0x1  }
0x40: {  	[sflag:s31] =	ssyncpa.u1 $0x1  }
0x41: {  	p0 =	sne.s32 s1, $0x0;
	_ =	strace $0x90000053  }
0x42: {  	s0 =	sadd.s32 @!p0 $0x100000, s0;
	[bflag:$0x2] =	sbarrier.arrive $0xFFFF  }
0x43: {  	[sflag:s0] =	ssyncadd.tile.s32 @!p0 $0x1;
	_ =	shalt  }
.Lfunc_end2:
_tile_overlayer_lowered:
.L_overlay_start_2:
0x44: {  	(tag) =	ssettag $0x2  }
0x45: {  	s0 =	rddreg [dreg:$0x0];
	s2 =	stileid.u32  }
0x46: {  	s1 =	rddreg [dreg:$0x1];
	p0 =	sne.s32 s2, $0x0  }
0x47: {  	s3 =	rddreg [dreg:$0x2];
	[bflag:$0x3] =	sbarrier.arrive $0xFFFF;
	s2 =	simm.s32 @!p0 $0x1C01  }
0x48: {  	[timem:s3], [sflag:s2] =	dma.local @!p0 [hbm:s0], s1  }
0x49: {  	s0 =	simm.s32 @!p0 $0x1  }
0x4a: {  	_ =	swait.ge @!p0 [sflag:s0], s1  }
0x4b: {  	s1 =	ssub.s32 @!p0 $0x0, s1;
	[sflag:s0] =	ssyncset.done @!p0 $0x0  }
0x4c: {  	[sflag:s0] =	ssyncadd.s32 @!p0 s1  }
0x4d: {  	[bflag:$0x3] =	sbarrier.arrive $0xFFFF  }
0x4e: {  	_ =	shalt  }

// kernel: gather_offload_async_start.2
scs
__scs_entry_jumppad:
0x0: {  	(pc) =	sbr.rel $0x88, $3  }
0x1: {  	(tag) =	ssettag $0x0;
	lr =	simm.s32 $0x1  }
0x2: {  	[smem:$0x3F95] =	sst lr;
	_ =	strace $0xD0000000  }
0x3: {  	_ = 	snop  }
0x4: {  	_ = 	snop  }
0x5: {  	_ = 	snop  }
0x6: {  	_ = 	snop  }
0x7: {  	_ = 	snop  }
__scs_overlays_trampoline_lowered:
0x8: {  	[smem:$0x3FA4] =	sst s0  }
0x9: {  	[smem:$0x3FA5] =	sst s1  }
0xa: {  	[smem:$0x3FA6] =	sst s2  }
0xb: {  	[smem:$0x3FA7] =	sst s3  }
0xc: {  	[smem:$0x3FA8] =	sst s4  }
0xd: {  	[smem:$0x3FA9] =	sst s5  }
0xe: {  	[smem:$0x3FAA] =	sst s6  }
0xf: {  	[smem:$0x3FAB] =	sst s7  }
0x10: {  	[smem:$0x3FAC] =	sst s8  }
0x11: {  	[smem:$0x3FAD] =	sst s9;
	s0 =	simm.s32 @!p0 $0x0  }
0x12: {  	s1 =	sld [smem:$0x3F93];
	s0 =	simm.s32 @p0 $0x1  }
0x13: {  	[smem:$0x3FAE] =	sst s0;
	s0 =	simm.s32 @!p1 $0x0  }
0x14: {  	s2 =	sld [smem:$0x3F92];
	s0 =	simm.s32 @p1 $0x1  }
0x15: {  	[smem:$0x3FAF] =	sst s0;
	s0 =	simm.s32 @!p2 $0x0  }
0x16: {  	s3 =	sld [smem:$0x3FDB];
	s0 =	simm.s32 @p2 $0x1  }
0x17: {  	s4 =	simm.s32 $0x1BF5;
	[smem:$0x3FB1] =	sst s0  }
0x18: {  	s0 =	sld [smem:$0x3F94];
	_ =	swait.ge [sflag:s4], $0x0  }
0x19: {  	s7 =	sld [smem:$0x3F95]  }
0x1a: {  	s8 =	sadd.s32 $0xFFFFE003, lr  }
0x1b: {  	s9 =	sadd.s32 $0xFFFFFEF7, lr;
	s5 =	simm.s32 $0xFFFFFFFF;
	p2 =	slt.u32 s8, $0xFFFFF086  }
0x1c: {  	p1 =	slt.u32 s9, $0xF7A;
	s5 =	simm.s32 @!p2 $0x0  }
0x1d: {  	s5 =	simm.s32 @p1 $0x1;
	p0 =	seq.s32 s7, s2  }
0x1e: {  	s7 =	smul.u32 @!p0 $0xF7A, s2;
	p2 =	seq.s32 @!p0 s5, $0x0  }
0x1f: {  	s9 =	smul.u32 $0xF7A, s1;
	s8 =	simm.s32 @!p0 $0x1BF5;
	p2 =	por !p2, p0  }
0x20: {  	[sflag:s8] =	ssyncset.s32 @!p0 $0xFFFFF086;
	s6 =	sadd.s32 @!p0 s3, s7;
	s7 =	simm.s32 @!p0 $0x108  }
0x21: {  	s3 =	sadd.s32 s3, s9;
	s6 =	sadd.s32 @!p0 $0x88, s6;
	s7 =	simm.s32 @p2 $0x1082  }
0x22: {  	[simem:s7], [sflag:s8] =	dma.local @!p0 [hbm:s6], $0xF7A  }
0x23: {  	s9 =	sor.u32 $0xD0000000, s2;
	s6 =	simm.s32 $0x108;
	_ =	swait.ge @!p0 [sflag:s8], $0x0  }
0x24: {  	s3 =	sadd.s32 $0x88, s3;
	s6 =	simm.s32 @!p1 $0x1082;
	[sflag:s4] =	ssyncset.s32 $0xFFFFF086  }
0x25: {  	[simem:s6], [sflag:s4] =	dma.local [hbm:s3], $0xF7A  }
0x26: {  	[smem:$0x3F95] =	sst s1;
	(tag) =	ssettag s2;
	_ =	strace s9  }
0x27: {  	s1 =	sld [smem:$0x3FA5]  }
0x28: {  	s2 =	sld [smem:$0x3FA6]  }
0x29: {  	s4 =	sld [smem:$0x3FA8]  }
0x2a: {  	p0 =	seq.s32 s5, $0x0;
	s5 =	sld [smem:$0x3FA9]  }
0x2b: {  	s6 =	sld [smem:$0x3FAA]  }
0x2c: {  	s7 =	sld [smem:$0x3FAB]  }
0x2d: {  	s3 =	simm.s32 $0x108;
	s8 =	sld [smem:$0x3FAC]  }
0x2e: {  	s3 =	simm.s32 @!p0 $0x1082;
	s9 =	sld [smem:$0x3FAD]  }
0x2f: {  	lr =	sadd.s32 s0, s3;
	s0 =	sld [smem:$0x3FA4]  }
0x30: {  	s3 =	sld [smem:$0x3FA7]  }
0x31: {  	[smem:$0x3FB0] =	sst s10  }
0x32: {  	s10 =	sld [smem:$0x3FAE];
	_ =	sdelay $0x3  }
0x33: {  	p0 =	seq.s32 s10, $0x1;
	s10 =	sld [smem:$0x3FB0];
	_ =	sdelay $0x3  }
0x34: {  	[smem:$0x3FB0] =	sst s10  }
0x35: {  	s10 =	sld [smem:$0x3FAF];
	_ =	sdelay $0x3  }
0x36: {  	p1 =	seq.s32 s10, $0x1;
	s10 =	sld [smem:$0x3FB0];
	_ =	sdelay $0x3  }
0x37: {  	[smem:$0x3FB0] =	sst s10  }
0x38: {  	s10 =	sld [smem:$0x3FB1]  }
0x39: {  	_ = 	snop;
	(pc) =	sbr.ind lr, $3  }
0x3a: {  	_ = 	snop  }
0x3b: {  	_ = 	snop  }
0x3c: {  	p2 =	seq.s32 s10, $0x1;
	s10 =	sld [smem:$0x3FB0]  }
0x3d: {  	_ =	shalt  }
0x3e: {  	_ =	shalt  }
0x3f: {  	_ =	shalt  }
0x40: {  	_ =	shalt  }
0x41: {  	_ =	shalt  }
0x42: {  	_ =	shalt  }
0x43: {  	_ =	shalt  }
0x44: {  	_ =	shalt  }
0x45: {  	_ =	shalt  }
0x46: {  	_ =	shalt  }
0x47: {  	_ =	shalt  }
0x48: {  	_ =	shalt  }
0x49: {  	_ =	shalt  }
0x4a: {  	_ =	shalt  }
0x4b: {  	_ =	shalt  }
0x4c: {  	_ =	shalt  }
0x4d: {  	_ =	shalt  }
0x4e: {  	_ =	shalt  }
0x4f: {  	_ =	shalt  }
0x50: {  	_ =	shalt  }
0x51: {  	_ =	shalt  }
0x52: {  	_ =	shalt  }
0x53: {  	_ =	shalt  }
0x54: {  	_ =	shalt  }
0x55: {  	_ =	shalt  }
0x56: {  	_ =	shalt  }
0x57: {  	_ =	shalt  }
0x58: {  	_ =	shalt  }
0x59: {  	_ =	shalt  }
0x5a: {  	_ =	shalt  }
0x5b: {  	_ =	shalt  }
0x5c: {  	_ =	shalt  }
0x5d: {  	_ =	shalt  }
0x5e: {  	_ =	shalt  }
0x5f: {  	_ =	shalt  }
0x60: {  	_ =	shalt  }
0x61: {  	_ =	shalt  }
0x62: {  	_ =	shalt  }
0x63: {  	_ =	shalt  }
0x64: {  	_ =	shalt  }
0x65: {  	_ =	shalt  }
0x66: {  	_ =	shalt  }
0x67: {  	_ =	shalt  }
0x68: {  	_ =	shalt  }
0x69: {  	_ =	shalt  }
0x6a: {  	_ =	shalt  }
0x6b: {  	_ =	shalt  }
0x6c: {  	_ =	shalt  }
0x6d: {  	_ =	shalt  }
0x6e: {  	_ =	shalt  }
0x6f: {  	_ =	shalt  }
0x70: {  	_ =	shalt  }
0x71: {  	_ =	shalt  }
0x72: {  	_ =	shalt  }
0x73: {  	_ =	shalt  }
0x74: {  	_ =	shalt  }
0x75: {  	_ =	shalt  }
0x76: {  	_ =	shalt  }
0x77: {  	_ =	shalt  }
0x78: {  	_ =	shalt  }
0x79: {  	_ =	shalt  }
0x7a: {  	_ =	shalt  }
0x7b: {  	_ =	shalt  }
0x7c: {  	_ =	shalt  }
0x7d: {  	_ =	shalt  }
0x7e: {  	_ =	shalt  }
0x7f: {  	_ =	shalt  }
0x80: {  	_ =	shalt  }
0x81: {  	_ =	shalt  }
0x82: {  	_ =	shalt  }
0x83: {  	_ =	shalt  }
0x84: {  	_ =	shalt  }
0x85: {  	_ =	shalt  }
0x86: {  	_ =	shalt  }
0x87: {  	_ =	shalt  }
.Lfunc_end0:
.L_simem_size_0:
called_computation.2_lowered:
.L_overlay_start_0:
0x88: {  	s2 =	sld [smem:$0x3FD9]  }
0x89: {  	s3 =	sld [smem:$0x3FFE];
	_ =	sdelay $0x1  }
0x8a: {  	s1 =	srdreg.scid  }
0x8b: {  	s0 =	sand.u32 $0x1, s1  }
0x8c: {  	s16 =	sshll.u32 s0, $0xA;
	s2 =	sadd.s32 s3, s2  }
0x8d: {  	s2 =	sadd.s32 s2, s16  }
0x8e: {  	[smem:$0x3FBC] =	sst s2  }
0x8f: {  	_ = 	snop  }
0x90: {  	(tm) =	ssettm $0x1  }
0x91: {  	s17 =	sld [smem:$0x3FFB];
	_ =	sdelay $0x3  }
0x92: {  	_ =	strace s17  }
0x93: {  	s2 =	sld [smem:$0x3FFC];
	_ =	sdelay $0x3  }
0x94: {  	_ =	strace s2  }
0x95: {  	s2 =	sld [smem:$0x3FFD];
	_ =	sdelay $0x3  }
0x96: {  	_ =	strace s2  }
0x97: {  	_ =	strace $0x8FFFFFFF  }
0x98: {  	s18 =	sld [smem:$0x3FDB];
	_ =	sdelay $0x1  }
0x99: {  	s19 =	simm.s32 $_scs_section_size  }
0x9a: {  	s4 =	simm.s32 $_size__tile_overlayer_lowered;
	s5 =	simm.s32 $_tile_overlayer_lowered  }
0x9b: {  	s22 =	simm.s32 $0x1BFF;
	s21 =	sshll.u32 s5, $0x1;
	s2 =	sadd.s32 s19, s18  }
0x9c: {  	s6 =	simm.s32 $0x0;
	s20 =	sshll.u32 s4, $0x1;
	s4 =	sadd.s32 s21, s2  }
0x9d: {  	[timem:s6], [sflag:s22] =	dma.local [hbm:s4], s20  }
0x9e: {  	_ =	swait.ge [sflag:s22], s20  }
0x9f: {  	s3 =	ssub.s32 $0x0, s20;
	[sflag:s22] =	ssyncset.done $0x0  }
0xa0: {  	[sflag:s22] =	ssyncadd.s32 s3;
	_ =	sdelay $0x1  }
0xa1: {  	s23 =	simm.s32 $0x1B8B  }
0xa2: {  	_ =	swait.ge [sflag:s23], $0x1  }
0xa3: {  	[sflag:s23] =	ssyncset.done $0x0  }
0xa4: {  	s25 =	simm.s32 $0x1B8E;
	s24 =	sld [smem:$0x3FFE];
	[sflag:s23] =	ssyncadd.s32 $0xFFFFFFFF  }
0xa5: {  	s26 =	simm.s32 $execute0_lowered;
	[smem:$0x3FD2] =	sst s25  }
0xa6: {  	s4 =	sshll.u32 s26, $0x1;
	_ =	strace $0x8000004C;
	[dreg:$0x1] =	wrdreg $0xFFFFFFFF  }
0xa7: {  	s28 =	simm.s32 $_size_execute0_lowered;
	s2 =	sadd.s32 s2, s4;
	[dreg:$0x0] =	wrdreg $0x0  }
0xa8: {  	s4 =	sshll.u32 s28, $0x1;
	[dreg:$0x2] =	wrdreg s2  }
0xa9: {  	[dreg:$0x3] =	wrdreg s4  }
0xaa: {  	[dreg:$0x4] =	wrdreg $0xC0  }
0xab: {  	_ =	task [dreg:s6], $0x5FFFF  }
0xac: {  	[dreg:$0x1] =	wrdreg $0xFFFFFFFF  }
0xad: {  	[dreg:$0x0] =	wrdreg $0x60  }
0xae: {  	[dreg:$0x2] =	wrdreg s24  }
0xaf: {  	[dreg:$0x3] =	wrdreg $0xA  }
0xb0: {  	_ =	task.clear_ibuf [dreg:s6], $0x4FFFF;
	_ =	strace $0x9000004C  }
0xb1: {  	s29 =	simm.s32 $0xA;
	_ =	strace $0x8000004E  }
0xb2: {  	_ =	swait.ge [sflag:s29], $0x1  }
0xb3: {  	[sflag:s29] =	ssyncadd.s32 $0xFFFFFFFF  }
0xb4: {  	_ =	strace $0x9000004E  }
0xb5: {  	_ =	sfence  }
0xb6: {  	s30 =	sld [smem:$0x0];
	_ =	sdelay $0x2  }
0xb7: {  	s31 =	sshll.u32 s1, $0xD;
	s1 =	sshrl.u32 s1, $0x2  }
0xb8: {  	s3 =	sand.u32 $0x4000, s31;
	s1 =	sadd.s32 s1, s30  }
0xb9: {  	s0 =	sor.u32 s3, s0;
	s1 =	sshll.u32 s1, $0x11  }
0xba: {  	s0 =	sor.u32 s1, s0  }
0xbb: {  	s0 =	sadd.s32 $0x8F2B, s0  }
0xbc: {  	[sflag:s0] =	ssyncadd.remote.s32 $0x1  }
0xbd: {  	_ =	sfence.sel $0xFFFF  }
0xbe: {  	[dreg:$0x0] =	wrdreg $0xFFFFFFFF;
	(pc) =	sbr.abs _section_cstart, $3  }
0xbf: {  	[dreg:$0x1] =	wrdreg $0xFFFFFFFF  }
0xc0: {  	_ =	task.clear_ibuf [dreg:s6], $0x2FFFF;
	_ =	strace $0x9FFFFFFF  }
0xc1: {  	(tm) =	ssettm $0x7FFFFFFF  }
tec
execute0_lowered:
.L_overlay_start_1:
0x0: {  	(tag) =	ssettag $0x1  }
0x1: {  	s8 =	rddreg [dreg:$0x0]  }
0x2: {  	s0 =	rddreg [dreg:$0x1];
	_ =	strace $0x8000004D;
	s1 =	stileid.u32  }
0x3: {  	s3 =	srdreg.scid;
	s4 =	simm.s32 $0x1;
	s7 =	simm.s32 $0x1  }
0x4: {  	s9 =	simm.s32 $0x1;
	s10 =	simm.s32 $0x3;
	s13 =	simm.s32 $0x0  }
0x5: {  	s12 =	simm.s32 $0x0;
	s5 =	sand.u32 $0x1, s3;
	s6 =	sshll.u32 s1, $0x1  }
0x6: {  	s2 =	sadd.s32 $0x6800, s8;
	s3 =	sadd.s32 $0x7200, s8;
	s5 =	sor.u32 s6, s5  }
.Ltmp0:
0x7: {  	[sflag:s4] =	ssyncpa.u1 $0x0;
	p0 =	slt.u32 s5, $0x13;
	(pc) =	sbr.rel .LBB2_1-.Ltmp0, $4  }
0x8: {  	s6 =	simm.s32 $0x2;
	s7 =	simm.s32 @!p0 $0x0;
	p0 =	sne.s32 s5, $0x12  }
0x9: {  	[sflag:s6] =	ssyncpa.u1 $0x0;
	s5 =	smul.u32 $0x190, s5;
	s9 =	simm.s32 @!p0 $0x0  }
0xa: {  	s8 =	sadd.s32 $0x8A00, s8;
	[sflag:s10] =	ssyncpa.u1 $0x0;
	s7 =	sadd.s32 s9, s7  }
0xb: {  	vm0 =	vmmov $0xffff;
	s10 =	simm.s32 $0x0;
	s11 =	smov.u32 s5;
	s9 =	sadd.s32 $0x1, s7  }
.LBB2_4:
0xc: {  	v2 =	vnsel vm1, $0x0, v2  }
0xd: {  	vm1 =	vgt.s32 v0, $0x0;
	v2 =	vmin.u32 v2, $0x4E1F  }
0xe: {  	v0 =	vnsel vm1, $0x0, v0  }
0xf: {  	v0 =	vmin.u32 v0, $0x4E1F  }
0x10: {  	[tilespmem:s18], [sflag:$0x1] =	stream.indirect_vreg.gather [hbm4b:s2+s10], $0x1, v1, vm0, $0x4038;
	[tilespmem:$0x640] =	vst v63  }
0x11: {  	(ifvalue) =	ssetifvalue $0x7FFFFFFF  }
0x12: {  	[tilespmem:s15], [sflag:$0x1] =	stream.indirect_vreg.gather [hbm4b:s2+s10], $0x1, v2, vm0, $0x4038;
	[tilespmem:$0x640] =	vst v63  }
0x13: {  	s29 =	sadd.s32 $0x10, s15;
	(ifvalue) =	ssetifvalue $0x7FFFFFFF  }
0x14: {  	[tilespmem:s29], [sflag:$0x1] =	stream.indirect_vreg.gather [hbm4b:s2+s10], $0x1, v0, vm0, $0x4038;
	[tilespmem:$0x640] =	vst v63  }
0x15: {  	_ =	swait.ge [sflag:s4], $0x190  }
0x16: {  	s30 =	sshrl.u32 s13, $0x3;
	[sflag:s4] =	ssyncset.done $0x0  }
0x17: {  	s31 =	sand.u32 $0x7, s13;
	s15 =	sadd.s32 s8, s30;
	[sflag:s4] =	ssyncadd.s32 $0xFFFFFE70  }
0x18: {  	[hbm4b:s15+s31] =	stream.linear.scatter [tilespmem:s14], [sflag:$0x3], $0x190, $0x38;
	[tilespmem:$0x640] =	vst v63  }
.LBB2_5:
0x19: {  	s15 =	sadd.s32 $0x3200, s11  }
0x1a: {  	p1 =	sgt.s32 s15, $0x4E1F  }
0x1b: {  	s15 =	smov.u32 @p1 s5;
	p1 =	sne.s32 s12, s9  }
.Ltmp1:
0x1c: {  	p0 =	slt.u32 s12, $0x2;
	(pc) =	sbr.rel @!p1 .LBB2_6-.Ltmp1, $4  }
0x1d: {  	s14 =	simm.s32 @!p0 $0x3  }
0x1e: {  	_ =	swait.ge @!p0 [sflag:s14], $0x190  }
0x1f: {  	s16 =	sadd.s32 $0x1, s12;
	s13 =	smov.u32 s11;
	[sflag:s14] =	ssyncset.done @!p0 $0x0  }
0x20: {  	s12 =	smov.u32 s16;
	s11 =	smov.u32 s15;
	[sflag:s14] =	ssyncadd.s32 @!p0 $0xFFFFFE70  }
.LBB2_1:
0x21: {  	p0 =	sge.u32 s12, s7  }
0x22: {  	s14 =	sxor.u32 @!p0 $0x1, s12  }
0x23: {  	s14 =	smul.u32 @!p0 $0x640, s14  }
0x24: {  	s31 =	sadd.s32 $0xFFFFFFFF, s12;
	s15 =	sshrl.u32 @!p0 s11, $0x3  }
0x25: {  	s16 =	sand.u32 @!p0 $0x7, s11;
	s15 =	sadd.s32 @!p0 s3, s15;
	s14 =	sshra.s32 @!p0 s14, $0x2  }
0x26: {  	[tilespmem:s14], [sflag:$0x2] =	stream.linear.gather @!p0 [hbm4b:s15+s16], $0x190, $0x38;
	[tilespmem:$0x640] =	vst v63  }
0x27: {  	p0 =	sge.u32 s31, s7  }
.Ltmp2:
0x28: {  	_ = 	snop;
	(pc) =	sbr.rel @p0 .LBB2_5-.Ltmp2, $1  }
0x29: {  	_ =	sdelay $0x3  }
0x2a: {  	s14 =	sand.u32 $0x1, s12  }
0x2b: {  	_ =	swait.ge [sflag:s6], $0x190;
	p0 =	seq.s32 s14, $0x1;
	s14 =	simm.s32 $0x190  }
0x2c: {  	[sflag:s6] =	ssyncset.done $0x0;
	s14 =	simm.s32 @!p0 $0x0  }
0x2d: {  	[sflag:s6] =	ssyncadd.s32 $0xFFFFFE70;
	(ifvalue) =	ssetifvalue $0x7FFFFFFF;
	v0 =	vld.msk [tilespmem:s14+$0x0 ss:$0x1], $0xffff;
	_ =	sdelay $0x4  }
0x2e: {  	s15 =	sadd.s32 $0x10, s14;
	vm1 =	vgt.s32 v0, $0x0  }
0x2f: {  	v2 =	vld.msk [tilespmem:s15+$0x0 ss:$0x1], $0xffff;
	v1 =	vnsel vm1, $0x0, v0  }
0x30: {  	v1 =	vmin.u32 v1, $0x4E1F;
	_ =	sdelay $0x2  }
0x31: {  	s17 =	simm.s32 $0x20;
	s14 =	sadd.s32 $0x320, s14;
	s16 =	sadd.s32 $0x10, s15  }
0x32: {  	s15 =	sadd.s32 $0x10, s14;
	s18 =	smov.u32 s14;
	v0 =	vld.msk [tilespmem:s16+$0x0 ss:$0x1], $0xffff;
	vm1 =	vgt.s32 v2, $0x0;
	(ifvalue) =	ssetifvalue $0x7FFFFFFF  }
.LBB2_3:
0x33: {  	[tilespmem:s18], [sflag:$0x1] =	stream.indirect_vreg.gather [hbm4b:s2+s10], $0x1, v1, vm0, $0x4038;
	[tilespmem:$0x640] =	vst v63  }
0x34: {  	s17 =	sadd.s32 $0x10, s17  }
0x35: {  	v2 =	vnsel vm1, $0x0, v2;
	p0 =	slt.u32 s17, $0x180  }
.Ltmp3:
0x36: {  	s18 =	smov.u32 s15;
	v1 =	vmin.u32 v2, $0x4E1F;
	(pc) =	sbr.rel @p0 .LBB2_3-.Ltmp3, $3  }
0x37: {  	_ =	sdelay $0x1  }
0x38: {  	s16 =	sadd.s32 $0x10, s16  }
0x39: {  	vm1 =	vgt.s32 v0, $0x0;
	s15 =	sadd.s32 $0x10, s15;
	v2 =	vmov v0;
	(ifvalue) =	ssetifvalue $0x7FFFFFFF;
	v0 =	vld.msk [tilespmem:s16+$0x0 ss:$0x1], $0xffff  }
.Ltmp4:
0x3a: {  	_ = 	snop;
	(pc) =	sbr.rel .LBB2_4-.Ltmp4, $1  }
0x3b: {  	_ =	sdelay $0x3  }
.LBB2_6:
0x3c: {  	_ =	sfence.sel $0x180000  }
0x3d: {  	s2 =	simm.s32 $0x2;
	[bflag:$0x0] =	sbarrier.arrive $0xFFFF  }
0x3e: {  	s30 =	simm.s32 $0x3;
	[sflag:s2] =	ssyncpa.u1 $0x1  }
0x3f: {  	s31 =	simm.s32 $0x1;
	[sflag:s30] =	ssyncpa.u1 $0x1  }
0x40: {  	[sflag:s31] =	ssyncpa.u1 $0x1  }
0x41: {  	p0 =	sne.s32 s1, $0x0;
	_ =	strace $0x9000004D  }
0x42: {  	s0 =	sadd.s32 @!p0 $0x100000, s0;
	[bflag:$0x2] =	sbarrier.arrive $0xFFFF  }
0x43: {  	[sflag:s0] =	ssyncadd.tile.s32 @!p0 $0x1;
	_ =	shalt  }
.Lfunc_end2:
_tile_overlayer_lowered:
.L_overlay_start_2:
0x44: {  	(tag) =	ssettag $0x2  }
0x45: {  	s0 =	rddreg [dreg:$0x0];
	s2 =	stileid.u32  }
0x46: {  	s1 =	rddreg [dreg:$0x1];
	p0 =	sne.s32 s2, $0x0  }
0x47: {  	s3 =	rddreg [dreg:$0x2];
	[bflag:$0x3] =	sbarrier.arrive $0xFFFF;
	s2 =	simm.s32 @!p0 $0x1C01  }
0x48: {  	[timem:s3], [sflag:s2] =	dma.local @!p0 [hbm:s0], s1  }
0x49: {  	s0 =	simm.s32 @!p0 $0x1  }
0x4a: {  	_ =	swait.ge @!p0 [sflag:s0], s1  }
0x4b: {  	s1 =	ssub.s32 @!p0 $0x0, s1;
	[sflag:s0] =	ssyncset.done @!p0 $0x0  }
0x4c: {  	[sflag:s0] =	ssyncadd.s32 @!p0 s1  }
0x4d: {  	[bflag:$0x3] =	sbarrier.arrive $0xFFFF  }
0x4e: {  	_ =	shalt  }

// kernel: gather_offload_async_start.3
scs
__scs_entry_jumppad:
0x0: {  	(pc) =	sbr.rel $0x88, $3  }
0x1: {  	(tag) =	ssettag $0x0;
	lr =	simm.s32 $0x1  }
0x2: {  	[smem:$0x3F95] =	sst lr;
	_ =	strace $0xD0000000  }
0x3: {  	_ = 	snop  }
0x4: {  	_ = 	snop  }
0x5: {  	_ = 	snop  }
0x6: {  	_ = 	snop  }
0x7: {  	_ = 	snop  }
__scs_overlays_trampoline_lowered:
0x8: {  	[smem:$0x3FA4] =	sst s0  }
0x9: {  	[smem:$0x3FA5] =	sst s1  }
0xa: {  	[smem:$0x3FA6] =	sst s2  }
0xb: {  	[smem:$0x3FA7] =	sst s3  }
0xc: {  	[smem:$0x3FA8] =	sst s4  }
0xd: {  	[smem:$0x3FA9] =	sst s5  }
0xe: {  	[smem:$0x3FAA] =	sst s6  }
0xf: {  	[smem:$0x3FAB] =	sst s7  }
0x10: {  	[smem:$0x3FAC] =	sst s8  }
0x11: {  	[smem:$0x3FAD] =	sst s9;
	s0 =	simm.s32 @!p0 $0x0  }
0x12: {  	s1 =	sld [smem:$0x3F93];
	s0 =	simm.s32 @p0 $0x1  }
0x13: {  	[smem:$0x3FAE] =	sst s0;
	s0 =	simm.s32 @!p1 $0x0  }
0x14: {  	s2 =	sld [smem:$0x3F92];
	s0 =	simm.s32 @p1 $0x1  }
0x15: {  	[smem:$0x3FAF] =	sst s0;
	s0 =	simm.s32 @!p2 $0x0  }
0x16: {  	s3 =	sld [smem:$0x3FDB];
	s0 =	simm.s32 @p2 $0x1  }
0x17: {  	s4 =	simm.s32 $0x1BF5;
	[smem:$0x3FB1] =	sst s0  }
0x18: {  	s0 =	sld [smem:$0x3F94];
	_ =	swait.ge [sflag:s4], $0x0  }
0x19: {  	s7 =	sld [smem:$0x3F95]  }
0x1a: {  	s8 =	sadd.s32 $0xFFFFE003, lr  }
0x1b: {  	s9 =	sadd.s32 $0xFFFFFEF7, lr;
	s5 =	simm.s32 $0xFFFFFFFF;
	p2 =	slt.u32 s8, $0xFFFFF086  }
0x1c: {  	p1 =	slt.u32 s9, $0xF7A;
	s5 =	simm.s32 @!p2 $0x0  }
0x1d: {  	s5 =	simm.s32 @p1 $0x1;
	p0 =	seq.s32 s7, s2  }
0x1e: {  	s7 =	smul.u32 @!p0 $0xF7A, s2;
	p2 =	seq.s32 @!p0 s5, $0x0  }
0x1f: {  	s9 =	smul.u32 $0xF7A, s1;
	s8 =	simm.s32 @!p0 $0x1BF5;
	p2 =	por !p2, p0  }
0x20: {  	[sflag:s8] =	ssyncset.s32 @!p0 $0xFFFFF086;
	s6 =	sadd.s32 @!p0 s3, s7;
	s7 =	simm.s32 @!p0 $0x108  }
0x21: {  	s3 =	sadd.s32 s3, s9;
	s6 =	sadd.s32 @!p0 $0x88, s6;
	s7 =	simm.s32 @p2 $0x1082  }
0x22: {  	[simem:s7], [sflag:s8] =	dma.local @!p0 [hbm:s6], $0xF7A  }
0x23: {  	s9 =	sor.u32 $0xD0000000, s2;
	s6 =	simm.s32 $0x108;
	_ =	swait.ge @!p0 [sflag:s8], $0x0  }
0x24: {  	s3 =	sadd.s32 $0x88, s3;
	s6 =	simm.s32 @!p1 $0x1082;
	[sflag:s4] =	ssyncset.s32 $0xFFFFF086  }
0x25: {  	[simem:s6], [sflag:s4] =	dma.local [hbm:s3], $0xF7A  }
0x26: {  	[smem:$0x3F95] =	sst s1;
	(tag) =	ssettag s2;
	_ =	strace s9  }
0x27: {  	s1 =	sld [smem:$0x3FA5]  }
0x28: {  	s2 =	sld [smem:$0x3FA6]  }
0x29: {  	s4 =	sld [smem:$0x3FA8]  }
0x2a: {  	p0 =	seq.s32 s5, $0x0;
	s5 =	sld [smem:$0x3FA9]  }
0x2b: {  	s6 =	sld [smem:$0x3FAA]  }
0x2c: {  	s7 =	sld [smem:$0x3FAB]  }
0x2d: {  	s3 =	simm.s32 $0x108;
	s8 =	sld [smem:$0x3FAC]  }
0x2e: {  	s3 =	simm.s32 @!p0 $0x1082;
	s9 =	sld [smem:$0x3FAD]  }
0x2f: {  	lr =	sadd.s32 s0, s3;
	s0 =	sld [smem:$0x3FA4]  }
0x30: {  	s3 =	sld [smem:$0x3FA7]  }
0x31: {  	[smem:$0x3FB0] =	sst s10  }
0x32: {  	s10 =	sld [smem:$0x3FAE];
	_ =	sdelay $0x3  }
0x33: {  	p0 =	seq.s32 s10, $0x1;
	s10 =	sld [smem:$0x3FB0];
	_ =	sdelay $0x3  }
0x34: {  	[smem:$0x3FB0] =	sst s10  }
0x35: {  	s10 =	sld [smem:$0x3FAF];
	_ =	sdelay $0x3  }
0x36: {  	p1 =	seq.s32 s10, $0x1;
	s10 =	sld [smem:$0x3FB0];
	_ =	sdelay $0x3  }
0x37: {  	[smem:$0x3FB0] =	sst s10  }
0x38: {  	s10 =	sld [smem:$0x3FB1]  }
0x39: {  	_ = 	snop;
	(pc) =	sbr.ind lr, $3  }
0x3a: {  	_ = 	snop  }
0x3b: {  	_ = 	snop  }
0x3c: {  	p2 =	seq.s32 s10, $0x1;
	s10 =	sld [smem:$0x3FB0]  }
0x3d: {  	_ =	shalt  }
0x3e: {  	_ =	shalt  }
0x3f: {  	_ =	shalt  }
0x40: {  	_ =	shalt  }
0x41: {  	_ =	shalt  }
0x42: {  	_ =	shalt  }
0x43: {  	_ =	shalt  }
0x44: {  	_ =	shalt  }
0x45: {  	_ =	shalt  }
0x46: {  	_ =	shalt  }
0x47: {  	_ =	shalt  }
0x48: {  	_ =	shalt  }
0x49: {  	_ =	shalt  }
0x4a: {  	_ =	shalt  }
0x4b: {  	_ =	shalt  }
0x4c: {  	_ =	shalt  }
0x4d: {  	_ =	shalt  }
0x4e: {  	_ =	shalt  }
0x4f: {  	_ =	shalt  }
0x50: {  	_ =	shalt  }
0x51: {  	_ =	shalt  }
0x52: {  	_ =	shalt  }
0x53: {  	_ =	shalt  }
0x54: {  	_ =	shalt  }
0x55: {  	_ =	shalt  }
0x56: {  	_ =	shalt  }
0x57: {  	_ =	shalt  }
0x58: {  	_ =	shalt  }
0x59: {  	_ =	shalt  }
0x5a: {  	_ =	shalt  }
0x5b: {  	_ =	shalt  }
0x5c: {  	_ =	shalt  }
0x5d: {  	_ =	shalt  }
0x5e: {  	_ =	shalt  }
0x5f: {  	_ =	shalt  }
0x60: {  	_ =	shalt  }
0x61: {  	_ =	shalt  }
0x62: {  	_ =	shalt  }
0x63: {  	_ =	shalt  }
0x64: {  	_ =	shalt  }
0x65: {  	_ =	shalt  }
0x66: {  	_ =	shalt  }
0x67: {  	_ =	shalt  }
0x68: {  	_ =	shalt  }
0x69: {  	_ =	shalt  }
0x6a: {  	_ =	shalt  }
0x6b: {  	_ =	shalt  }
0x6c: {  	_ =	shalt  }
0x6d: {  	_ =	shalt  }
0x6e: {  	_ =	shalt  }
0x6f: {  	_ =	shalt  }
0x70: {  	_ =	shalt  }
0x71: {  	_ =	shalt  }
0x72: {  	_ =	shalt  }
0x73: {  	_ =	shalt  }
0x74: {  	_ =	shalt  }
0x75: {  	_ =	shalt  }
0x76: {  	_ =	shalt  }
0x77: {  	_ =	shalt  }
0x78: {  	_ =	shalt  }
0x79: {  	_ =	shalt  }
0x7a: {  	_ =	shalt  }
0x7b: {  	_ =	shalt  }
0x7c: {  	_ =	shalt  }
0x7d: {  	_ =	shalt  }
0x7e: {  	_ =	shalt  }
0x7f: {  	_ =	shalt  }
0x80: {  	_ =	shalt  }
0x81: {  	_ =	shalt  }
0x82: {  	_ =	shalt  }
0x83: {  	_ =	shalt  }
0x84: {  	_ =	shalt  }
0x85: {  	_ =	shalt  }
0x86: {  	_ =	shalt  }
0x87: {  	_ =	shalt  }
.Lfunc_end0:
.L_simem_size_0:
called_computation.3_lowered:
.L_overlay_start_0:
0x88: {  	s2 =	sld [smem:$0x3FD9]  }
0x89: {  	s3 =	sld [smem:$0x3FFE];
	_ =	sdelay $0x1  }
0x8a: {  	s1 =	srdreg.scid  }
0x8b: {  	s0 =	sand.u32 $0x1, s1  }
0x8c: {  	s16 =	sshll.u32 s0, $0xA;
	s2 =	sadd.s32 s3, s2  }
0x8d: {  	s2 =	sadd.s32 s2, s16  }
0x8e: {  	[smem:$0x3FBC] =	sst s2  }
0x8f: {  	_ = 	snop  }
0x90: {  	(tm) =	ssettm $0x1  }
0x91: {  	s17 =	sld [smem:$0x3FFB];
	_ =	sdelay $0x3  }
0x92: {  	_ =	strace s17  }
0x93: {  	s2 =	sld [smem:$0x3FFC];
	_ =	sdelay $0x3  }
0x94: {  	_ =	strace s2  }
0x95: {  	s2 =	sld [smem:$0x3FFD];
	_ =	sdelay $0x3  }
0x96: {  	_ =	strace s2  }
0x97: {  	_ =	strace $0x8FFFFFFF  }
0x98: {  	s18 =	sld [smem:$0x3FDB];
	_ =	sdelay $0x1  }
0x99: {  	s19 =	simm.s32 $_scs_section_size  }
0x9a: {  	s4 =	simm.s32 $_size__tile_overlayer_lowered;
	s5 =	simm.s32 $_tile_overlayer_lowered  }
0x9b: {  	s22 =	simm.s32 $0x1BFF;
	s21 =	sshll.u32 s5, $0x1;
	s2 =	sadd.s32 s19, s18  }
0x9c: {  	s6 =	simm.s32 $0x0;
	s20 =	sshll.u32 s4, $0x1;
	s4 =	sadd.s32 s21, s2  }
0x9d: {  	[timem:s6], [sflag:s22] =	dma.local [hbm:s4], s20  }
0x9e: {  	_ =	swait.ge [sflag:s22], s20  }
0x9f: {  	s3 =	ssub.s32 $0x0, s20;
	[sflag:s22] =	ssyncset.done $0x0  }
0xa0: {  	[sflag:s22] =	ssyncadd.s32 s3;
	_ =	sdelay $0x1  }
0xa1: {  	s23 =	simm.s32 $0x1B8B  }
0xa2: {  	_ =	swait.ge [sflag:s23], $0x1  }
0xa3: {  	[sflag:s23] =	ssyncset.done $0x0  }
0xa4: {  	s25 =	simm.s32 $0x1B8E;
	s24 =	sld [smem:$0x3FFE];
	[sflag:s23] =	ssyncadd.s32 $0xFFFFFFFF  }
0xa5: {  	s26 =	simm.s32 $execute0_lowered;
	[smem:$0x3FD2] =	sst s25  }
0xa6: {  	s4 =	sshll.u32 s26, $0x1;
	_ =	strace $0x80000055;
	[dreg:$0x1] =	wrdreg $0xFFFFFFFF  }
0xa7: {  	s28 =	simm.s32 $_size_execute0_lowered;
	s2 =	sadd.s32 s2, s4;
	[dreg:$0x0] =	wrdreg $0x0  }
0xa8: {  	s4 =	sshll.u32 s28, $0x1;
	[dreg:$0x2] =	wrdreg s2  }
0xa9: {  	[dreg:$0x3] =	wrdreg s4  }
0xaa: {  	[dreg:$0x4] =	wrdreg $0xC0  }
0xab: {  	_ =	task [dreg:s6], $0x5FFFF  }
0xac: {  	[dreg:$0x1] =	wrdreg $0xFFFFFFFF  }
0xad: {  	[dreg:$0x0] =	wrdreg $0x60  }
0xae: {  	[dreg:$0x2] =	wrdreg s24  }
0xaf: {  	[dreg:$0x3] =	wrdreg $0x9  }
0xb0: {  	_ =	task.clear_ibuf [dreg:s6], $0x4FFFF;
	_ =	strace $0x90000055  }
0xb1: {  	s29 =	simm.s32 $0x9;
	_ =	strace $0x80000057  }
0xb2: {  	_ =	swait.ge [sflag:s29], $0x1  }
0xb3: {  	[sflag:s29] =	ssyncadd.s32 $0xFFFFFFFF  }
0xb4: {  	_ =	strace $0x90000057  }
0xb5: {  	_ =	sfence  }
0xb6: {  	s30 =	sld [smem:$0x0];
	_ =	sdelay $0x2  }
0xb7: {  	s31 =	sshll.u32 s1, $0xD;
	s1 =	sshrl.u32 s1, $0x2  }
0xb8: {  	s3 =	sand.u32 $0x4000, s31;
	s1 =	sadd.s32 s1, s30  }
0xb9: {  	s0 =	sor.u32 s3, s0;
	s1 =	sshll.u32 s1, $0x11  }
0xba: {  	s0 =	sor.u32 s1, s0  }
0xbb: {  	s0 =	sadd.s32 $0x8F2B, s0  }
0xbc: {  	[sflag:s0] =	ssyncadd.remote.s32 $0x1  }
0xbd: {  	_ =	sfence.sel $0xFFFF  }
0xbe: {  	[dreg:$0x0] =	wrdreg $0xFFFFFFFF;
	(pc) =	sbr.abs _section_cstart, $3  }
0xbf: {  	[dreg:$0x1] =	wrdreg $0xFFFFFFFF  }
0xc0: {  	_ =	task.clear_ibuf [dreg:s6], $0x2FFFF;
	_ =	strace $0x9FFFFFFF  }
0xc1: {  	(tm) =	ssettm $0x7FFFFFFF  }
tec
execute0_lowered:
.L_overlay_start_1:
0x0: {  	(tag) =	ssettag $0x1  }
0x1: {  	s0 =	srdreg.scid;
	s5 =	rddreg [dreg:$0x0]  }
0x2: {  	s1 =	stileid.u32;
	s6 =	simm.s32 $0x1;
	s9 =	simm.s32 $0x1  }
0x3: {  	s10 =	simm.s32 $0x3;
	s13 =	simm.s32 $0x0;
	s2 =	sshll.u32 s0, $0xA  }
0x4: {  	s12 =	simm.s32 $0x0;
	s3 =	sshll.u32 s1, $0xB;
	s2 =	sand.u32 $0x400, s2  }
0x5: {  	s0 =	rddreg [dreg:$0x1];
	_ =	strace $0x80000056;
	s2 =	sor.u32 s3, s2  }
0x6: {  	s4 =	sadd.s32 $0x6000, s5;
	[sflag:s6] =	ssyncpa.u1 $0x0;
	s8 =	ssub.s32 $0x9000, s2  }
.Ltmp0:
0x7: {  	s3 =	sadd.s32 $0x98A00, s5;
	s7 =	sand.u32 $0x7C00, s8;
	(pc) =	sbr.rel .LBB2_1-.Ltmp0, $4  }
0x8: {  	s5 =	sadd.s32 $0x99800, s5;
	s11 =	smov.u32 s2;
	p0 =	sne.s32 s7, $0x0  }
0x9: {  	s8 =	sshrl.u32 s8, $0xF;
	s7 =	simm.s32 $0x2;
	s9 =	simm.s32 @!p0 $0x0  }
0xa: {  	[sflag:s7] =	ssyncpa.u1 $0x0;
	p0 =	por $0x0, $0x0;
	s8 =	sadd.s32 s9, s8  }
0xb: {  	vm0 =	vmmov $0xffff;
	[sflag:s10] =	ssyncpa.u1 $0x0;
	s10 =	simm.s32 $0x0;
	s9 =	sadd.s32 $0x1, s8  }
.LBB2_4:
0xc: {  	v2 =	vnsel vm1, $0x0, v2  }
0xd: {  	vm1 =	vgt.s32 v0, $0x0;
	v2 =	vmin.u32 v2, $0x6E1F  }
0xe: {  	v0 =	vnsel vm1, $0x0, v0  }
0xf: {  	v0 =	vmin.u32 v0, $0x6E1F  }
0x10: {  	[tilespmem:s15], [sflag:$0x1] =	stream.indirect_vreg.gather [hbm4b:s3+s10], $0x1, v1, vm0, $0x4038;
	[tilespmem:$0x1000] =	vst v63  }
0x11: {  	(ifvalue) =	ssetifvalue $0x7FFFFFFF  }
0x12: {  	[tilespmem:s16], [sflag:$0x1] =	stream.indirect_vreg.gather [hbm4b:s3+s10], $0x1, v2, vm0, $0x4038;
	[tilespmem:$0x1000] =	vst v63  }
0x13: {  	s29 =	sadd.s32 $0x10, s16;
	(ifvalue) =	ssetifvalue $0x7FFFFFFF  }
0x14: {  	[tilespmem:s29], [sflag:$0x1] =	stream.indirect_vreg.gather [hbm4b:s3+s10], $0x1, v0, vm0, $0x4038;
	[tilespmem:$0x1000] =	vst v63  }
0x15: {  	_ =	swait.ge [sflag:s6], $0x400  }
0x16: {  	s30 =	sshrl.u32 s13, $0x3;
	[sflag:s6] =	ssyncset.done $0x0  }
0x17: {  	s31 =	sand.u32 $0x7, s13;
	s15 =	sadd.s32 s5, s30;
	[sflag:s6] =	ssyncadd.s32 $0xFFFFFC00  }
0x18: {  	[hbm4b:s15+s31] =	stream.linear.scatter [tilespmem:s14], [sflag:$0x3], $0x400, $0x38;
	[tilespmem:$0x1000] =	vst v63  }
.LBB2_5:
0x19: {  	s15 =	sadd.s32 $0x8000, s11  }
0x1a: {  	p2 =	sgt.s32 s15, $0x8FFF  }
0x1b: {  	s15 =	smov.u32 @p2 s2;
	p2 =	sne.s32 s12, s9  }
.Ltmp1:
0x1c: {  	p1 =	slt.u32 s12, $0x2;
	(pc) =	sbr.rel @!p2 .LBB2_6-.Ltmp1, $4  }
0x1d: {  	s14 =	simm.s32 @!p1 $0x3  }
0x1e: {  	s16 =	sadd.s32 $0x1, s12;
	_ =	swait.ge @!p1 [sflag:s14], $0x400  }
0x1f: {  	s13 =	smov.u32 s11;
	p0 =	por !p0, !p0;
	[sflag:s14] =	ssyncset.done @!p1 $0x0  }
0x20: {  	s12 =	smov.u32 s16;
	s11 =	smov.u32 s15;
	[sflag:s14] =	ssyncadd.s32 @!p1 $0xFFFFFC00  }
.LBB2_1:
0x21: {  	p1 =	sge.u32 s12, s8  }
0x22: {  	s14 =	sxor.u32 @!p1 $0xFFFFFFFF, s12  }
0x23: {  	s31 =	sadd.s32 $0xFFFFFFFF, s12;
	s15 =	sshrl.u32 @!p1 s11, $0x3;
	s14 =	sshll.u32 @!p1 s14, $0xA  }
0x24: {  	s16 =	sand.u32 @!p1 $0x7, s11;
	s15 =	sadd.s32 @!p1 s4, s15;
	s14 =	sand.u32 @!p1 $0x400, s14  }
0x25: {  	[tilespmem:s14], [sflag:$0x2] =	stream.linear.gather @!p1 [hbm4b:s15+s16], $0x400, $0x38;
	[tilespmem:$0x1000] =	vst v63  }
0x26: {  	p1 =	sge.u32 s31, s8  }
.Ltmp2:
0x27: {  	_ = 	snop;
	(pc) =	sbr.rel @p1 .LBB2_5-.Ltmp2, $1  }
0x28: {  	_ =	sdelay $0x3  }
0x29: {  	s14 =	simm.s32 $0x1  }
0x2a: {  	_ =	swait.ge [sflag:s7], $0x400;
	s14 =	simm.s32 @!p0 $0x0  }
0x2b: {  	[sflag:s7] =	ssyncset.done $0x0;
	s14 =	sshll.u32 s14, $0xA  }
0x2c: {  	[sflag:s7] =	ssyncadd.s32 $0xFFFFFC00;
	(ifvalue) =	ssetifvalue $0x7FFFFFFF;
	v0 =	vld.msk [tilespmem:s14+$0x0 ss:$0x1], $0xffff;
	_ =	sdelay $0x4  }
0x2d: {  	s15 =	sadd.s32 $0x10, s14;
	vm1 =	vgt.s32 v0, $0x0  }
0x2e: {  	v2 =	vld.msk [tilespmem:s15+$0x0 ss:$0x1], $0xffff;
	v1 =	vnsel vm1, $0x0, v0  }
0x2f: {  	v1 =	vmin.u32 v1, $0x6E1F;
	_ =	sdelay $0x1  }
0x30: {  	s16 =	sshll.u32 s12, $0xA;
	s18 =	simm.s32 $0x20  }
0x31: {  	s16 =	sand.u32 $0x400, s16;
	s17 =	sadd.s32 $0x10, s15;
	s15 =	sor.u32 $0x800, s14  }
0x32: {  	s14 =	sor.u32 $0x800, s16;
	s16 =	sadd.s32 $0x10, s15;
	v0 =	vld.msk [tilespmem:s17+$0x0 ss:$0x1], $0xffff;
	vm1 =	vgt.s32 v2, $0x0;
	(ifvalue) =	ssetifvalue $0x7FFFFFFF  }
.LBB2_3:
0x33: {  	[tilespmem:s15], [sflag:$0x1] =	stream.indirect_vreg.gather [hbm4b:s3+s10], $0x1, v1, vm0, $0x4038;
	[tilespmem:$0x1000] =	vst v63  }
0x34: {  	s18 =	sadd.s32 $0x10, s18  }
0x35: {  	v2 =	vnsel vm1, $0x0, v2;
	p1 =	slt.u32 s18, $0x3F0  }
.Ltmp3:
0x36: {  	s15 =	smov.u32 s16;
	v1 =	vmin.u32 v2, $0x6E1F;
	(pc) =	sbr.rel @p1 .LBB2_3-.Ltmp3, $3  }
0x37: {  	_ =	sdelay $0x1  }
0x38: {  	s17 =	sadd.s32 $0x10, s17  }
0x39: {  	vm1 =	vgt.s32 v0, $0x0;
	s16 =	sadd.s32 $0x10, s16;
	v2 =	vmov v0;
	(ifvalue) =	ssetifvalue $0x7FFFFFFF;
	v0 =	vld.msk [tilespmem:s17+$0x0 ss:$0x1], $0xffff  }
.Ltmp4:
0x3a: {  	_ = 	snop;
	(pc) =	sbr.rel .LBB2_4-.Ltmp4, $1  }
0x3b: {  	_ =	sdelay $0x3  }
.LBB2_6:
0x3c: {  	_ =	sfence.sel $0x180000  }
0x3d: {  	s2 =	simm.s32 $0x2;
	[bflag:$0x0] =	sbarrier.arrive $0xFFFF  }
0x3e: {  	s30 =	simm.s32 $0x3;
	[sflag:s2] =	ssyncpa.u1 $0x1  }
0x3f: {  	s31 =	simm.s32 $0x1;
	[sflag:s30] =	ssyncpa.u1 $0x1  }
0x40: {  	[sflag:s31] =	ssyncpa.u1 $0x1  }
0x41: {  	p0 =	sne.s32 s1, $0x0;
	_ =	strace $0x90000056  }
0x42: {  	s0 =	sadd.s32 @!p0 $0x100000, s0;
	[bflag:$0x2] =	sbarrier.arrive $0xFFFF  }
0x43: {  	[sflag:s0] =	ssyncadd.tile.s32 @!p0 $0x1;
	_ =	shalt  }
.Lfunc_end2:
_tile_overlayer_lowered:
.L_overlay_start_2:
0x44: {  	(tag) =	ssettag $0x2  }
0x45: {  	s0 =	rddreg [dreg:$0x0];
	s2 =	stileid.u32  }
0x46: {  	s1 =	rddreg [dreg:$0x1];
	p0 =	sne.s32 s2, $0x0  }
0x47: {  	s3 =	rddreg [dreg:$0x2];
	[bflag:$0x3] =	sbarrier.arrive $0xFFFF;
	s2 =	simm.s32 @!p0 $0x1C01  }
0x48: {  	[timem:s3], [sflag:s2] =	dma.local @!p0 [hbm:s0], s1  }
0x49: {  	s0 =	simm.s32 @!p0 $0x1  }
0x4a: {  	_ =	swait.ge @!p0 [sflag:s0], s1  }
0x4b: {  	s1 =	ssub.s32 @!p0 $0x0, s1;
	[sflag:s0] =	ssyncset.done @!p0 $0x0  }
0x4c: {  	[sflag:s0] =	ssyncadd.s32 @!p0 s1  }
0x4d: {  	[bflag:$0x3] =	sbarrier.arrive $0xFFFF  }
0x4e: {  	_ =	shalt  }

// kernel: gather_offload_async_start
scs
__scs_entry_jumppad:
0x0: {  	(pc) =	sbr.rel $0x88, $3  }
0x1: {  	(tag) =	ssettag $0x0;
	lr =	simm.s32 $0x1  }
0x2: {  	[smem:$0x3F95] =	sst lr;
	_ =	strace $0xD0000000  }
0x3: {  	_ = 	snop  }
0x4: {  	_ = 	snop  }
0x5: {  	_ = 	snop  }
0x6: {  	_ = 	snop  }
0x7: {  	_ = 	snop  }
__scs_overlays_trampoline_lowered:
0x8: {  	[smem:$0x3FA4] =	sst s0  }
0x9: {  	[smem:$0x3FA5] =	sst s1  }
0xa: {  	[smem:$0x3FA6] =	sst s2  }
0xb: {  	[smem:$0x3FA7] =	sst s3  }
0xc: {  	[smem:$0x3FA8] =	sst s4  }
0xd: {  	[smem:$0x3FA9] =	sst s5  }
0xe: {  	[smem:$0x3FAA] =	sst s6  }
0xf: {  	[smem:$0x3FAB] =	sst s7  }
0x10: {  	[smem:$0x3FAC] =	sst s8  }
0x11: {  	[smem:$0x3FAD] =	sst s9;
	s0 =	simm.s32 @!p0 $0x0  }
0x12: {  	s1 =	sld [smem:$0x3F93];
	s0 =	simm.s32 @p0 $0x1  }
0x13: {  	[smem:$0x3FAE] =	sst s0;
	s0 =	simm.s32 @!p1 $0x0  }
0x14: {  	s2 =	sld [smem:$0x3F92];
	s0 =	simm.s32 @p1 $0x1  }
0x15: {  	[smem:$0x3FAF] =	sst s0;
	s0 =	simm.s32 @!p2 $0x0  }
0x16: {  	s3 =	sld [smem:$0x3FDB];
	s0 =	simm.s32 @p2 $0x1  }
0x17: {  	s4 =	simm.s32 $0x1BF5;
	[smem:$0x3FB1] =	sst s0  }
0x18: {  	s0 =	sld [smem:$0x3F94];
	_ =	swait.ge [sflag:s4], $0x0  }
0x19: {  	s7 =	sld [smem:$0x3F95]  }
0x1a: {  	s8 =	sadd.s32 $0xFFFFE003, lr  }
0x1b: {  	s9 =	sadd.s32 $0xFFFFFEF7, lr;
	s5 =	simm.s32 $0xFFFFFFFF;
	p2 =	slt.u32 s8, $0xFFFFF086  }
0x1c: {  	p1 =	slt.u32 s9, $0xF7A;
	s5 =	simm.s32 @!p2 $0x0  }
0x1d: {  	s5 =	simm.s32 @p1 $0x1;
	p0 =	seq.s32 s7, s2  }
0x1e: {  	s7 =	smul.u32 @!p0 $0xF7A, s2;
	p2 =	seq.s32 @!p0 s5, $0x0  }
0x1f: {  	s9 =	smul.u32 $0xF7A, s1;
	s8 =	simm.s32 @!p0 $0x1BF5;
	p2 =	por !p2, p0  }
0x20: {  	[sflag:s8] =	ssyncset.s32 @!p0 $0xFFFFF086;
	s6 =	sadd.s32 @!p0 s3, s7;
	s7 =	simm.s32 @!p0 $0x108  }
0x21: {  	s3 =	sadd.s32 s3, s9;
	s6 =	sadd.s32 @!p0 $0x88, s6;
	s7 =	simm.s32 @p2 $0x1082  }
0x22: {  	[simem:s7], [sflag:s8] =	dma.local @!p0 [hbm:s6], $0xF7A  }
0x23: {  	s9 =	sor.u32 $0xD0000000, s2;
	s6 =	simm.s32 $0x108;
	_ =	swait.ge @!p0 [sflag:s8], $0x0  }
0x24: {  	s3 =	sadd.s32 $0x88, s3;
	s6 =	simm.s32 @!p1 $0x1082;
	[sflag:s4] =	ssyncset.s32 $0xFFFFF086  }
0x25: {  	[simem:s6], [sflag:s4] =	dma.local [hbm:s3], $0xF7A  }
0x26: {  	[smem:$0x3F95] =	sst s1;
	(tag) =	ssettag s2;
	_ =	strace s9  }
0x27: {  	s1 =	sld [smem:$0x3FA5]  }
0x28: {  	s2 =	sld [smem:$0x3FA6]  }
0x29: {  	s4 =	sld [smem:$0x3FA8]  }
0x2a: {  	p0 =	seq.s32 s5, $0x0;
	s5 =	sld [smem:$0x3FA9]  }
0x2b: {  	s6 =	sld [smem:$0x3FAA]  }
0x2c: {  	s7 =	sld [smem:$0x3FAB]  }
0x2d: {  	s3 =	simm.s32 $0x108;
	s8 =	sld [smem:$0x3FAC]  }
0x2e: {  	s3 =	simm.s32 @!p0 $0x1082;
	s9 =	sld [smem:$0x3FAD]  }
0x2f: {  	lr =	sadd.s32 s0, s3;
	s0 =	sld [smem:$0x3FA4]  }
0x30: {  	s3 =	sld [smem:$0x3FA7]  }
0x31: {  	[smem:$0x3FB0] =	sst s10  }
0x32: {  	s10 =	sld [smem:$0x3FAE];
	_ =	sdelay $0x3  }
0x33: {  	p0 =	seq.s32 s10, $0x1;
	s10 =	sld [smem:$0x3FB0];
	_ =	sdelay $0x3  }
0x34: {  	[smem:$0x3FB0] =	sst s10  }
0x35: {  	s10 =	sld [smem:$0x3FAF];
	_ =	sdelay $0x3  }
0x36: {  	p1 =	seq.s32 s10, $0x1;
	s10 =	sld [smem:$0x3FB0];
	_ =	sdelay $0x3  }
0x37: {  	[smem:$0x3FB0] =	sst s10  }
0x38: {  	s10 =	sld [smem:$0x3FB1]  }
0x39: {  	_ = 	snop;
	(pc) =	sbr.ind lr, $3  }
0x3a: {  	_ = 	snop  }
0x3b: {  	_ = 	snop  }
0x3c: {  	p2 =	seq.s32 s10, $0x1;
	s10 =	sld [smem:$0x3FB0]  }
0x3d: {  	_ =	shalt  }
0x3e: {  	_ =	shalt  }
0x3f: {  	_ =	shalt  }
0x40: {  	_ =	shalt  }
0x41: {  	_ =	shalt  }
0x42: {  	_ =	shalt  }
0x43: {  	_ =	shalt  }
0x44: {  	_ =	shalt  }
0x45: {  	_ =	shalt  }
0x46: {  	_ =	shalt  }
0x47: {  	_ =	shalt  }
0x48: {  	_ =	shalt  }
0x49: {  	_ =	shalt  }
0x4a: {  	_ =	shalt  }
0x4b: {  	_ =	shalt  }
0x4c: {  	_ =	shalt  }
0x4d: {  	_ =	shalt  }
0x4e: {  	_ =	shalt  }
0x4f: {  	_ =	shalt  }
0x50: {  	_ =	shalt  }
0x51: {  	_ =	shalt  }
0x52: {  	_ =	shalt  }
0x53: {  	_ =	shalt  }
0x54: {  	_ =	shalt  }
0x55: {  	_ =	shalt  }
0x56: {  	_ =	shalt  }
0x57: {  	_ =	shalt  }
0x58: {  	_ =	shalt  }
0x59: {  	_ =	shalt  }
0x5a: {  	_ =	shalt  }
0x5b: {  	_ =	shalt  }
0x5c: {  	_ =	shalt  }
0x5d: {  	_ =	shalt  }
0x5e: {  	_ =	shalt  }
0x5f: {  	_ =	shalt  }
0x60: {  	_ =	shalt  }
0x61: {  	_ =	shalt  }
0x62: {  	_ =	shalt  }
0x63: {  	_ =	shalt  }
0x64: {  	_ =	shalt  }
0x65: {  	_ =	shalt  }
0x66: {  	_ =	shalt  }
0x67: {  	_ =	shalt  }
0x68: {  	_ =	shalt  }
0x69: {  	_ =	shalt  }
0x6a: {  	_ =	shalt  }
0x6b: {  	_ =	shalt  }
0x6c: {  	_ =	shalt  }
0x6d: {  	_ =	shalt  }
0x6e: {  	_ =	shalt  }
0x6f: {  	_ =	shalt  }
0x70: {  	_ =	shalt  }
0x71: {  	_ =	shalt  }
0x72: {  	_ =	shalt  }
0x73: {  	_ =	shalt  }
0x74: {  	_ =	shalt  }
0x75: {  	_ =	shalt  }
0x76: {  	_ =	shalt  }
0x77: {  	_ =	shalt  }
0x78: {  	_ =	shalt  }
0x79: {  	_ =	shalt  }
0x7a: {  	_ =	shalt  }
0x7b: {  	_ =	shalt  }
0x7c: {  	_ =	shalt  }
0x7d: {  	_ =	shalt  }
0x7e: {  	_ =	shalt  }
0x7f: {  	_ =	shalt  }
0x80: {  	_ =	shalt  }
0x81: {  	_ =	shalt  }
0x82: {  	_ =	shalt  }
0x83: {  	_ =	shalt  }
0x84: {  	_ =	shalt  }
0x85: {  	_ =	shalt  }
0x86: {  	_ =	shalt  }
0x87: {  	_ =	shalt  }
.Lfunc_end0:
.L_simem_size_0:
called_computation_lowered:
.L_overlay_start_0:
0x88: {  	s2 =	sld [smem:$0x3FD9]  }
0x89: {  	s3 =	sld [smem:$0x3FFE];
	_ =	sdelay $0x1  }
0x8a: {  	s1 =	srdreg.scid  }
0x8b: {  	s0 =	sand.u32 $0x1, s1  }
0x8c: {  	s17 =	sshll.u32 s0, $0xA;
	s2 =	sadd.s32 s3, s2  }
0x8d: {  	s2 =	sadd.s32 s2, s17  }
0x8e: {  	[smem:$0x3FBC] =	sst s2  }
0x8f: {  	_ = 	snop  }
0x90: {  	(tm) =	ssettm $0x1  }
0x91: {  	s18 =	sld [smem:$0x3FFB];
	_ =	sdelay $0x3  }
0x92: {  	_ =	strace s18  }
0x93: {  	s2 =	sld [smem:$0x3FFC];
	_ =	sdelay $0x3  }
0x94: {  	_ =	strace s2  }
0x95: {  	s2 =	sld [smem:$0x3FFD];
	_ =	sdelay $0x3  }
0x96: {  	_ =	strace s2  }
0x97: {  	_ =	strace $0x8FFFFFFF  }
0x98: {  	s19 =	sld [smem:$0x3FDB];
	_ =	sdelay $0x1  }
0x99: {  	s20 =	simm.s32 $_scs_section_size  }
0x9a: {  	s4 =	simm.s32 $_size__tile_overlayer_lowered;
	s5 =	simm.s32 $_tile_overlayer_lowered  }
0x9b: {  	s6 =	simm.s32 $0x1BFF;
	s21 =	sshll.u32 s5, $0x1;
	s3 =	sadd.s32 s20, s19  }
0x9c: {  	s22 =	simm.s32 $0x0;
	s4 =	sshll.u32 s4, $0x1;
	s5 =	sadd.s32 s21, s3  }
0x9d: {  	[timem:s22], [sflag:s6] =	dma.local [hbm:s5], s4  }
0x9e: {  	_ =	swait.ge [sflag:s6], s4  }
0x9f: {  	s4 =	ssub.s32 $0x0, s4;
	[sflag:s6] =	ssyncset.done $0x0  }
0xa0: {  	[sflag:s6] =	ssyncadd.s32 s4;
	_ =	sdelay $0x1  }
0xa1: {  	s23 =	simm.s32 $0x1B8B  }
0xa2: {  	_ =	swait.ge [sflag:s23], $0x1  }
0xa3: {  	[sflag:s23] =	ssyncset.done $0x0  }
0xa4: {  	[sflag:s23] =	ssyncadd.s32 $0xFFFFFFFF  }
0xa5: {  	s4 =	sld [smem:$0x0]  }
0xa6: {  	s5 =	sand.u32 $0xFFFFFFFE, s1  }
0xa7: {  	p0 =	sne.s32 s1, s5  }
0xa8: {  	s5 =	sshll.u32 @p0 s5, $0xE  }
0xa9: {  	s5 =	sadd.s32 @p0 $0x11B8D, s5;
	s6 =	sshll.u32 @p0 s4, $0x11  }
0xaa: {  	s5 =	sor.u32 @p0 s6, s5  }
0xab: {  	[sflag:s5] =	ssyncadd.remote.s32 @p0 $0x1;
	_ =	sdelay $0x1  }
0xac: {  	s5 =	simm.s32 @p0 $0x1B8D  }
0xad: {  	_ =	swait.eq @p0 [sflag:s5], $0x1  }
0xae: {  	[sflag:s5] =	ssyncadd.s32 @p0 $0xFFFFFFFF  }
0xaf: {  	s6 =	sshll.u32 @!p0 s1, $0xE  }
0xb0: {  	s6 =	sor.u32 @!p0 $0x4000, s6;
	s5 =	simm.s32 @!p0 $0x1B8D  }
0xb1: {  	s4 =	sshll.u32 @!p0 s4, $0x11;
	s6 =	sadd.s32 @!p0 $0x11B8D, s6;
	_ =	swait.eq @!p0 [sflag:s5], $0x1  }
0xb2: {  	s4 =	sor.u32 @!p0 s4, s6;
	[sflag:s5] =	ssyncadd.s32 @!p0 $0xFFFFFFFF  }
0xb3: {  	s25 =	simm.s32 $0x1B8E;
	s24 =	sld [smem:$0x3FFE];
	[sflag:s4] =	ssyncadd.remote.s32 @!p0 $0x1  }
0xb4: {  	s26 =	simm.s32 $execute0_lowered;
	[smem:$0x3FD2] =	sst s25  }
0xb5: {  	s5 =	sshll.u32 s26, $0x1;
	_ =	strace $0x8000004F;
	[dreg:$0x1] =	wrdreg $0xFFFFFFFF  }
0xb6: {  	s28 =	simm.s32 $_size_execute0_lowered;
	s3 =	sadd.s32 s3, s5;
	[dreg:$0x0] =	wrdreg $0x0  }
0xb7: {  	s5 =	sshll.u32 s28, $0x1;
	[dreg:$0x2] =	wrdreg s3  }
0xb8: {  	[dreg:$0x3] =	wrdreg s5  }
0xb9: {  	[dreg:$0x4] =	wrdreg $0xC0  }
0xba: {  	_ =	task [dreg:s22], $0x5FFFF  }
0xbb: {  	[dreg:$0x1] =	wrdreg $0xFFFFFFFF  }
0xbc: {  	[dreg:$0x0] =	wrdreg $0x60  }
0xbd: {  	[dreg:$0x2] =	wrdreg s24  }
0xbe: {  	[dreg:$0x3] =	wrdreg $0x9  }
0xbf: {  	_ =	task.clear_ibuf [dreg:s22], $0x4FFFF;
	_ =	strace $0x9000004F  }
0xc0: {  	s29 =	simm.s32 $0x9;
	_ =	strace $0x80000051  }
0xc1: {  	_ =	swait.ge [sflag:s29], $0x1  }
0xc2: {  	[sflag:s29] =	ssyncadd.s32 $0xFFFFFFFF  }
0xc3: {  	_ =	strace $0x90000051  }
0xc4: {  	_ =	sfence  }
0xc5: {  	s30 =	sld [smem:$0x0];
	_ =	sdelay $0x2  }
0xc6: {  	s31 =	sshll.u32 s1, $0xD;
	s1 =	sshrl.u32 s1, $0x2  }
0xc7: {  	s4 =	sand.u32 $0x4000, s31;
	s1 =	sadd.s32 s1, s30  }
0xc8: {  	s0 =	sor.u32 s4, s0;
	s1 =	sshll.u32 s1, $0x11  }
0xc9: {  	s0 =	sor.u32 s1, s0  }
0xca: {  	s0 =	sadd.s32 $0x8F2B, s0  }
0xcb: {  	[sflag:s0] =	ssyncadd.remote.s32 $0x1  }
0xcc: {  	_ =	sfence.sel $0xFFFF  }
0xcd: {  	[dreg:$0x0] =	wrdreg $0xFFFFFFFF;
	(pc) =	sbr.abs _section_cstart, $3  }
0xce: {  	[dreg:$0x1] =	wrdreg $0xFFFFFFFF  }
0xcf: {  	_ =	task.clear_ibuf [dreg:s22], $0x2FFFF;
	_ =	strace $0x9FFFFFFF  }
0xd0: {  	(tm) =	ssettm $0x7FFFFFFF  }
0xd1: {  	_ =	shalt  }
tec
execute0_lowered:
.L_overlay_start_1:
0x0: {  	(tag) =	ssettag $0x1  }
0x1: {  	s8 =	rddreg [dreg:$0x0]  }
0x2: {  	s0 =	rddreg [dreg:$0x1];
	_ =	strace $0x80000050;
	s1 =	stileid.u32  }
0x3: {  	s3 =	srdreg.scid;
	s4 =	simm.s32 $0x1;
	s7 =	simm.s32 $0x1  }
0x4: {  	s9 =	simm.s32 $0x1;
	s10 =	simm.s32 $0x3;
	s13 =	simm.s32 $0x0  }
0x5: {  	s12 =	simm.s32 $0x0;
	s5 =	sand.u32 $0x1, s3;
	s6 =	sshll.u32 s1, $0x1  }
0x6: {  	s2 =	sadd.s32 $0x5E00, s8;
	s3 =	sadd.s32 $0x7200, s8;
	s5 =	sor.u32 s6, s5  }
.Ltmp0:
0x7: {  	[sflag:s4] =	ssyncpa.u1 $0x0;
	p0 =	slt.u32 s5, $0x13;
	(pc) =	sbr.rel .LBB2_1-.Ltmp0, $4  }
0x8: {  	s6 =	simm.s32 $0x2;
	s7 =	simm.s32 @!p0 $0x0;
	p0 =	sne.s32 s5, $0x12  }
0x9: {  	[sflag:s6] =	ssyncpa.u1 $0x0;
	s5 =	smul.u32 $0x190, s5;
	s9 =	simm.s32 @!p0 $0x0  }
0xa: {  	s8 =	sadd.s32 $0x9400, s8;
	[sflag:s10] =	ssyncpa.u1 $0x0;
	s7 =	sadd.s32 s9, s7  }
0xb: {  	vm0 =	vmmov $0xffff;
	s10 =	simm.s32 $0x0;
	s11 =	smov.u32 s5;
	s9 =	sadd.s32 $0x1, s7  }
.LBB2_4:
0xc: {  	v2 =	vnsel vm1, $0x0, v2  }
0xd: {  	vm1 =	vgt.s32 v0, $0x0;
	v2 =	vmin.u32 v2, $0x4E1F  }
0xe: {  	v0 =	vnsel vm1, $0x0, v0  }
0xf: {  	v0 =	vmin.u32 v0, $0x4E1F  }
0x10: {  	[tilespmem:s18], [sflag:$0x1] =	stream.indirect_vreg.gather [hbm4b:s2+s10], $0x1, v1, vm0, $0x4038;
	[tilespmem:$0x640] =	vst v63  }
0x11: {  	(ifvalue) =	ssetifvalue $0x7FFFFFFF  }
0x12: {  	[tilespmem:s15], [sflag:$0x1] =	stream.indirect_vreg.gather [hbm4b:s2+s10], $0x1, v2, vm0, $0x4038;
	[tilespmem:$0x640] =	vst v63  }
0x13: {  	s29 =	sadd.s32 $0x10, s15;
	(ifvalue) =	ssetifvalue $0x7FFFFFFF  }
0x14: {  	[tilespmem:s29], [sflag:$0x1] =	stream.indirect_vreg.gather [hbm4b:s2+s10], $0x1, v0, vm0, $0x4038;
	[tilespmem:$0x640] =	vst v63  }
0x15: {  	_ =	swait.ge [sflag:s4], $0x190  }
0x16: {  	s30 =	sshrl.u32 s13, $0x3;
	[sflag:s4] =	ssyncset.done $0x0  }
0x17: {  	s31 =	sand.u32 $0x7, s13;
	s15 =	sadd.s32 s8, s30;
	[sflag:s4] =	ssyncadd.s32 $0xFFFFFE70  }
0x18: {  	[hbm4b:s15+s31] =	stream.linear.scatter [tilespmem:s14], [sflag:$0x3], $0x190, $0x38;
	[tilespmem:$0x640] =	vst v63  }
.LBB2_5:
0x19: {  	s15 =	sadd.s32 $0x3200, s11  }
0x1a: {  	p1 =	sgt.s32 s15, $0x4E1F  }
0x1b: {  	s15 =	smov.u32 @p1 s5;
	p1 =	sne.s32 s12, s9  }
.Ltmp1:
0x1c: {  	p0 =	slt.u32 s12, $0x2;
	(pc) =	sbr.rel @!p1 .LBB2_6-.Ltmp1, $4  }
0x1d: {  	s14 =	simm.s32 @!p0 $0x3  }
0x1e: {  	_ =	swait.ge @!p0 [sflag:s14], $0x190  }
0x1f: {  	s16 =	sadd.s32 $0x1, s12;
	s13 =	smov.u32 s11;
	[sflag:s14] =	ssyncset.done @!p0 $0x0  }
0x20: {  	s12 =	smov.u32 s16;
	s11 =	smov.u32 s15;
	[sflag:s14] =	ssyncadd.s32 @!p0 $0xFFFFFE70  }
.LBB2_1:
0x21: {  	p0 =	sge.u32 s12, s7  }
0x22: {  	s14 =	sxor.u32 @!p0 $0x1, s12  }
0x23: {  	s14 =	smul.u32 @!p0 $0x640, s14  }
0x24: {  	s31 =	sadd.s32 $0xFFFFFFFF, s12;
	s15 =	sshrl.u32 @!p0 s11, $0x3  }
0x25: {  	s16 =	sand.u32 @!p0 $0x7, s11;
	s15 =	sadd.s32 @!p0 s3, s15;
	s14 =	sshra.s32 @!p0 s14, $0x2  }
0x26: {  	[tilespmem:s14], [sflag:$0x2] =	stream.linear.gather @!p0 [hbm4b:s15+s16], $0x190, $0x38;
	[tilespmem:$0x640] =	vst v63  }
0x27: {  	p0 =	sge.u32 s31, s7  }
.Ltmp2:
0x28: {  	_ = 	snop;
	(pc) =	sbr.rel @p0 .LBB2_5-.Ltmp2, $1  }
0x29: {  	_ =	sdelay $0x3  }
0x2a: {  	s14 =	sand.u32 $0x1, s12  }
0x2b: {  	_ =	swait.ge [sflag:s6], $0x190;
	p0 =	seq.s32 s14, $0x1;
	s14 =	simm.s32 $0x190  }
0x2c: {  	[sflag:s6] =	ssyncset.done $0x0;
	s14 =	simm.s32 @!p0 $0x0  }
0x2d: {  	[sflag:s6] =	ssyncadd.s32 $0xFFFFFE70;
	(ifvalue) =	ssetifvalue $0x7FFFFFFF;
	v0 =	vld.msk [tilespmem:s14+$0x0 ss:$0x1], $0xffff;
	_ =	sdelay $0x4  }
0x2e: {  	s15 =	sadd.s32 $0x10, s14;
	vm1 =	vgt.s32 v0, $0x0  }
0x2f: {  	v2 =	vld.msk [tilespmem:s15+$0x0 ss:$0x1], $0xffff;
	v1 =	vnsel vm1, $0x0, v0  }
0x30: {  	v1 =	vmin.u32 v1, $0x4E1F;
	_ =	sdelay $0x2  }
0x31: {  	s17 =	simm.s32 $0x20;
	s14 =	sadd.s32 $0x320, s14;
	s16 =	sadd.s32 $0x10, s15  }
0x32: {  	s15 =	sadd.s32 $0x10, s14;
	s18 =	smov.u32 s14;
	v0 =	vld.msk [tilespmem:s16+$0x0 ss:$0x1], $0xffff;
	vm1 =	vgt.s32 v2, $0x0;
	(ifvalue) =	ssetifvalue $0x7FFFFFFF  }
.LBB2_3:
0x33: {  	[tilespmem:s18], [sflag:$0x1] =	stream.indirect_vreg.gather [hbm4b:s2+s10], $0x1, v1, vm0, $0x4038;
	[tilespmem:$0x640] =	vst v63  }
0x34: {  	s17 =	sadd.s32 $0x10, s17  }
0x35: {  	v2 =	vnsel vm1, $0x0, v2;
	p0 =	slt.u32 s17, $0x180  }
.Ltmp3:
0x36: {  	s18 =	smov.u32 s15;
	v1 =	vmin.u32 v2, $0x4E1F;
	(pc) =	sbr.rel @p0 .LBB2_3-.Ltmp3, $3  }
0x37: {  	_ =	sdelay $0x1  }
0x38: {  	s16 =	sadd.s32 $0x10, s16  }
0x39: {  	vm1 =	vgt.s32 v0, $0x0;
	s15 =	sadd.s32 $0x10, s15;
	v2 =	vmov v0;
	(ifvalue) =	ssetifvalue $0x7FFFFFFF;
	v0 =	vld.msk [tilespmem:s16+$0x0 ss:$0x1], $0xffff  }
.Ltmp4:
0x3a: {  	_ = 	snop;
	(pc) =	sbr.rel .LBB2_4-.Ltmp4, $1  }
0x3b: {  	_ =	sdelay $0x3  }
.LBB2_6:
0x3c: {  	_ =	sfence.sel $0x180000  }
0x3d: {  	s2 =	simm.s32 $0x2;
	[bflag:$0x0] =	sbarrier.arrive $0xFFFF  }
0x3e: {  	s30 =	simm.s32 $0x3;
	[sflag:s2] =	ssyncpa.u1 $0x1  }
0x3f: {  	s31 =	simm.s32 $0x1;
	[sflag:s30] =	ssyncpa.u1 $0x1  }
0x40: {  	[sflag:s31] =	ssyncpa.u1 $0x1  }
0x41: {  	p0 =	sne.s32 s1, $0x0;
	_ =	strace $0x90000050  }
0x42: {  	s0 =	sadd.s32 @!p0 $0x100000, s0;
	[bflag:$0x2] =	sbarrier.arrive $0xFFFF  }
0x43: {  	[sflag:s0] =	ssyncadd.tile.s32 @!p0 $0x1;
	_ =	shalt  }
.Lfunc_end2:
_tile_overlayer_lowered:
.L_overlay_start_2:
0x44: {  	(tag) =	ssettag $0x2  }
0x45: {  	s0 =	rddreg [dreg:$0x0];
	s2 =	stileid.u32  }
0x46: {  	s1 =	rddreg [dreg:$0x1];
	p0 =	sne.s32 s2, $0x0  }
0x47: {  	s3 =	rddreg [dreg:$0x2];
	[bflag:$0x3] =	sbarrier.arrive $0xFFFF;
	s2 =	simm.s32 @!p0 $0x1C01  }
0x48: {  	[timem:s3], [sflag:s2] =	dma.local @!p0 [hbm:s0], s1  }
0x49: {  	s0 =	simm.s32 @!p0 $0x1  }
0x4a: {  	_ =	swait.ge @!p0 [sflag:s0], s1  }
0x4b: {  	s1 =	ssub.s32 @!p0 $0x0, s1;
	[sflag:s0] =	ssyncset.done @!p0 $0x0  }
0x4c: {  	[sflag:s0] =	ssyncadd.s32 @!p0 s1  }
0x4d: {  	[bflag:$0x3] =	sbarrier.arrive $0xFFFF  }
0x4e: {  	_ =	shalt  }

// kernel: kernel.11.cloned.1.call-start
scs
__scs_entry_jumppad:
0x0: {  	(pc) =	sbr.rel $0x88, $3  }
0x1: {  	(tag) =	ssettag $0x0;
	lr =	simm.s32 $0x1  }
0x2: {  	[smem:$0x3F95] =	sst lr;
	_ =	strace $0xD0000000  }
0x3: {  	_ = 	snop  }
0x4: {  	_ = 	snop  }
0x5: {  	_ = 	snop  }
0x6: {  	_ = 	snop  }
0x7: {  	_ = 	snop  }
__scs_overlays_trampoline_lowered:
0x8: {  	[smem:$0x3FA4] =	sst s0  }
0x9: {  	[smem:$0x3FA5] =	sst s1  }
0xa: {  	[smem:$0x3FA6] =	sst s2  }
0xb: {  	[smem:$0x3FA7] =	sst s3  }
0xc: {  	[smem:$0x3FA8] =	sst s4  }
0xd: {  	[smem:$0x3FA9] =	sst s5  }
0xe: {  	[smem:$0x3FAA] =	sst s6  }
0xf: {  	[smem:$0x3FAB] =	sst s7  }
0x10: {  	[smem:$0x3FAC] =	sst s8  }
0x11: {  	[smem:$0x3FAD] =	sst s9;
	s0 =	simm.s32 @!p0 $0x0  }
0x12: {  	s1 =	sld [smem:$0x3F93];
	s0 =	simm.s32 @p0 $0x1  }
0x13: {  	[smem:$0x3FAE] =	sst s0;
	s0 =	simm.s32 @!p1 $0x0  }
0x14: {  	s2 =	sld [smem:$0x3F92];
	s0 =	simm.s32 @p1 $0x1  }
0x15: {  	[smem:$0x3FAF] =	sst s0;
	s0 =	simm.s32 @!p2 $0x0  }
0x16: {  	s3 =	sld [smem:$0x3FDB];
	s0 =	simm.s32 @p2 $0x1  }
0x17: {  	s4 =	simm.s32 $0x1BF5;
	[smem:$0x3FB1] =	sst s0  }
0x18: {  	s0 =	sld [smem:$0x3F94];
	_ =	swait.ge [sflag:s4], $0x0  }
0x19: {  	s7 =	sld [smem:$0x3F95]  }
0x1a: {  	s8 =	sadd.s32 $0xFFFFE003, lr  }
0x1b: {  	s9 =	sadd.s32 $0xFFFFFEF7, lr;
	s5 =	simm.s32 $0xFFFFFFFF;
	p2 =	slt.u32 s8, $0xFFFFF086  }
0x1c: {  	p1 =	slt.u32 s9, $0xF7A;
	s5 =	simm.s32 @!p2 $0x0  }
0x1d: {  	s5 =	simm.s32 @p1 $0x1;
	p0 =	seq.s32 s7, s2  }
0x1e: {  	s7 =	smul.u32 @!p0 $0xF7A, s2;
	p2 =	seq.s32 @!p0 s5, $0x0  }
0x1f: {  	s9 =	smul.u32 $0xF7A, s1;
	s8 =	simm.s32 @!p0 $0x1BF5;
	p2 =	por !p2, p0  }
0x20: {  	[sflag:s8] =	ssyncset.s32 @!p0 $0xFFFFF086;
	s6 =	sadd.s32 @!p0 s3, s7;
	s7 =	simm.s32 @!p0 $0x108  }
0x21: {  	s3 =	sadd.s32 s3, s9;
	s6 =	sadd.s32 @!p0 $0x88, s6;
	s7 =	simm.s32 @p2 $0x1082  }
0x22: {  	[simem:s7], [sflag:s8] =	dma.local @!p0 [hbm:s6], $0xF7A  }
0x23: {  	s9 =	sor.u32 $0xD0000000, s2;
	s6 =	simm.s32 $0x108;
	_ =	swait.ge @!p0 [sflag:s8], $0x0  }
0x24: {  	s3 =	sadd.s32 $0x88, s3;
	s6 =	simm.s32 @!p1 $0x1082;
	[sflag:s4] =	ssyncset.s32 $0xFFFFF086  }
0x25: {  	[simem:s6], [sflag:s4] =	dma.local [hbm:s3], $0xF7A  }
0x26: {  	[smem:$0x3F95] =	sst s1;
	(tag) =	ssettag s2;
	_ =	strace s9  }
0x27: {  	s1 =	sld [smem:$0x3FA5]  }
0x28: {  	s2 =	sld [smem:$0x3FA6]  }
0x29: {  	s4 =	sld [smem:$0x3FA8]  }
0x2a: {  	p0 =	seq.s32 s5, $0x0;
	s5 =	sld [smem:$0x3FA9]  }
0x2b: {  	s6 =	sld [smem:$0x3FAA]  }
0x2c: {  	s7 =	sld [smem:$0x3FAB]  }
0x2d: {  	s3 =	simm.s32 $0x108;
	s8 =	sld [smem:$0x3FAC]  }
0x2e: {  	s3 =	simm.s32 @!p0 $0x1082;
	s9 =	sld [smem:$0x3FAD]  }
0x2f: {  	lr =	sadd.s32 s0, s3;
	s0 =	sld [smem:$0x3FA4]  }
0x30: {  	s3 =	sld [smem:$0x3FA7]  }
0x31: {  	[smem:$0x3FB0] =	sst s10  }
0x32: {  	s10 =	sld [smem:$0x3FAE];
	_ =	sdelay $0x3  }
0x33: {  	p0 =	seq.s32 s10, $0x1;
	s10 =	sld [smem:$0x3FB0];
	_ =	sdelay $0x3  }
0x34: {  	[smem:$0x3FB0] =	sst s10  }
0x35: {  	s10 =	sld [smem:$0x3FAF];
	_ =	sdelay $0x3  }
0x36: {  	p1 =	seq.s32 s10, $0x1;
	s10 =	sld [smem:$0x3FB0];
	_ =	sdelay $0x3  }
0x37: {  	[smem:$0x3FB0] =	sst s10  }
0x38: {  	s10 =	sld [smem:$0x3FB1]  }
0x39: {  	_ = 	snop;
	(pc) =	sbr.ind lr, $3  }
0x3a: {  	_ = 	snop  }
0x3b: {  	_ = 	snop  }
0x3c: {  	p2 =	seq.s32 s10, $0x1;
	s10 =	sld [smem:$0x3FB0]  }
0x3d: {  	_ =	shalt  }
0x3e: {  	_ =	shalt  }
0x3f: {  	_ =	shalt  }
0x40: {  	_ =	shalt  }
0x41: {  	_ =	shalt  }
0x42: {  	_ =	shalt  }
0x43: {  	_ =	shalt  }
0x44: {  	_ =	shalt  }
0x45: {  	_ =	shalt  }
0x46: {  	_ =	shalt  }
0x47: {  	_ =	shalt  }
0x48: {  	_ =	shalt  }
0x49: {  	_ =	shalt  }
0x4a: {  	_ =	shalt  }
0x4b: {  	_ =	shalt  }
0x4c: {  	_ =	shalt  }
0x4d: {  	_ =	shalt  }
0x4e: {  	_ =	shalt  }
0x4f: {  	_ =	shalt  }
0x50: {  	_ =	shalt  }
0x51: {  	_ =	shalt  }
0x52: {  	_ =	shalt  }
0x53: {  	_ =	shalt  }
0x54: {  	_ =	shalt  }
0x55: {  	_ =	shalt  }
0x56: {  	_ =	shalt  }
0x57: {  	_ =	shalt  }
0x58: {  	_ =	shalt  }
0x59: {  	_ =	shalt  }
0x5a: {  	_ =	shalt  }
0x5b: {  	_ =	shalt  }
0x5c: {  	_ =	shalt  }
0x5d: {  	_ =	shalt  }
0x5e: {  	_ =	shalt  }
0x5f: {  	_ =	shalt  }
0x60: {  	_ =	shalt  }
0x61: {  	_ =	shalt  }
0x62: {  	_ =	shalt  }
0x63: {  	_ =	shalt  }
0x64: {  	_ =	shalt  }
0x65: {  	_ =	shalt  }
0x66: {  	_ =	shalt  }
0x67: {  	_ =	shalt  }
0x68: {  	_ =	shalt  }
0x69: {  	_ =	shalt  }
0x6a: {  	_ =	shalt  }
0x6b: {  	_ =	shalt  }
0x6c: {  	_ =	shalt  }
0x6d: {  	_ =	shalt  }
0x6e: {  	_ =	shalt  }
0x6f: {  	_ =	shalt  }
0x70: {  	_ =	shalt  }
0x71: {  	_ =	shalt  }
0x72: {  	_ =	shalt  }
0x73: {  	_ =	shalt  }
0x74: {  	_ =	shalt  }
0x75: {  	_ =	shalt  }
0x76: {  	_ =	shalt  }
0x77: {  	_ =	shalt  }
0x78: {  	_ =	shalt  }
0x79: {  	_ =	shalt  }
0x7a: {  	_ =	shalt  }
0x7b: {  	_ =	shalt  }
0x7c: {  	_ =	shalt  }
0x7d: {  	_ =	shalt  }
0x7e: {  	_ =	shalt  }
0x7f: {  	_ =	shalt  }
0x80: {  	_ =	shalt  }
0x81: {  	_ =	shalt  }
0x82: {  	_ =	shalt  }
0x83: {  	_ =	shalt  }
0x84: {  	_ =	shalt  }
0x85: {  	_ =	shalt  }
0x86: {  	_ =	shalt  }
0x87: {  	_ =	shalt  }
.Lfunc_end0:
.L_simem_size_0:
called_computation.4_lowered:
.L_overlay_start_0:
0x88: {  	s2 =	sld [smem:$0x3FD9]  }
0x89: {  	s3 =	sld [smem:$0x3FFE];
	_ =	sdelay $0x1  }
0x8a: {  	s1 =	srdreg.scid  }
0x8b: {  	s0 =	sand.u32 $0x1, s1  }
0x8c: {  	s17 =	sshll.u32 s0, $0xA;
	s2 =	sadd.s32 s3, s2  }
0x8d: {  	s2 =	sadd.s32 s2, s17  }
0x8e: {  	[smem:$0x3FBC] =	sst s2  }
0x8f: {  	_ = 	snop  }
0x90: {  	s2 =	sld [smem:$0x3FD0];
	(tm) =	ssettm $0x1  }
0x91: {  	s18 =	sld [smem:$0x3FFB];
	_ =	sdelay $0x3  }
0x92: {  	_ =	strace s18  }
0x93: {  	s3 =	sld [smem:$0x3FFC];
	_ =	sdelay $0x3  }
0x94: {  	_ =	strace s3  }
0x95: {  	s3 =	sld [smem:$0x3FFD];
	_ =	sdelay $0x3  }
0x96: {  	_ =	strace s3  }
0x97: {  	_ =	strace $0x8FFFFFFF  }
0x98: {  	s19 =	sld [smem:$0x3FDB];
	_ =	sdelay $0x1  }
0x99: {  	s4 =	simm.s32 $_scs_section_size  }
0x9a: {  	s5 =	simm.s32 $_size__tile_overlayer_lowered;
	s6 =	simm.s32 $_tile_overlayer_lowered  }
0x9b: {  	s22 =	simm.s32 $0x1BFF;
	s21 =	sshll.u32 s6, $0x1;
	s3 =	sadd.s32 s4, s19  }
0x9c: {  	s7 =	simm.s32 $0x0;
	s20 =	sshll.u32 s5, $0x1;
	s5 =	sadd.s32 s21, s3  }
0x9d: {  	[timem:s7], [sflag:s22] =	dma.local [hbm:s5], s20  }
0x9e: {  	_ =	swait.ge [sflag:s22], s20  }
0x9f: {  	s4 =	ssub.s32 $0x0, s20;
	[sflag:s22] =	ssyncset.done $0x0  }
0xa0: {  	[sflag:s22] =	ssyncadd.s32 s4;
	_ =	sdelay $0x1  }
0xa1: {  	s23 =	simm.s32 $0x1B8B  }
0xa2: {  	_ =	swait.ge [sflag:s23], $0x1  }
0xa3: {  	[sflag:s23] =	ssyncset.done $0x0  }
0xa4: {  	s25 =	simm.s32 $0x1B8E;
	s24 =	sld [smem:$0x3FFE];
	[sflag:s23] =	ssyncadd.s32 $0xFFFFFFFF  }
0xa5: {  	s26 =	simm.s32 $execute0_lowered;
	[smem:$0x3FD2] =	sst s25  }
0xa6: {  	s5 =	sshll.u32 s26, $0x1;
	_ =	strace $0x80000046;
	[dreg:$0x1] =	wrdreg $0xFFFFFFFF  }
0xa7: {  	s28 =	simm.s32 $_size_execute0_lowered;
	s3 =	sadd.s32 s3, s5;
	[dreg:$0x0] =	wrdreg $0x0  }
0xa8: {  	s5 =	sshll.u32 s28, $0x1;
	[dreg:$0x2] =	wrdreg s3  }
0xa9: {  	[dreg:$0x3] =	wrdreg s5  }
0xaa: {  	[dreg:$0x4] =	wrdreg $0xC0  }
0xab: {  	_ =	task [dreg:s7], $0x5FFFF  }
0xac: {  	[dreg:$0x1] =	wrdreg $0xFFFFFFFF  }
0xad: {  	[dreg:$0x0] =	wrdreg $0x60  }
0xae: {  	[dreg:$0x2] =	wrdreg s24  }
0xaf: {  	[dreg:$0x3] =	wrdreg s2  }
0xb0: {  	[dreg:$0x4] =	wrdreg $0x79000  }
0xb1: {  	[dreg:$0x5] =	wrdreg $0x7B780  }
0xb2: {  	[dreg:$0x6] =	wrdreg $0x9  }
0xb3: {  	_ =	task.clear_ibuf [dreg:s7], $0x7FFFF;
	_ =	strace $0x90000046  }
0xb4: {  	s29 =	simm.s32 $0x9;
	_ =	strace $0x80000048  }
0xb5: {  	_ =	swait.ge [sflag:s29], $0x1  }
0xb6: {  	[sflag:s29] =	ssyncadd.s32 $0xFFFFFFFF  }
0xb7: {  	_ =	strace $0x90000048  }
0xb8: {  	_ =	sfence  }
0xb9: {  	s30 =	sld [smem:$0x0];
	_ =	sdelay $0x2  }
0xba: {  	s31 =	sshll.u32 s1, $0xD;
	s1 =	sshrl.u32 s1, $0x2  }
0xbb: {  	s3 =	sand.u32 $0x4000, s31;
	s1 =	sadd.s32 s1, s30  }
0xbc: {  	s0 =	sor.u32 s3, s0;
	s1 =	sshll.u32 s1, $0x11  }
0xbd: {  	s0 =	sor.u32 s1, s0  }
0xbe: {  	s0 =	sadd.s32 $0x8F2B, s0  }
0xbf: {  	[sflag:s0] =	ssyncadd.remote.s32 $0x1  }
0xc0: {  	_ =	sfence.sel $0xFFFF  }
0xc1: {  	[dreg:$0x0] =	wrdreg $0xFFFFFFFF;
	(pc) =	sbr.abs _section_cstart, $3  }
0xc2: {  	[dreg:$0x1] =	wrdreg $0xFFFFFFFF  }
0xc3: {  	_ =	task.clear_ibuf [dreg:s7], $0x2FFFF;
	_ =	strace $0x9FFFFFFF  }
0xc4: {  	(tm) =	ssettm $0x7FFFFFFF  }
0xc5: {  	_ =	shalt  }
tec
execute0_lowered:
.L_overlay_start_1:
0x0: {  	(tag) =	ssettag $0x1  }
0x1: {  	s4 =	rddreg [dreg:$0x0]  }
0x2: {  	s6 =	rddreg [dreg:$0x1]  }
0x3: {  	s0 =	rddreg [dreg:$0x2]  }
0x4: {  	s1 =	srdreg.scid;
	s17 =	stileid.u32  }
0x5: {  	s2 =	rddreg [dreg:$0x3];
	s3 =	simm.s32 $0x0;
	p2 =	por $0x0, $0x0  }
0x6: {  	s12 =	simm.s32 $0x1;
	s13 =	simm.s32 $0x5080;
	s14 =	simm.s32 $0x80  }
0x7: {  	s15 =	simm.s32 $0x5100;
	s18 =	simm.s32 $0x2800;
	s19 =	simm.s32 $0x0  }
0x8: {  	s5 =	sand.u32 $0x1, s1;
	s7 =	sshll.u32 s17, $0x1;
	s1 =	rddreg [dreg:$0x4]  }
0x9: {  	[smem:$0x7FF] =	sst s3;
	p0 =	sne.s32 s17, $0x0;
	p1 =	sgt.u32 s17, $0x1  }
0xa: {  	s11 =	sor.u32 s5, s7;
	_ =	strace $0x80000047;
	s8 =	ssub.s32 $0x2, s5  }
0xb: {  	s10 =	smul.u32 $0x9E0, s5;
	p2 =	por @!p1 p0, p0;
	s16 =	sshrl.u32 @!p0 s0, $0x3  }
0xc: {  	s7 =	smul.u32 $0x2800, s11;
	s9 =	sshrl.u32 s8, $0x1;
	p3 =	seq.s32 s11, $0x1F  }
.Ltmp0:
0xd: {  	s11 =	simm.s32 $0x5000;
	s17 =	sshll.u32 @p2 s17, $0x6;
	(pc) =	sbr.rel .LBB2_1-.Ltmp0, $4  }
0xe: {  	s9 =	ssub.s32 s8, s9;
	s6 =	sadd.s32 s6, s10;
	s10 =	smov.u32 s0  }
0xf: {  	s17 =	sor.u32 @p2 $0x1C01, s17;
	s7 =	sshrl.u32 s7, $0x3;
	s8 =	sadd.s32 $0x10, s6  }
0x10: {  	s9 =	smax.u32 s9, $0x1;
	s10 =	smov.u32 @p0 s2;
	s7 =	sadd.s32 s7, s4  }
0x11: {  	v0 =	vimm.f32 $0.0e+00;
	v1 =	vimm.f32 $1.000000000e+00;
	s4 =	sadd.s32 $0x5E00, s4;
	s5 =	sadd.s32 $0x19800, s7;
	s7 =	sadd.s32 $0x23480, s7  }
.LBB2_6:
0x12: {  	s20 =	sshra.s32 s20, $0x2;
	[sflag:s12] =	ssyncadd.s32 $0xFFFFFF80  }
0x13: {  	[spmem:s0] =	stream.indirect.scatter.add.f32 [tilespmem:s15], [sflag:$0x1], $0x1, s20, s14, $0xb8;
	[tilespmem:$0x7DF0] =	vst v63  }
0x14: {  	_ =	swait.ge [sflag:s12], $0x80  }
0x15: {  	[sflag:s12] =	ssyncset.done $0x0  }
0x16: {  	s20 =	sadd.s32 $0x2800, s20;
	[sflag:s12] =	ssyncadd.s32 $0xFFFFFF80  }
0x17: {  	[spmem:s2] =	stream.indirect.scatter.add.f32 [tilespmem:s15], [sflag:$0x1], $0x1, s20, s14, $0xb8;
	[tilespmem:$0x7DF0] =	vst v63  }
0x18: {  	_ =	swait.ge [sflag:s12], $0x80  }
0x19: {  	[sflag:s12] =	ssyncset.done $0x0  }
0x1a: {  	[sflag:s12] =	ssyncadd.s32 $0xFFFFFF80  }
.LBB2_10:
0x1b: {  	[bflag:$0x0] =	sbarrier.arrive $0xFFFF;
	s20 =	simm.s32 @!p0 $0x1;
	s21 =	simm.s32 @!p0 $0x20  }
0x1c: {  	s22 =	simm.s32 @!p0 $0x10;
	s23 =	simm.s32 @!p0 $0x1C01;
	s19 =	sadd.s32 $0x1, s19  }
0x1d: {  	[hbm:s6@s21], [sflag:s23] =	dma.strided @!p0 [spmem:s16@s22], $0x4F0, s20, $0x10   }
0x1e: {  	s21 =	simm.s32 @p2 $0x1;
	s22 =	simm.s32 @p2 $0x20;
	_ =	swait.ge @!p0 [sflag:s20], $0x4F0  }
0x1f: {  	s23 =	simm.s32 @p2 $0x10;
	p4 =	sne.s32 s19, s9;
	[sflag:s20] =	ssyncset.done @!p0 $0x0  }
.Ltmp1:
0x20: {  	[sflag:s20] =	ssyncadd.s32 @!p0 $0xFFFFFB10;
	s20 =	sshrl.u32 @p2 s2, $0x3;
	(pc) =	sbr.rel @!p4 .LBB2_11-.Ltmp1, $4  }
0x21: {  	[hbm:s8@s22], [sflag:s17] =	dma.strided @p2 [spmem:s20@s23], $0x4F0, s21, $0x10   }
0x22: {  	_ =	swait.ge @p2 [sflag:s21], $0x4F0  }
0x23: {  	[sflag:s21] =	ssyncset.done @p2 $0x0  }
0x24: {  	[sflag:s21] =	ssyncadd.s32 @p2 $0xFFFFFB10  }
.LBB2_1:
0x25: {  	s20 =	simm.s32 $0x40;
	s21 =	simm.s32 $0x0  }
.LBB2_2:
0x26: {  	p4 =	sne.s32 s20, $0x9C00;
	[tilespmem:s21+$0x5180] =	vst v0;
	s21 =	smov.u32 s20;
	s20 =	sadd.s32 $0x40, s20  }
.Ltmp2:
0x27: {  	(pc) =	sbr.rel @p4 .LBB2_2-.Ltmp2, $2  }
0x28: {  	_ =	sdelay $0x2  }
0x29: {  	s21 =	sshra.s32 s21, $0x2  }
0x2a: {  	[tilespmem:s21+$0x5180] =	vst v0;
	s20 =	simm.s32 @!p1 $0x5180  }
0x2b: {  	[spmem:s10] =	stream.linear.scatter @!p1 [tilespmem:s20], [sflag:$0x1], $0x2780, $0x38;
	[tilespmem:$0x7DF0] =	vst v63  }
0x2c: {  	s20 =	simm.s32 @!p1 $0x1  }
0x2d: {  	_ =	swait.ge @!p1 [sflag:s20], $0x2780  }
0x2e: {  	[sflag:s20] =	ssyncset.done @!p1 $0x0  }
0x2f: {  	[sflag:s20] =	ssyncadd.s32 @!p1 $0xFFFFD880  }
0x30: {  	[tilespmem:$0x5100] =	vst v1  }
0x31: {  	[tilespmem:$0x5110] =	vst v1  }
0x32: {  	[tilespmem:$0x5120] =	vst v1  }
0x33: {  	[tilespmem:$0x5130] =	vst v1  }
0x34: {  	[tilespmem:$0x5140] =	vst v1  }
.Ltmp3:
0x35: {  	[tilespmem:$0x5150] =	vst v1;
	(pc) =	sbr.rel @!p3 .LBB2_4-.Ltmp3, $3  }
0x36: {  	[tilespmem:$0x5160] =	vst v1  }
0x37: {  	[tilespmem:$0x5170] =	vst v1  }
0x38: {  	[bflag:$0x0] =	sbarrier.arrive $0xFFFF;
	_ =	sdelay $0x1  }
0x39: {  	s20 =	sadd.s32 $0x9B00, s4  }
0x3a: {  	[tilespmem:s11], [sflag:$0x1] =	stream.linear.gather [hbm4b:s20+s3], $0x80, $0x38;
	[tilespmem:$0x7DF0] =	vst v63  }
0x3b: {  	_ =	swait.ge [sflag:s12], $0x80  }
0x3c: {  	[sflag:s12] =	ssyncset.done $0x0  }
0x3d: {  	s20 =	sadd.s32 $0x9C40, s20;
	[sflag:s12] =	ssyncadd.s32 $0xFFFFFF80  }
0x3e: {  	[tilespmem:s13], [sflag:$0x1] =	stream.linear.gather [hbm4b:s20+s3], $0x80, $0x38;
	[tilespmem:$0x7DF0] =	vst v63  }
0x3f: {  	_ =	swait.ge [sflag:s12], $0x80  }
0x40: {  	[sflag:s12] =	ssyncset.done $0x0  }
0x41: {  	[sflag:s12] =	ssyncadd.s32 $0xFFFFFF80  }
0x42: {  	[spmem:s0] =	stream.indirect.scatter.add.f32 [tilespmem:s15], [sflag:$0x1], $0x1, s11, s14, $0xb8;
	[tilespmem:$0x7DF0] =	vst v63  }
0x43: {  	_ =	swait.ge [sflag:s12], $0x80  }
0x44: {  	[sflag:s12] =	ssyncset.done $0x0  }
0x45: {  	[sflag:s12] =	ssyncadd.s32 $0xFFFFFF80  }
0x46: {  	[spmem:s2] =	stream.indirect.scatter.add.f32 [tilespmem:s15], [sflag:$0x1], $0x1, s13, s14, $0xb8;
	[tilespmem:$0x7DF0] =	vst v63  }
0x47: {  	_ =	swait.ge [sflag:s12], $0x80  }
0x48: {  	s21 =	simm.s32 $0x9B20;
	s20 =	simm.s32 $0x9B10;
	[sflag:s12] =	ssyncset.done $0x0  }
.LBB2_8:
0x49: {  	s22 =	sadd.s32 s20, s4  }
0x4a: {  	[sflag:s12] =	ssyncadd.s32 $0xFFFFFF80;
	s20 =	smov.u32 s21;
	s23 =	sadd.s32 $0x10, s21  }
0x4b: {  	[tilespmem:s11], [sflag:$0x1] =	stream.linear.gather [hbm4b:s22+s3], $0x80, $0x38;
	[tilespmem:$0x7DF0] =	vst v63  }
0x4c: {  	p4 =	sne.s32 s21, $0x9C30;
	_ =	swait.ge [sflag:s12], $0x80  }
0x4d: {  	[sflag:s12] =	ssyncset.done $0x0  }
0x4e: {  	s21 =	sadd.s32 $0x9C40, s22;
	[sflag:s12] =	ssyncadd.s32 $0xFFFFFF80  }
0x4f: {  	[tilespmem:s13], [sflag:$0x1] =	stream.linear.gather [hbm4b:s21+s3], $0x80, $0x38;
	[tilespmem:$0x7DF0] =	vst v63  }
0x50: {  	_ =	swait.ge [sflag:s12], $0x80  }
0x51: {  	[sflag:s12] =	ssyncset.done $0x0  }
0x52: {  	[sflag:s12] =	ssyncadd.s32 $0xFFFFFF80  }
0x53: {  	[spmem:s0] =	stream.indirect.scatter.add.f32 [tilespmem:s15], [sflag:$0x1], $0x1, s11, s14, $0xb8;
	[tilespmem:$0x7DF0] =	vst v63  }
0x54: {  	_ =	swait.ge [sflag:s12], $0x80  }
.Ltmp4:
0x55: {  	[sflag:s12] =	ssyncset.done $0x0;
	(pc) =	sbr.rel @p4 .LBB2_8-.Ltmp4, $4  }
0x56: {  	[sflag:s12] =	ssyncadd.s32 $0xFFFFFF80  }
0x57: {  	[spmem:s2] =	stream.indirect.scatter.add.f32 [tilespmem:s15], [sflag:$0x1], $0x1, s13, s14, $0xb8;
	[tilespmem:$0x7DF0] =	vst v63  }
0x58: {  	_ =	swait.ge [sflag:s12], $0x80  }
0x59: {  	s21 =	smov.u32 s23;
	[sflag:s12] =	ssyncset.done $0x0  }
0x5a: {  	s20 =	sadd.s32 s20, s4;
	[sflag:s12] =	ssyncadd.s32 $0xFFFFFF80  }
0x5b: {  	[tilespmem:s11], [sflag:$0x1] =	stream.linear.gather [hbm4b:s20+s3], $0x80, $0x38;
	[tilespmem:$0x7DF0] =	vst v63  }
0x5c: {  	_ =	swait.ge [sflag:s12], $0x80  }
0x5d: {  	[sflag:s12] =	ssyncset.done $0x0  }
0x5e: {  	s20 =	sadd.s32 $0x9C40, s20;
	[sflag:s12] =	ssyncadd.s32 $0xFFFFFF80  }
0x5f: {  	[tilespmem:s13], [sflag:$0x1] =	stream.linear.gather [hbm4b:s20+s3], $0x80, $0x38;
	[tilespmem:$0x7DF0] =	vst v63  }
0x60: {  	_ =	swait.ge [sflag:s12], $0x80  }
0x61: {  	[sflag:s12] =	ssyncset.done $0x0  }
0x62: {  	[sflag:s12] =	ssyncadd.s32 $0xFFFFFF80  }
0x63: {  	[spmem:s0] =	stream.indirect.scatter.add.f32 [tilespmem:s15], [sflag:$0x1], $0x1, s11, s14, $0xb8;
	[tilespmem:$0x7DF0] =	vst v63  }
0x64: {  	_ =	swait.ge [sflag:s12], $0x80  }
0x65: {  	[sflag:s12] =	ssyncset.done $0x0  }
.Ltmp5:
0x66: {  	[sflag:s12] =	ssyncadd.s32 $0xFFFFFF80;
	(pc) =	sbr.rel .LBB2_10-.Ltmp5, $4  }
0x67: {  	[spmem:s2] =	stream.indirect.scatter.add.f32 [tilespmem:s15], [sflag:$0x1], $0x1, s13, s14, $0xb8;
	[tilespmem:$0x7DF0] =	vst v63  }
0x68: {  	_ =	swait.ge [sflag:s12], $0x80  }
0x69: {  	[sflag:s12] =	ssyncset.done $0x0  }
0x6a: {  	[sflag:s12] =	ssyncadd.s32 $0xFFFFFF80  }
.LBB2_4:
0x6b: {  	s20 =	simm.s32 $0x0  }
0x6c: {  	[tilespmem:s20], [sflag:$0x1] =	stream.linear.gather [hbm4b:s5+s20], $0x2800, $0x38;
	[tilespmem:$0x7DF0] =	vst v63  }
0x6d: {  	_ =	swait.ge [sflag:s12], $0x2800  }
0x6e: {  	[sflag:s12] =	ssyncset.done $0x0  }
0x6f: {  	[sflag:s12] =	ssyncadd.s32 $0xFFFFD800  }
0x70: {  	[tilespmem:s18], [sflag:$0x1] =	stream.linear.gather [hbm4b:s7+s20], $0x2800, $0x38;
	[tilespmem:$0x7DF0] =	vst v63  }
0x71: {  	_ =	swait.ge [sflag:s12], $0x2800  }
0x72: {  	[sflag:s12] =	ssyncset.done $0x0  }
0x73: {  	s30 =	simm.s32 $0x0;
	[sflag:s12] =	ssyncadd.s32 $0xFFFFD800  }
0x74: {  	[spmem:s0] =	stream.indirect.scatter.add.f32 [tilespmem:s15], [sflag:$0x1], $0x1, s30, s14, $0xb8;
	[tilespmem:$0x7DF0] =	vst v63  }
0x75: {  	_ =	swait.ge [sflag:s12], $0x80  }
0x76: {  	[sflag:s12] =	ssyncset.done $0x0  }
0x77: {  	s31 =	simm.s32 $0x2800;
	[sflag:s12] =	ssyncadd.s32 $0xFFFFFF80  }
0x78: {  	[spmem:s2] =	stream.indirect.scatter.add.f32 [tilespmem:s15], [sflag:$0x1], $0x1, s31, s14, $0xb8;
	[tilespmem:$0x7DF0] =	vst v63  }
0x79: {  	_ =	swait.ge [sflag:s12], $0x80  }
0x7a: {  	s21 =	simm.s32 $0x400;
	s20 =	simm.s32 $0x200;
	[sflag:s12] =	ssyncset.done $0x0  }
.LBB2_5:
0x7b: {  	s22 =	sshra.s32 s20, $0x2  }
0x7c: {  	[sflag:s12] =	ssyncadd.s32 $0xFFFFFF80;
	s20 =	smov.u32 s21;
	s23 =	sadd.s32 $0x200, s21  }
0x7d: {  	[spmem:s0] =	stream.indirect.scatter.add.f32 [tilespmem:s15], [sflag:$0x1], $0x1, s22, s14, $0xb8;
	[tilespmem:$0x7DF0] =	vst v63  }
0x7e: {  	p4 =	seq.s32 s21, $0x9E00;
	_ =	swait.ge [sflag:s12], $0x80  }
.Ltmp6:
0x7f: {  	[sflag:s12] =	ssyncset.done $0x0;
	(pc) =	sbr.rel @!p4 .LBB2_5-.Ltmp6, $4  }
0x80: {  	s21 =	sadd.s32 $0x2800, s22;
	[sflag:s12] =	ssyncadd.s32 $0xFFFFFF80  }
0x81: {  	[spmem:s2] =	stream.indirect.scatter.add.f32 [tilespmem:s15], [sflag:$0x1], $0x1, s21, s14, $0xb8;
	[tilespmem:$0x7DF0] =	vst v63  }
0x82: {  	_ =	swait.ge [sflag:s12], $0x80  }
0x83: {  	s21 =	smov.u32 s23;
	[sflag:s12] =	ssyncset.done $0x0  }
.Ltmp7:
0x84: {  	_ = 	snop;
	(pc) =	sbr.rel .LBB2_6-.Ltmp7, $1  }
0x85: {  	_ =	sdelay $0x3  }
.LBB2_11:
0x86: {  	_ =	sfence.sel $0x180000  }
0x87: {  	[bflag:$0x0] =	sbarrier.arrive $0xFFFF  }
0x88: {  	_ =	strace $0x90000047  }
0x89: {  	s0 =	sadd.s32 @!p0 $0x100000, s1;
	[bflag:$0x2] =	sbarrier.arrive $0xFFFF  }
0x8a: {  	[sflag:s0] =	ssyncadd.tile.s32 @!p0 $0x1;
	_ =	shalt  }
.Lfunc_end2:
_tile_overlayer_lowered:
.L_overlay_start_2:
0x8b: {  	(tag) =	ssettag $0x2  }
0x8c: {  	s0 =	rddreg [dreg:$0x0];
	s2 =	stileid.u32  }
0x8d: {  	s1 =	rddreg [dreg:$0x1];
	p0 =	sne.s32 s2, $0x0  }
0x8e: {  	s3 =	rddreg [dreg:$0x2];
	[bflag:$0x3] =	sbarrier.arrive $0xFFFF;
	s2 =	simm.s32 @!p0 $0x1C01  }
0x8f: {  	[timem:s3], [sflag:s2] =	dma.local @!p0 [hbm:s0], s1  }
0x90: {  	s0 =	simm.s32 @!p0 $0x1  }
0x91: {  	_ =	swait.ge @!p0 [sflag:s0], s1  }
0x92: {  	s1 =	ssub.s32 @!p0 $0x0, s1;
	[sflag:s0] =	ssyncset.done @!p0 $0x0  }
0x93: {  	[sflag:s0] =	ssyncadd.s32 @!p0 s1  }
0x94: {  	[bflag:$0x3] =	sbarrier.arrive $0xFFFF  }
0x95: {  	_ =	shalt  }

// kernel: kernel.14.cloned.1.call-start
scs
__scs_entry_jumppad:
0x0: {  	(pc) =	sbr.rel $0x88, $3  }
0x1: {  	(tag) =	ssettag $0x0;
	lr =	simm.s32 $0x1  }
0x2: {  	[smem:$0x3F95] =	sst lr;
	_ =	strace $0xD0000000  }
0x3: {  	_ = 	snop  }
0x4: {  	_ = 	snop  }
0x5: {  	_ = 	snop  }
0x6: {  	_ = 	snop  }
0x7: {  	_ = 	snop  }
__scs_overlays_trampoline_lowered:
0x8: {  	[smem:$0x3FA4] =	sst s0  }
0x9: {  	[smem:$0x3FA5] =	sst s1  }
0xa: {  	[smem:$0x3FA6] =	sst s2  }
0xb: {  	[smem:$0x3FA7] =	sst s3  }
0xc: {  	[smem:$0x3FA8] =	sst s4  }
0xd: {  	[smem:$0x3FA9] =	sst s5  }
0xe: {  	[smem:$0x3FAA] =	sst s6  }
0xf: {  	[smem:$0x3FAB] =	sst s7  }
0x10: {  	[smem:$0x3FAC] =	sst s8  }
0x11: {  	[smem:$0x3FAD] =	sst s9;
	s0 =	simm.s32 @!p0 $0x0  }
0x12: {  	s1 =	sld [smem:$0x3F93];
	s0 =	simm.s32 @p0 $0x1  }
0x13: {  	[smem:$0x3FAE] =	sst s0;
	s0 =	simm.s32 @!p1 $0x0  }
0x14: {  	s2 =	sld [smem:$0x3F92];
	s0 =	simm.s32 @p1 $0x1  }
0x15: {  	[smem:$0x3FAF] =	sst s0;
	s0 =	simm.s32 @!p2 $0x0  }
0x16: {  	s3 =	sld [smem:$0x3FDB];
	s0 =	simm.s32 @p2 $0x1  }
0x17: {  	s4 =	simm.s32 $0x1BF5;
	[smem:$0x3FB1] =	sst s0  }
0x18: {  	s0 =	sld [smem:$0x3F94];
	_ =	swait.ge [sflag:s4], $0x0  }
0x19: {  	s7 =	sld [smem:$0x3F95]  }
0x1a: {  	s8 =	sadd.s32 $0xFFFFE003, lr  }
0x1b: {  	s9 =	sadd.s32 $0xFFFFFEF7, lr;
	s5 =	simm.s32 $0xFFFFFFFF;
	p2 =	slt.u32 s8, $0xFFFFF086  }
0x1c: {  	p1 =	slt.u32 s9, $0xF7A;
	s5 =	simm.s32 @!p2 $0x0  }
0x1d: {  	s5 =	simm.s32 @p1 $0x1;
	p0 =	seq.s32 s7, s2  }
0x1e: {  	s7 =	smul.u32 @!p0 $0xF7A, s2;
	p2 =	seq.s32 @!p0 s5, $0x0  }
0x1f: {  	s9 =	smul.u32 $0xF7A, s1;
	s8 =	simm.s32 @!p0 $0x1BF5;
	p2 =	por !p2, p0  }
0x20: {  	[sflag:s8] =	ssyncset.s32 @!p0 $0xFFFFF086;
	s6 =	sadd.s32 @!p0 s3, s7;
	s7 =	simm.s32 @!p0 $0x108  }
0x21: {  	s3 =	sadd.s32 s3, s9;
	s6 =	sadd.s32 @!p0 $0x88, s6;
	s7 =	simm.s32 @p2 $0x1082  }
0x22: {  	[simem:s7], [sflag:s8] =	dma.local @!p0 [hbm:s6], $0xF7A  }
0x23: {  	s9 =	sor.u32 $0xD0000000, s2;
	s6 =	simm.s32 $0x108;
	_ =	swait.ge @!p0 [sflag:s8], $0x0  }
0x24: {  	s3 =	sadd.s32 $0x88, s3;
	s6 =	simm.s32 @!p1 $0x1082;
	[sflag:s4] =	ssyncset.s32 $0xFFFFF086  }
0x25: {  	[simem:s6], [sflag:s4] =	dma.local [hbm:s3], $0xF7A  }
0x26: {  	[smem:$0x3F95] =	sst s1;
	(tag) =	ssettag s2;
	_ =	strace s9  }
0x27: {  	s1 =	sld [smem:$0x3FA5]  }
0x28: {  	s2 =	sld [smem:$0x3FA6]  }
0x29: {  	s4 =	sld [smem:$0x3FA8]  }
0x2a: {  	p0 =	seq.s32 s5, $0x0;
	s5 =	sld [smem:$0x3FA9]  }
0x2b: {  	s6 =	sld [smem:$0x3FAA]  }
0x2c: {  	s7 =	sld [smem:$0x3FAB]  }
0x2d: {  	s3 =	simm.s32 $0x108;
	s8 =	sld [smem:$0x3FAC]  }
0x2e: {  	s3 =	simm.s32 @!p0 $0x1082;
	s9 =	sld [smem:$0x3FAD]  }
0x2f: {  	lr =	sadd.s32 s0, s3;
	s0 =	sld [smem:$0x3FA4]  }
0x30: {  	s3 =	sld [smem:$0x3FA7]  }
0x31: {  	[smem:$0x3FB0] =	sst s10  }
0x32: {  	s10 =	sld [smem:$0x3FAE];
	_ =	sdelay $0x3  }
0x33: {  	p0 =	seq.s32 s10, $0x1;
	s10 =	sld [smem:$0x3FB0];
	_ =	sdelay $0x3  }
0x34: {  	[smem:$0x3FB0] =	sst s10  }
0x35: {  	s10 =	sld [smem:$0x3FAF];
	_ =	sdelay $0x3  }
0x36: {  	p1 =	seq.s32 s10, $0x1;
	s10 =	sld [smem:$0x3FB0];
	_ =	sdelay $0x3  }
0x37: {  	[smem:$0x3FB0] =	sst s10  }
0x38: {  	s10 =	sld [smem:$0x3FB1]  }
0x39: {  	_ = 	snop;
	(pc) =	sbr.ind lr, $3  }
0x3a: {  	_ = 	snop  }
0x3b: {  	_ = 	snop  }
0x3c: {  	p2 =	seq.s32 s10, $0x1;
	s10 =	sld [smem:$0x3FB0]  }
0x3d: {  	_ =	shalt  }
0x3e: {  	_ =	shalt  }
0x3f: {  	_ =	shalt  }
0x40: {  	_ =	shalt  }
0x41: {  	_ =	shalt  }
0x42: {  	_ =	shalt  }
0x43: {  	_ =	shalt  }
0x44: {  	_ =	shalt  }
0x45: {  	_ =	shalt  }
0x46: {  	_ =	shalt  }
0x47: {  	_ =	shalt  }
0x48: {  	_ =	shalt  }
0x49: {  	_ =	shalt  }
0x4a: {  	_ =	shalt  }
0x4b: {  	_ =	shalt  }
0x4c: {  	_ =	shalt  }
0x4d: {  	_ =	shalt  }
0x4e: {  	_ =	shalt  }
0x4f: {  	_ =	shalt  }
0x50: {  	_ =	shalt  }
0x51: {  	_ =	shalt  }
0x52: {  	_ =	shalt  }
0x53: {  	_ =	shalt  }
0x54: {  	_ =	shalt  }
0x55: {  	_ =	shalt  }
0x56: {  	_ =	shalt  }
0x57: {  	_ =	shalt  }
0x58: {  	_ =	shalt  }
0x59: {  	_ =	shalt  }
0x5a: {  	_ =	shalt  }
0x5b: {  	_ =	shalt  }
0x5c: {  	_ =	shalt  }
0x5d: {  	_ =	shalt  }
0x5e: {  	_ =	shalt  }
0x5f: {  	_ =	shalt  }
0x60: {  	_ =	shalt  }
0x61: {  	_ =	shalt  }
0x62: {  	_ =	shalt  }
0x63: {  	_ =	shalt  }
0x64: {  	_ =	shalt  }
0x65: {  	_ =	shalt  }
0x66: {  	_ =	shalt  }
0x67: {  	_ =	shalt  }
0x68: {  	_ =	shalt  }
0x69: {  	_ =	shalt  }
0x6a: {  	_ =	shalt  }
0x6b: {  	_ =	shalt  }
0x6c: {  	_ =	shalt  }
0x6d: {  	_ =	shalt  }
0x6e: {  	_ =	shalt  }
0x6f: {  	_ =	shalt  }
0x70: {  	_ =	shalt  }
0x71: {  	_ =	shalt  }
0x72: {  	_ =	shalt  }
0x73: {  	_ =	shalt  }
0x74: {  	_ =	shalt  }
0x75: {  	_ =	shalt  }
0x76: {  	_ =	shalt  }
0x77: {  	_ =	shalt  }
0x78: {  	_ =	shalt  }
0x79: {  	_ =	shalt  }
0x7a: {  	_ =	shalt  }
0x7b: {  	_ =	shalt  }
0x7c: {  	_ =	shalt  }
0x7d: {  	_ =	shalt  }
0x7e: {  	_ =	shalt  }
0x7f: {  	_ =	shalt  }
0x80: {  	_ =	shalt  }
0x81: {  	_ =	shalt  }
0x82: {  	_ =	shalt  }
0x83: {  	_ =	shalt  }
0x84: {  	_ =	shalt  }
0x85: {  	_ =	shalt  }
0x86: {  	_ =	shalt  }
0x87: {  	_ =	shalt  }
.Lfunc_end0:
.L_simem_size_0:
called_computation.5_lowered:
.L_overlay_start_0:
0x88: {  	s2 =	sld [smem:$0x3FD9]  }
0x89: {  	s3 =	sld [smem:$0x3FFE];
	_ =	sdelay $0x1  }
0x8a: {  	s1 =	srdreg.scid  }
0x8b: {  	s0 =	sand.u32 $0x1, s1  }
0x8c: {  	s17 =	sshll.u32 s0, $0xA;
	s2 =	sadd.s32 s3, s2  }
0x8d: {  	s2 =	sadd.s32 s2, s17  }
0x8e: {  	[smem:$0x3FBC] =	sst s2  }
0x8f: {  	_ = 	snop  }
0x90: {  	s2 =	sld [smem:$0x3FD0];
	(tm) =	ssettm $0x1  }
0x91: {  	s18 =	sld [smem:$0x3FFB];
	_ =	sdelay $0x3  }
0x92: {  	_ =	strace s18  }
0x93: {  	s3 =	sld [smem:$0x3FFC];
	_ =	sdelay $0x3  }
0x94: {  	_ =	strace s3  }
0x95: {  	s3 =	sld [smem:$0x3FFD];
	_ =	sdelay $0x3  }
0x96: {  	_ =	strace s3  }
0x97: {  	_ =	strace $0x8FFFFFFF  }
0x98: {  	s19 =	sld [smem:$0x3FDB];
	_ =	sdelay $0x1  }
0x99: {  	s4 =	simm.s32 $_scs_section_size  }
0x9a: {  	s5 =	simm.s32 $_size__tile_overlayer_lowered;
	s6 =	simm.s32 $_tile_overlayer_lowered  }
0x9b: {  	s22 =	simm.s32 $0x1BFF;
	s21 =	sshll.u32 s6, $0x1;
	s3 =	sadd.s32 s4, s19  }
0x9c: {  	s7 =	simm.s32 $0x0;
	s20 =	sshll.u32 s5, $0x1;
	s5 =	sadd.s32 s21, s3  }
0x9d: {  	[timem:s7], [sflag:s22] =	dma.local [hbm:s5], s20  }
0x9e: {  	_ =	swait.ge [sflag:s22], s20  }
0x9f: {  	s4 =	ssub.s32 $0x0, s20;
	[sflag:s22] =	ssyncset.done $0x0  }
0xa0: {  	[sflag:s22] =	ssyncadd.s32 s4;
	_ =	sdelay $0x1  }
0xa1: {  	s23 =	simm.s32 $0x1B8B  }
0xa2: {  	_ =	swait.ge [sflag:s23], $0x1  }
0xa3: {  	[sflag:s23] =	ssyncset.done $0x0  }
0xa4: {  	s25 =	simm.s32 $0x1B8E;
	s24 =	sld [smem:$0x3FFE];
	[sflag:s23] =	ssyncadd.s32 $0xFFFFFFFF  }
0xa5: {  	s26 =	simm.s32 $execute0_lowered;
	[smem:$0x3FD2] =	sst s25  }
0xa6: {  	s5 =	sshll.u32 s26, $0x1;
	_ =	strace $0x80000049;
	[dreg:$0x1] =	wrdreg $0xFFFFFFFF  }
0xa7: {  	s28 =	simm.s32 $_size_execute0_lowered;
	s3 =	sadd.s32 s3, s5;
	[dreg:$0x0] =	wrdreg $0x0  }
0xa8: {  	s5 =	sshll.u32 s28, $0x1;
	[dreg:$0x2] =	wrdreg s3  }
0xa9: {  	[dreg:$0x3] =	wrdreg s5  }
0xaa: {  	[dreg:$0x4] =	wrdreg $0xC0  }
0xab: {  	_ =	task [dreg:s7], $0x5FFFF  }
0xac: {  	[dreg:$0x1] =	wrdreg $0xFFFFFFFF  }
0xad: {  	[dreg:$0x0] =	wrdreg $0x60  }
0xae: {  	[dreg:$0x2] =	wrdreg s2  }
0xaf: {  	[dreg:$0x3] =	wrdreg s24  }
0xb0: {  	[dreg:$0x4] =	wrdreg $0xB9800  }
0xb1: {  	[dreg:$0x5] =	wrdreg $0x9  }
0xb2: {  	_ =	task.clear_ibuf [dreg:s7], $0x6FFFF;
	_ =	strace $0x90000049  }
0xb3: {  	s29 =	simm.s32 $0x9;
	_ =	strace $0x8000004B  }
0xb4: {  	_ =	swait.ge [sflag:s29], $0x1  }
0xb5: {  	[sflag:s29] =	ssyncadd.s32 $0xFFFFFFFF  }
0xb6: {  	_ =	strace $0x9000004B  }
0xb7: {  	_ =	sfence  }
0xb8: {  	s30 =	sld [smem:$0x0];
	_ =	sdelay $0x2  }
0xb9: {  	s31 =	sshll.u32 s1, $0xD;
	s1 =	sshrl.u32 s1, $0x2  }
0xba: {  	s3 =	sand.u32 $0x4000, s31;
	s1 =	sadd.s32 s1, s30  }
0xbb: {  	s0 =	sor.u32 s3, s0;
	s1 =	sshll.u32 s1, $0x11  }
0xbc: {  	s0 =	sor.u32 s1, s0  }
0xbd: {  	s0 =	sadd.s32 $0x8F2B, s0  }
0xbe: {  	[sflag:s0] =	ssyncadd.remote.s32 $0x1  }
0xbf: {  	_ =	sfence.sel $0xFFFF  }
0xc0: {  	[dreg:$0x0] =	wrdreg $0xFFFFFFFF;
	(pc) =	sbr.abs _section_cstart, $3  }
0xc1: {  	[dreg:$0x1] =	wrdreg $0xFFFFFFFF  }
0xc2: {  	_ =	task.clear_ibuf [dreg:s7], $0x2FFFF;
	_ =	strace $0x9FFFFFFF  }
0xc3: {  	(tm) =	ssettm $0x7FFFFFFF  }
tec
execute0_lowered:
.L_overlay_start_1:
0x0: {  	(tag) =	ssettag $0x1  }
0x1: {  	s0 =	srdreg.scid;
	s30 =	stileid.u32  }
0x2: {  	s21 =	sand.u32 $0x1, s0;
	s22 =	smul.u32 $0x14000, s30;
	s3 =	sshll.u32 s30, $0x1  }
0x3: {  	s0 =	ssub.s32 $0x2, s21;
	s13 =	sor.u32 s21, s3  }
0x4: {  	s24 =	smul.u32 $0x140000, s21;
	s2 =	sshrl.u32 s0, $0x1;
	s3 =	sor.u32 $0x3000, s22  }
0x5: {  	s4 =	sadd.s32 $0x4000, s22;
	s5 =	sadd.s32 $0x5000, s22;
	s6 =	sadd.s32 $0x6000, s22  }
0x6: {  	s7 =	sadd.s32 $0x7000, s22;
	s8 =	sadd.s32 $0x8000, s22;
	s9 =	sadd.s32 $0x9000, s22  }
0x7: {  	s10 =	sadd.s32 $0xA000, s22;
	s11 =	sadd.s32 $0xB000, s22;
	s12 =	sadd.s32 $0xC000, s22  }
0x8: {  	s17 =	sadd.s32 $0xD000, s22;
	s18 =	sadd.s32 $0xE000, s22;
	s19 =	sadd.s32 $0xF000, s22  }
0x9: {  	s20 =	sadd.s32 $0x10000, s22;
	s23 =	sadd.s32 $0x11000, s22;
	s14 =	sadd.s32 $0x12000, s22  }
0xa: {  	s16 =	sadd.s32 $0x13000, s22;
	s15 =	ssub.s32 s0, s2;
	s0 =	sor.u32 $0x1000, s22  }
0xb: {  	s2 =	sor.u32 $0x2000, s22;
	s25 =	sadd.s32 s22, s24;
	s22 =	rddreg [dreg:$0x1]  }
0xc: {  	s1 =	simm.s32 $0x0;
	s25 =	sshrl.u32 s25, $0x3;
	s26 =	sadd.s32 $0x2D200, s22  }
0xd: {  	[smem:$0x7FF] =	sst s1;
	s28 =	sadd.s32 s24, s0;
	s25 =	sadd.s32 s26, s25  }
0xe: {  	s31 =	sshrl.u32 s28, $0x3;
	s28 =	sadd.s32 s24, s2;
	[dreg:$0x4] =	wrdreg s25  }
0xf: {  	s25 =	sadd.s32 s26, s31;
	s31 =	sshrl.u32 s28, $0x3;
	s28 =	sadd.s32 s24, s3  }
0x10: {  	[dreg:$0x5] =	wrdreg s25;
	s25 =	sadd.s32 s26, s31;
	s31 =	sshrl.u32 s28, $0x3  }
0x11: {  	s28 =	sadd.s32 s24, s4;
	[dreg:$0x6] =	wrdreg s25;
	s25 =	sadd.s32 s26, s31  }
0x12: {  	s31 =	sshrl.u32 s28, $0x3;
	s28 =	sadd.s32 s24, s5;
	[dreg:$0x7] =	wrdreg s25  }
0x13: {  	s25 =	sadd.s32 s26, s31;
	s31 =	sshrl.u32 s28, $0x3;
	s28 =	sadd.s32 s24, s6  }
0x14: {  	[dreg:$0x8] =	wrdreg s25;
	s25 =	sadd.s32 s26, s31;
	s31 =	sshrl.u32 s28, $0x3  }
0x15: {  	s28 =	sadd.s32 s24, s7;
	[dreg:$0x9] =	wrdreg s25;
	s25 =	sadd.s32 s26, s31  }
0x16: {  	s31 =	sshrl.u32 s28, $0x3;
	s28 =	sadd.s32 s24, s8;
	[dreg:$0xa] =	wrdreg s25  }
0x17: {  	s25 =	sadd.s32 s26, s31;
	s31 =	sshrl.u32 s28, $0x3;
	s28 =	sadd.s32 s24, s9  }
0x18: {  	[dreg:$0xb] =	wrdreg s25;
	s25 =	sadd.s32 s26, s31;
	s31 =	sshrl.u32 s28, $0x3  }
0x19: {  	s28 =	sadd.s32 s24, s10;
	[dreg:$0xc] =	wrdreg s25;
	s25 =	sadd.s32 s26, s31  }
0x1a: {  	s31 =	sshrl.u32 s28, $0x3;
	s28 =	sadd.s32 s24, s11;
	[dreg:$0xd] =	wrdreg s25  }
0x1b: {  	s25 =	sadd.s32 s26, s31;
	s31 =	sshrl.u32 s28, $0x3;
	s28 =	sadd.s32 s24, s12  }
0x1c: {  	[dreg:$0xe] =	wrdreg s25;
	s25 =	sadd.s32 s26, s31;
	s31 =	sshrl.u32 s28, $0x3  }
0x1d: {  	s28 =	sadd.s32 s24, s17;
	[dreg:$0xf] =	wrdreg s25;
	s25 =	sadd.s32 s26, s31  }
0x1e: {  	s31 =	sshrl.u32 s28, $0x3;
	s28 =	sadd.s32 s24, s18;
	[dreg:$0x10] =	wrdreg s25  }
0x1f: {  	s25 =	sadd.s32 s26, s31;
	s31 =	sshrl.u32 s28, $0x3;
	s28 =	sadd.s32 s24, s19  }
0x20: {  	[dreg:$0x11] =	wrdreg s25;
	s25 =	sadd.s32 s26, s31;
	s31 =	sshrl.u32 s28, $0x3  }
0x21: {  	s28 =	sadd.s32 s24, s20;
	[dreg:$0x12] =	wrdreg s25;
	s25 =	sadd.s32 s26, s31  }
0x22: {  	s31 =	sshrl.u32 s28, $0x3;
	s28 =	sadd.s32 s24, s23;
	[dreg:$0x13] =	wrdreg s25  }
0x23: {  	s25 =	sadd.s32 s26, s31;
	s31 =	sshrl.u32 s28, $0x3;
	s28 =	sadd.s32 s24, s14  }
0x24: {  	s24 =	sadd.s32 s24, s16;
	[dreg:$0x14] =	wrdreg s25;
	s25 =	sadd.s32 s26, s31  }
0x25: {  	s31 =	sshrl.u32 s28, $0x3;
	s28 =	smul.u32 $0x50, s21;
	s21 =	rddreg [dreg:$0x0]  }
0x26: {  	s24 =	sshrl.u32 s24, $0x3;
	[dreg:$0x15] =	wrdreg s25;
	s31 =	sadd.s32 s26, s31  }
0x27: {  	s29 =	smul.u32 $0xA0, s30;
	s24 =	sadd.s32 s26, s24;
	[dreg:$0x16] =	wrdreg s31  }
0x28: {  	p0 =	seq.s32 s13, $0x1F;
	s25 =	smul.u32 $0x2800, s13;
	[dreg:$0x17] =	wrdreg s24  }
0x29: {  	s15 =	smax.u32 s15, $0x1;
	s24 =	rddreg [dreg:$0x2];
	s31 =	smul.u32 $0x50000, s30  }
0x2a: {  	s28 =	sadd.s32 s28, s29;
	s30 =	simm.s32 $0x0;
	s25 =	sshrl.u32 s25, $0x3  }
0x2b: {  	_ =	strace $0x8000004A;
	s0 =	sadd.s32 s0, s24;
	s2 =	sadd.s32 s2, s24  }
0x2c: {  	s3 =	sadd.s32 s3, s24;
	s11 =	sadd.s32 s11, s24;
	s12 =	sadd.s32 s12, s24  }
0x2d: {  	s18 =	sadd.s32 s18, s24;
	s19 =	sadd.s32 s19, s24;
	[smem:$0x7FB] =	sst s15  }
0x2e: {  	s15 =	simm.s32 $0x1;
	s26 =	sshrl.u32 s31, $0x2;
	s29 =	sadd.s32 s22, s25  }
0x2f: {  	s25 =	sadd.s32 $0x5E00, s22;
	s22 =	sadd.s32 s5, s24;
	[dreg:$0x19] =	wrdreg s11  }
0x30: {  	s5 =	smov.u32 s0;
	s0 =	sadd.s32 s6, s24;
	[dreg:$0x1a] =	wrdreg s12  }
0x31: {  	s6 =	smov.u32 s2;
	s2 =	sadd.s32 s7, s24;
	[dreg:$0x1c] =	wrdreg s18  }
0x32: {  	s7 =	smov.u32 s3;
	s3 =	sadd.s32 s17, s24;
	[dreg:$0x1d] =	wrdreg s19  }
0x33: {  	s17 =	smul.u32 $0x500, s13;
	s18 =	sadd.s32 s14, s24;
	s19 =	sadd.s32 s16, s24  }
0x34: {  	s31 =	sadd.s32 s26, s24;
	s26 =	sadd.s32 s4, s24;
	[smem:$0x7F8] =	sst s18  }
0x35: {  	s11 =	smov.u32 s2;
	s2 =	sadd.s32 s23, s24;
	[smem:$0x7F9] =	sst s19  }
0x36: {  	s18 =	simm.s32 $0xA980;
	s19 =	simm.s32 $0x3;
	[dreg:$0x1b] =	wrdreg s3  }
0x37: {  	s4 =	smov.u32 s31;
	s31 =	sadd.s32 s8, s24;
	s8 =	smov.u32 s26  }
0x38: {  	s26 =	sadd.s32 s9, s24;
	s9 =	smov.u32 s22;
	s22 =	sadd.s32 s10, s24  }
0x39: {  	s10 =	smov.u32 s0;
	[dreg:$0x1f] =	wrdreg s2;
	s23 =	sadd.s32 s25, s17  }
0x3a: {  	s12 =	smov.u32 s31;
	s31 =	sadd.s32 s20, s24;
	s13 =	smov.u32 s26  }
0x3b: {  	s14 =	smov.u32 s22;
	s20 =	sshll.u32 s28, $0x4;
	[smem:$0x7FC] =	sst s23  }
.Ltmp0:
0x3c: {  	s22 =	sadd.s32 $0x23480, s29;
	[dreg:$0x1e] =	wrdreg s31;
	(pc) =	sbr.rel .LBB2_1-.Ltmp0, $4  }
0x3d: {  	s28 =	simm.s32 $0x4100;
	s29 =	simm.s32 $0x2;
	[smem:$0x7FA] =	sst s22  }
0x3e: {  	s26 =	sadd.s32 s20, s25;
	s31 =	sadd.s32 $0x4F0, s23;
	s20 =	simm.s32 $0xA900  }
0x3f: {  	s23 =	simm.s32 $0x80;
	[dreg:$0x18] =	wrdreg s14;
	s16 =	sadd.s32 $0x20, s26  }
0x40: {  	v0 =	vimm.f32 $0.0e+00;
	s17 =	sadd.s32 $0x10, s26;
	[smem:$0x7FD] =	sst s31;
	s26 =	simm.s32 $0x4080  }
.LBB2_6:
0x41: {  	s0 =	sadd.s32 s22, s17;
	[sflag:s19] =	ssyncadd.s32 $0xFFFFC000  }
0x42: {  	[tilespmem:s26], [sflag:$0x3] =	stream.linear.gather [hbm4b:s0+s1], $0x80, $0x38;
	[tilespmem:$0x1F980] =	vst v63  }
0x43: {  	_ =	swait.ge [sflag:s19], $0x80  }
0x44: {  	[sflag:s19] =	ssyncset.done $0x0  }
0x45: {  	[sflag:s19] =	ssyncadd.s32 $0xFFFFFF80  }
0x46: {  	[tilespmem:s28], [sflag:$0x2] =	stream.indirect.gather [hbm4b:s21+s23], $0x80, s26, s23, $0xb8;
	[tilespmem:$0x1F980] =	vst v63  }
0x47: {  	_ =	swait.ge [sflag:s15], $0x4000  }
0x48: {  	[sflag:s15] =	ssyncset.done $0x0  }
0x49: {  	[sflag:s15] =	ssyncadd.s32 $0xFFFFC000  }
0x4a: {  	[spmem:s24] =	stream.indirect.scatter.add.f32 [tilespmem:s23], [sflag:$0x3], $0x80, s31, s23, $0xb8;
	[tilespmem:$0x1F980] =	vst v63  }
0x4b: {  	_ =	swait.ge [sflag:s19], $0x4000  }
0x4c: {  	[sflag:s19] =	ssyncset.done $0x0  }
0x4d: {  	s2 =	sadd.s32 s22, s16;
	[sflag:s19] =	ssyncadd.s32 $0xFFFFC000  }
0x4e: {  	[tilespmem:s1], [sflag:$0x3] =	stream.linear.gather [hbm4b:s2+s1], $0x80, $0x38;
	[tilespmem:$0x1F980] =	vst v63  }
0x4f: {  	_ =	swait.ge [sflag:s19], $0x80  }
0x50: {  	[sflag:s19] =	ssyncset.done $0x0  }
0x51: {  	[sflag:s19] =	ssyncadd.s32 $0xFFFFFF80  }
0x52: {  	[tilespmem:s23], [sflag:$0x1] =	stream.indirect.gather [hbm4b:s21+s23], $0x80, s1, s23, $0xb8;
	[tilespmem:$0x1F980] =	vst v63  }
0x53: {  	_ =	swait.ge [sflag:s29], $0x4000  }
0x54: {  	[sflag:s29] =	ssyncset.done $0x0  }
0x55: {  	s3 =	sadd.s32 $0x80, s31;
	[sflag:s29] =	ssyncadd.s32 $0xFFFFC000  }
0x56: {  	[spmem:s24] =	stream.indirect.scatter.add.f32 [tilespmem:s28], [sflag:$0x3], $0x80, s3, s23, $0xb8;
	[tilespmem:$0x1F980] =	vst v63  }
0x57: {  	_ =	swait.ge [sflag:s19], $0x4000  }
0x58: {  	s4 =	sld [smem:$0x7FD]  }
0x59: {  	[sflag:s19] =	ssyncset.done $0x0  }
0x5a: {  	[sflag:s19] =	ssyncadd.s32 $0xFFFFC000  }
0x5b: {  	[tilespmem:s26], [sflag:$0x3] =	stream.linear.gather [hbm4b:s4+s1], $0x80, $0x38;
	[tilespmem:$0x1F980] =	vst v63  }
0x5c: {  	_ =	swait.ge [sflag:s19], $0x80  }
0x5d: {  	[sflag:s19] =	ssyncset.done $0x0  }
0x5e: {  	[sflag:s19] =	ssyncadd.s32 $0xFFFFFF80  }
0x5f: {  	[tilespmem:s28], [sflag:$0x2] =	stream.indirect.gather [hbm4b:s21+s23], $0x80, s26, s23, $0xb8;
	[tilespmem:$0x1F980] =	vst v63  }
0x60: {  	_ =	swait.ge [sflag:s15], $0x4000  }
0x61: {  	[sflag:s15] =	ssyncset.done $0x0  }
0x62: {  	s22 =	simm.s32 $0xA800;
	[sflag:s15] =	ssyncadd.s32 $0xFFFFC000  }
0x63: {  	[spmem:s24] =	stream.indirect.scatter.add.f32 [tilespmem:s23], [sflag:$0x3], $0x80, s22, s23, $0xb8;
	[tilespmem:$0x1F980] =	vst v63  }
0x64: {  	_ =	swait.ge [sflag:s19], $0x4000  }
0x65: {  	[sflag:s19] =	ssyncset.done $0x0  }
0x66: {  	s31 =	simm.s32 $0xA880;
	s4 =	smov.u32 s5;
	[sflag:s19] =	ssyncadd.s32 $0xFFFFC000  }
0x67: {  	s5 =	smov.u32 s6;
	s6 =	smov.u32 s7;
	_ =	swait.ge [sflag:s29], $0x4000  }
0x68: {  	s7 =	smov.u32 s8;
	s8 =	smov.u32 s9;
	[sflag:s29] =	ssyncset.done $0x0  }
0x69: {  	s9 =	smov.u32 s10;
	s10 =	smov.u32 s11;
	[sflag:s29] =	ssyncadd.s32 $0xFFFFC000  }
0x6a: {  	[spmem:s24] =	stream.indirect.scatter.add.f32 [tilespmem:s28], [sflag:$0x3], $0x80, s31, s23, $0xb8;
	[tilespmem:$0x1F980] =	vst v63  }
0x6b: {  	s11 =	smov.u32 s12;
	s12 =	smov.u32 s13;
	_ =	swait.ge [sflag:s19], $0x4000  }
0x6c: {  	s13 =	smov.u32 s14;
	[sflag:s19] =	ssyncset.done $0x0;
	s14 =	rddreg [dreg:$0x18]  }
0x6d: {  	s3 =	rddreg [dreg:$0x1b];
	[sflag:s19] =	ssyncadd.s32 $0xFFFFC000  }
.LBB2_10:
0x6e: {  	s0 =	stileid.u32  }
0x6f: {  	[bflag:$0x0] =	sbarrier.arrive $0xFFFF;
	s0 =	sshll.u32 s0, $0x6  }
0x70: {  	s22 =	sshrl.u32 s4, $0x3;
	s2 =	rddreg [dreg:$0x4];
	s31 =	sor.u32 $0x1C03, s0  }
0x71: {  	[hbm:s2], [sflag:s31] =	dma.local [spmem:s22], $0x200  }
0x72: {  	_ =	swait.ge [sflag:s19], $0x200  }
0x73: {  	[sflag:s19] =	ssyncset.done $0x0  }
0x74: {  	s2 =	sshrl.u32 s5, $0x3;
	s22 =	rddreg [dreg:$0x5];
	[sflag:s19] =	ssyncadd.s32 $0xFFFFFE00  }
0x75: {  	[hbm:s22], [sflag:s31] =	dma.local [spmem:s2], $0x200  }
0x76: {  	_ =	swait.ge [sflag:s19], $0x200  }
0x77: {  	[sflag:s19] =	ssyncset.done $0x0  }
0x78: {  	s2 =	sshrl.u32 s6, $0x3;
	s22 =	rddreg [dreg:$0x6];
	[sflag:s19] =	ssyncadd.s32 $0xFFFFFE00  }
0x79: {  	[hbm:s22], [sflag:s31] =	dma.local [spmem:s2], $0x200  }
0x7a: {  	_ =	swait.ge [sflag:s19], $0x200  }
0x7b: {  	[sflag:s19] =	ssyncset.done $0x0  }
0x7c: {  	s2 =	sshrl.u32 s7, $0x3;
	s22 =	rddreg [dreg:$0x7];
	[sflag:s19] =	ssyncadd.s32 $0xFFFFFE00  }
0x7d: {  	[hbm:s22], [sflag:s31] =	dma.local [spmem:s2], $0x200  }
0x7e: {  	_ =	swait.ge [sflag:s19], $0x200  }
0x7f: {  	[sflag:s19] =	ssyncset.done $0x0  }
0x80: {  	s2 =	sshrl.u32 s8, $0x3;
	s22 =	rddreg [dreg:$0x8];
	[sflag:s19] =	ssyncadd.s32 $0xFFFFFE00  }
0x81: {  	[hbm:s22], [sflag:s31] =	dma.local [spmem:s2], $0x200  }
0x82: {  	_ =	swait.ge [sflag:s19], $0x200  }
0x83: {  	[sflag:s19] =	ssyncset.done $0x0  }
0x84: {  	s2 =	sshrl.u32 s9, $0x3;
	s22 =	rddreg [dreg:$0x9];
	[sflag:s19] =	ssyncadd.s32 $0xFFFFFE00  }
0x85: {  	[hbm:s22], [sflag:s31] =	dma.local [spmem:s2], $0x200  }
0x86: {  	_ =	swait.ge [sflag:s19], $0x200  }
0x87: {  	[sflag:s19] =	ssyncset.done $0x0  }
0x88: {  	s2 =	sshrl.u32 s10, $0x3;
	s22 =	rddreg [dreg:$0xa];
	[sflag:s19] =	ssyncadd.s32 $0xFFFFFE00  }
0x89: {  	[hbm:s22], [sflag:s31] =	dma.local [spmem:s2], $0x200  }
0x8a: {  	_ =	swait.ge [sflag:s19], $0x200  }
0x8b: {  	[sflag:s19] =	ssyncset.done $0x0  }
0x8c: {  	s2 =	sshrl.u32 s11, $0x3;
	s22 =	rddreg [dreg:$0xb];
	[sflag:s19] =	ssyncadd.s32 $0xFFFFFE00  }
0x8d: {  	[hbm:s22], [sflag:s31] =	dma.local [spmem:s2], $0x200  }
0x8e: {  	_ =	swait.ge [sflag:s19], $0x200  }
0x8f: {  	[sflag:s19] =	ssyncset.done $0x0  }
0x90: {  	s2 =	sshrl.u32 s12, $0x3;
	s22 =	rddreg [dreg:$0xc];
	[sflag:s19] =	ssyncadd.s32 $0xFFFFFE00  }
0x91: {  	[hbm:s22], [sflag:s31] =	dma.local [spmem:s2], $0x200  }
0x92: {  	_ =	swait.ge [sflag:s19], $0x200  }
0x93: {  	[sflag:s19] =	ssyncset.done $0x0  }
0x94: {  	s2 =	sshrl.u32 s13, $0x3;
	s22 =	rddreg [dreg:$0xd];
	[sflag:s19] =	ssyncadd.s32 $0xFFFFFE00  }
0x95: {  	[hbm:s22], [sflag:s31] =	dma.local [spmem:s2], $0x200  }
0x96: {  	_ =	swait.ge [sflag:s19], $0x200  }
0x97: {  	[sflag:s19] =	ssyncset.done $0x0  }
0x98: {  	s2 =	sshrl.u32 s14, $0x3;
	s22 =	rddreg [dreg:$0xe];
	[sflag:s19] =	ssyncadd.s32 $0xFFFFFE00  }
0x99: {  	[hbm:s22], [sflag:s31] =	dma.local [spmem:s2], $0x200  }
0x9a: {  	_ =	swait.ge [sflag:s19], $0x200  }
0x9b: {  	[sflag:s19] =	ssyncset.done $0x0;
	s2 =	rddreg [dreg:$0x19]  }
0x9c: {  	s22 =	rddreg [dreg:$0xf];
	[sflag:s19] =	ssyncadd.s32 $0xFFFFFE00;
	s0 =	sshrl.u32 s2, $0x3  }
0x9d: {  	[hbm:s22], [sflag:s31] =	dma.local [spmem:s0], $0x200  }
0x9e: {  	_ =	swait.ge [sflag:s19], $0x200  }
0x9f: {  	[sflag:s19] =	ssyncset.done $0x0;
	s2 =	rddreg [dreg:$0x1a]  }
0xa0: {  	s22 =	rddreg [dreg:$0x10];
	[sflag:s19] =	ssyncadd.s32 $0xFFFFFE00;
	s0 =	sshrl.u32 s2, $0x3  }
0xa1: {  	[hbm:s22], [sflag:s31] =	dma.local [spmem:s0], $0x200  }
0xa2: {  	_ =	swait.ge [sflag:s19], $0x200  }
0xa3: {  	[sflag:s19] =	ssyncset.done $0x0  }
0xa4: {  	s2 =	sshrl.u32 s3, $0x3;
	s22 =	rddreg [dreg:$0x11];
	[sflag:s19] =	ssyncadd.s32 $0xFFFFFE00  }
0xa5: {  	[hbm:s22], [sflag:s31] =	dma.local [spmem:s2], $0x200  }
0xa6: {  	_ =	swait.ge [sflag:s19], $0x200  }
0xa7: {  	[sflag:s19] =	ssyncset.done $0x0;
	s2 =	rddreg [dreg:$0x1c]  }
0xa8: {  	s22 =	rddreg [dreg:$0x12];
	[sflag:s19] =	ssyncadd.s32 $0xFFFFFE00;
	s0 =	sshrl.u32 s2, $0x3  }
0xa9: {  	[hbm:s22], [sflag:s31] =	dma.local [spmem:s0], $0x200  }
0xaa: {  	_ =	swait.ge [sflag:s19], $0x200  }
0xab: {  	[sflag:s19] =	ssyncset.done $0x0;
	s2 =	rddreg [dreg:$0x1d]  }
0xac: {  	s22 =	rddreg [dreg:$0x13];
	[sflag:s19] =	ssyncadd.s32 $0xFFFFFE00;
	s0 =	sshrl.u32 s2, $0x3  }
0xad: {  	[hbm:s22], [sflag:s31] =	dma.local [spmem:s0], $0x200  }
0xae: {  	_ =	swait.ge [sflag:s19], $0x200  }
0xaf: {  	[sflag:s19] =	ssyncset.done $0x0;
	s2 =	rddreg [dreg:$0x1e]  }
0xb0: {  	s22 =	rddreg [dreg:$0x14];
	[sflag:s19] =	ssyncadd.s32 $0xFFFFFE00;
	s0 =	sshrl.u32 s2, $0x3  }
0xb1: {  	[hbm:s22], [sflag:s31] =	dma.local [spmem:s0], $0x200  }
0xb2: {  	_ =	swait.ge [sflag:s19], $0x200  }
0xb3: {  	[sflag:s19] =	ssyncset.done $0x0;
	s2 =	rddreg [dreg:$0x1f]  }
0xb4: {  	s22 =	rddreg [dreg:$0x15];
	[sflag:s19] =	ssyncadd.s32 $0xFFFFFE00;
	s0 =	sshrl.u32 s2, $0x3  }
0xb5: {  	[hbm:s22], [sflag:s31] =	dma.local [spmem:s0], $0x200  }
0xb6: {  	_ =	swait.ge [sflag:s19], $0x200  }
0xb7: {  	s2 =	sld [smem:$0x7F8];
	_ =	sdelay $0x1  }
0xb8: {  	[sflag:s19] =	ssyncset.done $0x0  }
0xb9: {  	s22 =	rddreg [dreg:$0x16];
	[sflag:s19] =	ssyncadd.s32 $0xFFFFFE00;
	s0 =	sshrl.u32 s2, $0x3  }
0xba: {  	[hbm:s22], [sflag:s31] =	dma.local [spmem:s0], $0x200  }
0xbb: {  	_ =	swait.ge [sflag:s19], $0x200  }
0xbc: {  	s2 =	sld [smem:$0x7F9];
	_ =	sdelay $0x1  }
0xbd: {  	[sflag:s19] =	ssyncset.done $0x0  }
0xbe: {  	s22 =	rddreg [dreg:$0x17];
	[sflag:s19] =	ssyncadd.s32 $0xFFFFFE00;
	s0 =	sshrl.u32 s2, $0x3  }
0xbf: {  	[hbm:s22], [sflag:s31] =	dma.local [spmem:s0], $0x200  }
0xc0: {  	_ =	swait.ge [sflag:s19], $0x200  }
0xc1: {  	s31 =	sld [smem:$0x7FB];
	_ =	sdelay $0x1  }
0xc2: {  	s30 =	sadd.s32 $0x1, s30  }
0xc3: {  	p1 =	sne.s32 s30, s31  }
.Ltmp1:
0xc4: {  	_ = 	snop;
	(pc) =	sbr.rel @!p1 .LBB2_11-.Ltmp1, $3  }
0xc5: {  	_ =	sdelay $0x1  }
0xc6: {  	[sflag:s19] =	ssyncset.done $0x0  }
0xc7: {  	[sflag:s19] =	ssyncadd.s32 $0xFFFFFE00  }
.LBB2_1:
0xc8: {  	s22 =	simm.s32 $0x0;
	s31 =	simm.s32 $0x200  }
.LBB2_2:
0xc9: {  	p1 =	sne.s32 s31, $0x3E00;
	[tilespmem:s22+$0xA9F0] =	vst v0  }
0xca: {  	[tilespmem:s22+$0xA980] =	vst v0  }
0xcb: {  	[tilespmem:s22+$0xA990] =	vst v0  }
.Ltmp2:
0xcc: {  	[tilespmem:s22+$0xA9A0] =	vst v0;
	(pc) =	sbr.rel @p1 .LBB2_2-.Ltmp2, $4  }
0xcd: {  	[tilespmem:s22+$0xA9B0] =	vst v0  }
0xce: {  	[tilespmem:s22+$0xA9C0] =	vst v0  }
0xcf: {  	[tilespmem:s22+$0xA9D0] =	vst v0  }
0xd0: {  	[tilespmem:s22+$0xA9E0] =	vst v0;
	s22 =	sshra.s32 s31, $0x2;
	s31 =	sadd.s32 $0x200, s31  }
0xd1: {  	[tilespmem:s22+$0xA9F0] =	vst v0  }
0xd2: {  	[tilespmem:s22+$0xA980] =	vst v0  }
0xd3: {  	[tilespmem:s22+$0xA990] =	vst v0  }
0xd4: {  	[tilespmem:s22+$0xA9A0] =	vst v0  }
0xd5: {  	[tilespmem:s22+$0xA9B0] =	vst v0  }
0xd6: {  	[tilespmem:s22+$0xA9C0] =	vst v0  }
0xd7: {  	[tilespmem:s22+$0xA9D0] =	vst v0  }
0xd8: {  	[tilespmem:s22+$0xA9E0] =	vst v0  }
0xd9: {  	[spmem:s4] =	stream.linear.scatter [tilespmem:s18], [sflag:$0x3], $0x1000, $0x38;
	[tilespmem:$0x1F980] =	vst v63  }
0xda: {  	_ =	swait.ge [sflag:s19], $0x1000  }
0xdb: {  	[sflag:s19] =	ssyncset.done $0x0  }
0xdc: {  	[sflag:s19] =	ssyncadd.s32 $0xFFFFF000  }
0xdd: {  	[spmem:s5] =	stream.linear.scatter [tilespmem:s18], [sflag:$0x3], $0x1000, $0x38;
	[tilespmem:$0x1F980] =	vst v63  }
0xde: {  	_ =	swait.ge [sflag:s19], $0x1000  }
0xdf: {  	[sflag:s19] =	ssyncset.done $0x0  }
0xe0: {  	[sflag:s19] =	ssyncadd.s32 $0xFFFFF000  }
0xe1: {  	[spmem:s6] =	stream.linear.scatter [tilespmem:s18], [sflag:$0x3], $0x1000, $0x38;
	[tilespmem:$0x1F980] =	vst v63  }
0xe2: {  	_ =	swait.ge [sflag:s19], $0x1000  }
0xe3: {  	[sflag:s19] =	ssyncset.done $0x0  }
0xe4: {  	[sflag:s19] =	ssyncadd.s32 $0xFFFFF000  }
0xe5: {  	[spmem:s7] =	stream.linear.scatter [tilespmem:s18], [sflag:$0x3], $0x1000, $0x38;
	[tilespmem:$0x1F980] =	vst v63  }
0xe6: {  	_ =	swait.ge [sflag:s19], $0x1000  }
0xe7: {  	[sflag:s19] =	ssyncset.done $0x0  }
0xe8: {  	[sflag:s19] =	ssyncadd.s32 $0xFFFFF000  }
0xe9: {  	[spmem:s8] =	stream.linear.scatter [tilespmem:s18], [sflag:$0x3], $0x1000, $0x38;
	[tilespmem:$0x1F980] =	vst v63  }
0xea: {  	_ =	swait.ge [sflag:s19], $0x1000  }
0xeb: {  	[sflag:s19] =	ssyncset.done $0x0  }
0xec: {  	[sflag:s19] =	ssyncadd.s32 $0xFFFFF000  }
0xed: {  	[spmem:s9] =	stream.linear.scatter [tilespmem:s18], [sflag:$0x3], $0x1000, $0x38;
	[tilespmem:$0x1F980] =	vst v63  }
0xee: {  	_ =	swait.ge [sflag:s19], $0x1000  }
0xef: {  	[sflag:s19] =	ssyncset.done $0x0  }
0xf0: {  	[sflag:s19] =	ssyncadd.s32 $0xFFFFF000  }
0xf1: {  	[spmem:s10] =	stream.linear.scatter [tilespmem:s18], [sflag:$0x3], $0x1000, $0x38;
	[tilespmem:$0x1F980] =	vst v63  }
0xf2: {  	_ =	swait.ge [sflag:s19], $0x1000  }
0xf3: {  	[sflag:s19] =	ssyncset.done $0x0  }
0xf4: {  	[sflag:s19] =	ssyncadd.s32 $0xFFFFF000  }
0xf5: {  	[spmem:s11] =	stream.linear.scatter [tilespmem:s18], [sflag:$0x3], $0x1000, $0x38;
	[tilespmem:$0x1F980] =	vst v63  }
0xf6: {  	_ =	swait.ge [sflag:s19], $0x1000  }
0xf7: {  	[sflag:s19] =	ssyncset.done $0x0  }
0xf8: {  	[sflag:s19] =	ssyncadd.s32 $0xFFFFF000  }
0xf9: {  	[spmem:s12] =	stream.linear.scatter [tilespmem:s18], [sflag:$0x3], $0x1000, $0x38;
	[tilespmem:$0x1F980] =	vst v63  }
0xfa: {  	_ =	swait.ge [sflag:s19], $0x1000  }
0xfb: {  	[sflag:s19] =	ssyncset.done $0x0  }
0xfc: {  	[sflag:s19] =	ssyncadd.s32 $0xFFFFF000  }
0xfd: {  	[spmem:s13] =	stream.linear.scatter [tilespmem:s18], [sflag:$0x3], $0x1000, $0x38;
	[tilespmem:$0x1F980] =	vst v63  }
0xfe: {  	_ =	swait.ge [sflag:s19], $0x1000  }
0xff: {  	[sflag:s19] =	ssyncset.done $0x0  }
0x100: {  	[sflag:s19] =	ssyncadd.s32 $0xFFFFF000  }
0x101: {  	[spmem:s14] =	stream.linear.scatter [tilespmem:s18], [sflag:$0x3], $0x1000, $0x38;
	[tilespmem:$0x1F980] =	vst v63  }
0x102: {  	_ =	swait.ge [sflag:s19], $0x1000  }
0x103: {  	[sflag:s19] =	ssyncset.done $0x0  }
0x104: {  	s0 =	rddreg [dreg:$0x19];
	[sflag:s19] =	ssyncadd.s32 $0xFFFFF000  }
0x105: {  	[spmem:s0] =	stream.linear.scatter [tilespmem:s18], [sflag:$0x3], $0x1000, $0x38;
	[tilespmem:$0x1F980] =	vst v63  }
0x106: {  	_ =	swait.ge [sflag:s19], $0x1000  }
0x107: {  	[sflag:s19] =	ssyncset.done $0x0  }
0x108: {  	s2 =	rddreg [dreg:$0x1a];
	[sflag:s19] =	ssyncadd.s32 $0xFFFFF000  }
0x109: {  	[spmem:s2] =	stream.linear.scatter [tilespmem:s18], [sflag:$0x3], $0x1000, $0x38;
	[tilespmem:$0x1F980] =	vst v63  }
0x10a: {  	_ =	swait.ge [sflag:s19], $0x1000  }
0x10b: {  	[sflag:s19] =	ssyncset.done $0x0  }
0x10c: {  	[sflag:s19] =	ssyncadd.s32 $0xFFFFF000  }
0x10d: {  	[spmem:s3] =	stream.linear.scatter [tilespmem:s18], [sflag:$0x3], $0x1000, $0x38;
	[tilespmem:$0x1F980] =	vst v63  }
0x10e: {  	_ =	swait.ge [sflag:s19], $0x1000  }
0x10f: {  	[sflag:s19] =	ssyncset.done $0x0  }
0x110: {  	s22 =	rddreg [dreg:$0x1c];
	[sflag:s19] =	ssyncadd.s32 $0xFFFFF000  }
0x111: {  	[spmem:s22] =	stream.linear.scatter [tilespmem:s18], [sflag:$0x3], $0x1000, $0x38;
	[tilespmem:$0x1F980] =	vst v63  }
0x112: {  	_ =	swait.ge [sflag:s19], $0x1000  }
0x113: {  	[sflag:s19] =	ssyncset.done $0x0  }
0x114: {  	s31 =	rddreg [dreg:$0x1d];
	[sflag:s19] =	ssyncadd.s32 $0xFFFFF000  }
0x115: {  	[spmem:s31] =	stream.linear.scatter [tilespmem:s18], [sflag:$0x3], $0x1000, $0x38;
	[tilespmem:$0x1F980] =	vst v63  }
0x116: {  	_ =	swait.ge [sflag:s19], $0x1000  }
0x117: {  	[sflag:s19] =	ssyncset.done $0x0  }
0x118: {  	s2 =	rddreg [dreg:$0x1e];
	[sflag:s19] =	ssyncadd.s32 $0xFFFFF000  }
0x119: {  	[spmem:s2] =	stream.linear.scatter [tilespmem:s18], [sflag:$0x3], $0x1000, $0x38;
	[tilespmem:$0x1F980] =	vst v63  }
0x11a: {  	_ =	swait.ge [sflag:s19], $0x1000  }
0x11b: {  	[sflag:s19] =	ssyncset.done $0x0  }
0x11c: {  	s3 =	rddreg [dreg:$0x1f];
	[sflag:s19] =	ssyncadd.s32 $0xFFFFF000  }
0x11d: {  	[spmem:s3] =	stream.linear.scatter [tilespmem:s18], [sflag:$0x3], $0x1000, $0x38;
	[tilespmem:$0x1F980] =	vst v63  }
0x11e: {  	_ =	swait.ge [sflag:s19], $0x1000  }
0x11f: {  	s22 =	sld [smem:$0x7F8]  }
0x120: {  	[sflag:s19] =	ssyncset.done $0x0  }
0x121: {  	[sflag:s19] =	ssyncadd.s32 $0xFFFFF000  }
0x122: {  	[spmem:s22] =	stream.linear.scatter [tilespmem:s18], [sflag:$0x3], $0x1000, $0x38;
	[tilespmem:$0x1F980] =	vst v63  }
0x123: {  	_ =	swait.ge [sflag:s19], $0x1000  }
0x124: {  	s31 =	sld [smem:$0x7F9]  }
0x125: {  	[sflag:s19] =	ssyncset.done $0x0  }
.Ltmp3:
0x126: {  	[sflag:s19] =	ssyncadd.s32 $0xFFFFF000;
	(pc) =	sbr.rel @!p0 .LBB2_4-.Ltmp3, $4  }
0x127: {  	[spmem:s31] =	stream.linear.scatter [tilespmem:s18], [sflag:$0x3], $0x1000, $0x38;
	[tilespmem:$0x1F980] =	vst v63  }
0x128: {  	_ =	swait.ge [sflag:s19], $0x1000  }
0x129: {  	[sflag:s19] =	ssyncset.done $0x0  }
0x12a: {  	[sflag:s19] =	ssyncadd.s32 $0xFFFFF000  }
0x12b: {  	s0 =	sadd.s32 $0x9B00, s25  }
0x12c: {  	[tilespmem:s1], [sflag:$0x3] =	stream.linear.gather [hbm4b:s0+s1], $0x80, $0x38;
	[tilespmem:$0x1F980] =	vst v63  }
0x12d: {  	_ =	swait.ge [sflag:s19], $0x80  }
0x12e: {  	[sflag:s19] =	ssyncset.done $0x0  }
0x12f: {  	s0 =	sadd.s32 $0x9C40, s0;
	[sflag:s19] =	ssyncadd.s32 $0xFFFFFF80  }
0x130: {  	[tilespmem:s20], [sflag:$0x3] =	stream.linear.gather [hbm4b:s0+s1], $0x80, $0x38;
	[tilespmem:$0x1F980] =	vst v63  }
0x131: {  	_ =	swait.ge [sflag:s19], $0x80  }
0x132: {  	[sflag:s19] =	ssyncset.done $0x0  }
0x133: {  	[sflag:s19] =	ssyncadd.s32 $0xFFFFFF80  }
0x134: {  	[tilespmem:s23], [sflag:$0x1] =	stream.indirect.gather [hbm4b:s21+s23], $0x80, s1, s23, $0xb8;
	[tilespmem:$0x1F980] =	vst v63  }
0x135: {  	_ =	swait.ge [sflag:s15], $0x4000  }
0x136: {  	[sflag:s15] =	ssyncset.done $0x0  }
0x137: {  	[sflag:s15] =	ssyncadd.s32 $0xFFFFC000  }
0x138: {  	[spmem:s24] =	stream.indirect.scatter.add.f32 [tilespmem:s23], [sflag:$0x3], $0x80, s20, s23, $0xb8;
	[tilespmem:$0x1F980] =	vst v63  }
0x139: {  	_ =	swait.ge [sflag:s19], $0x4000  }
0x13a: {  	s22 =	simm.s32 $0x9B10;
	s0 =	simm.s32 $0x9B20;
	[sflag:s19] =	ssyncset.done $0x0  }
.LBB2_8:
0x13b: {  	s2 =	sadd.s32 s22, s25  }
0x13c: {  	[sflag:s19] =	ssyncadd.s32 $0xFFFFC000;
	s22 =	smov.u32 s0;
	s3 =	sadd.s32 $0x10, s0  }
0x13d: {  	[tilespmem:s1], [sflag:$0x3] =	stream.linear.gather [hbm4b:s2+s1], $0x80, $0x38;
	[tilespmem:$0x1F980] =	vst v63  }
0x13e: {  	p1 =	seq.s32 s0, $0x9C30;
	_ =	swait.ge [sflag:s19], $0x80  }
0x13f: {  	[sflag:s19] =	ssyncset.done $0x0  }
0x140: {  	s0 =	sadd.s32 $0x9C40, s2;
	[sflag:s19] =	ssyncadd.s32 $0xFFFFFF80  }
0x141: {  	[tilespmem:s20], [sflag:$0x3] =	stream.linear.gather [hbm4b:s0+s1], $0x80, $0x38;
	[tilespmem:$0x1F980] =	vst v63  }
0x142: {  	_ =	swait.ge [sflag:s19], $0x80  }
0x143: {  	[sflag:s19] =	ssyncset.done $0x0  }
0x144: {  	[sflag:s19] =	ssyncadd.s32 $0xFFFFFF80  }
0x145: {  	[tilespmem:s23], [sflag:$0x1] =	stream.indirect.gather [hbm4b:s21+s23], $0x80, s1, s23, $0xb8;
	[tilespmem:$0x1F980] =	vst v63  }
0x146: {  	_ =	swait.ge [sflag:s15], $0x4000  }
.Ltmp4:
0x147: {  	[sflag:s15] =	ssyncset.done $0x0;
	(pc) =	sbr.rel @!p1 .LBB2_8-.Ltmp4, $4  }
0x148: {  	[sflag:s15] =	ssyncadd.s32 $0xFFFFC000  }
0x149: {  	[spmem:s24] =	stream.indirect.scatter.add.f32 [tilespmem:s23], [sflag:$0x3], $0x80, s20, s23, $0xb8;
	[tilespmem:$0x1F980] =	vst v63  }
0x14a: {  	_ =	swait.ge [sflag:s19], $0x4000  }
0x14b: {  	s0 =	smov.u32 s3;
	[sflag:s19] =	ssyncset.done $0x0  }
0x14c: {  	s0 =	sadd.s32 s22, s25;
	[sflag:s19] =	ssyncadd.s32 $0xFFFFC000  }
0x14d: {  	[tilespmem:s1], [sflag:$0x3] =	stream.linear.gather [hbm4b:s0+s1], $0x80, $0x38;
	[tilespmem:$0x1F980] =	vst v63  }
0x14e: {  	_ =	swait.ge [sflag:s19], $0x80  }
0x14f: {  	[sflag:s19] =	ssyncset.done $0x0  }
0x150: {  	s0 =	sadd.s32 $0x9C40, s0;
	[sflag:s19] =	ssyncadd.s32 $0xFFFFFF80  }
0x151: {  	[tilespmem:s20], [sflag:$0x3] =	stream.linear.gather [hbm4b:s0+s1], $0x80, $0x38;
	[tilespmem:$0x1F980] =	vst v63  }
0x152: {  	_ =	swait.ge [sflag:s19], $0x80  }
0x153: {  	[sflag:s19] =	ssyncset.done $0x0  }
0x154: {  	[sflag:s19] =	ssyncadd.s32 $0xFFFFFF80  }
0x155: {  	[tilespmem:s23], [sflag:$0x1] =	stream.indirect.gather [hbm4b:s21+s23], $0x80, s1, s23, $0xb8;
	[tilespmem:$0x1F980] =	vst v63  }
0x156: {  	_ =	swait.ge [sflag:s15], $0x4000  }
0x157: {  	[sflag:s15] =	ssyncset.done $0x0  }
.Ltmp5:
0x158: {  	[sflag:s15] =	ssyncadd.s32 $0xFFFFC000;
	(pc) =	sbr.rel .LBB2_10-.Ltmp5, $4  }
0x159: {  	[spmem:s24] =	stream.indirect.scatter.add.f32 [tilespmem:s23], [sflag:$0x3], $0x80, s20, s23, $0xb8;
	[tilespmem:$0x1F980] =	vst v63  }
0x15a: {  	_ =	swait.ge [sflag:s19], $0x4000  }
0x15b: {  	[sflag:s19] =	ssyncset.done $0x0  }
0x15c: {  	s3 =	rddreg [dreg:$0x1b];
	[sflag:s19] =	ssyncadd.s32 $0xFFFFC000  }
.LBB2_4:
0x15d: {  	s14 =	smov.u32 s13;
	s13 =	smov.u32 s12;
	s2 =	sld [smem:$0x7FA]  }
0x15e: {  	s12 =	smov.u32 s11;
	s11 =	smov.u32 s10;
	s10 =	smov.u32 s9  }
0x15f: {  	s9 =	smov.u32 s8;
	s0 =	simm.s32 $0x0;
	s22 =	simm.s32 $0x8100  }
0x160: {  	[tilespmem:s22], [sflag:$0x3] =	stream.linear.gather [hbm4b:s2+s0], $0x2800, $0x38;
	[tilespmem:$0x1F980] =	vst v63  }
0x161: {  	s8 =	smov.u32 s7;
	s7 =	smov.u32 s6;
	_ =	swait.ge [sflag:s19], $0x2800  }
0x162: {  	s6 =	smov.u32 s5;
	s5 =	smov.u32 s4;
	s4 =	sld [smem:$0x7FC]  }
0x163: {  	[sflag:s19] =	ssyncset.done $0x0  }
0x164: {  	[sflag:s19] =	ssyncadd.s32 $0xFFFFD800  }
0x165: {  	[tilespmem:s0], [sflag:$0x3] =	stream.linear.gather [hbm4b:s4+s0], $0x80, $0x38;
	[tilespmem:$0x1F980] =	vst v63  }
0x166: {  	_ =	swait.ge [sflag:s19], $0x80  }
0x167: {  	[sflag:s19] =	ssyncset.done $0x0  }
0x168: {  	[sflag:s19] =	ssyncadd.s32 $0xFFFFFF80  }
0x169: {  	[tilespmem:s23], [sflag:$0x1] =	stream.indirect.gather [hbm4b:s21+s23], $0x80, s0, s23, $0xb8;
	[tilespmem:$0x1F980] =	vst v63  }
0x16a: {  	s3 =	sadd.s32 $0x0, s17  }
0x16b: {  	[tilespmem:s26], [sflag:$0x3] =	stream.linear.gather [hbm4b:s3+s1], $0x80, $0x38;
	[tilespmem:$0x1F980] =	vst v63  }
0x16c: {  	_ =	swait.ge [sflag:s19], $0x80  }
0x16d: {  	[sflag:s19] =	ssyncset.done $0x0  }
0x16e: {  	[sflag:s19] =	ssyncadd.s32 $0xFFFFFF80  }
0x16f: {  	[tilespmem:s28], [sflag:$0x2] =	stream.indirect.gather [hbm4b:s21+s23], $0x80, s26, s23, $0xb8;
	[tilespmem:$0x1F980] =	vst v63  }
0x170: {  	_ =	swait.ge [sflag:s15], $0x4000  }
0x171: {  	[sflag:s15] =	ssyncset.done $0x0  }
0x172: {  	[sflag:s15] =	ssyncadd.s32 $0xFFFFC000  }
0x173: {  	[spmem:s24] =	stream.indirect.scatter.add.f32 [tilespmem:s23], [sflag:$0x3], $0x80, s22, s23, $0xb8;
	[tilespmem:$0x1F980] =	vst v63  }
0x174: {  	_ =	swait.ge [sflag:s19], $0x4000  }
0x175: {  	[sflag:s19] =	ssyncset.done $0x0  }
0x176: {  	s4 =	sadd.s32 $0x0, s16;
	[sflag:s19] =	ssyncadd.s32 $0xFFFFC000  }
0x177: {  	[tilespmem:s1], [sflag:$0x3] =	stream.linear.gather [hbm4b:s4+s1], $0x80, $0x38;
	[tilespmem:$0x1F980] =	vst v63  }
0x178: {  	_ =	swait.ge [sflag:s19], $0x80  }
0x179: {  	[sflag:s19] =	ssyncset.done $0x0  }
0x17a: {  	[sflag:s19] =	ssyncadd.s32 $0xFFFFFF80  }
0x17b: {  	[tilespmem:s23], [sflag:$0x1] =	stream.indirect.gather [hbm4b:s21+s23], $0x80, s1, s23, $0xb8;
	[tilespmem:$0x1F980] =	vst v63  }
0x17c: {  	_ =	swait.ge [sflag:s29], $0x4000  }
0x17d: {  	[sflag:s29] =	ssyncset.done $0x0  }
0x17e: {  	s22 =	simm.s32 $0x8180;
	[sflag:s29] =	ssyncadd.s32 $0xFFFFC000  }
0x17f: {  	[spmem:s24] =	stream.indirect.scatter.add.f32 [tilespmem:s28], [sflag:$0x3], $0x80, s22, s23, $0xb8;
	[tilespmem:$0x1F980] =	vst v63  }
0x180: {  	s31 =	simm.s32 $0x8200;
	_ =	swait.ge [sflag:s19], $0x4000  }
0x181: {  	s0 =	simm.s32 $0x40;
	s22 =	simm.s32 $0x20;
	[sflag:s19] =	ssyncset.done $0x0  }
.LBB2_5:
0x182: {  	s2 =	sadd.s32 s22, s17  }
0x183: {  	[sflag:s19] =	ssyncadd.s32 $0xFFFFC000;
	s3 =	smov.u32 s0;
	s4 =	sadd.s32 $0x20, s0  }
0x184: {  	[tilespmem:s26], [sflag:$0x3] =	stream.linear.gather [hbm4b:s2+s1], $0x80, $0x38;
	[tilespmem:$0x1F980] =	vst v63  }
0x185: {  	p1 =	seq.s32 s0, $0x4C0;
	_ =	swait.ge [sflag:s19], $0x80  }
0x186: {  	[sflag:s19] =	ssyncset.done $0x0  }
0x187: {  	[sflag:s19] =	ssyncadd.s32 $0xFFFFFF80  }
0x188: {  	[tilespmem:s28], [sflag:$0x2] =	stream.indirect.gather [hbm4b:s21+s23], $0x80, s26, s23, $0xb8;
	[tilespmem:$0x1F980] =	vst v63  }
0x189: {  	_ =	swait.ge [sflag:s15], $0x4000  }
0x18a: {  	[sflag:s15] =	ssyncset.done $0x0  }
0x18b: {  	[sflag:s15] =	ssyncadd.s32 $0xFFFFC000  }
0x18c: {  	[spmem:s24] =	stream.indirect.scatter.add.f32 [tilespmem:s23], [sflag:$0x3], $0x80, s31, s23, $0xb8;
	[tilespmem:$0x1F980] =	vst v63  }
0x18d: {  	_ =	swait.ge [sflag:s19], $0x4000  }
0x18e: {  	[sflag:s19] =	ssyncset.done $0x0  }
0x18f: {  	s0 =	sadd.s32 s22, s16;
	s22 =	smov.u32 s3;
	[sflag:s19] =	ssyncadd.s32 $0xFFFFC000  }
0x190: {  	[tilespmem:s1], [sflag:$0x3] =	stream.linear.gather [hbm4b:s0+s1], $0x80, $0x38;
	[tilespmem:$0x1F980] =	vst v63  }
0x191: {  	_ =	swait.ge [sflag:s19], $0x80  }
0x192: {  	[sflag:s19] =	ssyncset.done $0x0  }
0x193: {  	[sflag:s19] =	ssyncadd.s32 $0xFFFFFF80  }
0x194: {  	[tilespmem:s23], [sflag:$0x1] =	stream.indirect.gather [hbm4b:s21+s23], $0x80, s1, s23, $0xb8;
	[tilespmem:$0x1F980] =	vst v63  }
0x195: {  	_ =	swait.ge [sflag:s29], $0x4000  }
.Ltmp6:
0x196: {  	[sflag:s29] =	ssyncset.done $0x0;
	(pc) =	sbr.rel @!p1 .LBB2_5-.Ltmp6, $4  }
0x197: {  	s0 =	sadd.s32 $0x80, s31;
	[sflag:s29] =	ssyncadd.s32 $0xFFFFC000  }
0x198: {  	[spmem:s24] =	stream.indirect.scatter.add.f32 [tilespmem:s28], [sflag:$0x3], $0x80, s0, s23, $0xb8;
	[tilespmem:$0x1F980] =	vst v63  }
0x199: {  	_ =	swait.ge [sflag:s19], $0x4000  }
0x19a: {  	s31 =	sadd.s32 $0x100, s31;
	s0 =	smov.u32 s4;
	[sflag:s19] =	ssyncset.done $0x0  }
.Ltmp7:
0x19b: {  	_ = 	snop;
	(pc) =	sbr.rel .LBB2_6-.Ltmp7, $1  }
0x19c: {  	_ =	sdelay $0x3  }
.LBB2_11:
0x19d: {  	_ =	sfence.sel $0x180000  }
0x19e: {  	[bflag:$0x0] =	sbarrier.arrive $0xFFFF  }
0x19f: {  	_ =	strace $0x9000004A  }
0x1a0: {  	s0 =	stileid.u32;
	[bflag:$0x2] =	sbarrier.arrive $0xFFFF  }
0x1a1: {  	p0 =	sne.s32 s0, $0x0;
	s0 =	rddreg [dreg:$0x3]  }
0x1a2: {  	s0 =	sadd.s32 @!p0 $0x100000, s0  }
0x1a3: {  	[sflag:s0] =	ssyncadd.tile.s32 @!p0 $0x1;
	_ =	shalt  }
.Lfunc_end2:
_tile_overlayer_lowered:
.L_overlay_start_2:
0x1a4: {  	(tag) =	ssettag $0x2  }
0x1a5: {  	s0 =	rddreg [dreg:$0x0];
	s2 =	stileid.u32  }
0x1a6: {  	s1 =	rddreg [dreg:$0x1];
	p0 =	sne.s32 s2, $0x0  }
0x1a7: {  	s3 =	rddreg [dreg:$0x2];
	[bflag:$0x3] =	sbarrier.arrive $0xFFFF;
	s2 =	simm.s32 @!p0 $0x1C03  }
0x1a8: {  	[timem:s3], [sflag:s2] =	dma.local @!p0 [hbm:s0], s1  }
0x1a9: {  	s0 =	simm.s32 @!p0 $0x3  }
0x1aa: {  	_ =	swait.ge @!p0 [sflag:s0], s1  }
0x1ab: {  	s1 =	ssub.s32 @!p0 $0x0, s1;
	[sflag:s0] =	ssyncset.done @!p0 $0x0  }
0x1ac: {  	[sflag:s0] =	ssyncadd.s32 @!p0 s1  }
0x1ad: {  	[bflag:$0x3] =	sbarrier.arrive $0xFFFF  }
0x1ae: {  	_ =	shalt  }

// kernel: kernel.17.cloned.1.call-start
scs
__scs_entry_jumppad:
0x0: {  	(pc) =	sbr.rel $0x88, $3  }
0x1: {  	(tag) =	ssettag $0x0;
	lr =	simm.s32 $0x1  }
0x2: {  	[smem:$0x3F95] =	sst lr;
	_ =	strace $0xD0000000  }
0x3: {  	_ = 	snop  }
0x4: {  	_ = 	snop  }
0x5: {  	_ = 	snop  }
0x6: {  	_ = 	snop  }
0x7: {  	_ = 	snop  }
__scs_overlays_trampoline_lowered:
0x8: {  	[smem:$0x3FA4] =	sst s0  }
0x9: {  	[smem:$0x3FA5] =	sst s1  }
0xa: {  	[smem:$0x3FA6] =	sst s2  }
0xb: {  	[smem:$0x3FA7] =	sst s3  }
0xc: {  	[smem:$0x3FA8] =	sst s4  }
0xd: {  	[smem:$0x3FA9] =	sst s5  }
0xe: {  	[smem:$0x3FAA] =	sst s6  }
0xf: {  	[smem:$0x3FAB] =	sst s7  }
0x10: {  	[smem:$0x3FAC] =	sst s8  }
0x11: {  	[smem:$0x3FAD] =	sst s9;
	s0 =	simm.s32 @!p0 $0x0  }
0x12: {  	s1 =	sld [smem:$0x3F93];
	s0 =	simm.s32 @p0 $0x1  }
0x13: {  	[smem:$0x3FAE] =	sst s0;
	s0 =	simm.s32 @!p1 $0x0  }
0x14: {  	s2 =	sld [smem:$0x3F92];
	s0 =	simm.s32 @p1 $0x1  }
0x15: {  	[smem:$0x3FAF] =	sst s0;
	s0 =	simm.s32 @!p2 $0x0  }
0x16: {  	s3 =	sld [smem:$0x3FDB];
	s0 =	simm.s32 @p2 $0x1  }
0x17: {  	s4 =	simm.s32 $0x1BF5;
	[smem:$0x3FB1] =	sst s0  }
0x18: {  	s0 =	sld [smem:$0x3F94];
	_ =	swait.ge [sflag:s4], $0x0  }
0x19: {  	s7 =	sld [smem:$0x3F95]  }
0x1a: {  	s8 =	sadd.s32 $0xFFFFE003, lr  }
0x1b: {  	s9 =	sadd.s32 $0xFFFFFEF7, lr;
	s5 =	simm.s32 $0xFFFFFFFF;
	p2 =	slt.u32 s8, $0xFFFFF086  }
0x1c: {  	p1 =	slt.u32 s9, $0xF7A;
	s5 =	simm.s32 @!p2 $0x0  }
0x1d: {  	s5 =	simm.s32 @p1 $0x1;
	p0 =	seq.s32 s7, s2  }
0x1e: {  	s7 =	smul.u32 @!p0 $0xF7A, s2;
	p2 =	seq.s32 @!p0 s5, $0x0  }
0x1f: {  	s9 =	smul.u32 $0xF7A, s1;
	s8 =	simm.s32 @!p0 $0x1BF5;
	p2 =	por !p2, p0  }
0x20: {  	[sflag:s8] =	ssyncset.s32 @!p0 $0xFFFFF086;
	s6 =	sadd.s32 @!p0 s3, s7;
	s7 =	simm.s32 @!p0 $0x108  }
0x21: {  	s3 =	sadd.s32 s3, s9;
	s6 =	sadd.s32 @!p0 $0x88, s6;
	s7 =	simm.s32 @p2 $0x1082  }
0x22: {  	[simem:s7], [sflag:s8] =	dma.local @!p0 [hbm:s6], $0xF7A  }
0x23: {  	s9 =	sor.u32 $0xD0000000, s2;
	s6 =	simm.s32 $0x108;
	_ =	swait.ge @!p0 [sflag:s8], $0x0  }
0x24: {  	s3 =	sadd.s32 $0x88, s3;
	s6 =	simm.s32 @!p1 $0x1082;
	[sflag:s4] =	ssyncset.s32 $0xFFFFF086  }
0x25: {  	[simem:s6], [sflag:s4] =	dma.local [hbm:s3], $0xF7A  }
0x26: {  	[smem:$0x3F95] =	sst s1;
	(tag) =	ssettag s2;
	_ =	strace s9  }
0x27: {  	s1 =	sld [smem:$0x3FA5]  }
0x28: {  	s2 =	sld [smem:$0x3FA6]  }
0x29: {  	s4 =	sld [smem:$0x3FA8]  }
0x2a: {  	p0 =	seq.s32 s5, $0x0;
	s5 =	sld [smem:$0x3FA9]  }
0x2b: {  	s6 =	sld [smem:$0x3FAA]  }
0x2c: {  	s7 =	sld [smem:$0x3FAB]  }
0x2d: {  	s3 =	simm.s32 $0x108;
	s8 =	sld [smem:$0x3FAC]  }
0x2e: {  	s3 =	simm.s32 @!p0 $0x1082;
	s9 =	sld [smem:$0x3FAD]  }
0x2f: {  	lr =	sadd.s32 s0, s3;
	s0 =	sld [smem:$0x3FA4]  }
0x30: {  	s3 =	sld [smem:$0x3FA7]  }
0x31: {  	[smem:$0x3FB0] =	sst s10  }
0x32: {  	s10 =	sld [smem:$0x3FAE];
	_ =	sdelay $0x3  }
0x33: {  	p0 =	seq.s32 s10, $0x1;
	s10 =	sld [smem:$0x3FB0];
	_ =	sdelay $0x3  }
0x34: {  	[smem:$0x3FB0] =	sst s10  }
0x35: {  	s10 =	sld [smem:$0x3FAF];
	_ =	sdelay $0x3  }
0x36: {  	p1 =	seq.s32 s10, $0x1;
	s10 =	sld [smem:$0x3FB0];
	_ =	sdelay $0x3  }
0x37: {  	[smem:$0x3FB0] =	sst s10  }
0x38: {  	s10 =	sld [smem:$0x3FB1]  }
0x39: {  	_ = 	snop;
	(pc) =	sbr.ind lr, $3  }
0x3a: {  	_ = 	snop  }
0x3b: {  	_ = 	snop  }
0x3c: {  	p2 =	seq.s32 s10, $0x1;
	s10 =	sld [smem:$0x3FB0]  }
0x3d: {  	_ =	shalt  }
0x3e: {  	_ =	shalt  }
0x3f: {  	_ =	shalt  }
0x40: {  	_ =	shalt  }
0x41: {  	_ =	shalt  }
0x42: {  	_ =	shalt  }
0x43: {  	_ =	shalt  }
0x44: {  	_ =	shalt  }
0x45: {  	_ =	shalt  }
0x46: {  	_ =	shalt  }
0x47: {  	_ =	shalt  }
0x48: {  	_ =	shalt  }
0x49: {  	_ =	shalt  }
0x4a: {  	_ =	shalt  }
0x4b: {  	_ =	shalt  }
0x4c: {  	_ =	shalt  }
0x4d: {  	_ =	shalt  }
0x4e: {  	_ =	shalt  }
0x4f: {  	_ =	shalt  }
0x50: {  	_ =	shalt  }
0x51: {  	_ =	shalt  }
0x52: {  	_ =	shalt  }
0x53: {  	_ =	shalt  }
0x54: {  	_ =	shalt  }
0x55: {  	_ =	shalt  }
0x56: {  	_ =	shalt  }
0x57: {  	_ =	shalt  }
0x58: {  	_ =	shalt  }
0x59: {  	_ =	shalt  }
0x5a: {  	_ =	shalt  }
0x5b: {  	_ =	shalt  }
0x5c: {  	_ =	shalt  }
0x5d: {  	_ =	shalt  }
0x5e: {  	_ =	shalt  }
0x5f: {  	_ =	shalt  }
0x60: {  	_ =	shalt  }
0x61: {  	_ =	shalt  }
0x62: {  	_ =	shalt  }
0x63: {  	_ =	shalt  }
0x64: {  	_ =	shalt  }
0x65: {  	_ =	shalt  }
0x66: {  	_ =	shalt  }
0x67: {  	_ =	shalt  }
0x68: {  	_ =	shalt  }
0x69: {  	_ =	shalt  }
0x6a: {  	_ =	shalt  }
0x6b: {  	_ =	shalt  }
0x6c: {  	_ =	shalt  }
0x6d: {  	_ =	shalt  }
0x6e: {  	_ =	shalt  }
0x6f: {  	_ =	shalt  }
0x70: {  	_ =	shalt  }
0x71: {  	_ =	shalt  }
0x72: {  	_ =	shalt  }
0x73: {  	_ =	shalt  }
0x74: {  	_ =	shalt  }
0x75: {  	_ =	shalt  }
0x76: {  	_ =	shalt  }
0x77: {  	_ =	shalt  }
0x78: {  	_ =	shalt  }
0x79: {  	_ =	shalt  }
0x7a: {  	_ =	shalt  }
0x7b: {  	_ =	shalt  }
0x7c: {  	_ =	shalt  }
0x7d: {  	_ =	shalt  }
0x7e: {  	_ =	shalt  }
0x7f: {  	_ =	shalt  }
0x80: {  	_ =	shalt  }
0x81: {  	_ =	shalt  }
0x82: {  	_ =	shalt  }
0x83: {  	_ =	shalt  }
0x84: {  	_ =	shalt  }
0x85: {  	_ =	shalt  }
0x86: {  	_ =	shalt  }
0x87: {  	_ =	shalt  }
.Lfunc_end0:
.L_simem_size_0:
called_computation.6_lowered:
.L_overlay_start_0:
0x88: {  	s2 =	sld [smem:$0x3FD9]  }
0x89: {  	s3 =	sld [smem:$0x3FFE];
	_ =	sdelay $0x1  }
0x8a: {  	s1 =	srdreg.scid  }
0x8b: {  	s0 =	sand.u32 $0x1, s1  }
0x8c: {  	s17 =	sshll.u32 s0, $0xA;
	s2 =	sadd.s32 s3, s2  }
0x8d: {  	s2 =	sadd.s32 s2, s17  }
0x8e: {  	[smem:$0x3FBC] =	sst s2  }
0x8f: {  	_ = 	snop  }
0x90: {  	s18 =	sld [smem:$0x3FD0];
	(tm) =	ssettm $0x1  }
0x91: {  	s19 =	sld [smem:$0x3FFB];
	_ =	sdelay $0x3  }
0x92: {  	_ =	strace s19  }
0x93: {  	s2 =	sld [smem:$0x3FFC];
	_ =	sdelay $0x3  }
0x94: {  	_ =	strace s2  }
0x95: {  	s2 =	sld [smem:$0x3FFD];
	_ =	sdelay $0x3  }
0x96: {  	_ =	strace s2  }
0x97: {  	_ =	strace $0x8FFFFFFF  }
0x98: {  	s20 =	sld [smem:$0x3FDB];
	_ =	sdelay $0x1  }
0x99: {  	s4 =	simm.s32 $_scs_section_size  }
0x9a: {  	s5 =	simm.s32 $_size__tile_overlayer_lowered;
	s6 =	simm.s32 $_tile_overlayer_lowered  }
0x9b: {  	s7 =	simm.s32 $0x1BFF;
	s21 =	sshll.u32 s6, $0x1;
	s4 =	sadd.s32 s4, s20  }
0x9c: {  	s22 =	simm.s32 $0x0;
	s5 =	sshll.u32 s5, $0x1;
	s6 =	sadd.s32 s21, s4  }
0x9d: {  	[timem:s22], [sflag:s7] =	dma.local [hbm:s6], s5  }
0x9e: {  	_ =	swait.ge [sflag:s7], s5  }
0x9f: {  	s5 =	ssub.s32 $0x0, s5;
	[sflag:s7] =	ssyncset.done $0x0  }
0xa0: {  	[sflag:s7] =	ssyncadd.s32 s5;
	_ =	sdelay $0x1  }
0xa1: {  	s23 =	simm.s32 $0x1B8B  }
0xa2: {  	_ =	swait.ge [sflag:s23], $0x1  }
0xa3: {  	[sflag:s23] =	ssyncset.done $0x0  }
0xa4: {  	[sflag:s23] =	ssyncadd.s32 $0xFFFFFFFF  }
0xa5: {  	s5 =	sld [smem:$0x0]  }
0xa6: {  	s6 =	sand.u32 $0xFFFFFFFE, s1  }
0xa7: {  	p0 =	sne.s32 s1, s6  }
0xa8: {  	s6 =	sshll.u32 @p0 s6, $0xE  }
0xa9: {  	s6 =	sadd.s32 @p0 $0x11B8D, s6;
	s7 =	sshll.u32 @p0 s5, $0x11  }
0xaa: {  	s6 =	sor.u32 @p0 s7, s6  }
0xab: {  	[sflag:s6] =	ssyncadd.remote.s32 @p0 $0x1;
	_ =	sdelay $0x1  }
0xac: {  	s6 =	simm.s32 @p0 $0x1B8D  }
0xad: {  	_ =	swait.eq @p0 [sflag:s6], $0x1  }
0xae: {  	[sflag:s6] =	ssyncadd.s32 @p0 $0xFFFFFFFF  }
0xaf: {  	s7 =	sshll.u32 @!p0 s1, $0xE  }
0xb0: {  	s7 =	sor.u32 @!p0 $0x4000, s7;
	s6 =	simm.s32 @!p0 $0x1B8D  }
0xb1: {  	s5 =	sshll.u32 @!p0 s5, $0x11;
	s7 =	sadd.s32 @!p0 $0x11B8D, s7;
	_ =	swait.eq @!p0 [sflag:s6], $0x1  }
0xb2: {  	s5 =	sor.u32 @!p0 s5, s7;
	[sflag:s6] =	ssyncadd.s32 @!p0 $0xFFFFFFFF  }
0xb3: {  	s25 =	simm.s32 $0x1B8E;
	s24 =	sld [smem:$0x3FFE];
	[sflag:s5] =	ssyncadd.remote.s32 @!p0 $0x1  }
0xb4: {  	s26 =	simm.s32 $execute0_lowered;
	[smem:$0x3FD2] =	sst s25  }
0xb5: {  	s6 =	sshll.u32 s26, $0x1;
	_ =	strace $0x80000058;
	[dreg:$0x1] =	wrdreg $0xFFFFFFFF  }
0xb6: {  	s28 =	simm.s32 $_size_execute0_lowered;
	s4 =	sadd.s32 s4, s6;
	[dreg:$0x0] =	wrdreg $0x0  }
0xb7: {  	s6 =	sshll.u32 s28, $0x1;
	[dreg:$0x2] =	wrdreg s4  }
0xb8: {  	[dreg:$0x3] =	wrdreg s6  }
0xb9: {  	[dreg:$0x4] =	wrdreg $0xC0  }
0xba: {  	_ =	task [dreg:s22], $0x5FFFF  }
0xbb: {  	[dreg:$0x1] =	wrdreg $0xFFFFFFFF  }
0xbc: {  	[dreg:$0x0] =	wrdreg $0x60  }
0xbd: {  	[dreg:$0x2] =	wrdreg s18  }
0xbe: {  	[dreg:$0x3] =	wrdreg s24  }
0xbf: {  	[dreg:$0x4] =	wrdreg $0xA  }
0xc0: {  	_ =	task.clear_ibuf [dreg:s22], $0x5FFFF;
	_ =	strace $0x90000058  }
0xc1: {  	s29 =	simm.s32 $0xA;
	_ =	strace $0x8000005A  }
0xc2: {  	_ =	swait.ge [sflag:s29], $0x1  }
0xc3: {  	[sflag:s29] =	ssyncadd.s32 $0xFFFFFFFF  }
0xc4: {  	_ =	strace $0x9000005A  }
0xc5: {  	_ =	sfence  }
0xc6: {  	s30 =	sld [smem:$0x0];
	_ =	sdelay $0x2  }
0xc7: {  	s31 =	sshll.u32 s1, $0xD;
	s1 =	sshrl.u32 s1, $0x2  }
0xc8: {  	s4 =	sand.u32 $0x4000, s31;
	s1 =	sadd.s32 s1, s30  }
0xc9: {  	s0 =	sor.u32 s4, s0;
	s1 =	sshll.u32 s1, $0x11  }
0xca: {  	s0 =	sor.u32 s1, s0  }
0xcb: {  	s0 =	sadd.s32 $0x8F2B, s0  }
0xcc: {  	[sflag:s0] =	ssyncadd.remote.s32 $0x1  }
0xcd: {  	_ =	sfence.sel $0xFFFF  }
0xce: {  	[dreg:$0x0] =	wrdreg $0xFFFFFFFF;
	(pc) =	sbr.abs _section_cstart, $3  }
0xcf: {  	[dreg:$0x1] =	wrdreg $0xFFFFFFFF  }
0xd0: {  	_ =	task.clear_ibuf [dreg:s22], $0x2FFFF;
	_ =	strace $0x9FFFFFFF  }
0xd1: {  	(tm) =	ssettm $0x7FFFFFFF  }
tec
execute0_lowered:
.L_overlay_start_1:
0x0: {  	(tag) =	ssettag $0x1  }
0x1: {  	s2 =	rddreg [dreg:$0x0]  }
0x2: {  	s4 =	rddreg [dreg:$0x1]  }
0x3: {  	s0 =	rddreg [dreg:$0x2];
	s1 =	stileid.u32  }
0x4: {  	s5 =	srdreg.scid;
	s3 =	simm.s32 $0x0;
	s6 =	smul.u32 $0x900, s1  }
0x5: {  	s10 =	simm.s32 $0x0;
	s5 =	sand.u32 $0x1, s5;
	s8 =	smul.u32 $0x9000, s1  }
0x6: {  	[smem:$0x7FF] =	sst s3;
	s7 =	smul.u32 $0x480, s5;
	s9 =	ssub.s32 $0x2, s5  }
0x7: {  	_ =	strace $0x80000059;
	s5 =	smul.u32 $0x4800, s5;
	s31 =	sshrl.u32 s9, $0x1  }
0x8: {  	s8 =	sadd.s32 s8, s4;
	s6 =	sadd.s32 s7, s6;
	s7 =	ssub.s32 s9, s31  }
0x9: {  	s5 =	sadd.s32 s5, s8;
	s8 =	simm.s32 $0x80;
	s6 =	sshrl.u32 s6, $0x3  }
0xa: {  	s9 =	simm.s32 $0x1;
	s5 =	sadd.s32 $0x9AA00, s5;
	s6 =	sadd.s32 s6, s4  }
0xb: {  	s4 =	smax.u32 s7, $0x1;
	s7 =	simm.s32 $0x2;
	s6 =	sadd.s32 $0x7200, s6  }
.LBB2_1:
0xc: {  	s11 =	sadd.s32 $0x0, s6  }
0xd: {  	[tilespmem:s3], [sflag:$0x2] =	stream.linear.gather [hbm4b:s11+s3], $0x80, $0x38;
	[tilespmem:$0x4080] =	vst v63  }
0xe: {  	_ =	swait.ge [sflag:s7], $0x80  }
0xf: {  	[sflag:s7] =	ssyncset.done $0x0  }
0x10: {  	[sflag:s7] =	ssyncadd.s32 $0xFFFFFF80  }
0x11: {  	[tilespmem:s8], [sflag:$0x1] =	stream.indirect.gather [hbm4b:s2+s8], $0x80, s3, s8, $0xb8;
	[tilespmem:$0x4080] =	vst v63  }
0x12: {  	_ =	swait.ge [sflag:s9], $0x4000  }
0x13: {  	[sflag:s9] =	ssyncset.done $0x0  }
0x14: {  	[sflag:s9] =	ssyncadd.s32 $0xFFFFC000  }
0x15: {  	[hbm4b:s5+s3] =	stream.linear.scatter [tilespmem:s8], [sflag:$0x2], $0x4000, $0x38;
	[tilespmem:$0x4080] =	vst v63  }
0x16: {  	s12 =	simm.s32 $0x10;
	_ =	swait.ge [sflag:s7], $0x4000  }
0x17: {  	s13 =	simm.s32 $0x20;
	s11 =	sadd.s32 $0x800, s5;
	[sflag:s7] =	ssyncset.done $0x0  }
.LBB2_2:
0x18: {  	s14 =	sadd.s32 s12, s6  }
0x19: {  	[sflag:s7] =	ssyncadd.s32 $0xFFFFC000;
	s12 =	smov.u32 s13;
	s15 =	sadd.s32 $0x10, s13  }
0x1a: {  	[tilespmem:s3], [sflag:$0x2] =	stream.linear.gather [hbm4b:s14+s3], $0x80, $0x38;
	[tilespmem:$0x4080] =	vst v63  }
0x1b: {  	p0 =	sne.s32 s13, $0x80;
	_ =	swait.ge [sflag:s7], $0x80  }
0x1c: {  	[sflag:s7] =	ssyncset.done $0x0  }
0x1d: {  	[sflag:s7] =	ssyncadd.s32 $0xFFFFFF80  }
0x1e: {  	[tilespmem:s8], [sflag:$0x1] =	stream.indirect.gather [hbm4b:s2+s8], $0x80, s3, s8, $0xb8;
	[tilespmem:$0x4080] =	vst v63  }
0x1f: {  	_ =	swait.ge [sflag:s9], $0x4000  }
.Ltmp0:
0x20: {  	[sflag:s9] =	ssyncset.done $0x0;
	(pc) =	sbr.rel @p0 .LBB2_2-.Ltmp0, $4  }
0x21: {  	[sflag:s9] =	ssyncadd.s32 $0xFFFFC000  }
0x22: {  	[hbm4b:s11+s3] =	stream.linear.scatter [tilespmem:s8], [sflag:$0x2], $0x4000, $0x38;
	[tilespmem:$0x4080] =	vst v63  }
0x23: {  	_ =	swait.ge [sflag:s7], $0x4000  }
0x24: {  	s13 =	smov.u32 s15;
	s11 =	sadd.s32 $0x800, s11;
	[sflag:s7] =	ssyncset.done $0x0  }
0x25: {  	s12 =	sadd.s32 s12, s6;
	[sflag:s7] =	ssyncadd.s32 $0xFFFFC000  }
0x26: {  	[tilespmem:s3], [sflag:$0x2] =	stream.linear.gather [hbm4b:s12+s3], $0x80, $0x38;
	[tilespmem:$0x4080] =	vst v63  }
0x27: {  	_ =	swait.ge [sflag:s7], $0x80  }
0x28: {  	[sflag:s7] =	ssyncset.done $0x0  }
0x29: {  	[sflag:s7] =	ssyncadd.s32 $0xFFFFFF80  }
0x2a: {  	[tilespmem:s8], [sflag:$0x1] =	stream.indirect.gather [hbm4b:s2+s8], $0x80, s3, s8, $0xb8;
	[tilespmem:$0x4080] =	vst v63  }
0x2b: {  	s10 =	sadd.s32 $0x1, s10;
	_ =	swait.ge [sflag:s9], $0x4000  }
0x2c: {  	p0 =	sne.s32 s10, s4;
	[sflag:s9] =	ssyncset.done $0x0  }
.Ltmp1:
0x2d: {  	[sflag:s9] =	ssyncadd.s32 $0xFFFFC000;
	(pc) =	sbr.rel @p0 .LBB2_1-.Ltmp1, $4  }
0x2e: {  	[hbm4b:s11+s3] =	stream.linear.scatter [tilespmem:s8], [sflag:$0x2], $0x4000, $0x38;
	[tilespmem:$0x4080] =	vst v63  }
0x2f: {  	_ =	swait.ge [sflag:s7], $0x4000  }
0x30: {  	[sflag:s7] =	ssyncset.done $0x0  }
0x31: {  	[sflag:s7] =	ssyncadd.s32 $0xFFFFC000  }
0x32: {  	_ =	sfence.sel $0x180000  }
0x33: {  	[bflag:$0x0] =	sbarrier.arrive $0xFFFF  }
0x34: {  	p0 =	sne.s32 s1, $0x0;
	_ =	strace $0x90000059  }
0x35: {  	s0 =	sadd.s32 @!p0 $0x100000, s0;
	[bflag:$0x2] =	sbarrier.arrive $0xFFFF  }
0x36: {  	[sflag:s0] =	ssyncadd.tile.s32 @!p0 $0x1;
	_ =	shalt  }
.Lfunc_end2:
_tile_overlayer_lowered:
.L_overlay_start_2:
0x37: {  	(tag) =	ssettag $0x2  }
0x38: {  	s0 =	rddreg [dreg:$0x0];
	s2 =	stileid.u32  }
0x39: {  	s1 =	rddreg [dreg:$0x1];
	p0 =	sne.s32 s2, $0x0  }
0x3a: {  	s3 =	rddreg [dreg:$0x2];
	[bflag:$0x3] =	sbarrier.arrive $0xFFFF;
	s2 =	simm.s32 @!p0 $0x1C02  }
0x3b: {  	[timem:s3], [sflag:s2] =	dma.local @!p0 [hbm:s0], s1  }
0x3c: {  	s0 =	simm.s32 @!p0 $0x2  }
0x3d: {  	_ =	swait.ge @!p0 [sflag:s0], s1  }
0x3e: {  	s1 =	ssub.s32 @!p0 $0x0, s1;
	[sflag:s0] =	ssyncset.done @!p0 $0x0  }
0x3f: {  	[sflag:s0] =	ssyncadd.s32 @!p0 s1  }
0x40: {  	[bflag:$0x3] =	sbarrier.arrive $0xFFFF  }
0x41: {  	_ =	shalt  }

// kernel: kernel.20.cloned.1.call-start
scs
__scs_entry_jumppad:
0x0: {  	(pc) =	sbr.rel $0x88, $3  }
0x1: {  	(tag) =	ssettag $0x0;
	lr =	simm.s32 $0x1  }
0x2: {  	[smem:$0x3F95] =	sst lr;
	_ =	strace $0xD0000000  }
0x3: {  	_ = 	snop  }
0x4: {  	_ = 	snop  }
0x5: {  	_ = 	snop  }
0x6: {  	_ = 	snop  }
0x7: {  	_ = 	snop  }
__scs_overlays_trampoline_lowered:
0x8: {  	[smem:$0x3FA4] =	sst s0  }
0x9: {  	[smem:$0x3FA5] =	sst s1  }
0xa: {  	[smem:$0x3FA6] =	sst s2  }
0xb: {  	[smem:$0x3FA7] =	sst s3  }
0xc: {  	[smem:$0x3FA8] =	sst s4  }
0xd: {  	[smem:$0x3FA9] =	sst s5  }
0xe: {  	[smem:$0x3FAA] =	sst s6  }
0xf: {  	[smem:$0x3FAB] =	sst s7  }
0x10: {  	[smem:$0x3FAC] =	sst s8  }
0x11: {  	[smem:$0x3FAD] =	sst s9;
	s0 =	simm.s32 @!p0 $0x0  }
0x12: {  	s1 =	sld [smem:$0x3F93];
	s0 =	simm.s32 @p0 $0x1  }
0x13: {  	[smem:$0x3FAE] =	sst s0;
	s0 =	simm.s32 @!p1 $0x0  }
0x14: {  	s2 =	sld [smem:$0x3F92];
	s0 =	simm.s32 @p1 $0x1  }
0x15: {  	[smem:$0x3FAF] =	sst s0;
	s0 =	simm.s32 @!p2 $0x0  }
0x16: {  	s3 =	sld [smem:$0x3FDB];
	s0 =	simm.s32 @p2 $0x1  }
0x17: {  	s4 =	simm.s32 $0x1BF5;
	[smem:$0x3FB1] =	sst s0  }
0x18: {  	s0 =	sld [smem:$0x3F94];
	_ =	swait.ge [sflag:s4], $0x0  }
0x19: {  	s7 =	sld [smem:$0x3F95]  }
0x1a: {  	s8 =	sadd.s32 $0xFFFFE003, lr  }
0x1b: {  	s9 =	sadd.s32 $0xFFFFFEF7, lr;
	s5 =	simm.s32 $0xFFFFFFFF;
	p2 =	slt.u32 s8, $0xFFFFF086  }
0x1c: {  	p1 =	slt.u32 s9, $0xF7A;
	s5 =	simm.s32 @!p2 $0x0  }
0x1d: {  	s5 =	simm.s32 @p1 $0x1;
	p0 =	seq.s32 s7, s2  }
0x1e: {  	s7 =	smul.u32 @!p0 $0xF7A, s2;
	p2 =	seq.s32 @!p0 s5, $0x0  }
0x1f: {  	s9 =	smul.u32 $0xF7A, s1;
	s8 =	simm.s32 @!p0 $0x1BF5;
	p2 =	por !p2, p0  }
0x20: {  	[sflag:s8] =	ssyncset.s32 @!p0 $0xFFFFF086;
	s6 =	sadd.s32 @!p0 s3, s7;
	s7 =	simm.s32 @!p0 $0x108  }
0x21: {  	s3 =	sadd.s32 s3, s9;
	s6 =	sadd.s32 @!p0 $0x88, s6;
	s7 =	simm.s32 @p2 $0x1082  }
0x22: {  	[simem:s7], [sflag:s8] =	dma.local @!p0 [hbm:s6], $0xF7A  }
0x23: {  	s9 =	sor.u32 $0xD0000000, s2;
	s6 =	simm.s32 $0x108;
	_ =	swait.ge @!p0 [sflag:s8], $0x0  }
0x24: {  	s3 =	sadd.s32 $0x88, s3;
	s6 =	simm.s32 @!p1 $0x1082;
	[sflag:s4] =	ssyncset.s32 $0xFFFFF086  }
0x25: {  	[simem:s6], [sflag:s4] =	dma.local [hbm:s3], $0xF7A  }
0x26: {  	[smem:$0x3F95] =	sst s1;
	(tag) =	ssettag s2;
	_ =	strace s9  }
0x27: {  	s1 =	sld [smem:$0x3FA5]  }
0x28: {  	s2 =	sld [smem:$0x3FA6]  }
0x29: {  	s4 =	sld [smem:$0x3FA8]  }
0x2a: {  	p0 =	seq.s32 s5, $0x0;
	s5 =	sld [smem:$0x3FA9]  }
0x2b: {  	s6 =	sld [smem:$0x3FAA]  }
0x2c: {  	s7 =	sld [smem:$0x3FAB]  }
0x2d: {  	s3 =	simm.s32 $0x108;
	s8 =	sld [smem:$0x3FAC]  }
0x2e: {  	s3 =	simm.s32 @!p0 $0x1082;
	s9 =	sld [smem:$0x3FAD]  }
0x2f: {  	lr =	sadd.s32 s0, s3;
	s0 =	sld [smem:$0x3FA4]  }
0x30: {  	s3 =	sld [smem:$0x3FA7]  }
0x31: {  	[smem:$0x3FB0] =	sst s10  }
0x32: {  	s10 =	sld [smem:$0x3FAE];
	_ =	sdelay $0x3  }
0x33: {  	p0 =	seq.s32 s10, $0x1;
	s10 =	sld [smem:$0x3FB0];
	_ =	sdelay $0x3  }
0x34: {  	[smem:$0x3FB0] =	sst s10  }
0x35: {  	s10 =	sld [smem:$0x3FAF];
	_ =	sdelay $0x3  }
0x36: {  	p1 =	seq.s32 s10, $0x1;
	s10 =	sld [smem:$0x3FB0];
	_ =	sdelay $0x3  }
0x37: {  	[smem:$0x3FB0] =	sst s10  }
0x38: {  	s10 =	sld [smem:$0x3FB1]  }
0x39: {  	_ = 	snop;
	(pc) =	sbr.ind lr, $3  }
0x3a: {  	_ = 	snop  }
0x3b: {  	_ = 	snop  }
0x3c: {  	p2 =	seq.s32 s10, $0x1;
	s10 =	sld [smem:$0x3FB0]  }
0x3d: {  	_ =	shalt  }
0x3e: {  	_ =	shalt  }
0x3f: {  	_ =	shalt  }
0x40: {  	_ =	shalt  }
0x41: {  	_ =	shalt  }
0x42: {  	_ =	shalt  }
0x43: {  	_ =	shalt  }
0x44: {  	_ =	shalt  }
0x45: {  	_ =	shalt  }
0x46: {  	_ =	shalt  }
0x47: {  	_ =	shalt  }
0x48: {  	_ =	shalt  }
0x49: {  	_ =	shalt  }
0x4a: {  	_ =	shalt  }
0x4b: {  	_ =	shalt  }
0x4c: {  	_ =	shalt  }
0x4d: {  	_ =	shalt  }
0x4e: {  	_ =	shalt  }
0x4f: {  	_ =	shalt  }
0x50: {  	_ =	shalt  }
0x51: {  	_ =	shalt  }
0x52: {  	_ =	shalt  }
0x53: {  	_ =	shalt  }
0x54: {  	_ =	shalt  }
0x55: {  	_ =	shalt  }
0x56: {  	_ =	shalt  }
0x57: {  	_ =	shalt  }
0x58: {  	_ =	shalt  }
0x59: {  	_ =	shalt  }
0x5a: {  	_ =	shalt  }
0x5b: {  	_ =	shalt  }
0x5c: {  	_ =	shalt  }
0x5d: {  	_ =	shalt  }
0x5e: {  	_ =	shalt  }
0x5f: {  	_ =	shalt  }
0x60: {  	_ =	shalt  }
0x61: {  	_ =	shalt  }
0x62: {  	_ =	shalt  }
0x63: {  	_ =	shalt  }
0x64: {  	_ =	shalt  }
0x65: {  	_ =	shalt  }
0x66: {  	_ =	shalt  }
0x67: {  	_ =	shalt  }
0x68: {  	_ =	shalt  }
0x69: {  	_ =	shalt  }
0x6a: {  	_ =	shalt  }
0x6b: {  	_ =	shalt  }
0x6c: {  	_ =	shalt  }
0x6d: {  	_ =	shalt  }
0x6e: {  	_ =	shalt  }
0x6f: {  	_ =	shalt  }
0x70: {  	_ =	shalt  }
0x71: {  	_ =	shalt  }
0x72: {  	_ =	shalt  }
0x73: {  	_ =	shalt  }
0x74: {  	_ =	shalt  }
0x75: {  	_ =	shalt  }
0x76: {  	_ =	shalt  }
0x77: {  	_ =	shalt  }
0x78: {  	_ =	shalt  }
0x79: {  	_ =	shalt  }
0x7a: {  	_ =	shalt  }
0x7b: {  	_ =	shalt  }
0x7c: {  	_ =	shalt  }
0x7d: {  	_ =	shalt  }
0x7e: {  	_ =	shalt  }
0x7f: {  	_ =	shalt  }
0x80: {  	_ =	shalt  }
0x81: {  	_ =	shalt  }
0x82: {  	_ =	shalt  }
0x83: {  	_ =	shalt  }
0x84: {  	_ =	shalt  }
0x85: {  	_ =	shalt  }
0x86: {  	_ =	shalt  }
0x87: {  	_ =	shalt  }
.Lfunc_end0:
.L_simem_size_0:
called_computation.7_lowered:
.L_overlay_start_0:
0x88: {  	s2 =	sld [smem:$0x3FD9]  }
0x89: {  	s3 =	sld [smem:$0x3FFE];
	_ =	sdelay $0x1  }
0x8a: {  	s1 =	srdreg.scid  }
0x8b: {  	s0 =	sand.u32 $0x1, s1  }
0x8c: {  	s16 =	sshll.u32 s0, $0xA;
	s2 =	sadd.s32 s3, s2  }
0x8d: {  	s2 =	sadd.s32 s2, s16  }
0x8e: {  	[smem:$0x3FBC] =	sst s2  }
0x8f: {  	_ = 	snop  }
0x90: {  	(tm) =	ssettm $0x1  }
0x91: {  	s17 =	sld [smem:$0x3FFB];
	_ =	sdelay $0x3  }
0x92: {  	_ =	strace s17  }
0x93: {  	s2 =	sld [smem:$0x3FFC];
	_ =	sdelay $0x3  }
0x94: {  	_ =	strace s2  }
0x95: {  	s2 =	sld [smem:$0x3FFD];
	_ =	sdelay $0x3  }
0x96: {  	_ =	strace s2  }
0x97: {  	_ =	strace $0x8FFFFFFF  }
0x98: {  	s18 =	sld [smem:$0x3FDB];
	_ =	sdelay $0x1  }
0x99: {  	s19 =	simm.s32 $_scs_section_size  }
0x9a: {  	s4 =	simm.s32 $_size__tile_overlayer_lowered;
	s5 =	simm.s32 $_tile_overlayer_lowered  }
0x9b: {  	s22 =	simm.s32 $0x1BFF;
	s21 =	sshll.u32 s5, $0x1;
	s2 =	sadd.s32 s19, s18  }
0x9c: {  	s6 =	simm.s32 $0x0;
	s20 =	sshll.u32 s4, $0x1;
	s4 =	sadd.s32 s21, s2  }
0x9d: {  	[timem:s6], [sflag:s22] =	dma.local [hbm:s4], s20  }
0x9e: {  	_ =	swait.ge [sflag:s22], s20  }
0x9f: {  	s3 =	ssub.s32 $0x0, s20;
	[sflag:s22] =	ssyncset.done $0x0  }
0xa0: {  	[sflag:s22] =	ssyncadd.s32 s3;
	_ =	sdelay $0x1  }
0xa1: {  	s23 =	simm.s32 $0x1B8B  }
0xa2: {  	_ =	swait.ge [sflag:s23], $0x1  }
0xa3: {  	[sflag:s23] =	ssyncset.done $0x0  }
0xa4: {  	s25 =	simm.s32 $0x1B8E;
	s24 =	sld [smem:$0x3FFE];
	[sflag:s23] =	ssyncadd.s32 $0xFFFFFFFF  }
0xa5: {  	s26 =	simm.s32 $execute0_lowered;
	[smem:$0x3FD2] =	sst s25  }
0xa6: {  	s4 =	sshll.u32 s26, $0x1;
	_ =	strace $0x8000005B;
	[dreg:$0x1] =	wrdreg $0xFFFFFFFF  }
0xa7: {  	s28 =	simm.s32 $_size_execute0_lowered;
	s2 =	sadd.s32 s2, s4;
	[dreg:$0x0] =	wrdreg $0x0  }
0xa8: {  	s4 =	sshll.u32 s28, $0x1;
	[dreg:$0x2] =	wrdreg s2  }
0xa9: {  	[dreg:$0x3] =	wrdreg s4  }
0xaa: {  	[dreg:$0x4] =	wrdreg $0xC0  }
0xab: {  	_ =	task [dreg:s6], $0x5FFFF  }
0xac: {  	[dreg:$0x1] =	wrdreg $0xFFFFFFFF  }
0xad: {  	[dreg:$0x0] =	wrdreg $0x60  }
0xae: {  	[dreg:$0x2] =	wrdreg s24  }
0xaf: {  	[dreg:$0x3] =	wrdreg $0x50800  }
0xb0: {  	[dreg:$0x4] =	wrdreg $0x9  }
0xb1: {  	_ =	task.clear_ibuf [dreg:s6], $0x5FFFF;
	_ =	strace $0x9000005B  }
0xb2: {  	s29 =	simm.s32 $0x9;
	_ =	strace $0x8000005D  }
0xb3: {  	_ =	swait.ge [sflag:s29], $0x1  }
0xb4: {  	[sflag:s29] =	ssyncadd.s32 $0xFFFFFFFF  }
0xb5: {  	_ =	strace $0x9000005D  }
0xb6: {  	_ =	sfence  }
0xb7: {  	s30 =	sld [smem:$0x0];
	_ =	sdelay $0x2  }
0xb8: {  	s31 =	sshll.u32 s1, $0xD;
	s1 =	sshrl.u32 s1, $0x2  }
0xb9: {  	s3 =	sand.u32 $0x4000, s31;
	s1 =	sadd.s32 s1, s30  }
0xba: {  	s0 =	sor.u32 s3, s0;
	s1 =	sshll.u32 s1, $0x11  }
0xbb: {  	s0 =	sor.u32 s1, s0  }
0xbc: {  	s0 =	sadd.s32 $0x8F2B, s0  }
0xbd: {  	[sflag:s0] =	ssyncadd.remote.s32 $0x1  }
0xbe: {  	_ =	sfence.sel $0xFFFF  }
0xbf: {  	[dreg:$0x0] =	wrdreg $0xFFFFFFFF;
	(pc) =	sbr.abs _section_cstart, $3  }
0xc0: {  	[dreg:$0x1] =	wrdreg $0xFFFFFFFF  }
0xc1: {  	_ =	task.clear_ibuf [dreg:s6], $0x2FFFF;
	_ =	strace $0x9FFFFFFF  }
0xc2: {  	(tm) =	ssettm $0x7FFFFFFF  }
0xc3: {  	_ =	shalt  }
tec
execute0_lowered:
.L_overlay_start_1:
0x0: {  	(tag) =	ssettag $0x1  }
0x1: {  	s28 =	stileid.u32;
	s1 =	srdreg.scid  }
0x2: {  	s4 =	rddreg [dreg:$0x0];
	s0 =	smul.u32 $0x9000, s28  }
0x3: {  	s2 =	sand.u32 $0x1, s1;
	s3 =	smul.u32 $0x900, s28;
	s1 =	simm.s32 $0x0  }
0x4: {  	s21 =	smul.u32 $0x14000, s28;
	s23 =	sadd.s32 $0x98400, s4;
	s19 =	ssub.s32 $0x2, s2  }
0x5: {  	s5 =	smul.u32 $0x480, s2;
	s20 =	sadd.s32 s0, s4;
	s22 =	sshrl.u32 s19, $0x1  }
0x6: {  	s6 =	sadd.s32 $0x4000, s21;
	s7 =	sadd.s32 $0x5000, s21;
	s8 =	sadd.s32 $0x6000, s21  }
0x7: {  	s9 =	sadd.s32 $0x7000, s21;
	s13 =	sadd.s32 $0x9000, s21;
	s15 =	sadd.s32 $0xA000, s21  }
0x8: {  	s14 =	sadd.s32 $0xB000, s21;
	s16 =	sadd.s32 $0xC000, s21;
	s17 =	sadd.s32 $0xD000, s21  }
0x9: {  	s10 =	sadd.s32 $0x11000, s21;
	s11 =	sadd.s32 $0x12000, s21;
	s12 =	sadd.s32 $0x13000, s21  }
0xa: {  	s18 =	sadd.s32 s5, s3;
	s24 =	ssub.s32 s19, s22;
	s3 =	sor.u32 $0x1000, s21  }
0xb: {  	s5 =	sor.u32 $0x3000, s21;
	s19 =	sadd.s32 $0xF000, s21;
	s22 =	sadd.s32 $0x10000, s21  }
0xc: {  	s0 =	sshrl.u32 s18, $0x3;
	[dreg:$0x19] =	wrdreg s24;
	s24 =	smul.u32 $0x140000, s2  }
0xd: {  	s18 =	sadd.s32 $0xE000, s21;
	s0 =	sadd.s32 s0, s4;
	s4 =	sor.u32 $0x2000, s21  }
0xe: {  	[dreg:$0x18] =	wrdreg s0;
	s0 =	sadd.s32 $0x8000, s21;
	s21 =	sadd.s32 s21, s24  }
0xf: {  	[smem:$0x7FF] =	sst s1;
	s25 =	sadd.s32 s24, s3;
	s21 =	sshrl.u32 s21, $0x3  }
0x10: {  	s26 =	sadd.s32 s24, s4;
	s25 =	sshrl.u32 s25, $0x3;
	s21 =	sadd.s32 s23, s21  }
0x11: {  	s26 =	sshrl.u32 s26, $0x3;
	[dreg:$0x3] =	wrdreg s21;
	s21 =	sadd.s32 s23, s25  }
0x12: {  	s25 =	sadd.s32 s23, s26;
	s26 =	sadd.s32 s24, s5;
	[dreg:$0x4] =	wrdreg s21  }
0x13: {  	[dreg:$0x5] =	wrdreg s25;
	s21 =	sshrl.u32 s26, $0x3;
	s25 =	sadd.s32 s24, s6  }
0x14: {  	s26 =	sadd.s32 s24, s7;
	s21 =	sadd.s32 s23, s21;
	s25 =	sshrl.u32 s25, $0x3  }
0x15: {  	s26 =	sshrl.u32 s26, $0x3;
	[dreg:$0x6] =	wrdreg s21;
	s21 =	sadd.s32 s23, s25  }
0x16: {  	s25 =	sadd.s32 s23, s26;
	s26 =	sadd.s32 s24, s8;
	[dreg:$0x7] =	wrdreg s21  }
0x17: {  	[dreg:$0x8] =	wrdreg s25;
	s21 =	sshrl.u32 s26, $0x3;
	s25 =	sadd.s32 s24, s9  }
0x18: {  	s26 =	sadd.s32 s24, s0;
	s21 =	sadd.s32 s23, s21;
	s25 =	sshrl.u32 s25, $0x3  }
0x19: {  	s26 =	sshrl.u32 s26, $0x3;
	[dreg:$0x9] =	wrdreg s21;
	s21 =	sadd.s32 s23, s25  }
0x1a: {  	s25 =	sadd.s32 s23, s26;
	s26 =	sadd.s32 s24, s13;
	[dreg:$0xa] =	wrdreg s21  }
0x1b: {  	[dreg:$0xb] =	wrdreg s25;
	s21 =	sshrl.u32 s26, $0x3;
	s25 =	sadd.s32 s24, s15  }
0x1c: {  	s26 =	sadd.s32 s24, s14;
	s21 =	sadd.s32 s23, s21;
	s25 =	sshrl.u32 s25, $0x3  }
0x1d: {  	s26 =	sshrl.u32 s26, $0x3;
	[dreg:$0xc] =	wrdreg s21;
	s21 =	sadd.s32 s23, s25  }
0x1e: {  	s25 =	sadd.s32 s23, s26;
	s26 =	sadd.s32 s24, s16;
	[dreg:$0xd] =	wrdreg s21  }
0x1f: {  	[dreg:$0xe] =	wrdreg s25;
	s21 =	sshrl.u32 s26, $0x3;
	s25 =	sadd.s32 s24, s17  }
0x20: {  	s26 =	sadd.s32 s24, s18;
	s21 =	sadd.s32 s23, s21;
	s25 =	sshrl.u32 s25, $0x3  }
0x21: {  	s26 =	sshrl.u32 s26, $0x3;
	[dreg:$0xf] =	wrdreg s21;
	s21 =	sadd.s32 s23, s25  }
0x22: {  	s25 =	sadd.s32 s23, s26;
	[dreg:$0x10] =	wrdreg s21  }
0x23: {  	s2 =	smul.u32 $0x4800, s2;
	s26 =	sadd.s32 s24, s19;
	[dreg:$0x11] =	wrdreg s25  }
0x24: {  	s21 =	sshrl.u32 s26, $0x3;
	s25 =	sadd.s32 s24, s22;
	s26 =	sadd.s32 s24, s10  }
0x25: {  	s21 =	sadd.s32 s23, s21;
	s25 =	sshrl.u32 s25, $0x3;
	s26 =	sshrl.u32 s26, $0x3  }
0x26: {  	[dreg:$0x12] =	wrdreg s21;
	s21 =	sadd.s32 s23, s25;
	s25 =	sadd.s32 s23, s26  }
0x27: {  	s26 =	sadd.s32 s24, s11;
	s24 =	sadd.s32 s24, s12;
	[dreg:$0x13] =	wrdreg s21  }
0x28: {  	[dreg:$0x14] =	wrdreg s25;
	s25 =	sshrl.u32 s26, $0x3;
	s24 =	sshrl.u32 s24, $0x3  }
0x29: {  	s21 =	rddreg [dreg:$0x1];
	s26 =	smul.u32 $0x50000, s28;
	s25 =	sadd.s32 s23, s25  }
0x2a: {  	s23 =	sadd.s32 s23, s24;
	s28 =	sadd.s32 s5, s21;
	s29 =	sadd.s32 s6, s21  }
0x2b: {  	s30 =	sadd.s32 s7, s21;
	s31 =	sadd.s32 s8, s21;
	s0 =	sadd.s32 s0, s21  }
0x2c: {  	s5 =	sadd.s32 s16, s21;
	s6 =	sadd.s32 s17, s21;
	s7 =	sadd.s32 s18, s21  }
0x2d: {  	s8 =	sadd.s32 s19, s21;
	s10 =	sadd.s32 s10, s21;
	s11 =	sadd.s32 s11, s21  }
0x2e: {  	s12 =	sadd.s32 s12, s21;
	s16 =	simm.s32 $0x4080;
	[dreg:$0x15] =	wrdreg s25  }
0x2f: {  	s17 =	simm.s32 $0x1;
	s18 =	simm.s32 $0x80;
	[dreg:$0x16] =	wrdreg s23  }
0x30: {  	s23 =	sadd.s32 s2, s20;
	s26 =	sshrl.u32 s26, $0x2;
	s25 =	sadd.s32 s3, s21  }
0x31: {  	s20 =	sadd.s32 s9, s21;
	s2 =	sadd.s32 s13, s21;
	s3 =	sadd.s32 s15, s21  }
0x32: {  	s9 =	sadd.s32 s22, s21;
	_ =	strace $0x8000005C;
	s24 =	sadd.s32 s26, s21  }
0x33: {  	s26 =	sadd.s32 s4, s21;
	s4 =	sadd.s32 s14, s21;
	s19 =	rddreg [dreg:$0x19]  }
0x34: {  	s23 =	sadd.s32 $0x8400, s23;
	s22 =	rddreg [dreg:$0x18];
	s13 =	smax.u32 s19, $0x1  }
0x35: {  	v0 =	vimm.f32 $0.0e+00;
	s15 =	sadd.s32 $0x7200, s22;
	s19 =	simm.s32 $0x0;
	[dreg:$0x17] =	wrdreg s13  }
.LBB2_1:
0x36: {  	s14 =	simm.s32 $0x0;
	s22 =	simm.s32 $0x200  }
.LBB2_2:
0x37: {  	p0 =	sne.s32 s22, $0x3E00;
	[tilespmem:s14+$0x40F0] =	vst v0  }
0x38: {  	[tilespmem:s14+$0x4080] =	vst v0  }
0x39: {  	[tilespmem:s14+$0x4090] =	vst v0  }
.Ltmp0:
0x3a: {  	[tilespmem:s14+$0x40A0] =	vst v0;
	(pc) =	sbr.rel @p0 .LBB2_2-.Ltmp0, $4  }
0x3b: {  	[tilespmem:s14+$0x40B0] =	vst v0  }
0x3c: {  	[tilespmem:s14+$0x40C0] =	vst v0  }
0x3d: {  	[tilespmem:s14+$0x40D0] =	vst v0  }
0x3e: {  	[tilespmem:s14+$0x40E0] =	vst v0;
	s14 =	sshra.s32 s22, $0x2;
	s22 =	sadd.s32 $0x200, s22  }
0x3f: {  	[tilespmem:s14+$0x40F0] =	vst v0  }
0x40: {  	[tilespmem:s14+$0x4080] =	vst v0  }
0x41: {  	[tilespmem:s14+$0x4090] =	vst v0  }
0x42: {  	[tilespmem:s14+$0x40A0] =	vst v0  }
0x43: {  	[tilespmem:s14+$0x40B0] =	vst v0  }
0x44: {  	[tilespmem:s14+$0x40C0] =	vst v0  }
0x45: {  	[tilespmem:s14+$0x40D0] =	vst v0  }
0x46: {  	[tilespmem:s14+$0x40E0] =	vst v0  }
0x47: {  	[spmem:s24] =	stream.linear.scatter [tilespmem:s16], [sflag:$0x1], $0x1000, $0x38;
	[tilespmem:$0x19080] =	vst v63  }
0x48: {  	_ =	swait.ge [sflag:s17], $0x1000  }
0x49: {  	[sflag:s17] =	ssyncset.done $0x0  }
0x4a: {  	[sflag:s17] =	ssyncadd.s32 $0xFFFFF000  }
0x4b: {  	[spmem:s25] =	stream.linear.scatter [tilespmem:s16], [sflag:$0x1], $0x1000, $0x38;
	[tilespmem:$0x19080] =	vst v63  }
0x4c: {  	_ =	swait.ge [sflag:s17], $0x1000  }
0x4d: {  	[sflag:s17] =	ssyncset.done $0x0  }
0x4e: {  	[sflag:s17] =	ssyncadd.s32 $0xFFFFF000  }
0x4f: {  	[spmem:s26] =	stream.linear.scatter [tilespmem:s16], [sflag:$0x1], $0x1000, $0x38;
	[tilespmem:$0x19080] =	vst v63  }
0x50: {  	_ =	swait.ge [sflag:s17], $0x1000  }
0x51: {  	[sflag:s17] =	ssyncset.done $0x0  }
0x52: {  	[sflag:s17] =	ssyncadd.s32 $0xFFFFF000  }
0x53: {  	[spmem:s28] =	stream.linear.scatter [tilespmem:s16], [sflag:$0x1], $0x1000, $0x38;
	[tilespmem:$0x19080] =	vst v63  }
0x54: {  	_ =	swait.ge [sflag:s17], $0x1000  }
0x55: {  	[sflag:s17] =	ssyncset.done $0x0  }
0x56: {  	[sflag:s17] =	ssyncadd.s32 $0xFFFFF000  }
0x57: {  	[spmem:s29] =	stream.linear.scatter [tilespmem:s16], [sflag:$0x1], $0x1000, $0x38;
	[tilespmem:$0x19080] =	vst v63  }
0x58: {  	_ =	swait.ge [sflag:s17], $0x1000  }
0x59: {  	[sflag:s17] =	ssyncset.done $0x0  }
0x5a: {  	[sflag:s17] =	ssyncadd.s32 $0xFFFFF000  }
0x5b: {  	[spmem:s30] =	stream.linear.scatter [tilespmem:s16], [sflag:$0x1], $0x1000, $0x38;
	[tilespmem:$0x19080] =	vst v63  }
0x5c: {  	_ =	swait.ge [sflag:s17], $0x1000  }
0x5d: {  	[sflag:s17] =	ssyncset.done $0x0  }
0x5e: {  	[sflag:s17] =	ssyncadd.s32 $0xFFFFF000  }
0x5f: {  	[spmem:s31] =	stream.linear.scatter [tilespmem:s16], [sflag:$0x1], $0x1000, $0x38;
	[tilespmem:$0x19080] =	vst v63  }
0x60: {  	_ =	swait.ge [sflag:s17], $0x1000  }
0x61: {  	[sflag:s17] =	ssyncset.done $0x0  }
0x62: {  	[sflag:s17] =	ssyncadd.s32 $0xFFFFF000  }
0x63: {  	[spmem:s20] =	stream.linear.scatter [tilespmem:s16], [sflag:$0x1], $0x1000, $0x38;
	[tilespmem:$0x19080] =	vst v63  }
0x64: {  	_ =	swait.ge [sflag:s17], $0x1000  }
0x65: {  	[sflag:s17] =	ssyncset.done $0x0  }
0x66: {  	[sflag:s17] =	ssyncadd.s32 $0xFFFFF000  }
0x67: {  	[spmem:s0] =	stream.linear.scatter [tilespmem:s16], [sflag:$0x1], $0x1000, $0x38;
	[tilespmem:$0x19080] =	vst v63  }
0x68: {  	_ =	swait.ge [sflag:s17], $0x1000  }
0x69: {  	[sflag:s17] =	ssyncset.done $0x0  }
0x6a: {  	[sflag:s17] =	ssyncadd.s32 $0xFFFFF000  }
0x6b: {  	[spmem:s2] =	stream.linear.scatter [tilespmem:s16], [sflag:$0x1], $0x1000, $0x38;
	[tilespmem:$0x19080] =	vst v63  }
0x6c: {  	_ =	swait.ge [sflag:s17], $0x1000  }
0x6d: {  	[sflag:s17] =	ssyncset.done $0x0  }
0x6e: {  	[sflag:s17] =	ssyncadd.s32 $0xFFFFF000  }
0x6f: {  	[spmem:s3] =	stream.linear.scatter [tilespmem:s16], [sflag:$0x1], $0x1000, $0x38;
	[tilespmem:$0x19080] =	vst v63  }
0x70: {  	_ =	swait.ge [sflag:s17], $0x1000  }
0x71: {  	[sflag:s17] =	ssyncset.done $0x0  }
0x72: {  	[sflag:s17] =	ssyncadd.s32 $0xFFFFF000  }
0x73: {  	[spmem:s4] =	stream.linear.scatter [tilespmem:s16], [sflag:$0x1], $0x1000, $0x38;
	[tilespmem:$0x19080] =	vst v63  }
0x74: {  	_ =	swait.ge [sflag:s17], $0x1000  }
0x75: {  	[sflag:s17] =	ssyncset.done $0x0  }
0x76: {  	[sflag:s17] =	ssyncadd.s32 $0xFFFFF000  }
0x77: {  	[spmem:s5] =	stream.linear.scatter [tilespmem:s16], [sflag:$0x1], $0x1000, $0x38;
	[tilespmem:$0x19080] =	vst v63  }
0x78: {  	_ =	swait.ge [sflag:s17], $0x1000  }
0x79: {  	[sflag:s17] =	ssyncset.done $0x0  }
0x7a: {  	[sflag:s17] =	ssyncadd.s32 $0xFFFFF000  }
0x7b: {  	[spmem:s6] =	stream.linear.scatter [tilespmem:s16], [sflag:$0x1], $0x1000, $0x38;
	[tilespmem:$0x19080] =	vst v63  }
0x7c: {  	_ =	swait.ge [sflag:s17], $0x1000  }
0x7d: {  	[sflag:s17] =	ssyncset.done $0x0  }
0x7e: {  	[sflag:s17] =	ssyncadd.s32 $0xFFFFF000  }
0x7f: {  	[spmem:s7] =	stream.linear.scatter [tilespmem:s16], [sflag:$0x1], $0x1000, $0x38;
	[tilespmem:$0x19080] =	vst v63  }
0x80: {  	_ =	swait.ge [sflag:s17], $0x1000  }
0x81: {  	[sflag:s17] =	ssyncset.done $0x0  }
0x82: {  	[sflag:s17] =	ssyncadd.s32 $0xFFFFF000  }
0x83: {  	[spmem:s8] =	stream.linear.scatter [tilespmem:s16], [sflag:$0x1], $0x1000, $0x38;
	[tilespmem:$0x19080] =	vst v63  }
0x84: {  	_ =	swait.ge [sflag:s17], $0x1000  }
0x85: {  	[sflag:s17] =	ssyncset.done $0x0  }
0x86: {  	[sflag:s17] =	ssyncadd.s32 $0xFFFFF000  }
0x87: {  	[spmem:s9] =	stream.linear.scatter [tilespmem:s16], [sflag:$0x1], $0x1000, $0x38;
	[tilespmem:$0x19080] =	vst v63  }
0x88: {  	_ =	swait.ge [sflag:s17], $0x1000  }
0x89: {  	[sflag:s17] =	ssyncset.done $0x0  }
0x8a: {  	[sflag:s17] =	ssyncadd.s32 $0xFFFFF000  }
0x8b: {  	[spmem:s10] =	stream.linear.scatter [tilespmem:s16], [sflag:$0x1], $0x1000, $0x38;
	[tilespmem:$0x19080] =	vst v63  }
0x8c: {  	_ =	swait.ge [sflag:s17], $0x1000  }
0x8d: {  	[sflag:s17] =	ssyncset.done $0x0  }
0x8e: {  	[sflag:s17] =	ssyncadd.s32 $0xFFFFF000  }
0x8f: {  	[spmem:s11] =	stream.linear.scatter [tilespmem:s16], [sflag:$0x1], $0x1000, $0x38;
	[tilespmem:$0x19080] =	vst v63  }
0x90: {  	_ =	swait.ge [sflag:s17], $0x1000  }
0x91: {  	[sflag:s17] =	ssyncset.done $0x0  }
0x92: {  	[sflag:s17] =	ssyncadd.s32 $0xFFFFF000  }
0x93: {  	[spmem:s12] =	stream.linear.scatter [tilespmem:s16], [sflag:$0x1], $0x1000, $0x38;
	[tilespmem:$0x19080] =	vst v63  }
0x94: {  	_ =	swait.ge [sflag:s17], $0x1000  }
0x95: {  	[sflag:s17] =	ssyncset.done $0x0  }
0x96: {  	[sflag:s17] =	ssyncadd.s32 $0xFFFFF000  }
0x97: {  	[bflag:$0x0] =	sbarrier.arrive $0xFFFF  }
0x98: {  	[tilespmem:s18], [sflag:$0x1] =	stream.linear.gather [hbm4b:s23+s1], $0x4000, $0x38;
	[tilespmem:$0x19080] =	vst v63  }
0x99: {  	_ =	swait.ge [sflag:s17], $0x4000  }
0x9a: {  	[sflag:s17] =	ssyncset.done $0x0  }
0x9b: {  	s22 =	sadd.s32 $0x0, s15;
	[sflag:s17] =	ssyncadd.s32 $0xFFFFC000  }
0x9c: {  	[tilespmem:s1], [sflag:$0x1] =	stream.linear.gather [hbm4b:s22+s1], $0x80, $0x38;
	[tilespmem:$0x19080] =	vst v63  }
0x9d: {  	_ =	swait.ge [sflag:s17], $0x80  }
0x9e: {  	[sflag:s17] =	ssyncset.done $0x0  }
0x9f: {  	[sflag:s17] =	ssyncadd.s32 $0xFFFFFF80  }
0xa0: {  	[spmem:s21] =	stream.indirect.scatter.add.f32 [tilespmem:s18], [sflag:$0x1], $0x80, s1, s18, $0xb8;
	[tilespmem:$0x19080] =	vst v63  }
0xa1: {  	_ =	swait.ge [sflag:s17], $0x4000  }
0xa2: {  	s14 =	smov.u32 s23;
	s22 =	simm.s32 $0x10;
	[sflag:s17] =	ssyncset.done $0x0  }
.LBB2_4:
0xa3: {  	p0 =	sne.s32 s22, $0x80;
	[sflag:s17] =	ssyncadd.s32 $0xFFFFC000;
	s14 =	sadd.s32 $0x800, s14  }
0xa4: {  	[tilespmem:s18], [sflag:$0x1] =	stream.linear.gather [hbm4b:s14+s1], $0x4000, $0x38;
	[tilespmem:$0x19080] =	vst v63  }
0xa5: {  	s13 =	smov.u32 s22;
	s22 =	sadd.s32 $0x10, s22;
	_ =	swait.ge [sflag:s17], $0x4000  }
0xa6: {  	[sflag:s17] =	ssyncset.done $0x0  }
0xa7: {  	s13 =	sadd.s32 s13, s15;
	[sflag:s17] =	ssyncadd.s32 $0xFFFFC000  }
0xa8: {  	[tilespmem:s1], [sflag:$0x1] =	stream.linear.gather [hbm4b:s13+s1], $0x80, $0x38;
	[tilespmem:$0x19080] =	vst v63  }
0xa9: {  	_ =	swait.ge [sflag:s17], $0x80  }
.Ltmp1:
0xaa: {  	[sflag:s17] =	ssyncset.done $0x0;
	(pc) =	sbr.rel @p0 .LBB2_4-.Ltmp1, $4  }
0xab: {  	[sflag:s17] =	ssyncadd.s32 $0xFFFFFF80  }
0xac: {  	[spmem:s21] =	stream.indirect.scatter.add.f32 [tilespmem:s18], [sflag:$0x1], $0x80, s1, s18, $0xb8;
	[tilespmem:$0x19080] =	vst v63  }
0xad: {  	_ =	swait.ge [sflag:s17], $0x4000  }
0xae: {  	[sflag:s17] =	ssyncset.done $0x0  }
0xaf: {  	[sflag:s17] =	ssyncadd.s32 $0xFFFFC000;
	s13 =	stileid.u32  }
0xb0: {  	s13 =	sshll.u32 s13, $0x6;
	[bflag:$0x0] =	sbarrier.arrive $0xFFFF  }
0xb1: {  	s22 =	sor.u32 $0x1C01, s13;
	s13 =	sshrl.u32 s24, $0x3;
	s14 =	rddreg [dreg:$0x3]  }
0xb2: {  	[hbm:s14], [sflag:s22] =	dma.local [spmem:s13], $0x200  }
0xb3: {  	_ =	swait.ge [sflag:s17], $0x200  }
0xb4: {  	[sflag:s17] =	ssyncset.done $0x0  }
0xb5: {  	s13 =	sshrl.u32 s25, $0x3;
	s14 =	rddreg [dreg:$0x4];
	[sflag:s17] =	ssyncadd.s32 $0xFFFFFE00  }
0xb6: {  	[hbm:s14], [sflag:s22] =	dma.local [spmem:s13], $0x200  }
0xb7: {  	_ =	swait.ge [sflag:s17], $0x200  }
0xb8: {  	[sflag:s17] =	ssyncset.done $0x0  }
0xb9: {  	s13 =	sshrl.u32 s26, $0x3;
	s14 =	rddreg [dreg:$0x5];
	[sflag:s17] =	ssyncadd.s32 $0xFFFFFE00  }
0xba: {  	[hbm:s14], [sflag:s22] =	dma.local [spmem:s13], $0x200  }
0xbb: {  	_ =	swait.ge [sflag:s17], $0x200  }
0xbc: {  	[sflag:s17] =	ssyncset.done $0x0  }
0xbd: {  	s13 =	sshrl.u32 s28, $0x3;
	s14 =	rddreg [dreg:$0x6];
	[sflag:s17] =	ssyncadd.s32 $0xFFFFFE00  }
0xbe: {  	[hbm:s14], [sflag:s22] =	dma.local [spmem:s13], $0x200  }
0xbf: {  	_ =	swait.ge [sflag:s17], $0x200  }
0xc0: {  	[sflag:s17] =	ssyncset.done $0x0  }
0xc1: {  	s13 =	sshrl.u32 s29, $0x3;
	s14 =	rddreg [dreg:$0x7];
	[sflag:s17] =	ssyncadd.s32 $0xFFFFFE00  }
0xc2: {  	[hbm:s14], [sflag:s22] =	dma.local [spmem:s13], $0x200  }
0xc3: {  	_ =	swait.ge [sflag:s17], $0x200  }
0xc4: {  	[sflag:s17] =	ssyncset.done $0x0  }
0xc5: {  	s13 =	sshrl.u32 s30, $0x3;
	s14 =	rddreg [dreg:$0x8];
	[sflag:s17] =	ssyncadd.s32 $0xFFFFFE00  }
0xc6: {  	[hbm:s14], [sflag:s22] =	dma.local [spmem:s13], $0x200  }
0xc7: {  	_ =	swait.ge [sflag:s17], $0x200  }
0xc8: {  	[sflag:s17] =	ssyncset.done $0x0  }
0xc9: {  	s13 =	sshrl.u32 s31, $0x3;
	s14 =	rddreg [dreg:$0x9];
	[sflag:s17] =	ssyncadd.s32 $0xFFFFFE00  }
0xca: {  	[hbm:s14], [sflag:s22] =	dma.local [spmem:s13], $0x200  }
0xcb: {  	_ =	swait.ge [sflag:s17], $0x200  }
0xcc: {  	[sflag:s17] =	ssyncset.done $0x0  }
0xcd: {  	s13 =	sshrl.u32 s20, $0x3;
	s14 =	rddreg [dreg:$0xa];
	[sflag:s17] =	ssyncadd.s32 $0xFFFFFE00  }
0xce: {  	[hbm:s14], [sflag:s22] =	dma.local [spmem:s13], $0x200  }
0xcf: {  	_ =	swait.ge [sflag:s17], $0x200  }
0xd0: {  	[sflag:s17] =	ssyncset.done $0x0  }
0xd1: {  	s13 =	sshrl.u32 s0, $0x3;
	s14 =	rddreg [dreg:$0xb];
	[sflag:s17] =	ssyncadd.s32 $0xFFFFFE00  }
0xd2: {  	[hbm:s14], [sflag:s22] =	dma.local [spmem:s13], $0x200  }
0xd3: {  	_ =	swait.ge [sflag:s17], $0x200  }
0xd4: {  	[sflag:s17] =	ssyncset.done $0x0  }
0xd5: {  	s13 =	sshrl.u32 s2, $0x3;
	s14 =	rddreg [dreg:$0xc];
	[sflag:s17] =	ssyncadd.s32 $0xFFFFFE00  }
0xd6: {  	[hbm:s14], [sflag:s22] =	dma.local [spmem:s13], $0x200  }
0xd7: {  	_ =	swait.ge [sflag:s17], $0x200  }
0xd8: {  	[sflag:s17] =	ssyncset.done $0x0  }
0xd9: {  	s13 =	sshrl.u32 s3, $0x3;
	s14 =	rddreg [dreg:$0xd];
	[sflag:s17] =	ssyncadd.s32 $0xFFFFFE00  }
0xda: {  	[hbm:s14], [sflag:s22] =	dma.local [spmem:s13], $0x200  }
0xdb: {  	_ =	swait.ge [sflag:s17], $0x200  }
0xdc: {  	[sflag:s17] =	ssyncset.done $0x0  }
0xdd: {  	s13 =	sshrl.u32 s4, $0x3;
	s14 =	rddreg [dreg:$0xe];
	[sflag:s17] =	ssyncadd.s32 $0xFFFFFE00  }
0xde: {  	[hbm:s14], [sflag:s22] =	dma.local [spmem:s13], $0x200  }
0xdf: {  	_ =	swait.ge [sflag:s17], $0x200  }
0xe0: {  	[sflag:s17] =	ssyncset.done $0x0  }
0xe1: {  	s13 =	sshrl.u32 s5, $0x3;
	s14 =	rddreg [dreg:$0xf];
	[sflag:s17] =	ssyncadd.s32 $0xFFFFFE00  }
0xe2: {  	[hbm:s14], [sflag:s22] =	dma.local [spmem:s13], $0x200  }
0xe3: {  	_ =	swait.ge [sflag:s17], $0x200  }
0xe4: {  	[sflag:s17] =	ssyncset.done $0x0  }
0xe5: {  	s13 =	sshrl.u32 s6, $0x3;
	s14 =	rddreg [dreg:$0x10];
	[sflag:s17] =	ssyncadd.s32 $0xFFFFFE00  }
0xe6: {  	[hbm:s14], [sflag:s22] =	dma.local [spmem:s13], $0x200  }
0xe7: {  	_ =	swait.ge [sflag:s17], $0x200  }
0xe8: {  	[sflag:s17] =	ssyncset.done $0x0  }
0xe9: {  	s13 =	sshrl.u32 s7, $0x3;
	s14 =	rddreg [dreg:$0x11];
	[sflag:s17] =	ssyncadd.s32 $0xFFFFFE00  }
0xea: {  	[hbm:s14], [sflag:s22] =	dma.local [spmem:s13], $0x200  }
0xeb: {  	_ =	swait.ge [sflag:s17], $0x200  }
0xec: {  	[sflag:s17] =	ssyncset.done $0x0  }
0xed: {  	s13 =	sshrl.u32 s8, $0x3;
	s14 =	rddreg [dreg:$0x12];
	[sflag:s17] =	ssyncadd.s32 $0xFFFFFE00  }
0xee: {  	[hbm:s14], [sflag:s22] =	dma.local [spmem:s13], $0x200  }
0xef: {  	_ =	swait.ge [sflag:s17], $0x200  }
0xf0: {  	[sflag:s17] =	ssyncset.done $0x0  }
0xf1: {  	s13 =	sshrl.u32 s9, $0x3;
	s14 =	rddreg [dreg:$0x13];
	[sflag:s17] =	ssyncadd.s32 $0xFFFFFE00  }
0xf2: {  	[hbm:s14], [sflag:s22] =	dma.local [spmem:s13], $0x200  }
0xf3: {  	_ =	swait.ge [sflag:s17], $0x200  }
0xf4: {  	[sflag:s17] =	ssyncset.done $0x0  }
0xf5: {  	s13 =	sshrl.u32 s10, $0x3;
	s14 =	rddreg [dreg:$0x14];
	[sflag:s17] =	ssyncadd.s32 $0xFFFFFE00  }
0xf6: {  	[hbm:s14], [sflag:s22] =	dma.local [spmem:s13], $0x200  }
0xf7: {  	_ =	swait.ge [sflag:s17], $0x200  }
0xf8: {  	[sflag:s17] =	ssyncset.done $0x0  }
0xf9: {  	s13 =	sshrl.u32 s11, $0x3;
	s14 =	rddreg [dreg:$0x15];
	[sflag:s17] =	ssyncadd.s32 $0xFFFFFE00  }
0xfa: {  	[hbm:s14], [sflag:s22] =	dma.local [spmem:s13], $0x200  }
0xfb: {  	_ =	swait.ge [sflag:s17], $0x200  }
0xfc: {  	[sflag:s17] =	ssyncset.done $0x0  }
0xfd: {  	s13 =	sshrl.u32 s12, $0x3;
	s14 =	rddreg [dreg:$0x16];
	[sflag:s17] =	ssyncadd.s32 $0xFFFFFE00  }
0xfe: {  	[hbm:s14], [sflag:s22] =	dma.local [spmem:s13], $0x200  }
0xff: {  	_ =	swait.ge [sflag:s17], $0x200  }
0x100: {  	s19 =	sadd.s32 $0x1, s19;
	s22 =	rddreg [dreg:$0x17]  }
0x101: {  	p0 =	sne.s32 s19, s22  }
.Ltmp2:
0x102: {  	_ = 	snop;
	(pc) =	sbr.rel @p0 .LBB2_1-.Ltmp2, $3  }
0x103: {  	_ =	sdelay $0x1  }
0x104: {  	[sflag:s17] =	ssyncset.done $0x0  }
0x105: {  	[sflag:s17] =	ssyncadd.s32 $0xFFFFFE00  }
0x106: {  	_ =	sfence.sel $0x180000  }
0x107: {  	[bflag:$0x0] =	sbarrier.arrive $0xFFFF  }
0x108: {  	_ =	strace $0x9000005C  }
0x109: {  	s0 =	stileid.u32;
	[bflag:$0x2] =	sbarrier.arrive $0xFFFF  }
0x10a: {  	p0 =	sne.s32 s0, $0x0;
	s0 =	rddreg [dreg:$0x2]  }
0x10b: {  	s0 =	sadd.s32 @!p0 $0x100000, s0  }
0x10c: {  	[sflag:s0] =	ssyncadd.tile.s32 @!p0 $0x1;
	_ =	shalt  }
.Lfunc_end2:
_tile_overlayer_lowered:
.L_overlay_start_2:
0x10d: {  	(tag) =	ssettag $0x2  }
0x10e: {  	s0 =	rddreg [dreg:$0x0];
	s2 =	stileid.u32  }
0x10f: {  	s1 =	rddreg [dreg:$0x1];
	p0 =	sne.s32 s2, $0x0  }
0x110: {  	s3 =	rddreg [dreg:$0x2];
	[bflag:$0x3] =	sbarrier.arrive $0xFFFF;
	s2 =	simm.s32 @!p0 $0x1C01  }
0x111: {  	[timem:s3], [sflag:s2] =	dma.local @!p0 [hbm:s0], s1  }
0x112: {  	s0 =	simm.s32 @!p0 $0x1  }
0x113: {  	_ =	swait.ge @!p0 [sflag:s0], s1  }
0x114: {  	s1 =	ssub.s32 @!p0 $0x0, s1;
	[sflag:s0] =	ssyncset.done @!p0 $0x0  }
0x115: {  	[sflag:s0] =	ssyncadd.s32 @!p0 s1  }
0x116: {  	[bflag:$0x3] =	sbarrier.arrive $0xFFFF  }
0x117: {  	_ =	shalt  }

</sc_bundles>
